<compile_context>
chip_gen: v7x
topology: tpu7x:2x2x1
jax: 0.10.2.dev20260603
libtpu: 0.0.44.dev20260713+nightly
codegen_flags: <defaults>
</compile_context>

<pallas_src>
import jax
import jax.numpy as jnp
import numpy as np
from jax import lax
from jax.experimental import pallas as pl
from jax.experimental.pallas import tpu as pltpu
from jax.experimental.pallas import tpu_sc as plsc

N = 1600000
NB = N // 128
V1, D1 = 100000, 16
V8, D8 = 12500, 20
NW = 32
VPW1 = 3128
V1PAD = NW * VPW1
VPW8 = 400
V8PAD = NW * VPW8
W1 = D1 + 1
W8 = D8 + 1
A1 = (((VPW1 + 1) * W1 + 15) // 16) * 16
A8 = (((VPW8 + 1) * W8 + 15) // 16) * 16
CH = 1024
CHB = CH // 128
P1 = 184
P8 = VPW8
SEARCH_ITERS = 21


def _lower_bound(ids_hbm, probe_v, target, iota):
    def step(_, lohi):
        lo, hi = lohi
        mid = jnp.minimum((lo + hi) // 2, N - 1)
        m8 = jnp.minimum((mid // 8) * 8, N - 16)
        pltpu.sync_copy(ids_hbm.at[pl.ds(m8, 16)], probe_v)
        pv = probe_v[...]
        val = jnp.max(jnp.where(iota == mid - m8, pv,
                                np.int32(-2147483648)))
        big = val >= target
        return (jnp.where(big, lo, mid + 1), jnp.where(big, mid, hi))
    lo, _ = lax.fori_loop(0, SEARCH_ITERS,
                          step, (np.int32(0), np.int32(N)))
    return lo


def _do_scale(data_hbm, ids_hbm, out_hbm, acc_v, data_v, ids_v, stage_v,
              probe_v, wid, vpw, d, w, ap, piece, ntr):
    iota = lax.iota(jnp.int32, 16)
    v0 = wid * vpw
    r0 = _lower_bound(ids_hbm, probe_v, v0, iota)
    r1 = _lower_bound(ids_hbm, probe_v, v0 + vpw, iota)

    zero16 = (iota * 0).astype(jnp.float32)

    def zstep(i, c):
        acc_v[pl.ds(i * 16, 16)] = zero16
        return c
    lax.fori_loop(0, ap // 16, zstep, 0)

    m_hi4 = iota >= 12
    uvpw = np.uint32(vpw)

    a0 = (r0 // 128) * 128
    nch = (r1 - a0 + CH - 1) // CH

    patt = (iota // 8) * (CHB * 128 * 8) + (iota - (iota // 8) * 8) * 128
    patt2 = 2 * (CHB * 128 * 8) + (iota - 12) * 128
    iota4 = iota + 4

    def chunk_step(k, c):
        g = a0 + k * CH
        s = jnp.minimum(g, N - CH)
        goff = g - s
        sc = (s // 128) * 1024
        for t in range(ntr):
            pltpu.sync_copy(
                data_hbm.at[pl.ds(t * (NB * 1024) + sc, CHB * 1024)],
                data_v.at[pl.ds(t * (CHB * 1024), CHB * 1024)])
        pltpu.sync_copy(ids_hbm.at[pl.ds(s, CH)], ids_v)
        ngroups = (CH - goff) // 16

        def group_step(gi, cc):
            j0 = goff + gi * 16
            idvec = ids_v[pl.ds(j0, 16)]
            rel_u = (idvec - v0).astype(jnp.uint32)
            bases = (jnp.minimum(rel_u, uvpw) * w).astype(jnp.int32)
            base_g = (j0 // 128) * 1024 + (j0 - (j0 // 128) * 128)
            gb = patt + base_g
            if d == 20:
                gb2 = patt2 + base_g
            for kk in range(16):
                b = bases[kk]
                row = plsc.load_gather(data_v, [gb + kk])
                plsc.addupdate_scatter(acc_v, [b + iota], row)
                if d == 20:
                    row2 = plsc.load_gather(data_v, [gb2 + kk],
                                            mask=m_hi4)
                    plsc.addupdate_scatter(acc_v, [b + iota4], row2,
                                           mask=m_hi4)
            occ, last = plsc.scan_count(bases)
            cntf = occ.astype(jnp.float32)
            plsc.addupdate_scatter(acc_v, [bases + d], cntf, mask=last)
            return cc
        lax.fori_loop(0, ngroups, group_step, 0)
        return c
    lax.fori_loop(0, nch, chunk_step, 0)

    onef = (iota * 0 + 1).astype(jnp.float32)

    def piece_step(p, c):
        def vstep(v, cc):
            b = (p * piece + v) * w
            sums = acc_v[pl.ds(b, 16)]
            cntv = acc_v[pl.ds(b + d - 15, 16)]
            cb = jnp.full((16,), cntv[15], jnp.float32)
            inv = onef / jnp.maximum(cb, onef)
            stage_v[v, pl.ds(0, 16)] = sums * inv
            if d == 20:
                sums2 = acc_v[pl.ds(b + 4, 16)]
                stage_v[v, pl.ds(4, 16)] = sums2 * inv
            return cc
        lax.fori_loop(0, piece, vstep, 0)
        pltpu.sync_copy(stage_v, out_hbm.at[pl.ds(v0 + p * piece, piece)])
        return c
    lax.fori_loop(0, vpw // piece, piece_step, 0)


def _body(pts_hbm, lbl_hbm, id1_hbm, id8_hbm, out1_hbm, out8_hbm,
          acc1_v, acc8_v, data1_v, data8_v, ids_v, stage1_v, stage8_v,
          probe_v):
    wid = lax.axis_index("s") * 2 + lax.axis_index("c")
    _do_scale(pts_hbm, id1_hbm, out1_hbm, acc1_v, data1_v, ids_v, stage1_v,
              probe_v, wid, VPW1, D1, W1, A1, P1, 2)
    _do_scale(lbl_hbm, id8_hbm, out8_hbm, acc8_v, data8_v, ids_v, stage8_v,
              probe_v, wid, VPW8, D8, W8, A8, P8, 3)


_mesh = plsc.VectorSubcoreMesh(core_axis_name="c", subcore_axis_name="s",
                               num_cores=2, num_subcores=16)

_run = pl.kernel(
    _body,
    out_type=(jax.ShapeDtypeStruct((V1PAD, D1), jnp.float32),
              jax.ShapeDtypeStruct((V8PAD, D8), jnp.float32)),
    mesh=_mesh,
    compiler_params=pltpu.CompilerParams(needs_layout_passes=False,
                                        use_tc_tiling_on_sc=False),
    scratch_types=[
        pltpu.VMEM((A1,), jnp.float32),
        pltpu.VMEM((A8,), jnp.float32),
        pltpu.VMEM((2 * CHB * 1024,), jnp.float32),
        pltpu.VMEM((3 * CHB * 1024,), jnp.float32),
        pltpu.VMEM((CH,), jnp.int32),
        pltpu.VMEM((P1, D1), jnp.float32),
        pltpu.VMEM((P8, D8), jnp.float32),
        pltpu.VMEM((16,), jnp.int32),
    ],
)


def kernel(points, labels, coors_inv_1, coors_inv_8):
    pts_v = points.reshape(NB, 128, 2, 8).transpose(2, 0, 3, 1).reshape(-1)
    lbl24 = jnp.concatenate(
        [labels, jnp.zeros((N, 4), jnp.float32)], axis=1)
    lbl_v = lbl24.reshape(NB, 128, 3, 8).transpose(2, 0, 3, 1).reshape(-1)
    o1, o8 = _run(pts_v, lbl_v,
                  coors_inv_1.astype(jnp.int32),
                  coors_inv_8.astype(jnp.int32))
    return o1[:V1, :], o8[:V8, :]

# --- scband reference (transcript-rebuilt; emitter-appended) ---
"""Pipeline reference for scband-voxel-3d-generator-56676388438716 (READ-ONLY COPY).

The authoritative reference and input builder live on the scoring server;
editing this copy changes nothing except your own understanding.
"""

import jax, jax.numpy as jnp
import numpy as np

N = 1600000
NUM_VOX_1 = 100000
NUM_VOX_8 = 12500
D_PT = 16
D_LB = 20


def _scatter_mean(data, ids, num_segments):
    s = jax.ops.segment_sum(data, ids, num_segments=num_segments)
    cnt = jax.ops.segment_sum(jnp.ones((data.shape[0],), data.dtype), ids, num_segments=num_segments)
    return s / jnp.clip(cnt, 1.0)[:, None]


def setup_inputs(seed: int = 0) -> dict:
    key = jax.random.key(seed)
    k1, k2, k3, k4 = jax.random.split(key, 4)
    points = jax.random.normal(k1, (N, D_PT), dtype=jnp.float32)
    labels = jax.random.normal(k2, (N, D_LB), dtype=jnp.float32)
    coors_inv_1 = jnp.sort(jax.random.randint(k3, (N,), 0, NUM_VOX_1, dtype=jnp.int64))
    coors_inv_8 = jnp.sort(jax.random.randint(k4, (N,), 0, NUM_VOX_8, dtype=jnp.int64))
    return {"points": points, "labels": labels, "coors_inv_1": coors_inv_1, "coors_inv_8": coors_inv_8}


def reference(points, labels, coors_inv_1, coors_inv_8):
    # voxel_3d_generator.forward core math:
    # features = scatter_mean(points, coors_inv_scale1, dim=0)
    # labels   = scatter_mean(labels, coors_inv_scale8, dim=0)
    # (SparseConvTensor construction is metadata packaging, no math)
    features = _scatter_mean(points, coors_inv_1, NUM_VOX_1)
    labels_out = _scatter_mean(labels, coors_inv_8, NUM_VOX_8)
    return features, labels_out

if __name__ == "__main__":
    import jax
    _d = setup_inputs()
    print(jax.jit(kernel)(*tuple(_d.values())))

</pallas_src>

<mosaic_0001>
#map = affine_map<(d0, d1) -> (0)>
#map1 = affine_map<(d0, d1) -> (0, 0)>
module attributes {stable_mosaic.version = 14 : i64} {
  func.func @_body(%arg0: i32, %arg1: i32, %arg2: memref<25600000xf32, #tpu.memory_space<hbm>>, %arg3: memref<38400000xf32, #tpu.memory_space<hbm>>, %arg4: memref<1600000xi32, #tpu.memory_space<hbm>>, %arg5: memref<1600000xi32, #tpu.memory_space<hbm>>, %arg6: memref<100096x16xf32, #tpu.memory_space<hbm>>, %arg7: memref<12800x20xf32, #tpu.memory_space<hbm>>, %arg8: memref<53200xf32, #tpu.memory_space<vmem>>, %arg9: memref<8432xf32, #tpu.memory_space<vmem>>, %arg10: memref<16384xf32, #tpu.memory_space<vmem>>, %arg11: memref<24576xf32, #tpu.memory_space<vmem>>, %arg12: memref<1024xi32, #tpu.memory_space<vmem>>, %arg13: memref<184x16xf32, #tpu.memory_space<vmem>>, %arg14: memref<400x20xf32, #tpu.memory_space<vmem>>, %arg15: memref<16xi32, #tpu.memory_space<vmem>>) attributes {dimension_semantics = [#tpu.dimension_semantics<core_parallel>, #tpu.dimension_semantics<subcore_parallel>], iteration_bounds = array<i64: 2, 16>, scalar_prefetch = 0 : i64, scratch_operands = 8 : i64, tpu.core_type = #tpu.core_type<sc_vector_subcore>, window_params = [{transform_indices = #map}, {transform_indices = #map}, {transform_indices = #map}, {transform_indices = #map}, {transform_indices = #map1}, {transform_indices = #map1}]} {
    %mul3A = arith.constant 2 : i32
    %mul3A_0 = arith.muli %arg1, %mul3A : i32
    %add3A = arith.addi %mul3A_0, %arg0 : i32
    %iota3A = tpu.iota {dimensions = array<i32: 0>} : vector<16xi32>
    %mul3A_1 = arith.constant 3128 : i32
    %mul3A_2 = arith.muli %add3A, %mul3A_1 : i32
    %scan3A = arith.constant 0 : i32
    %scan3A_3 = arith.constant 1600000 : i32
    %scan3A_4 = arith.constant 0 : i32
    %scan3A_5 = arith.constant 21 : i32
    %scan3A_6 = arith.addi %scan3A_4, %scan3A_5 : i32
    %scan3A_7 = arith.constant 1 : i32
    %scan3A_8:2 = scf.for %scan3A_388 = %scan3A_4 to %scan3A_6 step %scan3A_7 iter_args(%scan3A_389 = %scan3A, %scan3A_390 = %scan3A_3) -> (i32, i32)  : i32 {
      %add3A_391 = arith.addi %scan3A_389, %scan3A_390 : i32
      %jit3A_392 = arith.constant 2 : i32
      %div3A_393 = arith.divsi %add3A_391, %jit3A_392 : i32
      %sign3A_394 = arith.constant 0 : i32
      %sign3A_395 = arith.cmpi sgt, %add3A_391, %sign3A_394 : i32
      %sign3A_396 = arith.extui %sign3A_395 : i1 to i32
      %sign3A_397 = arith.constant 0 : i32
      %sign3A_398 = arith.cmpi slt, %add3A_391, %sign3A_397 : i32
      %sign3A_399 = arith.extui %sign3A_398 : i1 to i32
      %sign3A_400 = arith.subi %sign3A_396, %sign3A_399 : i32
      %sign3A_401 = arith.constant 0 : i32
      %sign3A_402 = arith.cmpi sgt, %jit3A_392, %sign3A_401 : i32
      %sign3A_403 = arith.extui %sign3A_402 : i1 to i32
      %sign3A_404 = arith.constant 0 : i32
      %sign3A_405 = arith.cmpi slt, %jit3A_392, %sign3A_404 : i32
      %sign3A_406 = arith.extui %sign3A_405 : i1 to i32
      %sign3A_407 = arith.subi %sign3A_403, %sign3A_406 : i32
      %ne3A_408 = arith.cmpi ne, %sign3A_400, %sign3A_407 : i32
      %rem3A_409 = arith.remsi %add3A_391, %jit3A_392 : i32
      %ne3A_410 = arith.constant 0 : i32
      %ne3A_411 = arith.cmpi ne, %rem3A_409, %ne3A_410 : i32
      %and3A_412 = arith.andi %ne3A_408, %ne3A_411 : i1
      %sub3A_413 = arith.constant 1 : i32
      %sub3A_414 = arith.subi %div3A_393, %sub3A_413 : i32
      %select_n3A_415 = arith.select %and3A_412, %sub3A_414, %div3A_393 : i32
      %min3A = arith.constant 1599999 : i32
      %min3A_416 = arith.minsi %select_n3A_415, %min3A : i32
      %jit3A_417 = arith.constant 8 : i32
      %div3A_418 = arith.divsi %min3A_416, %jit3A_417 : i32
      %sign3A_419 = arith.constant 0 : i32
      %sign3A_420 = arith.cmpi sgt, %min3A_416, %sign3A_419 : i32
      %sign3A_421 = arith.extui %sign3A_420 : i1 to i32
      %sign3A_422 = arith.constant 0 : i32
      %sign3A_423 = arith.cmpi slt, %min3A_416, %sign3A_422 : i32
      %sign3A_424 = arith.extui %sign3A_423 : i1 to i32
      %sign3A_425 = arith.subi %sign3A_421, %sign3A_424 : i32
      %sign3A_426 = arith.constant 0 : i32
      %sign3A_427 = arith.cmpi sgt, %jit3A_417, %sign3A_426 : i32
      %sign3A_428 = arith.extui %sign3A_427 : i1 to i32
      %sign3A_429 = arith.constant 0 : i32
      %sign3A_430 = arith.cmpi slt, %jit3A_417, %sign3A_429 : i32
      %sign3A_431 = arith.extui %sign3A_430 : i1 to i32
      %sign3A_432 = arith.subi %sign3A_428, %sign3A_431 : i32
      %ne3A_433 = arith.cmpi ne, %sign3A_425, %sign3A_432 : i32
      %rem3A_434 = arith.remsi %min3A_416, %jit3A_417 : i32
      %ne3A_435 = arith.constant 0 : i32
      %ne3A_436 = arith.cmpi ne, %rem3A_434, %ne3A_435 : i32
      %and3A_437 = arith.andi %ne3A_433, %ne3A_436 : i1
      %sub3A_438 = arith.constant 1 : i32
      %sub3A_439 = arith.subi %div3A_418, %sub3A_438 : i32
      %select_n3A_440 = arith.select %and3A_437, %sub3A_439, %div3A_418 : i32
      %mul3A_441 = arith.constant 8 : i32
      %mul3A_442 = arith.muli %select_n3A_440, %mul3A_441 : i32
      %min3A_443 = arith.constant 1599984 : i32
      %min3A_444 = arith.minsi %mul3A_442, %min3A_443 : i32
      "tpu.region"() ({
        %run_scoped3A = tpu.sem_alloc : memref<!tpu.dma_semaphore, #tpu.memory_space<semaphore_mem>>
        %dma_start3A = tpu.memref_slice %arg4[%min3A_444] : memref<1600000xi32, #tpu.memory_space<hbm>> -> memref<16xi32, #tpu.memory_space<hbm>>
        %dma_start3A_462 = tpu.memref_slice %arg4[%min3A_444] : memref<1600000xi32, #tpu.memory_space<hbm>> -> memref<16xi32, #tpu.memory_space<hbm>>
        tpu.enqueue_dma source(%dma_start3A_462 : memref<16xi32, #tpu.memory_space<hbm>>) target(%arg15 : memref<16xi32, #tpu.memory_space<vmem>>) target_semaphore(%run_scoped3A : memref<!tpu.dma_semaphore, #tpu.memory_space<semaphore_mem>>)
        %dma_wait3A = tpu.memref_slice %arg4[%min3A_444] : memref<1600000xi32, #tpu.memory_space<hbm>> -> memref<16xi32, #tpu.memory_space<hbm>>
        %dma_wait3A_463 = tpu.memref_slice %arg4[%min3A_444] : memref<1600000xi32, #tpu.memory_space<hbm>> -> memref<16xi32, #tpu.memory_space<hbm>>
        tpu.wait_dma2 semaphore(%run_scoped3A : memref<!tpu.dma_semaphore, #tpu.memory_space<semaphore_mem>>) src(%dma_wait3A_463 : memref<16xi32, #tpu.memory_space<hbm>>) dst(%arg15 : memref<16xi32, #tpu.memory_space<vmem>>)
        tpu.yield
      }) : () -> ()
      %get3A = arith.constant 0 : index
      %get3A_445 = tpu.vector_load %arg15[%get3A] {strides = array<i32>} : memref<16xi32, #tpu.memory_space<vmem>>, vector<16xi32>,
      %sub3A_446 = arith.subi %min3A_416, %min3A_444 : i32
      %eq3A = vector.broadcast %sub3A_446 : i32 to vector<16xi32>
      %eq3A_447 = arith.cmpi eq, %iota3A, %eq3A : vector<16xi32>
      %jit3A_448 = arith.constant -2147483648 : i32
      %broadcast_in_dim3A = vector.broadcast %jit3A_448 : i32 to vector<16xi32>
      %select_n3A_449 = arith.select %eq3A_447, %get3A_445, %broadcast_in_dim3A : vector<16xi1>, vector<16xi32>
      %reduce_max3A = arith.constant true
      %reduce_max3A_450 = vector.broadcast %reduce_max3A : i1 to vector<16xi1>
      %reduce_max3A_451 = arith.constant -2147483648 : i32
      %reduce_max3A_452 = vector.broadcast %reduce_max3A_451 : i32 to vector<16xi32>
      %reduce_max3A_453 = arith.xori %select_n3A_449, %reduce_max3A_452 : vector<16xi32>
      %reduce_max3A_454 = tpu.scan <max>, %reduce_max3A_453 masked %reduce_max3A_450 : vector<16xi32>, vector<16xi1> -> vector<16xi32>
      %reduce_max3A_455 = arith.xori %reduce_max3A_454, %reduce_max3A_452 : vector<16xi32>
      %reduce_max3A_456 = vector.extract %reduce_max3A_455[15] : i32 from vector<16xi32>
      %ge3A_457 = arith.cmpi sge, %reduce_max3A_456, %mul3A_2 : i32
      %add3A_458 = arith.constant 1 : i32
      %add3A_459 = arith.addi %min3A_416, %add3A_458 : i32
      %select_n3A_460 = arith.select %ge3A_457, %scan3A_389, %add3A_459 : i32
      %select_n3A_461 = arith.select %ge3A_457, %min3A_416, %scan3A_390 : i32
      scf.yield %select_n3A_460, %select_n3A_461 : i32, i32
    }
    %scan3A_9 = arith.constant 21 : i32
    %add3A_10 = arith.constant 3128 : i32
    %add3A_11 = arith.addi %mul3A_2, %add3A_10 : i32
    %scan3A_12 = arith.constant 0 : i32
    %scan3A_13 = arith.constant 1600000 : i32
    %scan3A_14 = arith.constant 0 : i32
    %scan3A_15 = arith.constant 21 : i32
    %scan3A_16 = arith.addi %scan3A_14, %scan3A_15 : i32
    %scan3A_17 = arith.constant 1 : i32
    %scan3A_18:2 = scf.for %scan3A_388 = %scan3A_14 to %scan3A_16 step %scan3A_17 iter_args(%scan3A_389 = %scan3A_12, %scan3A_390 = %scan3A_13) -> (i32, i32)  : i32 {
      %add3A_391 = arith.addi %scan3A_389, %scan3A_390 : i32
      %jit3A_392 = arith.constant 2 : i32
      %div3A_393 = arith.divsi %add3A_391, %jit3A_392 : i32
      %sign3A_394 = arith.constant 0 : i32
      %sign3A_395 = arith.cmpi sgt, %add3A_391, %sign3A_394 : i32
      %sign3A_396 = arith.extui %sign3A_395 : i1 to i32
      %sign3A_397 = arith.constant 0 : i32
      %sign3A_398 = arith.cmpi slt, %add3A_391, %sign3A_397 : i32
      %sign3A_399 = arith.extui %sign3A_398 : i1 to i32
      %sign3A_400 = arith.subi %sign3A_396, %sign3A_399 : i32
      %sign3A_401 = arith.constant 0 : i32
      %sign3A_402 = arith.cmpi sgt, %jit3A_392, %sign3A_401 : i32
      %sign3A_403 = arith.extui %sign3A_402 : i1 to i32
      %sign3A_404 = arith.constant 0 : i32
      %sign3A_405 = arith.cmpi slt, %jit3A_392, %sign3A_404 : i32
      %sign3A_406 = arith.extui %sign3A_405 : i1 to i32
      %sign3A_407 = arith.subi %sign3A_403, %sign3A_406 : i32
      %ne3A_408 = arith.cmpi ne, %sign3A_400, %sign3A_407 : i32
      %rem3A_409 = arith.remsi %add3A_391, %jit3A_392 : i32
      %ne3A_410 = arith.constant 0 : i32
      %ne3A_411 = arith.cmpi ne, %rem3A_409, %ne3A_410 : i32
      %and3A_412 = arith.andi %ne3A_408, %ne3A_411 : i1
      %sub3A_413 = arith.constant 1 : i32
      %sub3A_414 = arith.subi %div3A_393, %sub3A_413 : i32
      %select_n3A_415 = arith.select %and3A_412, %sub3A_414, %div3A_393 : i32
      %min3A = arith.constant 1599999 : i32
      %min3A_416 = arith.minsi %select_n3A_415, %min3A : i32
      %jit3A_417 = arith.constant 8 : i32
      %div3A_418 = arith.divsi %min3A_416, %jit3A_417 : i32
      %sign3A_419 = arith.constant 0 : i32
      %sign3A_420 = arith.cmpi sgt, %min3A_416, %sign3A_419 : i32
      %sign3A_421 = arith.extui %sign3A_420 : i1 to i32
      %sign3A_422 = arith.constant 0 : i32
      %sign3A_423 = arith.cmpi slt, %min3A_416, %sign3A_422 : i32
      %sign3A_424 = arith.extui %sign3A_423 : i1 to i32
      %sign3A_425 = arith.subi %sign3A_421, %sign3A_424 : i32
      %sign3A_426 = arith.constant 0 : i32
      %sign3A_427 = arith.cmpi sgt, %jit3A_417, %sign3A_426 : i32
      %sign3A_428 = arith.extui %sign3A_427 : i1 to i32
      %sign3A_429 = arith.constant 0 : i32
      %sign3A_430 = arith.cmpi slt, %jit3A_417, %sign3A_429 : i32
      %sign3A_431 = arith.extui %sign3A_430 : i1 to i32
      %sign3A_432 = arith.subi %sign3A_428, %sign3A_431 : i32
      %ne3A_433 = arith.cmpi ne, %sign3A_425, %sign3A_432 : i32
      %rem3A_434 = arith.remsi %min3A_416, %jit3A_417 : i32
      %ne3A_435 = arith.constant 0 : i32
      %ne3A_436 = arith.cmpi ne, %rem3A_434, %ne3A_435 : i32
      %and3A_437 = arith.andi %ne3A_433, %ne3A_436 : i1
      %sub3A_438 = arith.constant 1 : i32
      %sub3A_439 = arith.subi %div3A_418, %sub3A_438 : i32
      %select_n3A_440 = arith.select %and3A_437, %sub3A_439, %div3A_418 : i32
      %mul3A_441 = arith.constant 8 : i32
      %mul3A_442 = arith.muli %select_n3A_440, %mul3A_441 : i32
      %min3A_443 = arith.constant 1599984 : i32
      %min3A_444 = arith.minsi %mul3A_442, %min3A_443 : i32
      "tpu.region"() ({
        %run_scoped3A = tpu.sem_alloc : memref<!tpu.dma_semaphore, #tpu.memory_space<semaphore_mem>>
        %dma_start3A = tpu.memref_slice %arg4[%min3A_444] : memref<1600000xi32, #tpu.memory_space<hbm>> -> memref<16xi32, #tpu.memory_space<hbm>>
        %dma_start3A_462 = tpu.memref_slice %arg4[%min3A_444] : memref<1600000xi32, #tpu.memory_space<hbm>> -> memref<16xi32, #tpu.memory_space<hbm>>
        tpu.enqueue_dma source(%dma_start3A_462 : memref<16xi32, #tpu.memory_space<hbm>>) target(%arg15 : memref<16xi32, #tpu.memory_space<vmem>>) target_semaphore(%run_scoped3A : memref<!tpu.dma_semaphore, #tpu.memory_space<semaphore_mem>>)
        %dma_wait3A = tpu.memref_slice %arg4[%min3A_444] : memref<1600000xi32, #tpu.memory_space<hbm>> -> memref<16xi32, #tpu.memory_space<hbm>>
        %dma_wait3A_463 = tpu.memref_slice %arg4[%min3A_444] : memref<1600000xi32, #tpu.memory_space<hbm>> -> memref<16xi32, #tpu.memory_space<hbm>>
        tpu.wait_dma2 semaphore(%run_scoped3A : memref<!tpu.dma_semaphore, #tpu.memory_space<semaphore_mem>>) src(%dma_wait3A_463 : memref<16xi32, #tpu.memory_space<hbm>>) dst(%arg15 : memref<16xi32, #tpu.memory_space<vmem>>)
        tpu.yield
      }) : () -> ()
      %get3A = arith.constant 0 : index
      %get3A_445 = tpu.vector_load %arg15[%get3A] {strides = array<i32>} : memref<16xi32, #tpu.memory_space<vmem>>, vector<16xi32>,
      %sub3A_446 = arith.subi %min3A_416, %min3A_444 : i32
      %eq3A = vector.broadcast %sub3A_446 : i32 to vector<16xi32>
      %eq3A_447 = arith.cmpi eq, %iota3A, %eq3A : vector<16xi32>
      %jit3A_448 = arith.constant -2147483648 : i32
      %broadcast_in_dim3A = vector.broadcast %jit3A_448 : i32 to vector<16xi32>
      %select_n3A_449 = arith.select %eq3A_447, %get3A_445, %broadcast_in_dim3A : vector<16xi1>, vector<16xi32>
      %reduce_max3A = arith.constant true
      %reduce_max3A_450 = vector.broadcast %reduce_max3A : i1 to vector<16xi1>
      %reduce_max3A_451 = arith.constant -2147483648 : i32
      %reduce_max3A_452 = vector.broadcast %reduce_max3A_451 : i32 to vector<16xi32>
      %reduce_max3A_453 = arith.xori %select_n3A_449, %reduce_max3A_452 : vector<16xi32>
      %reduce_max3A_454 = tpu.scan <max>, %reduce_max3A_453 masked %reduce_max3A_450 : vector<16xi32>, vector<16xi1> -> vector<16xi32>
      %reduce_max3A_455 = arith.xori %reduce_max3A_454, %reduce_max3A_452 : vector<16xi32>
      %reduce_max3A_456 = vector.extract %reduce_max3A_455[15] : i32 from vector<16xi32>
      %ge3A_457 = arith.cmpi sge, %reduce_max3A_456, %add3A_11 : i32
      %add3A_458 = arith.constant 1 : i32
      %add3A_459 = arith.addi %min3A_416, %add3A_458 : i32
      %select_n3A_460 = arith.select %ge3A_457, %scan3A_389, %add3A_459 : i32
      %select_n3A_461 = arith.select %ge3A_457, %min3A_416, %scan3A_390 : i32
      scf.yield %select_n3A_460, %select_n3A_461 : i32, i32
    }
    %scan3A_19 = arith.constant 21 : i32
    %mul3A_20 = arith.constant 0 : i32
    %mul3A_21 = vector.broadcast %mul3A_20 : i32 to vector<16xi32>
    %mul3A_22 = arith.muli %iota3A, %mul3A_21 : vector<16xi32>
    %convert_element_type3A = arith.sitofp %mul3A_22 : vector<16xi32> to vector<16xf32>
    %scan3A_23 = arith.constant 0 : i32
    %scan3A_24 = arith.constant 0 : i32
    %scan3A_25 = arith.constant 3325 : i32
    %scan3A_26 = arith.addi %scan3A_24, %scan3A_25 : i32
    %scan3A_27 = arith.constant 1 : i32
    scf.for %scan3A_388 = %scan3A_24 to %scan3A_26 step %scan3A_27  : i32 {
      %mul3A_389 = arith.constant 16 : i32
      %mul3A_390 = arith.muli %scan3A_388, %mul3A_389 : i32
      %swap3A = arith.index_cast %mul3A_390 : i32 to index
      %swap3A_391 = tpu.vector_load %arg8[%swap3A] {strides = array<i32>} : memref<53200xf32, #tpu.memory_space<vmem>>, vector<16xf32>,
      tpu.vector_store %arg8[%swap3A], %convert_element_type3A {strides = array<i32>} : memref<53200xf32, #tpu.memory_space<vmem>>, vector<16xf32>,
    }
    %scan3A_28 = arith.constant 3325 : i32
    %ge3A = arith.constant 12 : i32
    %ge3A_29 = vector.broadcast %ge3A : i32 to vector<16xi32>
    %ge3A_30 = arith.cmpi sge, %iota3A, %ge3A_29 : vector<16xi32>
    %jit3A = arith.constant 128 : i32
    %div3A = arith.divsi %scan3A_8#0, %jit3A : i32
    %sign3A = arith.constant 0 : i32
    %sign3A_31 = arith.cmpi sgt, %scan3A_8#0, %sign3A : i32
    %sign3A_32 = arith.extui %sign3A_31 : i1 to i32
    %sign3A_33 = arith.constant 0 : i32
    %sign3A_34 = arith.cmpi slt, %scan3A_8#0, %sign3A_33 : i32
    %sign3A_35 = arith.extui %sign3A_34 : i1 to i32
    %sign3A_36 = arith.subi %sign3A_32, %sign3A_35 : i32
    %sign3A_37 = arith.constant 0 : i32
    %sign3A_38 = arith.cmpi sgt, %jit3A, %sign3A_37 : i32
    %sign3A_39 = arith.extui %sign3A_38 : i1 to i32
    %sign3A_40 = arith.constant 0 : i32
    %sign3A_41 = arith.cmpi slt, %jit3A, %sign3A_40 : i32
    %sign3A_42 = arith.extui %sign3A_41 : i1 to i32
    %sign3A_43 = arith.subi %sign3A_39, %sign3A_42 : i32
    %ne3A = arith.cmpi ne, %sign3A_36, %sign3A_43 : i32
    %rem3A = arith.remsi %scan3A_8#0, %jit3A : i32
    %ne3A_44 = arith.constant 0 : i32
    %ne3A_45 = arith.cmpi ne, %rem3A, %ne3A_44 : i32
    %and3A = arith.andi %ne3A, %ne3A_45 : i1
    %sub3A = arith.constant 1 : i32
    %sub3A_46 = arith.subi %div3A, %sub3A : i32
    %select_n3A = arith.select %and3A, %sub3A_46, %div3A : i32
    %mul3A_47 = arith.constant 128 : i32
    %mul3A_48 = arith.muli %select_n3A, %mul3A_47 : i32
    %sub3A_49 = arith.subi %scan3A_18#0, %mul3A_48 : i32
    %add3A_50 = arith.constant 1024 : i32
    %add3A_51 = arith.addi %sub3A_49, %add3A_50 : i32
    %sub3A_52 = arith.constant 1 : i32
    %sub3A_53 = arith.subi %add3A_51, %sub3A_52 : i32
    %jit3A_54 = arith.constant 1024 : i32
    %div3A_55 = arith.divsi %sub3A_53, %jit3A_54 : i32
    %sign3A_56 = arith.constant 0 : i32
    %sign3A_57 = arith.cmpi sgt, %sub3A_53, %sign3A_56 : i32
    %sign3A_58 = arith.extui %sign3A_57 : i1 to i32
    %sign3A_59 = arith.constant 0 : i32
    %sign3A_60 = arith.cmpi slt, %sub3A_53, %sign3A_59 : i32
    %sign3A_61 = arith.extui %sign3A_60 : i1 to i32
    %sign3A_62 = arith.subi %sign3A_58, %sign3A_61 : i32
    %sign3A_63 = arith.constant 0 : i32
    %sign3A_64 = arith.cmpi sgt, %jit3A_54, %sign3A_63 : i32
    %sign3A_65 = arith.extui %sign3A_64 : i1 to i32
    %sign3A_66 = arith.constant 0 : i32
    %sign3A_67 = arith.cmpi slt, %jit3A_54, %sign3A_66 : i32
    %sign3A_68 = arith.extui %sign3A_67 : i1 to i32
    %sign3A_69 = arith.subi %sign3A_65, %sign3A_68 : i32
    %ne3A_70 = arith.cmpi ne, %sign3A_62, %sign3A_69 : i32
    %rem3A_71 = arith.remsi %sub3A_53, %jit3A_54 : i32
    %ne3A_72 = arith.constant 0 : i32
    %ne3A_73 = arith.cmpi ne, %rem3A_71, %ne3A_72 : i32
    %and3A_74 = arith.andi %ne3A_70, %ne3A_73 : i1
    %sub3A_75 = arith.constant 1 : i32
    %sub3A_76 = arith.subi %div3A_55, %sub3A_75 : i32
    %select_n3A_77 = arith.select %and3A_74, %sub3A_76, %div3A_55 : i32
    %jit3A_78 = arith.constant 8 : i32
    %div3A_79 = vector.broadcast %jit3A_78 : i32 to vector<16xi32>
    %div3A_80 = arith.divsi %iota3A, %div3A_79 : vector<16xi32>
    %sign3A_81 = arith.constant 0 : i32
    %sign3A_82 = vector.broadcast %sign3A_81 : i32 to vector<16xi32>
    %sign3A_83 = arith.cmpi sgt, %iota3A, %sign3A_82 : vector<16xi32>
    %sign3A_84 = arith.extui %sign3A_83 : vector<16xi1> to vector<16xi32>
    %sign3A_85 = arith.constant 0 : i32
    %sign3A_86 = vector.broadcast %sign3A_85 : i32 to vector<16xi32>
    %sign3A_87 = arith.cmpi slt, %iota3A, %sign3A_86 : vector<16xi32>
    %sign3A_88 = arith.extui %sign3A_87 : vector<16xi1> to vector<16xi32>
    %sign3A_89 = arith.subi %sign3A_84, %sign3A_88 : vector<16xi32>
    %sign3A_90 = arith.constant 0 : i32
    %sign3A_91 = arith.cmpi sgt, %jit3A_78, %sign3A_90 : i32
    %sign3A_92 = arith.extui %sign3A_91 : i1 to i32
    %sign3A_93 = arith.constant 0 : i32
    %sign3A_94 = arith.cmpi slt, %jit3A_78, %sign3A_93 : i32
    %sign3A_95 = arith.extui %sign3A_94 : i1 to i32
    %sign3A_96 = arith.subi %sign3A_92, %sign3A_95 : i32
    %ne3A_97 = vector.broadcast %sign3A_96 : i32 to vector<16xi32>
    %ne3A_98 = arith.cmpi ne, %sign3A_89, %ne3A_97 : vector<16xi32>
    %rem3A_99 = vector.broadcast %jit3A_78 : i32 to vector<16xi32>
    %rem3A_100 = arith.remsi %iota3A, %rem3A_99 : vector<16xi32>
    %ne3A_101 = arith.constant 0 : i32
    %ne3A_102 = vector.broadcast %ne3A_101 : i32 to vector<16xi32>
    %ne3A_103 = arith.cmpi ne, %rem3A_100, %ne3A_102 : vector<16xi32>
    %and3A_104 = arith.andi %ne3A_98, %ne3A_103 : vector<16xi1>
    %sub3A_105 = arith.constant 1 : i32
    %sub3A_106 = vector.broadcast %sub3A_105 : i32 to vector<16xi32>
    %sub3A_107 = arith.subi %div3A_80, %sub3A_106 : vector<16xi32>
    %select_n3A_108 = arith.select %and3A_104, %sub3A_107, %div3A_80 : vector<16xi1>, vector<16xi32>
    %mul3A_109 = arith.constant 8192 : i32
    %mul3A_110 = vector.broadcast %mul3A_109 : i32 to vector<16xi32>
    %mul3A_111 = arith.muli %select_n3A_108, %mul3A_110 : vector<16xi32>
    %jit3A_112 = arith.constant 8 : i32
    %div3A_113 = vector.broadcast %jit3A_112 : i32 to vector<16xi32>
    %div3A_114 = arith.divsi %iota3A, %div3A_113 : vector<16xi32>
    %sign3A_115 = arith.constant 0 : i32
    %sign3A_116 = vector.broadcast %sign3A_115 : i32 to vector<16xi32>
    %sign3A_117 = arith.cmpi sgt, %iota3A, %sign3A_116 : vector<16xi32>
    %sign3A_118 = arith.extui %sign3A_117 : vector<16xi1> to vector<16xi32>
    %sign3A_119 = arith.constant 0 : i32
    %sign3A_120 = vector.broadcast %sign3A_119 : i32 to vector<16xi32>
    %sign3A_121 = arith.cmpi slt, %iota3A, %sign3A_120 : vector<16xi32>
    %sign3A_122 = arith.extui %sign3A_121 : vector<16xi1> to vector<16xi32>
    %sign3A_123 = arith.subi %sign3A_118, %sign3A_122 : vector<16xi32>
    %sign3A_124 = arith.constant 0 : i32
    %sign3A_125 = arith.cmpi sgt, %jit3A_112, %sign3A_124 : i32
    %sign3A_126 = arith.extui %sign3A_125 : i1 to i32
    %sign3A_127 = arith.constant 0 : i32
    %sign3A_128 = arith.cmpi slt, %jit3A_112, %sign3A_127 : i32
    %sign3A_129 = arith.extui %sign3A_128 : i1 to i32
    %sign3A_130 = arith.subi %sign3A_126, %sign3A_129 : i32
    %ne3A_131 = vector.broadcast %sign3A_130 : i32 to vector<16xi32>
    %ne3A_132 = arith.cmpi ne, %sign3A_123, %ne3A_131 : vector<16xi32>
    %rem3A_133 = vector.broadcast %jit3A_112 : i32 to vector<16xi32>
    %rem3A_134 = arith.remsi %iota3A, %rem3A_133 : vector<16xi32>
    %ne3A_135 = arith.constant 0 : i32
    %ne3A_136 = vector.broadcast %ne3A_135 : i32 to vector<16xi32>
    %ne3A_137 = arith.cmpi ne, %rem3A_134, %ne3A_136 : vector<16xi32>
    %and3A_138 = arith.andi %ne3A_132, %ne3A_137 : vector<16xi1>
    %sub3A_139 = arith.constant 1 : i32
    %sub3A_140 = vector.broadcast %sub3A_139 : i32 to vector<16xi32>
    %sub3A_141 = arith.subi %div3A_114, %sub3A_140 : vector<16xi32>
    %select_n3A_142 = arith.select %and3A_138, %sub3A_141, %div3A_114 : vector<16xi1>, vector<16xi32>
    %mul3A_143 = arith.constant 8 : i32
    %mul3A_144 = vector.broadcast %mul3A_143 : i32 to vector<16xi32>
    %mul3A_145 = arith.muli %select_n3A_142, %mul3A_144 : vector<16xi32>
    %sub3A_146 = arith.subi %iota3A, %mul3A_145 : vector<16xi32>
    %mul3A_147 = arith.constant 128 : i32
    %mul3A_148 = vector.broadcast %mul3A_147 : i32 to vector<16xi32>
    %mul3A_149 = arith.muli %sub3A_146, %mul3A_148 : vector<16xi32>
    %add3A_150 = arith.addi %mul3A_111, %mul3A_149 : vector<16xi32>
    %sub3A_151 = arith.constant 12 : i32
    %sub3A_152 = vector.broadcast %sub3A_151 : i32 to vector<16xi32>
    %sub3A_153 = arith.subi %iota3A, %sub3A_152 : vector<16xi32>
    %mul3A_154 = arith.constant 128 : i32
    %mul3A_155 = vector.broadcast %mul3A_154 : i32 to vector<16xi32>
    %mul3A_156 = arith.muli %sub3A_153, %mul3A_155 : vector<16xi32>
    %add3A_157 = arith.constant 16384 : i32
    %add3A_158 = vector.broadcast %add3A_157 : i32 to vector<16xi32>
    %add3A_159 = arith.addi %add3A_158, %mul3A_156 : vector<16xi32>
    %add3A_160 = arith.constant 4 : i32
    %add3A_161 = vector.broadcast %add3A_160 : i32 to vector<16xi32>
    %add3A_162 = arith.addi %iota3A, %add3A_161 : vector<16xi32>
    %while3A = arith.constant 0 : i32
    %while3A_163 = arith.constant 0 : i32
    %while3A_164 = arith.subi %select_n3A_77, %while3A_163 : i32
    %while3A_165 = arith.addi %while3A_163, %while3A_164 : i32
    %while3A_166 = arith.constant 1 : i32
    %while3A_167 = arith.divsi %while3A_164, %while3A_166 : i32
    %while3A_168 = arith.muli %while3A_167, %while3A_166 : i32
    %while3A_169 = arith.addi %while3A_163, %while3A_168 : i32
    %while3A_170 = arith.constant 1 : i32
    scf.for %while3A_388 = %while3A_163 to %while3A_169 step %while3A_170  : i32 {
      %mul3A_389 = arith.constant 1024 : i32
      %mul3A_390 = arith.muli %while3A_388, %mul3A_389 : i32
      %add3A_391 = arith.addi %mul3A_48, %mul3A_390 : i32
      %min3A = arith.constant 1598976 : i32
      %min3A_392 = arith.minsi %add3A_391, %min3A : i32
      %sub3A_393 = arith.subi %add3A_391, %min3A_392 : i32
      %jit3A_394 = arith.constant 128 : i32
      %div3A_395 = arith.divsi %min3A_392, %jit3A_394 : i32
      %sign3A_396 = arith.constant 0 : i32
      %sign3A_397 = arith.cmpi sgt, %min3A_392, %sign3A_396 : i32
      %sign3A_398 = arith.extui %sign3A_397 : i1 to i32
      %sign3A_399 = arith.constant 0 : i32
      %sign3A_400 = arith.cmpi slt, %min3A_392, %sign3A_399 : i32
      %sign3A_401 = arith.extui %sign3A_400 : i1 to i32
      %sign3A_402 = arith.subi %sign3A_398, %sign3A_401 : i32
      %sign3A_403 = arith.constant 0 : i32
      %sign3A_404 = arith.cmpi sgt, %jit3A_394, %sign3A_403 : i32
      %sign3A_405 = arith.extui %sign3A_404 : i1 to i32
      %sign3A_406 = arith.constant 0 : i32
      %sign3A_407 = arith.cmpi slt, %jit3A_394, %sign3A_406 : i32
      %sign3A_408 = arith.extui %sign3A_407 : i1 to i32
      %sign3A_409 = arith.subi %sign3A_405, %sign3A_408 : i32
      %ne3A_410 = arith.cmpi ne, %sign3A_402, %sign3A_409 : i32
      %rem3A_411 = arith.remsi %min3A_392, %jit3A_394 : i32
      %ne3A_412 = arith.constant 0 : i32
      %ne3A_413 = arith.cmpi ne, %rem3A_411, %ne3A_412 : i32
      %and3A_414 = arith.andi %ne3A_410, %ne3A_413 : i1
      %sub3A_415 = arith.constant 1 : i32
      %sub3A_416 = arith.subi %div3A_395, %sub3A_415 : i32
      %select_n3A_417 = arith.select %and3A_414, %sub3A_416, %div3A_395 : i32
      %mul3A_418 = arith.constant 1024 : i32
      %mul3A_419 = arith.muli %select_n3A_417, %mul3A_418 : i32
      %add3A_420 = arith.constant 0 : i32
      %add3A_421 = arith.addi %add3A_420, %mul3A_419 : i32
      "tpu.region"() ({
        %run_scoped3A = tpu.sem_alloc : memref<!tpu.dma_semaphore, #tpu.memory_space<semaphore_mem>>
        %dma_start3A = arith.constant 0 : i32
        %dma_start3A_460 = tpu.memref_slice %arg10[%dma_start3A] : memref<16384xf32, #tpu.memory_space<vmem>> -> memref<8192xf32, #tpu.memory_space<vmem>>
        %dma_start3A_461 = tpu.memref_slice %arg2[%add3A_421] : memref<25600000xf32, #tpu.memory_space<hbm>> -> memref<8192xf32, #tpu.memory_space<hbm>>
        %dma_start3A_462 = arith.constant 0 : i32
        %dma_start3A_463 = tpu.memref_slice %arg10[%dma_start3A_462] : memref<16384xf32, #tpu.memory_space<vmem>> -> memref<8192xf32, #tpu.memory_space<vmem>>
        %dma_start3A_464 = tpu.memref_slice %arg2[%add3A_421] : memref<25600000xf32, #tpu.memory_space<hbm>> -> memref<8192xf32, #tpu.memory_space<hbm>>
        tpu.enqueue_dma source(%dma_start3A_464 : memref<8192xf32, #tpu.memory_space<hbm>>) target(%dma_start3A_463 : memref<8192xf32, #tpu.memory_space<vmem>>) target_semaphore(%run_scoped3A : memref<!tpu.dma_semaphore, #tpu.memory_space<semaphore_mem>>)
        %dma_wait3A = arith.constant 0 : i32
        %dma_wait3A_465 = tpu.memref_slice %arg10[%dma_wait3A] : memref<16384xf32, #tpu.memory_space<vmem>> -> memref<8192xf32, #tpu.memory_space<vmem>>
        %dma_wait3A_466 = tpu.memref_slice %arg2[%add3A_421] : memref<25600000xf32, #tpu.memory_space<hbm>> -> memref<8192xf32, #tpu.memory_space<hbm>>
        %dma_wait3A_467 = arith.constant 0 : i32
        %dma_wait3A_468 = tpu.memref_slice %arg10[%dma_wait3A_467] : memref<16384xf32, #tpu.memory_space<vmem>> -> memref<8192xf32, #tpu.memory_space<vmem>>
        %dma_wait3A_469 = tpu.memref_slice %arg2[%add3A_421] : memref<25600000xf32, #tpu.memory_space<hbm>> -> memref<8192xf32, #tpu.memory_space<hbm>>
        tpu.wait_dma2 semaphore(%run_scoped3A : memref<!tpu.dma_semaphore, #tpu.memory_space<semaphore_mem>>) src(%dma_wait3A_469 : memref<8192xf32, #tpu.memory_space<hbm>>) dst(%dma_wait3A_468 : memref<8192xf32, #tpu.memory_space<vmem>>)
        tpu.yield
      }) : () -> ()
      %add3A_422 = arith.constant 12800000 : i32
      %add3A_423 = arith.addi %add3A_422, %mul3A_419 : i32
      "tpu.region"() ({
        %run_scoped3A = tpu.sem_alloc : memref<!tpu.dma_semaphore, #tpu.memory_space<semaphore_mem>>
        %dma_start3A = arith.constant 8192 : i32
        %dma_start3A_460 = tpu.memref_slice %arg10[%dma_start3A] : memref<16384xf32, #tpu.memory_space<vmem>> -> memref<8192xf32, #tpu.memory_space<vmem>>
        %dma_start3A_461 = tpu.memref_slice %arg2[%add3A_423] : memref<25600000xf32, #tpu.memory_space<hbm>> -> memref<8192xf32, #tpu.memory_space<hbm>>
        %dma_start3A_462 = arith.constant 8192 : i32
        %dma_start3A_463 = tpu.memref_slice %arg10[%dma_start3A_462] : memref<16384xf32, #tpu.memory_space<vmem>> -> memref<8192xf32, #tpu.memory_space<vmem>>
        %dma_start3A_464 = tpu.memref_slice %arg2[%add3A_423] : memref<25600000xf32, #tpu.memory_space<hbm>> -> memref<8192xf32, #tpu.memory_space<hbm>>
        tpu.enqueue_dma source(%dma_start3A_464 : memref<8192xf32, #tpu.memory_space<hbm>>) target(%dma_start3A_463 : memref<8192xf32, #tpu.memory_space<vmem>>) target_semaphore(%run_scoped3A : memref<!tpu.dma_semaphore, #tpu.memory_space<semaphore_mem>>)
        %dma_wait3A = arith.constant 8192 : i32
        %dma_wait3A_465 = tpu.memref_slice %arg10[%dma_wait3A] : memref<16384xf32, #tpu.memory_space<vmem>> -> memref<8192xf32, #tpu.memory_space<vmem>>
        %dma_wait3A_466 = tpu.memref_slice %arg2[%add3A_423] : memref<25600000xf32, #tpu.memory_space<hbm>> -> memref<8192xf32, #tpu.memory_space<hbm>>
        %dma_wait3A_467 = arith.constant 8192 : i32
        %dma_wait3A_468 = tpu.memref_slice %arg10[%dma_wait3A_467] : memref<16384xf32, #tpu.memory_space<vmem>> -> memref<8192xf32, #tpu.memory_space<vmem>>
        %dma_wait3A_469 = tpu.memref_slice %arg2[%add3A_423] : memref<25600000xf32, #tpu.memory_space<hbm>> -> memref<8192xf32, #tpu.memory_space<hbm>>
        tpu.wait_dma2 semaphore(%run_scoped3A : memref<!tpu.dma_semaphore, #tpu.memory_space<semaphore_mem>>) src(%dma_wait3A_469 : memref<8192xf32, #tpu.memory_space<hbm>>) dst(%dma_wait3A_468 : memref<8192xf32, #tpu.memory_space<vmem>>)
        tpu.yield
      }) : () -> ()
      "tpu.region"() ({
        %run_scoped3A = tpu.sem_alloc : memref<!tpu.dma_semaphore, #tpu.memory_space<semaphore_mem>>
        %dma_start3A = tpu.memref_slice %arg4[%min3A_392] : memref<1600000xi32, #tpu.memory_space<hbm>> -> memref<1024xi32, #tpu.memory_space<hbm>>
        %dma_start3A_460 = tpu.memref_slice %arg4[%min3A_392] : memref<1600000xi32, #tpu.memory_space<hbm>> -> memref<1024xi32, #tpu.memory_space<hbm>>
        tpu.enqueue_dma source(%dma_start3A_460 : memref<1024xi32, #tpu.memory_space<hbm>>) target(%arg12 : memref<1024xi32, #tpu.memory_space<vmem>>) target_semaphore(%run_scoped3A : memref<!tpu.dma_semaphore, #tpu.memory_space<semaphore_mem>>)
        %dma_wait3A = tpu.memref_slice %arg4[%min3A_392] : memref<1600000xi32, #tpu.memory_space<hbm>> -> memref<1024xi32, #tpu.memory_space<hbm>>
        %dma_wait3A_461 = tpu.memref_slice %arg4[%min3A_392] : memref<1600000xi32, #tpu.memory_space<hbm>> -> memref<1024xi32, #tpu.memory_space<hbm>>
        tpu.wait_dma2 semaphore(%run_scoped3A : memref<!tpu.dma_semaphore, #tpu.memory_space<semaphore_mem>>) src(%dma_wait3A_461 : memref<1024xi32, #tpu.memory_space<hbm>>) dst(%arg12 : memref<1024xi32, #tpu.memory_space<vmem>>)
        tpu.yield
      }) : () -> ()
      %sub3A_424 = arith.constant 1024 : i32
      %sub3A_425 = arith.subi %sub3A_424, %sub3A_393 : i32
      %jit3A_426 = arith.constant 16 : i32
      %div3A_427 = arith.divsi %sub3A_425, %jit3A_426 : i32
      %sign3A_428 = arith.constant 0 : i32
      %sign3A_429 = arith.cmpi sgt, %sub3A_425, %sign3A_428 : i32
      %sign3A_430 = arith.extui %sign3A_429 : i1 to i32
      %sign3A_431 = arith.constant 0 : i32
      %sign3A_432 = arith.cmpi slt, %sub3A_425, %sign3A_431 : i32
      %sign3A_433 = arith.extui %sign3A_432 : i1 to i32
      %sign3A_434 = arith.subi %sign3A_430, %sign3A_433 : i32
      %sign3A_435 = arith.constant 0 : i32
      %sign3A_436 = arith.cmpi sgt, %jit3A_426, %sign3A_435 : i32
      %sign3A_437 = arith.extui %sign3A_436 : i1 to i32
      %sign3A_438 = arith.constant 0 : i32
      %sign3A_439 = arith.cmpi slt, %jit3A_426, %sign3A_438 : i32
      %sign3A_440 = arith.extui %sign3A_439 : i1 to i32
      %sign3A_441 = arith.subi %sign3A_437, %sign3A_440 : i32
      %ne3A_442 = arith.cmpi ne, %sign3A_434, %sign3A_441 : i32
      %rem3A_443 = arith.remsi %sub3A_425, %jit3A_426 : i32
      %ne3A_444 = arith.constant 0 : i32
      %ne3A_445 = arith.cmpi ne, %rem3A_443, %ne3A_444 : i32
      %and3A_446 = arith.andi %ne3A_442, %ne3A_445 : i1
      %sub3A_447 = arith.constant 1 : i32
      %sub3A_448 = arith.subi %div3A_427, %sub3A_447 : i32
      %select_n3A_449 = arith.select %and3A_446, %sub3A_448, %div3A_427 : i32
      %while3A_450 = arith.constant 0 : i32
      %while3A_451 = arith.constant 0 : i32
      %while3A_452 = arith.subi %select_n3A_449, %while3A_451 : i32
      %while3A_453 = arith.addi %while3A_451, %while3A_452 : i32
      %while3A_454 = arith.constant 1 : i32
      %while3A_455 = arith.divsi %while3A_452, %while3A_454 : i32
      %while3A_456 = arith.muli %while3A_455, %while3A_454 : i32
      %while3A_457 = arith.addi %while3A_451, %while3A_456 : i32
      %while3A_458 = arith.constant 1 : i32
      scf.for %while3A_460 = %while3A_451 to %while3A_457 step %while3A_458  : i32 {
        %mul3A_461 = arith.constant 16 : i32
        %mul3A_462 = arith.muli %while3A_460, %mul3A_461 : i32
        %add3A_463 = arith.addi %sub3A_393, %mul3A_462 : i32
        %get3A = arith.index_cast %add3A_463 : i32 to index
        %get3A_464 = tpu.vector_load %arg12[%get3A] {strides = array<i32>} : memref<1024xi32, #tpu.memory_space<vmem>>, vector<16xi32>,
        %sub3A_465 = vector.broadcast %mul3A_2 : i32 to vector<16xi32>
        %sub3A_466 = arith.subi %get3A_464, %sub3A_465 : vector<16xi32>
        %min3A_467 = arith.constant 3128 : i32
        %min3A_468 = vector.broadcast %min3A_467 : i32 to vector<16xi32>
        %min3A_469 = arith.minui %sub3A_466, %min3A_468 : vector<16xi32>
        %mul3A_470 = arith.constant 17 : i32
        %mul3A_471 = vector.broadcast %mul3A_470 : i32 to vector<16xi32>
        %mul3A_472 = arith.muli %min3A_469, %mul3A_471 : vector<16xi32>
        %jit3A_473 = arith.constant 128 : i32
        %div3A_474 = arith.divsi %add3A_463, %jit3A_473 : i32
        %sign3A_475 = arith.constant 0 : i32
        %sign3A_476 = arith.cmpi sgt, %add3A_463, %sign3A_475 : i32
        %sign3A_477 = arith.extui %sign3A_476 : i1 to i32
        %sign3A_478 = arith.constant 0 : i32
        %sign3A_479 = arith.cmpi slt, %add3A_463, %sign3A_478 : i32
        %sign3A_480 = arith.extui %sign3A_479 : i1 to i32
        %sign3A_481 = arith.subi %sign3A_477, %sign3A_480 : i32
        %sign3A_482 = arith.constant 0 : i32
        %sign3A_483 = arith.cmpi sgt, %jit3A_473, %sign3A_482 : i32
        %sign3A_484 = arith.extui %sign3A_483 : i1 to i32
        %sign3A_485 = arith.constant 0 : i32
        %sign3A_486 = arith.cmpi slt, %jit3A_473, %sign3A_485 : i32
        %sign3A_487 = arith.extui %sign3A_486 : i1 to i32
        %sign3A_488 = arith.subi %sign3A_484, %sign3A_487 : i32
        %ne3A_489 = arith.cmpi ne, %sign3A_481, %sign3A_488 : i32
        %rem3A_490 = arith.remsi %add3A_463, %jit3A_473 : i32
        %ne3A_491 = arith.constant 0 : i32
        %ne3A_492 = arith.cmpi ne, %rem3A_490, %ne3A_491 : i32
        %and3A_493 = arith.andi %ne3A_489, %ne3A_492 : i1
        %sub3A_494 = arith.constant 1 : i32
        %sub3A_495 = arith.subi %div3A_474, %sub3A_494 : i32
        %select_n3A_496 = arith.select %and3A_493, %sub3A_495, %div3A_474 : i32
        %mul3A_497 = arith.constant 1024 : i32
        %mul3A_498 = arith.muli %select_n3A_496, %mul3A_497 : i32
        %jit3A_499 = arith.constant 128 : i32
        %div3A_500 = arith.divsi %add3A_463, %jit3A_499 : i32
        %sign3A_501 = arith.constant 0 : i32
        %sign3A_502 = arith.cmpi sgt, %add3A_463, %sign3A_501 : i32
        %sign3A_503 = arith.extui %sign3A_502 : i1 to i32
        %sign3A_504 = arith.constant 0 : i32
        %sign3A_505 = arith.cmpi slt, %add3A_463, %sign3A_504 : i32
        %sign3A_506 = arith.extui %sign3A_505 : i1 to i32
        %sign3A_507 = arith.subi %sign3A_503, %sign3A_506 : i32
        %sign3A_508 = arith.constant 0 : i32
        %sign3A_509 = arith.cmpi sgt, %jit3A_499, %sign3A_508 : i32
        %sign3A_510 = arith.extui %sign3A_509 : i1 to i32
        %sign3A_511 = arith.constant 0 : i32
        %sign3A_512 = arith.cmpi slt, %jit3A_499, %sign3A_511 : i32
        %sign3A_513 = arith.extui %sign3A_512 : i1 to i32
        %sign3A_514 = arith.subi %sign3A_510, %sign3A_513 : i32
        %ne3A_515 = arith.cmpi ne, %sign3A_507, %sign3A_514 : i32
        %rem3A_516 = arith.remsi %add3A_463, %jit3A_499 : i32
        %ne3A_517 = arith.constant 0 : i32
        %ne3A_518 = arith.cmpi ne, %rem3A_516, %ne3A_517 : i32
        %and3A_519 = arith.andi %ne3A_515, %ne3A_518 : i1
        %sub3A_520 = arith.constant 1 : i32
        %sub3A_521 = arith.subi %div3A_500, %sub3A_520 : i32
        %select_n3A_522 = arith.select %and3A_519, %sub3A_521, %div3A_500 : i32
        %mul3A_523 = arith.constant 128 : i32
        %mul3A_524 = arith.muli %select_n3A_522, %mul3A_523 : i32
        %sub3A_525 = arith.subi %add3A_463, %mul3A_524 : i32
        %add3A_526 = arith.addi %mul3A_498, %sub3A_525 : i32
        %add3A_527 = vector.broadcast %add3A_526 : i32 to vector<16xi32>
        %add3A_528 = arith.addi %add3A_150, %add3A_527 : vector<16xi32>
        %slice3A = vector.extract_strided_slice %mul3A_472 {offsets = [0], sizes = [1], strides = [1]} : vector<16xi32> to vector<1xi32>
        %squeeze3A = vector.extract %slice3A[0] : i32 from vector<1xi32>
        %add3A_529 = arith.constant 0 : i32
        %add3A_530 = vector.broadcast %add3A_529 : i32 to vector<16xi32>
        %add3A_531 = arith.addi %add3A_528, %add3A_530 : vector<16xi32>
        %gather3A = tpu.vector_load_idx %arg10[%add3A_531] : memref<16384xf32, #tpu.memory_space<vmem>>[vector<16xi32>], vector<16xf32>,
        %add3A_532 = vector.broadcast %squeeze3A : i32 to vector<16xi32>
        %add3A_533 = arith.addi %add3A_532, %iota3A : vector<16xi32>
        tpu.vector_store_idx %arg8[%add3A_533], %gather3A {add = true} : memref<53200xf32, #tpu.memory_space<vmem>>[vector<16xi32>], vector<16xf32>,
        %slice3A_534 = vector.extract_strided_slice %mul3A_472 {offsets = [1], sizes = [1], strides = [1]} : vector<16xi32> to vector<1xi32>
        %squeeze3A_535 = vector.extract %slice3A_534[0] : i32 from vector<1xi32>
        %add3A_536 = arith.constant 1 : i32
        %add3A_537 = vector.broadcast %add3A_536 : i32 to vector<16xi32>
        %add3A_538 = arith.addi %add3A_528, %add3A_537 : vector<16xi32>
        %gather3A_539 = tpu.vector_load_idx %arg10[%add3A_538] : memref<16384xf32, #tpu.memory_space<vmem>>[vector<16xi32>], vector<16xf32>,
        %add3A_540 = vector.broadcast %squeeze3A_535 : i32 to vector<16xi32>
        %add3A_541 = arith.addi %add3A_540, %iota3A : vector<16xi32>
        tpu.vector_store_idx %arg8[%add3A_541], %gather3A_539 {add = true} : memref<53200xf32, #tpu.memory_space<vmem>>[vector<16xi32>], vector<16xf32>,
        %slice3A_542 = vector.extract_strided_slice %mul3A_472 {offsets = [2], sizes = [1], strides = [1]} : vector<16xi32> to vector<1xi32>
        %squeeze3A_543 = vector.extract %slice3A_542[0] : i32 from vector<1xi32>
        %add3A_544 = arith.constant 2 : i32
        %add3A_545 = vector.broadcast %add3A_544 : i32 to vector<16xi32>
        %add3A_546 = arith.addi %add3A_528, %add3A_545 : vector<16xi32>
        %gather3A_547 = tpu.vector_load_idx %arg10[%add3A_546] : memref<16384xf32, #tpu.memory_space<vmem>>[vector<16xi32>], vector<16xf32>,
        %add3A_548 = vector.broadcast %squeeze3A_543 : i32 to vector<16xi32>
        %add3A_549 = arith.addi %add3A_548, %iota3A : vector<16xi32>
        tpu.vector_store_idx %arg8[%add3A_549], %gather3A_547 {add = true} : memref<53200xf32, #tpu.memory_space<vmem>>[vector<16xi32>], vector<16xf32>,
        %slice3A_550 = vector.extract_strided_slice %mul3A_472 {offsets = [3], sizes = [1], strides = [1]} : vector<16xi32> to vector<1xi32>
        %squeeze3A_551 = vector.extract %slice3A_550[0] : i32 from vector<1xi32>
        %add3A_552 = arith.constant 3 : i32
        %add3A_553 = vector.broadcast %add3A_552 : i32 to vector<16xi32>
        %add3A_554 = arith.addi %add3A_528, %add3A_553 : vector<16xi32>
        %gather3A_555 = tpu.vector_load_idx %arg10[%add3A_554] : memref<16384xf32, #tpu.memory_space<vmem>>[vector<16xi32>], vector<16xf32>,
        %add3A_556 = vector.broadcast %squeeze3A_551 : i32 to vector<16xi32>
        %add3A_557 = arith.addi %add3A_556, %iota3A : vector<16xi32>
        tpu.vector_store_idx %arg8[%add3A_557], %gather3A_555 {add = true} : memref<53200xf32, #tpu.memory_space<vmem>>[vector<16xi32>], vector<16xf32>,
        %slice3A_558 = vector.extract_strided_slice %mul3A_472 {offsets = [4], sizes = [1], strides = [1]} : vector<16xi32> to vector<1xi32>
        %squeeze3A_559 = vector.extract %slice3A_558[0] : i32 from vector<1xi32>
        %add3A_560 = arith.constant 4 : i32
        %add3A_561 = vector.broadcast %add3A_560 : i32 to vector<16xi32>
        %add3A_562 = arith.addi %add3A_528, %add3A_561 : vector<16xi32>
        %gather3A_563 = tpu.vector_load_idx %arg10[%add3A_562] : memref<16384xf32, #tpu.memory_space<vmem>>[vector<16xi32>], vector<16xf32>,
        %add3A_564 = vector.broadcast %squeeze3A_559 : i32 to vector<16xi32>
        %add3A_565 = arith.addi %add3A_564, %iota3A : vector<16xi32>
        tpu.vector_store_idx %arg8[%add3A_565], %gather3A_563 {add = true} : memref<53200xf32, #tpu.memory_space<vmem>>[vector<16xi32>], vector<16xf32>,
        %slice3A_566 = vector.extract_strided_slice %mul3A_472 {offsets = [5], sizes = [1], strides = [1]} : vector<16xi32> to vector<1xi32>
        %squeeze3A_567 = vector.extract %slice3A_566[0] : i32 from vector<1xi32>
        %add3A_568 = arith.constant 5 : i32
        %add3A_569 = vector.broadcast %add3A_568 : i32 to vector<16xi32>
        %add3A_570 = arith.addi %add3A_528, %add3A_569 : vector<16xi32>
        %gather3A_571 = tpu.vector_load_idx %arg10[%add3A_570] : memref<16384xf32, #tpu.memory_space<vmem>>[vector<16xi32>], vector<16xf32>,
        %add3A_572 = vector.broadcast %squeeze3A_567 : i32 to vector<16xi32>
        %add3A_573 = arith.addi %add3A_572, %iota3A : vector<16xi32>
        tpu.vector_store_idx %arg8[%add3A_573], %gather3A_571 {add = true} : memref<53200xf32, #tpu.memory_space<vmem>>[vector<16xi32>], vector<16xf32>,
        %slice3A_574 = vector.extract_strided_slice %mul3A_472 {offsets = [6], sizes = [1], strides = [1]} : vector<16xi32> to vector<1xi32>
        %squeeze3A_575 = vector.extract %slice3A_574[0] : i32 from vector<1xi32>
        %add3A_576 = arith.constant 6 : i32
        %add3A_577 = vector.broadcast %add3A_576 : i32 to vector<16xi32>
        %add3A_578 = arith.addi %add3A_528, %add3A_577 : vector<16xi32>
        %gather3A_579 = tpu.vector_load_idx %arg10[%add3A_578] : memref<16384xf32, #tpu.memory_space<vmem>>[vector<16xi32>], vector<16xf32>,
        %add3A_580 = vector.broadcast %squeeze3A_575 : i32 to vector<16xi32>
        %add3A_581 = arith.addi %add3A_580, %iota3A : vector<16xi32>
        tpu.vector_store_idx %arg8[%add3A_581], %gather3A_579 {add = true} : memref<53200xf32, #tpu.memory_space<vmem>>[vector<16xi32>], vector<16xf32>,
        %slice3A_582 = vector.extract_strided_slice %mul3A_472 {offsets = [7], sizes = [1], strides = [1]} : vector<16xi32> to vector<1xi32>
        %squeeze3A_583 = vector.extract %slice3A_582[0] : i32 from vector<1xi32>
        %add3A_584 = arith.constant 7 : i32
        %add3A_585 = vector.broadcast %add3A_584 : i32 to vector<16xi32>
        %add3A_586 = arith.addi %add3A_528, %add3A_585 : vector<16xi32>
        %gather3A_587 = tpu.vector_load_idx %arg10[%add3A_586] : memref<16384xf32, #tpu.memory_space<vmem>>[vector<16xi32>], vector<16xf32>,
        %add3A_588 = vector.broadcast %squeeze3A_583 : i32 to vector<16xi32>
        %add3A_589 = arith.addi %add3A_588, %iota3A : vector<16xi32>
        tpu.vector_store_idx %arg8[%add3A_589], %gather3A_587 {add = true} : memref<53200xf32, #tpu.memory_space<vmem>>[vector<16xi32>], vector<16xf32>,
        %slice3A_590 = vector.extract_strided_slice %mul3A_472 {offsets = [8], sizes = [1], strides = [1]} : vector<16xi32> to vector<1xi32>
        %squeeze3A_591 = vector.extract %slice3A_590[0] : i32 from vector<1xi32>
        %add3A_592 = arith.constant 8 : i32
        %add3A_593 = vector.broadcast %add3A_592 : i32 to vector<16xi32>
        %add3A_594 = arith.addi %add3A_528, %add3A_593 : vector<16xi32>
        %gather3A_595 = tpu.vector_load_idx %arg10[%add3A_594] : memref<16384xf32, #tpu.memory_space<vmem>>[vector<16xi32>], vector<16xf32>,
        %add3A_596 = vector.broadcast %squeeze3A_591 : i32 to vector<16xi32>
        %add3A_597 = arith.addi %add3A_596, %iota3A : vector<16xi32>
        tpu.vector_store_idx %arg8[%add3A_597], %gather3A_595 {add = true} : memref<53200xf32, #tpu.memory_space<vmem>>[vector<16xi32>], vector<16xf32>,
        %slice3A_598 = vector.extract_strided_slice %mul3A_472 {offsets = [9], sizes = [1], strides = [1]} : vector<16xi32> to vector<1xi32>
        %squeeze3A_599 = vector.extract %slice3A_598[0] : i32 from vector<1xi32>
        %add3A_600 = arith.constant 9 : i32
        %add3A_601 = vector.broadcast %add3A_600 : i32 to vector<16xi32>
        %add3A_602 = arith.addi %add3A_528, %add3A_601 : vector<16xi32>
        %gather3A_603 = tpu.vector_load_idx %arg10[%add3A_602] : memref<16384xf32, #tpu.memory_space<vmem>>[vector<16xi32>], vector<16xf32>,
        %add3A_604 = vector.broadcast %squeeze3A_599 : i32 to vector<16xi32>
        %add3A_605 = arith.addi %add3A_604, %iota3A : vector<16xi32>
        tpu.vector_store_idx %arg8[%add3A_605], %gather3A_603 {add = true} : memref<53200xf32, #tpu.memory_space<vmem>>[vector<16xi32>], vector<16xf32>,
        %slice3A_606 = vector.extract_strided_slice %mul3A_472 {offsets = [10], sizes = [1], strides = [1]} : vector<16xi32> to vector<1xi32>
        %squeeze3A_607 = vector.extract %slice3A_606[0] : i32 from vector<1xi32>
        %add3A_608 = arith.constant 10 : i32
        %add3A_609 = vector.broadcast %add3A_608 : i32 to vector<16xi32>
        %add3A_610 = arith.addi %add3A_528, %add3A_609 : vector<16xi32>
        %gather3A_611 = tpu.vector_load_idx %arg10[%add3A_610] : memref<16384xf32, #tpu.memory_space<vmem>>[vector<16xi32>], vector<16xf32>,
        %add3A_612 = vector.broadcast %squeeze3A_607 : i32 to vector<16xi32>
        %add3A_613 = arith.addi %add3A_612, %iota3A : vector<16xi32>
        tpu.vector_store_idx %arg8[%add3A_613], %gather3A_611 {add = true} : memref<53200xf32, #tpu.memory_space<vmem>>[vector<16xi32>], vector<16xf32>,
        %slice3A_614 = vector.extract_strided_slice %mul3A_472 {offsets = [11], sizes = [1], strides = [1]} : vector<16xi32> to vector<1xi32>
        %squeeze3A_615 = vector.extract %slice3A_614[0] : i32 from vector<1xi32>
        %add3A_616 = arith.constant 11 : i32
        %add3A_617 = vector.broadcast %add3A_616 : i32 to vector<16xi32>
        %add3A_618 = arith.addi %add3A_528, %add3A_617 : vector<16xi32>
        %gather3A_619 = tpu.vector_load_idx %arg10[%add3A_618] : memref<16384xf32, #tpu.memory_space<vmem>>[vector<16xi32>], vector<16xf32>,
        %add3A_620 = vector.broadcast %squeeze3A_615 : i32 to vector<16xi32>
        %add3A_621 = arith.addi %add3A_620, %iota3A : vector<16xi32>
        tpu.vector_store_idx %arg8[%add3A_621], %gather3A_619 {add = true} : memref<53200xf32, #tpu.memory_space<vmem>>[vector<16xi32>], vector<16xf32>,
        %slice3A_622 = vector.extract_strided_slice %mul3A_472 {offsets = [12], sizes = [1], strides = [1]} : vector<16xi32> to vector<1xi32>
        %squeeze3A_623 = vector.extract %slice3A_622[0] : i32 from vector<1xi32>
        %add3A_624 = arith.constant 12 : i32
        %add3A_625 = vector.broadcast %add3A_624 : i32 to vector<16xi32>
        %add3A_626 = arith.addi %add3A_528, %add3A_625 : vector<16xi32>
        %gather3A_627 = tpu.vector_load_idx %arg10[%add3A_626] : memref<16384xf32, #tpu.memory_space<vmem>>[vector<16xi32>], vector<16xf32>,
        %add3A_628 = vector.broadcast %squeeze3A_623 : i32 to vector<16xi32>
        %add3A_629 = arith.addi %add3A_628, %iota3A : vector<16xi32>
        tpu.vector_store_idx %arg8[%add3A_629], %gather3A_627 {add = true} : memref<53200xf32, #tpu.memory_space<vmem>>[vector<16xi32>], vector<16xf32>,
        %slice3A_630 = vector.extract_strided_slice %mul3A_472 {offsets = [13], sizes = [1], strides = [1]} : vector<16xi32> to vector<1xi32>
        %squeeze3A_631 = vector.extract %slice3A_630[0] : i32 from vector<1xi32>
        %add3A_632 = arith.constant 13 : i32
        %add3A_633 = vector.broadcast %add3A_632 : i32 to vector<16xi32>
        %add3A_634 = arith.addi %add3A_528, %add3A_633 : vector<16xi32>
        %gather3A_635 = tpu.vector_load_idx %arg10[%add3A_634] : memref<16384xf32, #tpu.memory_space<vmem>>[vector<16xi32>], vector<16xf32>,
        %add3A_636 = vector.broadcast %squeeze3A_631 : i32 to vector<16xi32>
        %add3A_637 = arith.addi %add3A_636, %iota3A : vector<16xi32>
        tpu.vector_store_idx %arg8[%add3A_637], %gather3A_635 {add = true} : memref<53200xf32, #tpu.memory_space<vmem>>[vector<16xi32>], vector<16xf32>,
        %slice3A_638 = vector.extract_strided_slice %mul3A_472 {offsets = [14], sizes = [1], strides = [1]} : vector<16xi32> to vector<1xi32>
        %squeeze3A_639 = vector.extract %slice3A_638[0] : i32 from vector<1xi32>
        %add3A_640 = arith.constant 14 : i32
        %add3A_641 = vector.broadcast %add3A_640 : i32 to vector<16xi32>
        %add3A_642 = arith.addi %add3A_528, %add3A_641 : vector<16xi32>
        %gather3A_643 = tpu.vector_load_idx %arg10[%add3A_642] : memref<16384xf32, #tpu.memory_space<vmem>>[vector<16xi32>], vector<16xf32>,
        %add3A_644 = vector.broadcast %squeeze3A_639 : i32 to vector<16xi32>
        %add3A_645 = arith.addi %add3A_644, %iota3A : vector<16xi32>
        tpu.vector_store_idx %arg8[%add3A_645], %gather3A_643 {add = true} : memref<53200xf32, #tpu.memory_space<vmem>>[vector<16xi32>], vector<16xf32>,
        %slice3A_646 = vector.extract_strided_slice %mul3A_472 {offsets = [15], sizes = [1], strides = [1]} : vector<16xi32> to vector<1xi32>
        %squeeze3A_647 = vector.extract %slice3A_646[0] : i32 from vector<1xi32>
        %add3A_648 = arith.constant 15 : i32
        %add3A_649 = vector.broadcast %add3A_648 : i32 to vector<16xi32>
        %add3A_650 = arith.addi %add3A_528, %add3A_649 : vector<16xi32>
        %gather3A_651 = tpu.vector_load_idx %arg10[%add3A_650] : memref<16384xf32, #tpu.memory_space<vmem>>[vector<16xi32>], vector<16xf32>,
        %add3A_652 = vector.broadcast %squeeze3A_647 : i32 to vector<16xi32>
        %add3A_653 = arith.addi %add3A_652, %iota3A : vector<16xi32>
        tpu.vector_store_idx %arg8[%add3A_653], %gather3A_651 {add = true} : memref<53200xf32, #tpu.memory_space<vmem>>[vector<16xi32>], vector<16xf32>,
        %broadcast_in_dim3A = arith.constant true
        %broadcast_in_dim3A_654 = vector.broadcast %broadcast_in_dim3A : i1 to vector<16xi1>
        %unique3A, %unique3A_655 = tpu.scan_count mask(%broadcast_in_dim3A_654 : vector<16xi1>) value(%mul3A_472 : vector<16xi32>) : vector<16xi1>, vector<16xi32>
        %convert_element_type3A_656 = arith.sitofp %unique3A_655 : vector<16xi32> to vector<16xf32>
        %add3A_657 = arith.constant 16 : i32
        %add3A_658 = vector.broadcast %add3A_657 : i32 to vector<16xi32>
        %add3A_659 = arith.addi %mul3A_472, %add3A_658 : vector<16xi32>
        tpu.vector_store_idx %arg8[%add3A_659], %convert_element_type3A_656 masked %unique3A {add = true} : memref<53200xf32, #tpu.memory_space<vmem>>[vector<16xi32>], vector<16xf32>, vector<16xi1>
      }
      %while3A_459 = arith.constant 1 : i32
      scf.for %while3A_460 = %while3A_457 to %while3A_453 step %while3A_459  : i32 {
        %mul3A_461 = arith.constant 16 : i32
        %mul3A_462 = arith.muli %while3A_460, %mul3A_461 : i32
        %add3A_463 = arith.addi %sub3A_393, %mul3A_462 : i32
        %get3A = arith.index_cast %add3A_463 : i32 to index
        %get3A_464 = tpu.vector_load %arg12[%get3A] {strides = array<i32>} : memref<1024xi32, #tpu.memory_space<vmem>>, vector<16xi32>,
        %sub3A_465 = vector.broadcast %mul3A_2 : i32 to vector<16xi32>
        %sub3A_466 = arith.subi %get3A_464, %sub3A_465 : vector<16xi32>
        %min3A_467 = arith.constant 3128 : i32
        %min3A_468 = vector.broadcast %min3A_467 : i32 to vector<16xi32>
        %min3A_469 = arith.minui %sub3A_466, %min3A_468 : vector<16xi32>
        %mul3A_470 = arith.constant 17 : i32
        %mul3A_471 = vector.broadcast %mul3A_470 : i32 to vector<16xi32>
        %mul3A_472 = arith.muli %min3A_469, %mul3A_471 : vector<16xi32>
        %jit3A_473 = arith.constant 128 : i32
        %div3A_474 = arith.divsi %add3A_463, %jit3A_473 : i32
        %sign3A_475 = arith.constant 0 : i32
        %sign3A_476 = arith.cmpi sgt, %add3A_463, %sign3A_475 : i32
        %sign3A_477 = arith.extui %sign3A_476 : i1 to i32
        %sign3A_478 = arith.constant 0 : i32
        %sign3A_479 = arith.cmpi slt, %add3A_463, %sign3A_478 : i32
        %sign3A_480 = arith.extui %sign3A_479 : i1 to i32
        %sign3A_481 = arith.subi %sign3A_477, %sign3A_480 : i32
        %sign3A_482 = arith.constant 0 : i32
        %sign3A_483 = arith.cmpi sgt, %jit3A_473, %sign3A_482 : i32
        %sign3A_484 = arith.extui %sign3A_483 : i1 to i32
        %sign3A_485 = arith.constant 0 : i32
        %sign3A_486 = arith.cmpi slt, %jit3A_473, %sign3A_485 : i32
        %sign3A_487 = arith.extui %sign3A_486 : i1 to i32
        %sign3A_488 = arith.subi %sign3A_484, %sign3A_487 : i32
        %ne3A_489 = arith.cmpi ne, %sign3A_481, %sign3A_488 : i32
        %rem3A_490 = arith.remsi %add3A_463, %jit3A_473 : i32
        %ne3A_491 = arith.constant 0 : i32
        %ne3A_492 = arith.cmpi ne, %rem3A_490, %ne3A_491 : i32
        %and3A_493 = arith.andi %ne3A_489, %ne3A_492 : i1
        %sub3A_494 = arith.constant 1 : i32
        %sub3A_495 = arith.subi %div3A_474, %sub3A_494 : i32
        %select_n3A_496 = arith.select %and3A_493, %sub3A_495, %div3A_474 : i32
        %mul3A_497 = arith.constant 1024 : i32
        %mul3A_498 = arith.muli %select_n3A_496, %mul3A_497 : i32
        %jit3A_499 = arith.constant 128 : i32
        %div3A_500 = arith.divsi %add3A_463, %jit3A_499 : i32
        %sign3A_501 = arith.constant 0 : i32
        %sign3A_502 = arith.cmpi sgt, %add3A_463, %sign3A_501 : i32
        %sign3A_503 = arith.extui %sign3A_502 : i1 to i32
        %sign3A_504 = arith.constant 0 : i32
        %sign3A_505 = arith.cmpi slt, %add3A_463, %sign3A_504 : i32
        %sign3A_506 = arith.extui %sign3A_505 : i1 to i32
        %sign3A_507 = arith.subi %sign3A_503, %sign3A_506 : i32
        %sign3A_508 = arith.constant 0 : i32
        %sign3A_509 = arith.cmpi sgt, %jit3A_499, %sign3A_508 : i32
        %sign3A_510 = arith.extui %sign3A_509 : i1 to i32
        %sign3A_511 = arith.constant 0 : i32
        %sign3A_512 = arith.cmpi slt, %jit3A_499, %sign3A_511 : i32
        %sign3A_513 = arith.extui %sign3A_512 : i1 to i32
        %sign3A_514 = arith.subi %sign3A_510, %sign3A_513 : i32
        %ne3A_515 = arith.cmpi ne, %sign3A_507, %sign3A_514 : i32
        %rem3A_516 = arith.remsi %add3A_463, %jit3A_499 : i32
        %ne3A_517 = arith.constant 0 : i32
        %ne3A_518 = arith.cmpi ne, %rem3A_516, %ne3A_517 : i32
        %and3A_519 = arith.andi %ne3A_515, %ne3A_518 : i1
        %sub3A_520 = arith.constant 1 : i32
        %sub3A_521 = arith.subi %div3A_500, %sub3A_520 : i32
        %select_n3A_522 = arith.select %and3A_519, %sub3A_521, %div3A_500 : i32
        %mul3A_523 = arith.constant 128 : i32
        %mul3A_524 = arith.muli %select_n3A_522, %mul3A_523 : i32
        %sub3A_525 = arith.subi %add3A_463, %mul3A_524 : i32
        %add3A_526 = arith.addi %mul3A_498, %sub3A_525 : i32
        %add3A_527 = vector.broadcast %add3A_526 : i32 to vector<16xi32>
        %add3A_528 = arith.addi %add3A_150, %add3A_527 : vector<16xi32>
        %slice3A = vector.extract_strided_slice %mul3A_472 {offsets = [0], sizes = [1], strides = [1]} : vector<16xi32> to vector<1xi32>
        %squeeze3A = vector.extract %slice3A[0] : i32 from vector<1xi32>
        %add3A_529 = arith.constant 0 : i32
        %add3A_530 = vector.broadcast %add3A_529 : i32 to vector<16xi32>
        %add3A_531 = arith.addi %add3A_528, %add3A_530 : vector<16xi32>
        %gather3A = tpu.vector_load_idx %arg10[%add3A_531] : memref<16384xf32, #tpu.memory_space<vmem>>[vector<16xi32>], vector<16xf32>,
        %add3A_532 = vector.broadcast %squeeze3A : i32 to vector<16xi32>
        %add3A_533 = arith.addi %add3A_532, %iota3A : vector<16xi32>
        tpu.vector_store_idx %arg8[%add3A_533], %gather3A {add = true} : memref<53200xf32, #tpu.memory_space<vmem>>[vector<16xi32>], vector<16xf32>,
        %slice3A_534 = vector.extract_strided_slice %mul3A_472 {offsets = [1], sizes = [1], strides = [1]} : vector<16xi32> to vector<1xi32>
        %squeeze3A_535 = vector.extract %slice3A_534[0] : i32 from vector<1xi32>
        %add3A_536 = arith.constant 1 : i32
        %add3A_537 = vector.broadcast %add3A_536 : i32 to vector<16xi32>
        %add3A_538 = arith.addi %add3A_528, %add3A_537 : vector<16xi32>
        %gather3A_539 = tpu.vector_load_idx %arg10[%add3A_538] : memref<16384xf32, #tpu.memory_space<vmem>>[vector<16xi32>], vector<16xf32>,
        %add3A_540 = vector.broadcast %squeeze3A_535 : i32 to vector<16xi32>
        %add3A_541 = arith.addi %add3A_540, %iota3A : vector<16xi32>
        tpu.vector_store_idx %arg8[%add3A_541], %gather3A_539 {add = true} : memref<53200xf32, #tpu.memory_space<vmem>>[vector<16xi32>], vector<16xf32>,
        %slice3A_542 = vector.extract_strided_slice %mul3A_472 {offsets = [2], sizes = [1], strides = [1]} : vector<16xi32> to vector<1xi32>
        %squeeze3A_543 = vector.extract %slice3A_542[0] : i32 from vector<1xi32>
        %add3A_544 = arith.constant 2 : i32
        %add3A_545 = vector.broadcast %add3A_544 : i32 to vector<16xi32>
        %add3A_546 = arith.addi %add3A_528, %add3A_545 : vector<16xi32>
        %gather3A_547 = tpu.vector_load_idx %arg10[%add3A_546] : memref<16384xf32, #tpu.memory_space<vmem>>[vector<16xi32>], vector<16xf32>,
        %add3A_548 = vector.broadcast %squeeze3A_543 : i32 to vector<16xi32>
        %add3A_549 = arith.addi %add3A_548, %iota3A : vector<16xi32>
        tpu.vector_store_idx %arg8[%add3A_549], %gather3A_547 {add = true} : memref<53200xf32, #tpu.memory_space<vmem>>[vector<16xi32>], vector<16xf32>,
        %slice3A_550 = vector.extract_strided_slice %mul3A_472 {offsets = [3], sizes = [1], strides = [1]} : vector<16xi32> to vector<1xi32>
        %squeeze3A_551 = vector.extract %slice3A_550[0] : i32 from vector<1xi32>
        %add3A_552 = arith.constant 3 : i32
        %add3A_553 = vector.broadcast %add3A_552 : i32 to vector<16xi32>
        %add3A_554 = arith.addi %add3A_528, %add3A_553 : vector<16xi32>
        %gather3A_555 = tpu.vector_load_idx %arg10[%add3A_554] : memref<16384xf32, #tpu.memory_space<vmem>>[vector<16xi32>], vector<16xf32>,
        %add3A_556 = vector.broadcast %squeeze3A_551 : i32 to vector<16xi32>
        %add3A_557 = arith.addi %add3A_556, %iota3A : vector<16xi32>
        tpu.vector_store_idx %arg8[%add3A_557], %gather3A_555 {add = true} : memref<53200xf32, #tpu.memory_space<vmem>>[vector<16xi32>], vector<16xf32>,
        %slice3A_558 = vector.extract_strided_slice %mul3A_472 {offsets = [4], sizes = [1], strides = [1]} : vector<16xi32> to vector<1xi32>
        %squeeze3A_559 = vector.extract %slice3A_558[0] : i32 from vector<1xi32>
        %add3A_560 = arith.constant 4 : i32
        %add3A_561 = vector.broadcast %add3A_560 : i32 to vector<16xi32>
        %add3A_562 = arith.addi %add3A_528, %add3A_561 : vector<16xi32>
        %gather3A_563 = tpu.vector_load_idx %arg10[%add3A_562] : memref<16384xf32, #tpu.memory_space<vmem>>[vector<16xi32>], vector<16xf32>,
        %add3A_564 = vector.broadcast %squeeze3A_559 : i32 to vector<16xi32>
        %add3A_565 = arith.addi %add3A_564, %iota3A : vector<16xi32>
        tpu.vector_store_idx %arg8[%add3A_565], %gather3A_563 {add = true} : memref<53200xf32, #tpu.memory_space<vmem>>[vector<16xi32>], vector<16xf32>,
        %slice3A_566 = vector.extract_strided_slice %mul3A_472 {offsets = [5], sizes = [1], strides = [1]} : vector<16xi32> to vector<1xi32>
        %squeeze3A_567 = vector.extract %slice3A_566[0] : i32 from vector<1xi32>
        %add3A_568 = arith.constant 5 : i32
        %add3A_569 = vector.broadcast %add3A_568 : i32 to vector<16xi32>
        %add3A_570 = arith.addi %add3A_528, %add3A_569 : vector<16xi32>
        %gather3A_571 = tpu.vector_load_idx %arg10[%add3A_570] : memref<16384xf32, #tpu.memory_space<vmem>>[vector<16xi32>], vector<16xf32>,
        %add3A_572 = vector.broadcast %squeeze3A_567 : i32 to vector<16xi32>
        %add3A_573 = arith.addi %add3A_572, %iota3A : vector<16xi32>
        tpu.vector_store_idx %arg8[%add3A_573], %gather3A_571 {add = true} : memref<53200xf32, #tpu.memory_space<vmem>>[vector<16xi32>], vector<16xf32>,
        %slice3A_574 = vector.extract_strided_slice %mul3A_472 {offsets = [6], sizes = [1], strides = [1]} : vector<16xi32> to vector<1xi32>
        %squeeze3A_575 = vector.extract %slice3A_574[0] : i32 from vector<1xi32>
        %add3A_576 = arith.constant 6 : i32
        %add3A_577 = vector.broadcast %add3A_576 : i32 to vector<16xi32>
        %add3A_578 = arith.addi %add3A_528, %add3A_577 : vector<16xi32>
        %gather3A_579 = tpu.vector_load_idx %arg10[%add3A_578] : memref<16384xf32, #tpu.memory_space<vmem>>[vector<16xi32>], vector<16xf32>,
        %add3A_580 = vector.broadcast %squeeze3A_575 : i32 to vector<16xi32>
        %add3A_581 = arith.addi %add3A_580, %iota3A : vector<16xi32>
        tpu.vector_store_idx %arg8[%add3A_581], %gather3A_579 {add = true} : memref<53200xf32, #tpu.memory_space<vmem>>[vector<16xi32>], vector<16xf32>,
        %slice3A_582 = vector.extract_strided_slice %mul3A_472 {offsets = [7], sizes = [1], strides = [1]} : vector<16xi32> to vector<1xi32>
        %squeeze3A_583 = vector.extract %slice3A_582[0] : i32 from vector<1xi32>
        %add3A_584 = arith.constant 7 : i32
        %add3A_585 = vector.broadcast %add3A_584 : i32 to vector<16xi32>
        %add3A_586 = arith.addi %add3A_528, %add3A_585 : vector<16xi32>
        %gather3A_587 = tpu.vector_load_idx %arg10[%add3A_586] : memref<16384xf32, #tpu.memory_space<vmem>>[vector<16xi32>], vector<16xf32>,
        %add3A_588 = vector.broadcast %squeeze3A_583 : i32 to vector<16xi32>
        %add3A_589 = arith.addi %add3A_588, %iota3A : vector<16xi32>
        tpu.vector_store_idx %arg8[%add3A_589], %gather3A_587 {add = true} : memref<53200xf32, #tpu.memory_space<vmem>>[vector<16xi32>], vector<16xf32>,
        %slice3A_590 = vector.extract_strided_slice %mul3A_472 {offsets = [8], sizes = [1], strides = [1]} : vector<16xi32> to vector<1xi32>
        %squeeze3A_591 = vector.extract %slice3A_590[0] : i32 from vector<1xi32>
        %add3A_592 = arith.constant 8 : i32
        %add3A_593 = vector.broadcast %add3A_592 : i32 to vector<16xi32>
        %add3A_594 = arith.addi %add3A_528, %add3A_593 : vector<16xi32>
        %gather3A_595 = tpu.vector_load_idx %arg10[%add3A_594] : memref<16384xf32, #tpu.memory_space<vmem>>[vector<16xi32>], vector<16xf32>,
        %add3A_596 = vector.broadcast %squeeze3A_591 : i32 to vector<16xi32>
        %add3A_597 = arith.addi %add3A_596, %iota3A : vector<16xi32>
        tpu.vector_store_idx %arg8[%add3A_597], %gather3A_595 {add = true} : memref<53200xf32, #tpu.memory_space<vmem>>[vector<16xi32>], vector<16xf32>,
        %slice3A_598 = vector.extract_strided_slice %mul3A_472 {offsets = [9], sizes = [1], strides = [1]} : vector<16xi32> to vector<1xi32>
        %squeeze3A_599 = vector.extract %slice3A_598[0] : i32 from vector<1xi32>
        %add3A_600 = arith.constant 9 : i32
        %add3A_601 = vector.broadcast %add3A_600 : i32 to vector<16xi32>
        %add3A_602 = arith.addi %add3A_528, %add3A_601 : vector<16xi32>
        %gather3A_603 = tpu.vector_load_idx %arg10[%add3A_602] : memref<16384xf32, #tpu.memory_space<vmem>>[vector<16xi32>], vector<16xf32>,
        %add3A_604 = vector.broadcast %squeeze3A_599 : i32 to vector<16xi32>
        %add3A_605 = arith.addi %add3A_604, %iota3A : vector<16xi32>
        tpu.vector_store_idx %arg8[%add3A_605], %gather3A_603 {add = true} : memref<53200xf32, #tpu.memory_space<vmem>>[vector<16xi32>], vector<16xf32>,
        %slice3A_606 = vector.extract_strided_slice %mul3A_472 {offsets = [10], sizes = [1], strides = [1]} : vector<16xi32> to vector<1xi32>
        %squeeze3A_607 = vector.extract %slice3A_606[0] : i32 from vector<1xi32>
        %add3A_608 = arith.constant 10 : i32
        %add3A_609 = vector.broadcast %add3A_608 : i32 to vector<16xi32>
        %add3A_610 = arith.addi %add3A_528, %add3A_609 : vector<16xi32>
        %gather3A_611 = tpu.vector_load_idx %arg10[%add3A_610] : memref<16384xf32, #tpu.memory_space<vmem>>[vector<16xi32>], vector<16xf32>,
        %add3A_612 = vector.broadcast %squeeze3A_607 : i32 to vector<16xi32>
        %add3A_613 = arith.addi %add3A_612, %iota3A : vector<16xi32>
        tpu.vector_store_idx %arg8[%add3A_613], %gather3A_611 {add = true} : memref<53200xf32, #tpu.memory_space<vmem>>[vector<16xi32>], vector<16xf32>,
        %slice3A_614 = vector.extract_strided_slice %mul3A_472 {offsets = [11], sizes = [1], strides = [1]} : vector<16xi32> to vector<1xi32>
        %squeeze3A_615 = vector.extract %slice3A_614[0] : i32 from vector<1xi32>
        %add3A_616 = arith.constant 11 : i32
        %add3A_617 = vector.broadcast %add3A_616 : i32 to vector<16xi32>
        %add3A_618 = arith.addi %add3A_528, %add3A_617 : vector<16xi32>
        %gather3A_619 = tpu.vector_load_idx %arg10[%add3A_618] : memref<16384xf32, #tpu.memory_space<vmem>>[vector<16xi32>], vector<16xf32>,
        %add3A_620 = vector.broadcast %squeeze3A_615 : i32 to vector<16xi32>
        %add3A_621 = arith.addi %add3A_620, %iota3A : vector<16xi32>
        tpu.vector_store_idx %arg8[%add3A_621], %gather3A_619 {add = true} : memref<53200xf32, #tpu.memory_space<vmem>>[vector<16xi32>], vector<16xf32>,
        %slice3A_622 = vector.extract_strided_slice %mul3A_472 {offsets = [12], sizes = [1], strides = [1]} : vector<16xi32> to vector<1xi32>
        %squeeze3A_623 = vector.extract %slice3A_622[0] : i32 from vector<1xi32>
        %add3A_624 = arith.constant 12 : i32
        %add3A_625 = vector.broadcast %add3A_624 : i32 to vector<16xi32>
        %add3A_626 = arith.addi %add3A_528, %add3A_625 : vector<16xi32>
        %gather3A_627 = tpu.vector_load_idx %arg10[%add3A_626] : memref<16384xf32, #tpu.memory_space<vmem>>[vector<16xi32>], vector<16xf32>,
        %add3A_628 = vector.broadcast %squeeze3A_623 : i32 to vector<16xi32>
        %add3A_629 = arith.addi %add3A_628, %iota3A : vector<16xi32>
        tpu.vector_store_idx %arg8[%add3A_629], %gather3A_627 {add = true} : memref<53200xf32, #tpu.memory_space<vmem>>[vector<16xi32>], vector<16xf32>,
        %slice3A_630 = vector.extract_strided_slice %mul3A_472 {offsets = [13], sizes = [1], strides = [1]} : vector<16xi32> to vector<1xi32>
        %squeeze3A_631 = vector.extract %slice3A_630[0] : i32 from vector<1xi32>
        %add3A_632 = arith.constant 13 : i32
        %add3A_633 = vector.broadcast %add3A_632 : i32 to vector<16xi32>
        %add3A_634 = arith.addi %add3A_528, %add3A_633 : vector<16xi32>
        %gather3A_635 = tpu.vector_load_idx %arg10[%add3A_634] : memref<16384xf32, #tpu.memory_space<vmem>>[vector<16xi32>], vector<16xf32>,
        %add3A_636 = vector.broadcast %squeeze3A_631 : i32 to vector<16xi32>
        %add3A_637 = arith.addi %add3A_636, %iota3A : vector<16xi32>
        tpu.vector_store_idx %arg8[%add3A_637], %gather3A_635 {add = true} : memref<53200xf32, #tpu.memory_space<vmem>>[vector<16xi32>], vector<16xf32>,
        %slice3A_638 = vector.extract_strided_slice %mul3A_472 {offsets = [14], sizes = [1], strides = [1]} : vector<16xi32> to vector<1xi32>
        %squeeze3A_639 = vector.extract %slice3A_638[0] : i32 from vector<1xi32>
        %add3A_640 = arith.constant 14 : i32
        %add3A_641 = vector.broadcast %add3A_640 : i32 to vector<16xi32>
        %add3A_642 = arith.addi %add3A_528, %add3A_641 : vector<16xi32>
        %gather3A_643 = tpu.vector_load_idx %arg10[%add3A_642] : memref<16384xf32, #tpu.memory_space<vmem>>[vector<16xi32>], vector<16xf32>,
        %add3A_644 = vector.broadcast %squeeze3A_639 : i32 to vector<16xi32>
        %add3A_645 = arith.addi %add3A_644, %iota3A : vector<16xi32>
        tpu.vector_store_idx %arg8[%add3A_645], %gather3A_643 {add = true} : memref<53200xf32, #tpu.memory_space<vmem>>[vector<16xi32>], vector<16xf32>,
        %slice3A_646 = vector.extract_strided_slice %mul3A_472 {offsets = [15], sizes = [1], strides = [1]} : vector<16xi32> to vector<1xi32>
        %squeeze3A_647 = vector.extract %slice3A_646[0] : i32 from vector<1xi32>
        %add3A_648 = arith.constant 15 : i32
        %add3A_649 = vector.broadcast %add3A_648 : i32 to vector<16xi32>
        %add3A_650 = arith.addi %add3A_528, %add3A_649 : vector<16xi32>
        %gather3A_651 = tpu.vector_load_idx %arg10[%add3A_650] : memref<16384xf32, #tpu.memory_space<vmem>>[vector<16xi32>], vector<16xf32>,
        %add3A_652 = vector.broadcast %squeeze3A_647 : i32 to vector<16xi32>
        %add3A_653 = arith.addi %add3A_652, %iota3A : vector<16xi32>
        tpu.vector_store_idx %arg8[%add3A_653], %gather3A_651 {add = true} : memref<53200xf32, #tpu.memory_space<vmem>>[vector<16xi32>], vector<16xf32>,
        %broadcast_in_dim3A = arith.constant true
        %broadcast_in_dim3A_654 = vector.broadcast %broadcast_in_dim3A : i1 to vector<16xi1>
        %unique3A, %unique3A_655 = tpu.scan_count mask(%broadcast_in_dim3A_654 : vector<16xi1>) value(%mul3A_472 : vector<16xi32>) : vector<16xi1>, vector<16xi32>
        %convert_element_type3A_656 = arith.sitofp %unique3A_655 : vector<16xi32> to vector<16xf32>
        %add3A_657 = arith.constant 16 : i32
        %add3A_658 = vector.broadcast %add3A_657 : i32 to vector<16xi32>
        %add3A_659 = arith.addi %mul3A_472, %add3A_658 : vector<16xi32>
        tpu.vector_store_idx %arg8[%add3A_659], %convert_element_type3A_656 masked %unique3A {add = true} : memref<53200xf32, #tpu.memory_space<vmem>>[vector<16xi32>], vector<16xf32>, vector<16xi1>
      }
    }
    %while3A_171 = arith.constant 1 : i32
    scf.for %while3A_388 = %while3A_169 to %while3A_165 step %while3A_171  : i32 {
      %mul3A_389 = arith.constant 1024 : i32
      %mul3A_390 = arith.muli %while3A_388, %mul3A_389 : i32
      %add3A_391 = arith.addi %mul3A_48, %mul3A_390 : i32
      %min3A = arith.constant 1598976 : i32
      %min3A_392 = arith.minsi %add3A_391, %min3A : i32
      %sub3A_393 = arith.subi %add3A_391, %min3A_392 : i32
      %jit3A_394 = arith.constant 128 : i32
      %div3A_395 = arith.divsi %min3A_392, %jit3A_394 : i32
      %sign3A_396 = arith.constant 0 : i32
      %sign3A_397 = arith.cmpi sgt, %min3A_392, %sign3A_396 : i32
      %sign3A_398 = arith.extui %sign3A_397 : i1 to i32
      %sign3A_399 = arith.constant 0 : i32
      %sign3A_400 = arith.cmpi slt, %min3A_392, %sign3A_399 : i32
      %sign3A_401 = arith.extui %sign3A_400 : i1 to i32
      %sign3A_402 = arith.subi %sign3A_398, %sign3A_401 : i32
      %sign3A_403 = arith.constant 0 : i32
      %sign3A_404 = arith.cmpi sgt, %jit3A_394, %sign3A_403 : i32
      %sign3A_405 = arith.extui %sign3A_404 : i1 to i32
      %sign3A_406 = arith.constant 0 : i32
      %sign3A_407 = arith.cmpi slt, %jit3A_394, %sign3A_406 : i32
      %sign3A_408 = arith.extui %sign3A_407 : i1 to i32
      %sign3A_409 = arith.subi %sign3A_405, %sign3A_408 : i32
      %ne3A_410 = arith.cmpi ne, %sign3A_402, %sign3A_409 : i32
      %rem3A_411 = arith.remsi %min3A_392, %jit3A_394 : i32
      %ne3A_412 = arith.constant 0 : i32
      %ne3A_413 = arith.cmpi ne, %rem3A_411, %ne3A_412 : i32
      %and3A_414 = arith.andi %ne3A_410, %ne3A_413 : i1
      %sub3A_415 = arith.constant 1 : i32
      %sub3A_416 = arith.subi %div3A_395, %sub3A_415 : i32
      %select_n3A_417 = arith.select %and3A_414, %sub3A_416, %div3A_395 : i32
      %mul3A_418 = arith.constant 1024 : i32
      %mul3A_419 = arith.muli %select_n3A_417, %mul3A_418 : i32
      %add3A_420 = arith.constant 0 : i32
      %add3A_421 = arith.addi %add3A_420, %mul3A_419 : i32
      "tpu.region"() ({
        %run_scoped3A = tpu.sem_alloc : memref<!tpu.dma_semaphore, #tpu.memory_space<semaphore_mem>>
        %dma_start3A = arith.constant 0 : i32
        %dma_start3A_460 = tpu.memref_slice %arg10[%dma_start3A] : memref<16384xf32, #tpu.memory_space<vmem>> -> memref<8192xf32, #tpu.memory_space<vmem>>
        %dma_start3A_461 = tpu.memref_slice %arg2[%add3A_421] : memref<25600000xf32, #tpu.memory_space<hbm>> -> memref<8192xf32, #tpu.memory_space<hbm>>
        %dma_start3A_462 = arith.constant 0 : i32
        %dma_start3A_463 = tpu.memref_slice %arg10[%dma_start3A_462] : memref<16384xf32, #tpu.memory_space<vmem>> -> memref<8192xf32, #tpu.memory_space<vmem>>
        %dma_start3A_464 = tpu.memref_slice %arg2[%add3A_421] : memref<25600000xf32, #tpu.memory_space<hbm>> -> memref<8192xf32, #tpu.memory_space<hbm>>
        tpu.enqueue_dma source(%dma_start3A_464 : memref<8192xf32, #tpu.memory_space<hbm>>) target(%dma_start3A_463 : memref<8192xf32, #tpu.memory_space<vmem>>) target_semaphore(%run_scoped3A : memref<!tpu.dma_semaphore, #tpu.memory_space<semaphore_mem>>)
        %dma_wait3A = arith.constant 0 : i32
        %dma_wait3A_465 = tpu.memref_slice %arg10[%dma_wait3A] : memref<16384xf32, #tpu.memory_space<vmem>> -> memref<8192xf32, #tpu.memory_space<vmem>>
        %dma_wait3A_466 = tpu.memref_slice %arg2[%add3A_421] : memref<25600000xf32, #tpu.memory_space<hbm>> -> memref<8192xf32, #tpu.memory_space<hbm>>
        %dma_wait3A_467 = arith.constant 0 : i32
        %dma_wait3A_468 = tpu.memref_slice %arg10[%dma_wait3A_467] : memref<16384xf32, #tpu.memory_space<vmem>> -> memref<8192xf32, #tpu.memory_space<vmem>>
        %dma_wait3A_469 = tpu.memref_slice %arg2[%add3A_421] : memref<25600000xf32, #tpu.memory_space<hbm>> -> memref<8192xf32, #tpu.memory_space<hbm>>
        tpu.wait_dma2 semaphore(%run_scoped3A : memref<!tpu.dma_semaphore, #tpu.memory_space<semaphore_mem>>) src(%dma_wait3A_469 : memref<8192xf32, #tpu.memory_space<hbm>>) dst(%dma_wait3A_468 : memref<8192xf32, #tpu.memory_space<vmem>>)
        tpu.yield
      }) : () -> ()
      %add3A_422 = arith.constant 12800000 : i32
      %add3A_423 = arith.addi %add3A_422, %mul3A_419 : i32
      "tpu.region"() ({
        %run_scoped3A = tpu.sem_alloc : memref<!tpu.dma_semaphore, #tpu.memory_space<semaphore_mem>>
        %dma_start3A = arith.constant 8192 : i32
        %dma_start3A_460 = tpu.memref_slice %arg10[%dma_start3A] : memref<16384xf32, #tpu.memory_space<vmem>> -> memref<8192xf32, #tpu.memory_space<vmem>>
        %dma_start3A_461 = tpu.memref_slice %arg2[%add3A_423] : memref<25600000xf32, #tpu.memory_space<hbm>> -> memref<8192xf32, #tpu.memory_space<hbm>>
        %dma_start3A_462 = arith.constant 8192 : i32
        %dma_start3A_463 = tpu.memref_slice %arg10[%dma_start3A_462] : memref<16384xf32, #tpu.memory_space<vmem>> -> memref<8192xf32, #tpu.memory_space<vmem>>
        %dma_start3A_464 = tpu.memref_slice %arg2[%add3A_423] : memref<25600000xf32, #tpu.memory_space<hbm>> -> memref<8192xf32, #tpu.memory_space<hbm>>
        tpu.enqueue_dma source(%dma_start3A_464 : memref<8192xf32, #tpu.memory_space<hbm>>) target(%dma_start3A_463 : memref<8192xf32, #tpu.memory_space<vmem>>) target_semaphore(%run_scoped3A : memref<!tpu.dma_semaphore, #tpu.memory_space<semaphore_mem>>)
        %dma_wait3A = arith.constant 8192 : i32
        %dma_wait3A_465 = tpu.memref_slice %arg10[%dma_wait3A] : memref<16384xf32, #tpu.memory_space<vmem>> -> memref<8192xf32, #tpu.memory_space<vmem>>
        %dma_wait3A_466 = tpu.memref_slice %arg2[%add3A_423] : memref<25600000xf32, #tpu.memory_space<hbm>> -> memref<8192xf32, #tpu.memory_space<hbm>>
        %dma_wait3A_467 = arith.constant 8192 : i32
        %dma_wait3A_468 = tpu.memref_slice %arg10[%dma_wait3A_467] : memref<16384xf32, #tpu.memory_space<vmem>> -> memref<8192xf32, #tpu.memory_space<vmem>>
        %dma_wait3A_469 = tpu.memref_slice %arg2[%add3A_423] : memref<25600000xf32, #tpu.memory_space<hbm>> -> memref<8192xf32, #tpu.memory_space<hbm>>
        tpu.wait_dma2 semaphore(%run_scoped3A : memref<!tpu.dma_semaphore, #tpu.memory_space<semaphore_mem>>) src(%dma_wait3A_469 : memref<8192xf32, #tpu.memory_space<hbm>>) dst(%dma_wait3A_468 : memref<8192xf32, #tpu.memory_space<vmem>>)
        tpu.yield
      }) : () -> ()
      "tpu.region"() ({
        %run_scoped3A = tpu.sem_alloc : memref<!tpu.dma_semaphore, #tpu.memory_space<semaphore_mem>>
        %dma_start3A = tpu.memref_slice %arg4[%min3A_392] : memref<1600000xi32, #tpu.memory_space<hbm>> -> memref<1024xi32, #tpu.memory_space<hbm>>
        %dma_start3A_460 = tpu.memref_slice %arg4[%min3A_392] : memref<1600000xi32, #tpu.memory_space<hbm>> -> memref<1024xi32, #tpu.memory_space<hbm>>
        tpu.enqueue_dma source(%dma_start3A_460 : memref<1024xi32, #tpu.memory_space<hbm>>) target(%arg12 : memref<1024xi32, #tpu.memory_space<vmem>>) target_semaphore(%run_scoped3A : memref<!tpu.dma_semaphore, #tpu.memory_space<semaphore_mem>>)
        %dma_wait3A = tpu.memref_slice %arg4[%min3A_392] : memref<1600000xi32, #tpu.memory_space<hbm>> -> memref<1024xi32, #tpu.memory_space<hbm>>
        %dma_wait3A_461 = tpu.memref_slice %arg4[%min3A_392] : memref<1600000xi32, #tpu.memory_space<hbm>> -> memref<1024xi32, #tpu.memory_space<hbm>>
        tpu.wait_dma2 semaphore(%run_scoped3A : memref<!tpu.dma_semaphore, #tpu.memory_space<semaphore_mem>>) src(%dma_wait3A_461 : memref<1024xi32, #tpu.memory_space<hbm>>) dst(%arg12 : memref<1024xi32, #tpu.memory_space<vmem>>)
        tpu.yield
      }) : () -> ()
      %sub3A_424 = arith.constant 1024 : i32
      %sub3A_425 = arith.subi %sub3A_424, %sub3A_393 : i32
      %jit3A_426 = arith.constant 16 : i32
      %div3A_427 = arith.divsi %sub3A_425, %jit3A_426 : i32
      %sign3A_428 = arith.constant 0 : i32
      %sign3A_429 = arith.cmpi sgt, %sub3A_425, %sign3A_428 : i32
      %sign3A_430 = arith.extui %sign3A_429 : i1 to i32
      %sign3A_431 = arith.constant 0 : i32
      %sign3A_432 = arith.cmpi slt, %sub3A_425, %sign3A_431 : i32
      %sign3A_433 = arith.extui %sign3A_432 : i1 to i32
      %sign3A_434 = arith.subi %sign3A_430, %sign3A_433 : i32
      %sign3A_435 = arith.constant 0 : i32
      %sign3A_436 = arith.cmpi sgt, %jit3A_426, %sign3A_435 : i32
      %sign3A_437 = arith.extui %sign3A_436 : i1 to i32
      %sign3A_438 = arith.constant 0 : i32
      %sign3A_439 = arith.cmpi slt, %jit3A_426, %sign3A_438 : i32
      %sign3A_440 = arith.extui %sign3A_439 : i1 to i32
      %sign3A_441 = arith.subi %sign3A_437, %sign3A_440 : i32
      %ne3A_442 = arith.cmpi ne, %sign3A_434, %sign3A_441 : i32
      %rem3A_443 = arith.remsi %sub3A_425, %jit3A_426 : i32
      %ne3A_444 = arith.constant 0 : i32
      %ne3A_445 = arith.cmpi ne, %rem3A_443, %ne3A_444 : i32
      %and3A_446 = arith.andi %ne3A_442, %ne3A_445 : i1
      %sub3A_447 = arith.constant 1 : i32
      %sub3A_448 = arith.subi %div3A_427, %sub3A_447 : i32
      %select_n3A_449 = arith.select %and3A_446, %sub3A_448, %div3A_427 : i32
      %while3A_450 = arith.constant 0 : i32
      %while3A_451 = arith.constant 0 : i32
      %while3A_452 = arith.subi %select_n3A_449, %while3A_451 : i32
      %while3A_453 = arith.addi %while3A_451, %while3A_452 : i32
      %while3A_454 = arith.constant 1 : i32
      %while3A_455 = arith.divsi %while3A_452, %while3A_454 : i32
      %while3A_456 = arith.muli %while3A_455, %while3A_454 : i32
      %while3A_457 = arith.addi %while3A_451, %while3A_456 : i32
      %while3A_458 = arith.constant 1 : i32
      scf.for %while3A_460 = %while3A_451 to %while3A_457 step %while3A_458  : i32 {
        %mul3A_461 = arith.constant 16 : i32
        %mul3A_462 = arith.muli %while3A_460, %mul3A_461 : i32
        %add3A_463 = arith.addi %sub3A_393, %mul3A_462 : i32
        %get3A = arith.index_cast %add3A_463 : i32 to index
        %get3A_464 = tpu.vector_load %arg12[%get3A] {strides = array<i32>} : memref<1024xi32, #tpu.memory_space<vmem>>, vector<16xi32>,
        %sub3A_465 = vector.broadcast %mul3A_2 : i32 to vector<16xi32>
        %sub3A_466 = arith.subi %get3A_464, %sub3A_465 : vector<16xi32>
        %min3A_467 = arith.constant 3128 : i32
        %min3A_468 = vector.broadcast %min3A_467 : i32 to vector<16xi32>
        %min3A_469 = arith.minui %sub3A_466, %min3A_468 : vector<16xi32>
        %mul3A_470 = arith.constant 17 : i32
        %mul3A_471 = vector.broadcast %mul3A_470 : i32 to vector<16xi32>
        %mul3A_472 = arith.muli %min3A_469, %mul3A_471 : vector<16xi32>
        %jit3A_473 = arith.constant 128 : i32
        %div3A_474 = arith.divsi %add3A_463, %jit3A_473 : i32
        %sign3A_475 = arith.constant 0 : i32
        %sign3A_476 = arith.cmpi sgt, %add3A_463, %sign3A_475 : i32
        %sign3A_477 = arith.extui %sign3A_476 : i1 to i32
        %sign3A_478 = arith.constant 0 : i32
        %sign3A_479 = arith.cmpi slt, %add3A_463, %sign3A_478 : i32
        %sign3A_480 = arith.extui %sign3A_479 : i1 to i32
        %sign3A_481 = arith.subi %sign3A_477, %sign3A_480 : i32
        %sign3A_482 = arith.constant 0 : i32
        %sign3A_483 = arith.cmpi sgt, %jit3A_473, %sign3A_482 : i32
        %sign3A_484 = arith.extui %sign3A_483 : i1 to i32
        %sign3A_485 = arith.constant 0 : i32
        %sign3A_486 = arith.cmpi slt, %jit3A_473, %sign3A_485 : i32
        %sign3A_487 = arith.extui %sign3A_486 : i1 to i32
        %sign3A_488 = arith.subi %sign3A_484, %sign3A_487 : i32
        %ne3A_489 = arith.cmpi ne, %sign3A_481, %sign3A_488 : i32
        %rem3A_490 = arith.remsi %add3A_463, %jit3A_473 : i32
        %ne3A_491 = arith.constant 0 : i32
        %ne3A_492 = arith.cmpi ne, %rem3A_490, %ne3A_491 : i32
        %and3A_493 = arith.andi %ne3A_489, %ne3A_492 : i1
        %sub3A_494 = arith.constant 1 : i32
        %sub3A_495 = arith.subi %div3A_474, %sub3A_494 : i32
        %select_n3A_496 = arith.select %and3A_493, %sub3A_495, %div3A_474 : i32
        %mul3A_497 = arith.constant 1024 : i32
        %mul3A_498 = arith.muli %select_n3A_496, %mul3A_497 : i32
        %jit3A_499 = arith.constant 128 : i32
        %div3A_500 = arith.divsi %add3A_463, %jit3A_499 : i32
        %sign3A_501 = arith.constant 0 : i32
        %sign3A_502 = arith.cmpi sgt, %add3A_463, %sign3A_501 : i32
        %sign3A_503 = arith.extui %sign3A_502 : i1 to i32
        %sign3A_504 = arith.constant 0 : i32
        %sign3A_505 = arith.cmpi slt, %add3A_463, %sign3A_504 : i32
        %sign3A_506 = arith.extui %sign3A_505 : i1 to i32
        %sign3A_507 = arith.subi %sign3A_503, %sign3A_506 : i32
        %sign3A_508 = arith.constant 0 : i32
        %sign3A_509 = arith.cmpi sgt, %jit3A_499, %sign3A_508 : i32
        %sign3A_510 = arith.extui %sign3A_509 : i1 to i32
        %sign3A_511 = arith.constant 0 : i32
        %sign3A_512 = arith.cmpi slt, %jit3A_499, %sign3A_511 : i32
        %sign3A_513 = arith.extui %sign3A_512 : i1 to i32
        %sign3A_514 = arith.subi %sign3A_510, %sign3A_513 : i32
        %ne3A_515 = arith.cmpi ne, %sign3A_507, %sign3A_514 : i32
        %rem3A_516 = arith.remsi %add3A_463, %jit3A_499 : i32
        %ne3A_517 = arith.constant 0 : i32
        %ne3A_518 = arith.cmpi ne, %rem3A_516, %ne3A_517 : i32
        %and3A_519 = arith.andi %ne3A_515, %ne3A_518 : i1
        %sub3A_520 = arith.constant 1 : i32
        %sub3A_521 = arith.subi %div3A_500, %sub3A_520 : i32
        %select_n3A_522 = arith.select %and3A_519, %sub3A_521, %div3A_500 : i32
        %mul3A_523 = arith.constant 128 : i32
        %mul3A_524 = arith.muli %select_n3A_522, %mul3A_523 : i32
        %sub3A_525 = arith.subi %add3A_463, %mul3A_524 : i32
        %add3A_526 = arith.addi %mul3A_498, %sub3A_525 : i32
        %add3A_527 = vector.broadcast %add3A_526 : i32 to vector<16xi32>
        %add3A_528 = arith.addi %add3A_150, %add3A_527 : vector<16xi32>
        %slice3A = vector.extract_strided_slice %mul3A_472 {offsets = [0], sizes = [1], strides = [1]} : vector<16xi32> to vector<1xi32>
        %squeeze3A = vector.extract %slice3A[0] : i32 from vector<1xi32>
        %add3A_529 = arith.constant 0 : i32
        %add3A_530 = vector.broadcast %add3A_529 : i32 to vector<16xi32>
        %add3A_531 = arith.addi %add3A_528, %add3A_530 : vector<16xi32>
        %gather3A = tpu.vector_load_idx %arg10[%add3A_531] : memref<16384xf32, #tpu.memory_space<vmem>>[vector<16xi32>], vector<16xf32>,
        %add3A_532 = vector.broadcast %squeeze3A : i32 to vector<16xi32>
        %add3A_533 = arith.addi %add3A_532, %iota3A : vector<16xi32>
        tpu.vector_store_idx %arg8[%add3A_533], %gather3A {add = true} : memref<53200xf32, #tpu.memory_space<vmem>>[vector<16xi32>], vector<16xf32>,
        %slice3A_534 = vector.extract_strided_slice %mul3A_472 {offsets = [1], sizes = [1], strides = [1]} : vector<16xi32> to vector<1xi32>
        %squeeze3A_535 = vector.extract %slice3A_534[0] : i32 from vector<1xi32>
        %add3A_536 = arith.constant 1 : i32
        %add3A_537 = vector.broadcast %add3A_536 : i32 to vector<16xi32>
        %add3A_538 = arith.addi %add3A_528, %add3A_537 : vector<16xi32>
        %gather3A_539 = tpu.vector_load_idx %arg10[%add3A_538] : memref<16384xf32, #tpu.memory_space<vmem>>[vector<16xi32>], vector<16xf32>,
        %add3A_540 = vector.broadcast %squeeze3A_535 : i32 to vector<16xi32>
        %add3A_541 = arith.addi %add3A_540, %iota3A : vector<16xi32>
        tpu.vector_store_idx %arg8[%add3A_541], %gather3A_539 {add = true} : memref<53200xf32, #tpu.memory_space<vmem>>[vector<16xi32>], vector<16xf32>,
        %slice3A_542 = vector.extract_strided_slice %mul3A_472 {offsets = [2], sizes = [1], strides = [1]} : vector<16xi32> to vector<1xi32>
        %squeeze3A_543 = vector.extract %slice3A_542[0] : i32 from vector<1xi32>
        %add3A_544 = arith.constant 2 : i32
        %add3A_545 = vector.broadcast %add3A_544 : i32 to vector<16xi32>
        %add3A_546 = arith.addi %add3A_528, %add3A_545 : vector<16xi32>
        %gather3A_547 = tpu.vector_load_idx %arg10[%add3A_546] : memref<16384xf32, #tpu.memory_space<vmem>>[vector<16xi32>], vector<16xf32>,
        %add3A_548 = vector.broadcast %squeeze3A_543 : i32 to vector<16xi32>
        %add3A_549 = arith.addi %add3A_548, %iota3A : vector<16xi32>
        tpu.vector_store_idx %arg8[%add3A_549], %gather3A_547 {add = true} : memref<53200xf32, #tpu.memory_space<vmem>>[vector<16xi32>], vector<16xf32>,
        %slice3A_550 = vector.extract_strided_slice %mul3A_472 {offsets = [3], sizes = [1], strides = [1]} : vector<16xi32> to vector<1xi32>
        %squeeze3A_551 = vector.extract %slice3A_550[0] : i32 from vector<1xi32>
        %add3A_552 = arith.constant 3 : i32
        %add3A_553 = vector.broadcast %add3A_552 : i32 to vector<16xi32>
        %add3A_554 = arith.addi %add3A_528, %add3A_553 : vector<16xi32>
        %gather3A_555 = tpu.vector_load_idx %arg10[%add3A_554] : memref<16384xf32, #tpu.memory_space<vmem>>[vector<16xi32>], vector<16xf32>,
        %add3A_556 = vector.broadcast %squeeze3A_551 : i32 to vector<16xi32>
        %add3A_557 = arith.addi %add3A_556, %iota3A : vector<16xi32>
        tpu.vector_store_idx %arg8[%add3A_557], %gather3A_555 {add = true} : memref<53200xf32, #tpu.memory_space<vmem>>[vector<16xi32>], vector<16xf32>,
        %slice3A_558 = vector.extract_strided_slice %mul3A_472 {offsets = [4], sizes = [1], strides = [1]} : vector<16xi32> to vector<1xi32>
        %squeeze3A_559 = vector.extract %slice3A_558[0] : i32 from vector<1xi32>
        %add3A_560 = arith.constant 4 : i32
        %add3A_561 = vector.broadcast %add3A_560 : i32 to vector<16xi32>
        %add3A_562 = arith.addi %add3A_528, %add3A_561 : vector<16xi32>
        %gather3A_563 = tpu.vector_load_idx %arg10[%add3A_562] : memref<16384xf32, #tpu.memory_space<vmem>>[vector<16xi32>], vector<16xf32>,
        %add3A_564 = vector.broadcast %squeeze3A_559 : i32 to vector<16xi32>
        %add3A_565 = arith.addi %add3A_564, %iota3A : vector<16xi32>
        tpu.vector_store_idx %arg8[%add3A_565], %gather3A_563 {add = true} : memref<53200xf32, #tpu.memory_space<vmem>>[vector<16xi32>], vector<16xf32>,
        %slice3A_566 = vector.extract_strided_slice %mul3A_472 {offsets = [5], sizes = [1], strides = [1]} : vector<16xi32> to vector<1xi32>
        %squeeze3A_567 = vector.extract %slice3A_566[0] : i32 from vector<1xi32>
        %add3A_568 = arith.constant 5 : i32
        %add3A_569 = vector.broadcast %add3A_568 : i32 to vector<16xi32>
        %add3A_570 = arith.addi %add3A_528, %add3A_569 : vector<16xi32>
        %gather3A_571 = tpu.vector_load_idx %arg10[%add3A_570] : memref<16384xf32, #tpu.memory_space<vmem>>[vector<16xi32>], vector<16xf32>,
        %add3A_572 = vector.broadcast %squeeze3A_567 : i32 to vector<16xi32>
        %add3A_573 = arith.addi %add3A_572, %iota3A : vector<16xi32>
        tpu.vector_store_idx %arg8[%add3A_573], %gather3A_571 {add = true} : memref<53200xf32, #tpu.memory_space<vmem>>[vector<16xi32>], vector<16xf32>,
        %slice3A_574 = vector.extract_strided_slice %mul3A_472 {offsets = [6], sizes = [1], strides = [1]} : vector<16xi32> to vector<1xi32>
        %squeeze3A_575 = vector.extract %slice3A_574[0] : i32 from vector<1xi32>
        %add3A_576 = arith.constant 6 : i32
        %add3A_577 = vector.broadcast %add3A_576 : i32 to vector<16xi32>
        %add3A_578 = arith.addi %add3A_528, %add3A_577 : vector<16xi32>
        %gather3A_579 = tpu.vector_load_idx %arg10[%add3A_578] : memref<16384xf32, #tpu.memory_space<vmem>>[vector<16xi32>], vector<16xf32>,
        %add3A_580 = vector.broadcast %squeeze3A_575 : i32 to vector<16xi32>
        %add3A_581 = arith.addi %add3A_580, %iota3A : vector<16xi32>
        tpu.vector_store_idx %arg8[%add3A_581], %gather3A_579 {add = true} : memref<53200xf32, #tpu.memory_space<vmem>>[vector<16xi32>], vector<16xf32>,
        %slice3A_582 = vector.extract_strided_slice %mul3A_472 {offsets = [7], sizes = [1], strides = [1]} : vector<16xi32> to vector<1xi32>
        %squeeze3A_583 = vector.extract %slice3A_582[0] : i32 from vector<1xi32>
        %add3A_584 = arith.constant 7 : i32
        %add3A_585 = vector.broadcast %add3A_584 : i32 to vector<16xi32>
        %add3A_586 = arith.addi %add3A_528, %add3A_585 : vector<16xi32>
        %gather3A_587 = tpu.vector_load_idx %arg10[%add3A_586] : memref<16384xf32, #tpu.memory_space<vmem>>[vector<16xi32>], vector<16xf32>,
        %add3A_588 = vector.broadcast %squeeze3A_583 : i32 to vector<16xi32>
        %add3A_589 = arith.addi %add3A_588, %iota3A : vector<16xi32>
        tpu.vector_store_idx %arg8[%add3A_589], %gather3A_587 {add = true} : memref<53200xf32, #tpu.memory_space<vmem>>[vector<16xi32>], vector<16xf32>,
        %slice3A_590 = vector.extract_strided_slice %mul3A_472 {offsets = [8], sizes = [1], strides = [1]} : vector<16xi32> to vector<1xi32>
        %squeeze3A_591 = vector.extract %slice3A_590[0] : i32 from vector<1xi32>
        %add3A_592 = arith.constant 8 : i32
        %add3A_593 = vector.broadcast %add3A_592 : i32 to vector<16xi32>
        %add3A_594 = arith.addi %add3A_528, %add3A_593 : vector<16xi32>
        %gather3A_595 = tpu.vector_load_idx %arg10[%add3A_594] : memref<16384xf32, #tpu.memory_space<vmem>>[vector<16xi32>], vector<16xf32>,
        %add3A_596 = vector.broadcast %squeeze3A_591 : i32 to vector<16xi32>
        %add3A_597 = arith.addi %add3A_596, %iota3A : vector<16xi32>
        tpu.vector_store_idx %arg8[%add3A_597], %gather3A_595 {add = true} : memref<53200xf32, #tpu.memory_space<vmem>>[vector<16xi32>], vector<16xf32>,
        %slice3A_598 = vector.extract_strided_slice %mul3A_472 {offsets = [9], sizes = [1], strides = [1]} : vector<16xi32> to vector<1xi32>
        %squeeze3A_599 = vector.extract %slice3A_598[0] : i32 from vector<1xi32>
        %add3A_600 = arith.constant 9 : i32
        %add3A_601 = vector.broadcast %add3A_600 : i32 to vector<16xi32>
        %add3A_602 = arith.addi %add3A_528, %add3A_601 : vector<16xi32>
        %gather3A_603 = tpu.vector_load_idx %arg10[%add3A_602] : memref<16384xf32, #tpu.memory_space<vmem>>[vector<16xi32>], vector<16xf32>,
        %add3A_604 = vector.broadcast %squeeze3A_599 : i32 to vector<16xi32>
        %add3A_605 = arith.addi %add3A_604, %iota3A : vector<16xi32>
        tpu.vector_store_idx %arg8[%add3A_605], %gather3A_603 {add = true} : memref<53200xf32, #tpu.memory_space<vmem>>[vector<16xi32>], vector<16xf32>,
        %slice3A_606 = vector.extract_strided_slice %mul3A_472 {offsets = [10], sizes = [1], strides = [1]} : vector<16xi32> to vector<1xi32>
        %squeeze3A_607 = vector.extract %slice3A_606[0] : i32 from vector<1xi32>
        %add3A_608 = arith.constant 10 : i32
        %add3A_609 = vector.broadcast %add3A_608 : i32 to vector<16xi32>
        %add3A_610 = arith.addi %add3A_528, %add3A_609 : vector<16xi32>
        %gather3A_611 = tpu.vector_load_idx %arg10[%add3A_610] : memref<16384xf32, #tpu.memory_space<vmem>>[vector<16xi32>], vector<16xf32>,
        %add3A_612 = vector.broadcast %squeeze3A_607 : i32 to vector<16xi32>
        %add3A_613 = arith.addi %add3A_612, %iota3A : vector<16xi32>
        tpu.vector_store_idx %arg8[%add3A_613], %gather3A_611 {add = true} : memref<53200xf32, #tpu.memory_space<vmem>>[vector<16xi32>], vector<16xf32>,
        %slice3A_614 = vector.extract_strided_slice %mul3A_472 {offsets = [11], sizes = [1], strides = [1]} : vector<16xi32> to vector<1xi32>
        %squeeze3A_615 = vector.extract %slice3A_614[0] : i32 from vector<1xi32>
        %add3A_616 = arith.constant 11 : i32
        %add3A_617 = vector.broadcast %add3A_616 : i32 to vector<16xi32>
        %add3A_618 = arith.addi %add3A_528, %add3A_617 : vector<16xi32>
        %gather3A_619 = tpu.vector_load_idx %arg10[%add3A_618] : memref<16384xf32, #tpu.memory_space<vmem>>[vector<16xi32>], vector<16xf32>,
        %add3A_620 = vector.broadcast %squeeze3A_615 : i32 to vector<16xi32>
        %add3A_621 = arith.addi %add3A_620, %iota3A : vector<16xi32>
        tpu.vector_store_idx %arg8[%add3A_621], %gather3A_619 {add = true} : memref<53200xf32, #tpu.memory_space<vmem>>[vector<16xi32>], vector<16xf32>,
        %slice3A_622 = vector.extract_strided_slice %mul3A_472 {offsets = [12], sizes = [1], strides = [1]} : vector<16xi32> to vector<1xi32>
        %squeeze3A_623 = vector.extract %slice3A_622[0] : i32 from vector<1xi32>
        %add3A_624 = arith.constant 12 : i32
        %add3A_625 = vector.broadcast %add3A_624 : i32 to vector<16xi32>
        %add3A_626 = arith.addi %add3A_528, %add3A_625 : vector<16xi32>
        %gather3A_627 = tpu.vector_load_idx %arg10[%add3A_626] : memref<16384xf32, #tpu.memory_space<vmem>>[vector<16xi32>], vector<16xf32>,
        %add3A_628 = vector.broadcast %squeeze3A_623 : i32 to vector<16xi32>
        %add3A_629 = arith.addi %add3A_628, %iota3A : vector<16xi32>
        tpu.vector_store_idx %arg8[%add3A_629], %gather3A_627 {add = true} : memref<53200xf32, #tpu.memory_space<vmem>>[vector<16xi32>], vector<16xf32>,
        %slice3A_630 = vector.extract_strided_slice %mul3A_472 {offsets = [13], sizes = [1], strides = [1]} : vector<16xi32> to vector<1xi32>
        %squeeze3A_631 = vector.extract %slice3A_630[0] : i32 from vector<1xi32>
        %add3A_632 = arith.constant 13 : i32
        %add3A_633 = vector.broadcast %add3A_632 : i32 to vector<16xi32>
        %add3A_634 = arith.addi %add3A_528, %add3A_633 : vector<16xi32>
        %gather3A_635 = tpu.vector_load_idx %arg10[%add3A_634] : memref<16384xf32, #tpu.memory_space<vmem>>[vector<16xi32>], vector<16xf32>,
        %add3A_636 = vector.broadcast %squeeze3A_631 : i32 to vector<16xi32>
        %add3A_637 = arith.addi %add3A_636, %iota3A : vector<16xi32>
        tpu.vector_store_idx %arg8[%add3A_637], %gather3A_635 {add = true} : memref<53200xf32, #tpu.memory_space<vmem>>[vector<16xi32>], vector<16xf32>,
        %slice3A_638 = vector.extract_strided_slice %mul3A_472 {offsets = [14], sizes = [1], strides = [1]} : vector<16xi32> to vector<1xi32>
        %squeeze3A_639 = vector.extract %slice3A_638[0] : i32 from vector<1xi32>
        %add3A_640 = arith.constant 14 : i32
        %add3A_641 = vector.broadcast %add3A_640 : i32 to vector<16xi32>
        %add3A_642 = arith.addi %add3A_528, %add3A_641 : vector<16xi32>
        %gather3A_643 = tpu.vector_load_idx %arg10[%add3A_642] : memref<16384xf32, #tpu.memory_space<vmem>>[vector<16xi32>], vector<16xf32>,
        %add3A_644 = vector.broadcast %squeeze3A_639 : i32 to vector<16xi32>
        %add3A_645 = arith.addi %add3A_644, %iota3A : vector<16xi32>
        tpu.vector_store_idx %arg8[%add3A_645], %gather3A_643 {add = true} : memref<53200xf32, #tpu.memory_space<vmem>>[vector<16xi32>], vector<16xf32>,
        %slice3A_646 = vector.extract_strided_slice %mul3A_472 {offsets = [15], sizes = [1], strides = [1]} : vector<16xi32> to vector<1xi32>
        %squeeze3A_647 = vector.extract %slice3A_646[0] : i32 from vector<1xi32>
        %add3A_648 = arith.constant 15 : i32
        %add3A_649 = vector.broadcast %add3A_648 : i32 to vector<16xi32>
        %add3A_650 = arith.addi %add3A_528, %add3A_649 : vector<16xi32>
        %gather3A_651 = tpu.vector_load_idx %arg10[%add3A_650] : memref<16384xf32, #tpu.memory_space<vmem>>[vector<16xi32>], vector<16xf32>,
        %add3A_652 = vector.broadcast %squeeze3A_647 : i32 to vector<16xi32>
        %add3A_653 = arith.addi %add3A_652, %iota3A : vector<16xi32>
        tpu.vector_store_idx %arg8[%add3A_653], %gather3A_651 {add = true} : memref<53200xf32, #tpu.memory_space<vmem>>[vector<16xi32>], vector<16xf32>,
        %broadcast_in_dim3A = arith.constant true
        %broadcast_in_dim3A_654 = vector.broadcast %broadcast_in_dim3A : i1 to vector<16xi1>
        %unique3A, %unique3A_655 = tpu.scan_count mask(%broadcast_in_dim3A_654 : vector<16xi1>) value(%mul3A_472 : vector<16xi32>) : vector<16xi1>, vector<16xi32>
        %convert_element_type3A_656 = arith.sitofp %unique3A_655 : vector<16xi32> to vector<16xf32>
        %add3A_657 = arith.constant 16 : i32
        %add3A_658 = vector.broadcast %add3A_657 : i32 to vector<16xi32>
        %add3A_659 = arith.addi %mul3A_472, %add3A_658 : vector<16xi32>
        tpu.vector_store_idx %arg8[%add3A_659], %convert_element_type3A_656 masked %unique3A {add = true} : memref<53200xf32, #tpu.memory_space<vmem>>[vector<16xi32>], vector<16xf32>, vector<16xi1>
      }
      %while3A_459 = arith.constant 1 : i32
      scf.for %while3A_460 = %while3A_457 to %while3A_453 step %while3A_459  : i32 {
        %mul3A_461 = arith.constant 16 : i32
        %mul3A_462 = arith.muli %while3A_460, %mul3A_461 : i32
        %add3A_463 = arith.addi %sub3A_393, %mul3A_462 : i32
        %get3A = arith.index_cast %add3A_463 : i32 to index
        %get3A_464 = tpu.vector_load %arg12[%get3A] {strides = array<i32>} : memref<1024xi32, #tpu.memory_space<vmem>>, vector<16xi32>,
        %sub3A_465 = vector.broadcast %mul3A_2 : i32 to vector<16xi32>
        %sub3A_466 = arith.subi %get3A_464, %sub3A_465 : vector<16xi32>
        %min3A_467 = arith.constant 3128 : i32
        %min3A_468 = vector.broadcast %min3A_467 : i32 to vector<16xi32>
        %min3A_469 = arith.minui %sub3A_466, %min3A_468 : vector<16xi32>
        %mul3A_470 = arith.constant 17 : i32
        %mul3A_471 = vector.broadcast %mul3A_470 : i32 to vector<16xi32>
        %mul3A_472 = arith.muli %min3A_469, %mul3A_471 : vector<16xi32>
        %jit3A_473 = arith.constant 128 : i32
        %div3A_474 = arith.divsi %add3A_463, %jit3A_473 : i32
        %sign3A_475 = arith.constant 0 : i32
        %sign3A_476 = arith.cmpi sgt, %add3A_463, %sign3A_475 : i32
        %sign3A_477 = arith.extui %sign3A_476 : i1 to i32
        %sign3A_478 = arith.constant 0 : i32
        %sign3A_479 = arith.cmpi slt, %add3A_463, %sign3A_478 : i32
        %sign3A_480 = arith.extui %sign3A_479 : i1 to i32
        %sign3A_481 = arith.subi %sign3A_477, %sign3A_480 : i32
        %sign3A_482 = arith.constant 0 : i32
        %sign3A_483 = arith.cmpi sgt, %jit3A_473, %sign3A_482 : i32
        %sign3A_484 = arith.extui %sign3A_483 : i1 to i32
        %sign3A_485 = arith.constant 0 : i32
        %sign3A_486 = arith.cmpi slt, %jit3A_473, %sign3A_485 : i32
        %sign3A_487 = arith.extui %sign3A_486 : i1 to i32
        %sign3A_488 = arith.subi %sign3A_484, %sign3A_487 : i32
        %ne3A_489 = arith.cmpi ne, %sign3A_481, %sign3A_488 : i32
        %rem3A_490 = arith.remsi %add3A_463, %jit3A_473 : i32
        %ne3A_491 = arith.constant 0 : i32
        %ne3A_492 = arith.cmpi ne, %rem3A_490, %ne3A_491 : i32
        %and3A_493 = arith.andi %ne3A_489, %ne3A_492 : i1
        %sub3A_494 = arith.constant 1 : i32
        %sub3A_495 = arith.subi %div3A_474, %sub3A_494 : i32
        %select_n3A_496 = arith.select %and3A_493, %sub3A_495, %div3A_474 : i32
        %mul3A_497 = arith.constant 1024 : i32
        %mul3A_498 = arith.muli %select_n3A_496, %mul3A_497 : i32
        %jit3A_499 = arith.constant 128 : i32
        %div3A_500 = arith.divsi %add3A_463, %jit3A_499 : i32
        %sign3A_501 = arith.constant 0 : i32
        %sign3A_502 = arith.cmpi sgt, %add3A_463, %sign3A_501 : i32
        %sign3A_503 = arith.extui %sign3A_502 : i1 to i32
        %sign3A_504 = arith.constant 0 : i32
        %sign3A_505 = arith.cmpi slt, %add3A_463, %sign3A_504 : i32
        %sign3A_506 = arith.extui %sign3A_505 : i1 to i32
        %sign3A_507 = arith.subi %sign3A_503, %sign3A_506 : i32
        %sign3A_508 = arith.constant 0 : i32
        %sign3A_509 = arith.cmpi sgt, %jit3A_499, %sign3A_508 : i32
        %sign3A_510 = arith.extui %sign3A_509 : i1 to i32
        %sign3A_511 = arith.constant 0 : i32
        %sign3A_512 = arith.cmpi slt, %jit3A_499, %sign3A_511 : i32
        %sign3A_513 = arith.extui %sign3A_512 : i1 to i32
        %sign3A_514 = arith.subi %sign3A_510, %sign3A_513 : i32
        %ne3A_515 = arith.cmpi ne, %sign3A_507, %sign3A_514 : i32
        %rem3A_516 = arith.remsi %add3A_463, %jit3A_499 : i32
        %ne3A_517 = arith.constant 0 : i32
        %ne3A_518 = arith.cmpi ne, %rem3A_516, %ne3A_517 : i32
        %and3A_519 = arith.andi %ne3A_515, %ne3A_518 : i1
        %sub3A_520 = arith.constant 1 : i32
        %sub3A_521 = arith.subi %div3A_500, %sub3A_520 : i32
        %select_n3A_522 = arith.select %and3A_519, %sub3A_521, %div3A_500 : i32
        %mul3A_523 = arith.constant 128 : i32
        %mul3A_524 = arith.muli %select_n3A_522, %mul3A_523 : i32
        %sub3A_525 = arith.subi %add3A_463, %mul3A_524 : i32
        %add3A_526 = arith.addi %mul3A_498, %sub3A_525 : i32
        %add3A_527 = vector.broadcast %add3A_526 : i32 to vector<16xi32>
        %add3A_528 = arith.addi %add3A_150, %add3A_527 : vector<16xi32>
        %slice3A = vector.extract_strided_slice %mul3A_472 {offsets = [0], sizes = [1], strides = [1]} : vector<16xi32> to vector<1xi32>
        %squeeze3A = vector.extract %slice3A[0] : i32 from vector<1xi32>
        %add3A_529 = arith.constant 0 : i32
        %add3A_530 = vector.broadcast %add3A_529 : i32 to vector<16xi32>
        %add3A_531 = arith.addi %add3A_528, %add3A_530 : vector<16xi32>
        %gather3A = tpu.vector_load_idx %arg10[%add3A_531] : memref<16384xf32, #tpu.memory_space<vmem>>[vector<16xi32>], vector<16xf32>,
        %add3A_532 = vector.broadcast %squeeze3A : i32 to vector<16xi32>
        %add3A_533 = arith.addi %add3A_532, %iota3A : vector<16xi32>
        tpu.vector_store_idx %arg8[%add3A_533], %gather3A {add = true} : memref<53200xf32, #tpu.memory_space<vmem>>[vector<16xi32>], vector<16xf32>,
        %slice3A_534 = vector.extract_strided_slice %mul3A_472 {offsets = [1], sizes = [1], strides = [1]} : vector<16xi32> to vector<1xi32>
        %squeeze3A_535 = vector.extract %slice3A_534[0] : i32 from vector<1xi32>
        %add3A_536 = arith.constant 1 : i32
        %add3A_537 = vector.broadcast %add3A_536 : i32 to vector<16xi32>
        %add3A_538 = arith.addi %add3A_528, %add3A_537 : vector<16xi32>
        %gather3A_539 = tpu.vector_load_idx %arg10[%add3A_538] : memref<16384xf32, #tpu.memory_space<vmem>>[vector<16xi32>], vector<16xf32>,
        %add3A_540 = vector.broadcast %squeeze3A_535 : i32 to vector<16xi32>
        %add3A_541 = arith.addi %add3A_540, %iota3A : vector<16xi32>
        tpu.vector_store_idx %arg8[%add3A_541], %gather3A_539 {add = true} : memref<53200xf32, #tpu.memory_space<vmem>>[vector<16xi32>], vector<16xf32>,
        %slice3A_542 = vector.extract_strided_slice %mul3A_472 {offsets = [2], sizes = [1], strides = [1]} : vector<16xi32> to vector<1xi32>
        %squeeze3A_543 = vector.extract %slice3A_542[0] : i32 from vector<1xi32>
        %add3A_544 = arith.constant 2 : i32
        %add3A_545 = vector.broadcast %add3A_544 : i32 to vector<16xi32>
        %add3A_546 = arith.addi %add3A_528, %add3A_545 : vector<16xi32>
        %gather3A_547 = tpu.vector_load_idx %arg10[%add3A_546] : memref<16384xf32, #tpu.memory_space<vmem>>[vector<16xi32>], vector<16xf32>,
        %add3A_548 = vector.broadcast %squeeze3A_543 : i32 to vector<16xi32>
        %add3A_549 = arith.addi %add3A_548, %iota3A : vector<16xi32>
        tpu.vector_store_idx %arg8[%add3A_549], %gather3A_547 {add = true} : memref<53200xf32, #tpu.memory_space<vmem>>[vector<16xi32>], vector<16xf32>,
        %slice3A_550 = vector.extract_strided_slice %mul3A_472 {offsets = [3], sizes = [1], strides = [1]} : vector<16xi32> to vector<1xi32>
        %squeeze3A_551 = vector.extract %slice3A_550[0] : i32 from vector<1xi32>
        %add3A_552 = arith.constant 3 : i32
        %add3A_553 = vector.broadcast %add3A_552 : i32 to vector<16xi32>
        %add3A_554 = arith.addi %add3A_528, %add3A_553 : vector<16xi32>
        %gather3A_555 = tpu.vector_load_idx %arg10[%add3A_554] : memref<16384xf32, #tpu.memory_space<vmem>>[vector<16xi32>], vector<16xf32>,
        %add3A_556 = vector.broadcast %squeeze3A_551 : i32 to vector<16xi32>
        %add3A_557 = arith.addi %add3A_556, %iota3A : vector<16xi32>
        tpu.vector_store_idx %arg8[%add3A_557], %gather3A_555 {add = true} : memref<53200xf32, #tpu.memory_space<vmem>>[vector<16xi32>], vector<16xf32>,
        %slice3A_558 = vector.extract_strided_slice %mul3A_472 {offsets = [4], sizes = [1], strides = [1]} : vector<16xi32> to vector<1xi32>
        %squeeze3A_559 = vector.extract %slice3A_558[0] : i32 from vector<1xi32>
        %add3A_560 = arith.constant 4 : i32
        %add3A_561 = vector.broadcast %add3A_560 : i32 to vector<16xi32>
        %add3A_562 = arith.addi %add3A_528, %add3A_561 : vector<16xi32>
        %gather3A_563 = tpu.vector_load_idx %arg10[%add3A_562] : memref<16384xf32, #tpu.memory_space<vmem>>[vector<16xi32>], vector<16xf32>,
        %add3A_564 = vector.broadcast %squeeze3A_559 : i32 to vector<16xi32>
        %add3A_565 = arith.addi %add3A_564, %iota3A : vector<16xi32>
        tpu.vector_store_idx %arg8[%add3A_565], %gather3A_563 {add = true} : memref<53200xf32, #tpu.memory_space<vmem>>[vector<16xi32>], vector<16xf32>,
        %slice3A_566 = vector.extract_strided_slice %mul3A_472 {offsets = [5], sizes = [1], strides = [1]} : vector<16xi32> to vector<1xi32>
        %squeeze3A_567 = vector.extract %slice3A_566[0] : i32 from vector<1xi32>
        %add3A_568 = arith.constant 5 : i32
        %add3A_569 = vector.broadcast %add3A_568 : i32 to vector<16xi32>
        %add3A_570 = arith.addi %add3A_528, %add3A_569 : vector<16xi32>
        %gather3A_571 = tpu.vector_load_idx %arg10[%add3A_570] : memref<16384xf32, #tpu.memory_space<vmem>>[vector<16xi32>], vector<16xf32>,
        %add3A_572 = vector.broadcast %squeeze3A_567 : i32 to vector<16xi32>
        %add3A_573 = arith.addi %add3A_572, %iota3A : vector<16xi32>
        tpu.vector_store_idx %arg8[%add3A_573], %gather3A_571 {add = true} : memref<53200xf32, #tpu.memory_space<vmem>>[vector<16xi32>], vector<16xf32>,
        %slice3A_574 = vector.extract_strided_slice %mul3A_472 {offsets = [6], sizes = [1], strides = [1]} : vector<16xi32> to vector<1xi32>
        %squeeze3A_575 = vector.extract %slice3A_574[0] : i32 from vector<1xi32>
        %add3A_576 = arith.constant 6 : i32
        %add3A_577 = vector.broadcast %add3A_576 : i32 to vector<16xi32>
        %add3A_578 = arith.addi %add3A_528, %add3A_577 : vector<16xi32>
        %gather3A_579 = tpu.vector_load_idx %arg10[%add3A_578] : memref<16384xf32, #tpu.memory_space<vmem>>[vector<16xi32>], vector<16xf32>,
        %add3A_580 = vector.broadcast %squeeze3A_575 : i32 to vector<16xi32>
        %add3A_581 = arith.addi %add3A_580, %iota3A : vector<16xi32>
        tpu.vector_store_idx %arg8[%add3A_581], %gather3A_579 {add = true} : memref<53200xf32, #tpu.memory_space<vmem>>[vector<16xi32>], vector<16xf32>,
        %slice3A_582 = vector.extract_strided_slice %mul3A_472 {offsets = [7], sizes = [1], strides = [1]} : vector<16xi32> to vector<1xi32>
        %squeeze3A_583 = vector.extract %slice3A_582[0] : i32 from vector<1xi32>
        %add3A_584 = arith.constant 7 : i32
        %add3A_585 = vector.broadcast %add3A_584 : i32 to vector<16xi32>
        %add3A_586 = arith.addi %add3A_528, %add3A_585 : vector<16xi32>
        %gather3A_587 = tpu.vector_load_idx %arg10[%add3A_586] : memref<16384xf32, #tpu.memory_space<vmem>>[vector<16xi32>], vector<16xf32>,
        %add3A_588 = vector.broadcast %squeeze3A_583 : i32 to vector<16xi32>
        %add3A_589 = arith.addi %add3A_588, %iota3A : vector<16xi32>
        tpu.vector_store_idx %arg8[%add3A_589], %gather3A_587 {add = true} : memref<53200xf32, #tpu.memory_space<vmem>>[vector<16xi32>], vector<16xf32>,
        %slice3A_590 = vector.extract_strided_slice %mul3A_472 {offsets = [8], sizes = [1], strides = [1]} : vector<16xi32> to vector<1xi32>
        %squeeze3A_591 = vector.extract %slice3A_590[0] : i32 from vector<1xi32>
        %add3A_592 = arith.constant 8 : i32
        %add3A_593 = vector.broadcast %add3A_592 : i32 to vector<16xi32>
        %add3A_594 = arith.addi %add3A_528, %add3A_593 : vector<16xi32>
        %gather3A_595 = tpu.vector_load_idx %arg10[%add3A_594] : memref<16384xf32, #tpu.memory_space<vmem>>[vector<16xi32>], vector<16xf32>,
        %add3A_596 = vector.broadcast %squeeze3A_591 : i32 to vector<16xi32>
        %add3A_597 = arith.addi %add3A_596, %iota3A : vector<16xi32>
        tpu.vector_store_idx %arg8[%add3A_597], %gather3A_595 {add = true} : memref<53200xf32, #tpu.memory_space<vmem>>[vector<16xi32>], vector<16xf32>,
        %slice3A_598 = vector.extract_strided_slice %mul3A_472 {offsets = [9], sizes = [1], strides = [1]} : vector<16xi32> to vector<1xi32>
        %squeeze3A_599 = vector.extract %slice3A_598[0] : i32 from vector<1xi32>
        %add3A_600 = arith.constant 9 : i32
        %add3A_601 = vector.broadcast %add3A_600 : i32 to vector<16xi32>
        %add3A_602 = arith.addi %add3A_528, %add3A_601 : vector<16xi32>
        %gather3A_603 = tpu.vector_load_idx %arg10[%add3A_602] : memref<16384xf32, #tpu.memory_space<vmem>>[vector<16xi32>], vector<16xf32>,
        %add3A_604 = vector.broadcast %squeeze3A_599 : i32 to vector<16xi32>
        %add3A_605 = arith.addi %add3A_604, %iota3A : vector<16xi32>
        tpu.vector_store_idx %arg8[%add3A_605], %gather3A_603 {add = true} : memref<53200xf32, #tpu.memory_space<vmem>>[vector<16xi32>], vector<16xf32>,
        %slice3A_606 = vector.extract_strided_slice %mul3A_472 {offsets = [10], sizes = [1], strides = [1]} : vector<16xi32> to vector<1xi32>
        %squeeze3A_607 = vector.extract %slice3A_606[0] : i32 from vector<1xi32>
        %add3A_608 = arith.constant 10 : i32
        %add3A_609 = vector.broadcast %add3A_608 : i32 to vector<16xi32>
        %add3A_610 = arith.addi %add3A_528, %add3A_609 : vector<16xi32>
        %gather3A_611 = tpu.vector_load_idx %arg10[%add3A_610] : memref<16384xf32, #tpu.memory_space<vmem>>[vector<16xi32>], vector<16xf32>,
        %add3A_612 = vector.broadcast %squeeze3A_607 : i32 to vector<16xi32>
        %add3A_613 = arith.addi %add3A_612, %iota3A : vector<16xi32>
        tpu.vector_store_idx %arg8[%add3A_613], %gather3A_611 {add = true} : memref<53200xf32, #tpu.memory_space<vmem>>[vector<16xi32>], vector<16xf32>,
        %slice3A_614 = vector.extract_strided_slice %mul3A_472 {offsets = [11], sizes = [1], strides = [1]} : vector<16xi32> to vector<1xi32>
        %squeeze3A_615 = vector.extract %slice3A_614[0] : i32 from vector<1xi32>
        %add3A_616 = arith.constant 11 : i32
        %add3A_617 = vector.broadcast %add3A_616 : i32 to vector<16xi32>
        %add3A_618 = arith.addi %add3A_528, %add3A_617 : vector<16xi32>
        %gather3A_619 = tpu.vector_load_idx %arg10[%add3A_618] : memref<16384xf32, #tpu.memory_space<vmem>>[vector<16xi32>], vector<16xf32>,
        %add3A_620 = vector.broadcast %squeeze3A_615 : i32 to vector<16xi32>
        %add3A_621 = arith.addi %add3A_620, %iota3A : vector<16xi32>
        tpu.vector_store_idx %arg8[%add3A_621], %gather3A_619 {add = true} : memref<53200xf32, #tpu.memory_space<vmem>>[vector<16xi32>], vector<16xf32>,
        %slice3A_622 = vector.extract_strided_slice %mul3A_472 {offsets = [12], sizes = [1], strides = [1]} : vector<16xi32> to vector<1xi32>
        %squeeze3A_623 = vector.extract %slice3A_622[0] : i32 from vector<1xi32>
        %add3A_624 = arith.constant 12 : i32
        %add3A_625 = vector.broadcast %add3A_624 : i32 to vector<16xi32>
        %add3A_626 = arith.addi %add3A_528, %add3A_625 : vector<16xi32>
        %gather3A_627 = tpu.vector_load_idx %arg10[%add3A_626] : memref<16384xf32, #tpu.memory_space<vmem>>[vector<16xi32>], vector<16xf32>,
        %add3A_628 = vector.broadcast %squeeze3A_623 : i32 to vector<16xi32>
        %add3A_629 = arith.addi %add3A_628, %iota3A : vector<16xi32>
        tpu.vector_store_idx %arg8[%add3A_629], %gather3A_627 {add = true} : memref<53200xf32, #tpu.memory_space<vmem>>[vector<16xi32>], vector<16xf32>,
        %slice3A_630 = vector.extract_strided_slice %mul3A_472 {offsets = [13], sizes = [1], strides = [1]} : vector<16xi32> to vector<1xi32>
        %squeeze3A_631 = vector.extract %slice3A_630[0] : i32 from vector<1xi32>
        %add3A_632 = arith.constant 13 : i32
        %add3A_633 = vector.broadcast %add3A_632 : i32 to vector<16xi32>
        %add3A_634 = arith.addi %add3A_528, %add3A_633 : vector<16xi32>
        %gather3A_635 = tpu.vector_load_idx %arg10[%add3A_634] : memref<16384xf32, #tpu.memory_space<vmem>>[vector<16xi32>], vector<16xf32>,
        %add3A_636 = vector.broadcast %squeeze3A_631 : i32 to vector<16xi32>
        %add3A_637 = arith.addi %add3A_636, %iota3A : vector<16xi32>
        tpu.vector_store_idx %arg8[%add3A_637], %gather3A_635 {add = true} : memref<53200xf32, #tpu.memory_space<vmem>>[vector<16xi32>], vector<16xf32>,
        %slice3A_638 = vector.extract_strided_slice %mul3A_472 {offsets = [14], sizes = [1], strides = [1]} : vector<16xi32> to vector<1xi32>
        %squeeze3A_639 = vector.extract %slice3A_638[0] : i32 from vector<1xi32>
        %add3A_640 = arith.constant 14 : i32
        %add3A_641 = vector.broadcast %add3A_640 : i32 to vector<16xi32>
        %add3A_642 = arith.addi %add3A_528, %add3A_641 : vector<16xi32>
        %gather3A_643 = tpu.vector_load_idx %arg10[%add3A_642] : memref<16384xf32, #tpu.memory_space<vmem>>[vector<16xi32>], vector<16xf32>,
        %add3A_644 = vector.broadcast %squeeze3A_639 : i32 to vector<16xi32>
        %add3A_645 = arith.addi %add3A_644, %iota3A : vector<16xi32>
        tpu.vector_store_idx %arg8[%add3A_645], %gather3A_643 {add = true} : memref<53200xf32, #tpu.memory_space<vmem>>[vector<16xi32>], vector<16xf32>,
        %slice3A_646 = vector.extract_strided_slice %mul3A_472 {offsets = [15], sizes = [1], strides = [1]} : vector<16xi32> to vector<1xi32>
        %squeeze3A_647 = vector.extract %slice3A_646[0] : i32 from vector<1xi32>
        %add3A_648 = arith.constant 15 : i32
        %add3A_649 = vector.broadcast %add3A_648 : i32 to vector<16xi32>
        %add3A_650 = arith.addi %add3A_528, %add3A_649 : vector<16xi32>
        %gather3A_651 = tpu.vector_load_idx %arg10[%add3A_650] : memref<16384xf32, #tpu.memory_space<vmem>>[vector<16xi32>], vector<16xf32>,
        %add3A_652 = vector.broadcast %squeeze3A_647 : i32 to vector<16xi32>
        %add3A_653 = arith.addi %add3A_652, %iota3A : vector<16xi32>
        tpu.vector_store_idx %arg8[%add3A_653], %gather3A_651 {add = true} : memref<53200xf32, #tpu.memory_space<vmem>>[vector<16xi32>], vector<16xf32>,
        %broadcast_in_dim3A = arith.constant true
        %broadcast_in_dim3A_654 = vector.broadcast %broadcast_in_dim3A : i1 to vector<16xi1>
        %unique3A, %unique3A_655 = tpu.scan_count mask(%broadcast_in_dim3A_654 : vector<16xi1>) value(%mul3A_472 : vector<16xi32>) : vector<16xi1>, vector<16xi32>
        %convert_element_type3A_656 = arith.sitofp %unique3A_655 : vector<16xi32> to vector<16xf32>
        %add3A_657 = arith.constant 16 : i32
        %add3A_658 = vector.broadcast %add3A_657 : i32 to vector<16xi32>
        %add3A_659 = arith.addi %mul3A_472, %add3A_658 : vector<16xi32>
        tpu.vector_store_idx %arg8[%add3A_659], %convert_element_type3A_656 masked %unique3A {add = true} : memref<53200xf32, #tpu.memory_space<vmem>>[vector<16xi32>], vector<16xf32>, vector<16xi1>
      }
    }
    %mul3A_172 = arith.constant 0 : i32
    %mul3A_173 = vector.broadcast %mul3A_172 : i32 to vector<16xi32>
    %mul3A_174 = arith.muli %iota3A, %mul3A_173 : vector<16xi32>
    %add3A_175 = arith.constant 1 : i32
    %add3A_176 = vector.broadcast %add3A_175 : i32 to vector<16xi32>
    %add3A_177 = arith.addi %mul3A_174, %add3A_176 : vector<16xi32>
    %convert_element_type3A_178 = arith.sitofp %add3A_177 : vector<16xi32> to vector<16xf32>
    %scan3A_179 = arith.constant 0 : i32
    %scan3A_180 = arith.constant 0 : i32
    %scan3A_181 = arith.constant 17 : i32
    %scan3A_182 = arith.addi %scan3A_180, %scan3A_181 : i32
    %scan3A_183 = arith.constant 1 : i32
    scf.for %scan3A_388 = %scan3A_180 to %scan3A_182 step %scan3A_183  : i32 {
      %scan3A_389 = arith.constant 0 : i32
      %scan3A_390 = arith.constant 0 : i32
      %scan3A_391 = arith.constant 184 : i32
      %scan3A_392 = arith.addi %scan3A_390, %scan3A_391 : i32
      %scan3A_393 = arith.constant 1 : i32
      scf.for %scan3A_398 = %scan3A_390 to %scan3A_392 step %scan3A_393  : i32 {
        %mul3A_399 = arith.constant 184 : i32
        %mul3A_400 = arith.muli %scan3A_388, %mul3A_399 : i32
        %add3A_401 = arith.addi %mul3A_400, %scan3A_398 : i32
        %mul3A_402 = arith.constant 17 : i32
        %mul3A_403 = arith.muli %add3A_401, %mul3A_402 : i32
        %get3A = arith.index_cast %mul3A_403 : i32 to index
        %get3A_404 = tpu.vector_load %arg8[%get3A] {strides = array<i32>} : memref<53200xf32, #tpu.memory_space<vmem>>, vector<16xf32>,
        %add3A_405 = arith.constant 16 : i32
        %add3A_406 = arith.addi %mul3A_403, %add3A_405 : i32
        %sub3A_407 = arith.constant 15 : i32
        %sub3A_408 = arith.subi %add3A_406, %sub3A_407 : i32
        %get3A_409 = arith.index_cast %sub3A_408 : i32 to index
        %get3A_410 = tpu.vector_load %arg8[%get3A_409] {strides = array<i32>} : memref<53200xf32, #tpu.memory_space<vmem>>, vector<16xf32>,
        %slice3A = vector.extract_strided_slice %get3A_410 {offsets = [15], sizes = [1], strides = [1]} : vector<16xf32> to vector<1xf32>
        %squeeze3A = vector.extract %slice3A[0] : f32 from vector<1xf32>
        %broadcast_in_dim3A = vector.broadcast %squeeze3A : f32 to vector<16xf32>
        %max3A = arith.maximumf %broadcast_in_dim3A, %convert_element_type3A_178 : vector<16xf32>
        %div3A_411 = arith.divf %convert_element_type3A_178, %max3A : vector<16xf32>
        %mul3A_412 = arith.mulf %get3A_404, %div3A_411 : vector<16xf32>
        %swap3A = arith.index_cast %scan3A_398 : i32 to index
        %swap3A_413 = arith.constant 0 : index
        %swap3A_414 = tpu.vector_load %arg13[%swap3A, %swap3A_413] {strides = array<i32>} : memref<184x16xf32, #tpu.memory_space<vmem>>, vector<16xf32>,
        tpu.vector_store %arg13[%swap3A, %swap3A_413], %mul3A_412 {strides = array<i32>} : memref<184x16xf32, #tpu.memory_space<vmem>>, vector<16xf32>,
      }
      %scan3A_394 = arith.constant 184 : i32
      %mul3A_395 = arith.constant 184 : i32
      %mul3A_396 = arith.muli %scan3A_388, %mul3A_395 : i32
      %add3A_397 = arith.addi %mul3A_2, %mul3A_396 : i32
      "tpu.region"() ({
        %run_scoped3A = tpu.sem_alloc : memref<!tpu.dma_semaphore, #tpu.memory_space<semaphore_mem>>
        %dma_start3A = arith.constant 0 : i32
        %dma_start3A_398 = tpu.memref_slice %arg6[%add3A_397, %dma_start3A] : memref<100096x16xf32, #tpu.memory_space<hbm>> -> memref<184x16xf32, #tpu.memory_space<hbm>>
        %dma_start3A_399 = arith.constant 0 : i32
        %dma_start3A_400 = tpu.memref_slice %arg6[%add3A_397, %dma_start3A_399] : memref<100096x16xf32, #tpu.memory_space<hbm>> -> memref<184x16xf32, #tpu.memory_space<hbm>>
        tpu.enqueue_dma source(%arg13 : memref<184x16xf32, #tpu.memory_space<vmem>>) target(%dma_start3A_400 : memref<184x16xf32, #tpu.memory_space<hbm>>) target_semaphore(%run_scoped3A : memref<!tpu.dma_semaphore, #tpu.memory_space<semaphore_mem>>)
        %dma_wait3A = arith.constant 0 : i32
        %dma_wait3A_401 = tpu.memref_slice %arg6[%add3A_397, %dma_wait3A] : memref<100096x16xf32, #tpu.memory_space<hbm>> -> memref<184x16xf32, #tpu.memory_space<hbm>>
        %dma_wait3A_402 = arith.constant 0 : i32
        %dma_wait3A_403 = tpu.memref_slice %arg6[%add3A_397, %dma_wait3A_402] : memref<100096x16xf32, #tpu.memory_space<hbm>> -> memref<184x16xf32, #tpu.memory_space<hbm>>
        tpu.wait_dma2 semaphore(%run_scoped3A : memref<!tpu.dma_semaphore, #tpu.memory_space<semaphore_mem>>) src(%arg13 : memref<184x16xf32, #tpu.memory_space<vmem>>) dst(%dma_wait3A_403 : memref<184x16xf32, #tpu.memory_space<hbm>>)
        tpu.yield
      }) : () -> ()
    }
    %scan3A_184 = arith.constant 17 : i32
    %iota3A_185 = tpu.iota {dimensions = array<i32: 0>} : vector<16xi32>
    %mul3A_186 = arith.constant 400 : i32
    %mul3A_187 = arith.muli %add3A, %mul3A_186 : i32
    %scan3A_188 = arith.constant 0 : i32
    %scan3A_189 = arith.constant 1600000 : i32
    %scan3A_190 = arith.constant 0 : i32
    %scan3A_191 = arith.constant 21 : i32
    %scan3A_192 = arith.addi %scan3A_190, %scan3A_191 : i32
    %scan3A_193 = arith.constant 1 : i32
    %scan3A_194:2 = scf.for %scan3A_388 = %scan3A_190 to %scan3A_192 step %scan3A_193 iter_args(%scan3A_389 = %scan3A_188, %scan3A_390 = %scan3A_189) -> (i32, i32)  : i32 {
      %add3A_391 = arith.addi %scan3A_389, %scan3A_390 : i32
      %jit3A_392 = arith.constant 2 : i32
      %div3A_393 = arith.divsi %add3A_391, %jit3A_392 : i32
      %sign3A_394 = arith.constant 0 : i32
      %sign3A_395 = arith.cmpi sgt, %add3A_391, %sign3A_394 : i32
      %sign3A_396 = arith.extui %sign3A_395 : i1 to i32
      %sign3A_397 = arith.constant 0 : i32
      %sign3A_398 = arith.cmpi slt, %add3A_391, %sign3A_397 : i32
      %sign3A_399 = arith.extui %sign3A_398 : i1 to i32
      %sign3A_400 = arith.subi %sign3A_396, %sign3A_399 : i32
      %sign3A_401 = arith.constant 0 : i32
      %sign3A_402 = arith.cmpi sgt, %jit3A_392, %sign3A_401 : i32
      %sign3A_403 = arith.extui %sign3A_402 : i1 to i32
      %sign3A_404 = arith.constant 0 : i32
      %sign3A_405 = arith.cmpi slt, %jit3A_392, %sign3A_404 : i32
      %sign3A_406 = arith.extui %sign3A_405 : i1 to i32
      %sign3A_407 = arith.subi %sign3A_403, %sign3A_406 : i32
      %ne3A_408 = arith.cmpi ne, %sign3A_400, %sign3A_407 : i32
      %rem3A_409 = arith.remsi %add3A_391, %jit3A_392 : i32
      %ne3A_410 = arith.constant 0 : i32
      %ne3A_411 = arith.cmpi ne, %rem3A_409, %ne3A_410 : i32
      %and3A_412 = arith.andi %ne3A_408, %ne3A_411 : i1
      %sub3A_413 = arith.constant 1 : i32
      %sub3A_414 = arith.subi %div3A_393, %sub3A_413 : i32
      %select_n3A_415 = arith.select %and3A_412, %sub3A_414, %div3A_393 : i32
      %min3A = arith.constant 1599999 : i32
      %min3A_416 = arith.minsi %select_n3A_415, %min3A : i32
      %jit3A_417 = arith.constant 8 : i32
      %div3A_418 = arith.divsi %min3A_416, %jit3A_417 : i32
      %sign3A_419 = arith.constant 0 : i32
      %sign3A_420 = arith.cmpi sgt, %min3A_416, %sign3A_419 : i32
      %sign3A_421 = arith.extui %sign3A_420 : i1 to i32
      %sign3A_422 = arith.constant 0 : i32
      %sign3A_423 = arith.cmpi slt, %min3A_416, %sign3A_422 : i32
      %sign3A_424 = arith.extui %sign3A_423 : i1 to i32
      %sign3A_425 = arith.subi %sign3A_421, %sign3A_424 : i32
      %sign3A_426 = arith.constant 0 : i32
      %sign3A_427 = arith.cmpi sgt, %jit3A_417, %sign3A_426 : i32
      %sign3A_428 = arith.extui %sign3A_427 : i1 to i32
      %sign3A_429 = arith.constant 0 : i32
      %sign3A_430 = arith.cmpi slt, %jit3A_417, %sign3A_429 : i32
      %sign3A_431 = arith.extui %sign3A_430 : i1 to i32
      %sign3A_432 = arith.subi %sign3A_428, %sign3A_431 : i32
      %ne3A_433 = arith.cmpi ne, %sign3A_425, %sign3A_432 : i32
      %rem3A_434 = arith.remsi %min3A_416, %jit3A_417 : i32
      %ne3A_435 = arith.constant 0 : i32
      %ne3A_436 = arith.cmpi ne, %rem3A_434, %ne3A_435 : i32
      %and3A_437 = arith.andi %ne3A_433, %ne3A_436 : i1
      %sub3A_438 = arith.constant 1 : i32
      %sub3A_439 = arith.subi %div3A_418, %sub3A_438 : i32
      %select_n3A_440 = arith.select %and3A_437, %sub3A_439, %div3A_418 : i32
      %mul3A_441 = arith.constant 8 : i32
      %mul3A_442 = arith.muli %select_n3A_440, %mul3A_441 : i32
      %min3A_443 = arith.constant 1599984 : i32
      %min3A_444 = arith.minsi %mul3A_442, %min3A_443 : i32
      "tpu.region"() ({
        %run_scoped3A = tpu.sem_alloc : memref<!tpu.dma_semaphore, #tpu.memory_space<semaphore_mem>>
        %dma_start3A = tpu.memref_slice %arg5[%min3A_444] : memref<1600000xi32, #tpu.memory_space<hbm>> -> memref<16xi32, #tpu.memory_space<hbm>>
        %dma_start3A_462 = tpu.memref_slice %arg5[%min3A_444] : memref<1600000xi32, #tpu.memory_space<hbm>> -> memref<16xi32, #tpu.memory_space<hbm>>
        tpu.enqueue_dma source(%dma_start3A_462 : memref<16xi32, #tpu.memory_space<hbm>>) target(%arg15 : memref<16xi32, #tpu.memory_space<vmem>>) target_semaphore(%run_scoped3A : memref<!tpu.dma_semaphore, #tpu.memory_space<semaphore_mem>>)
        %dma_wait3A = tpu.memref_slice %arg5[%min3A_444] : memref<1600000xi32, #tpu.memory_space<hbm>> -> memref<16xi32, #tpu.memory_space<hbm>>
        %dma_wait3A_463 = tpu.memref_slice %arg5[%min3A_444] : memref<1600000xi32, #tpu.memory_space<hbm>> -> memref<16xi32, #tpu.memory_space<hbm>>
        tpu.wait_dma2 semaphore(%run_scoped3A : memref<!tpu.dma_semaphore, #tpu.memory_space<semaphore_mem>>) src(%dma_wait3A_463 : memref<16xi32, #tpu.memory_space<hbm>>) dst(%arg15 : memref<16xi32, #tpu.memory_space<vmem>>)
        tpu.yield
      }) : () -> ()
      %get3A = arith.constant 0 : index
      %get3A_445 = tpu.vector_load %arg15[%get3A] {strides = array<i32>} : memref<16xi32, #tpu.memory_space<vmem>>, vector<16xi32>,
      %sub3A_446 = arith.subi %min3A_416, %min3A_444 : i32
      %eq3A = vector.broadcast %sub3A_446 : i32 to vector<16xi32>
      %eq3A_447 = arith.cmpi eq, %iota3A_185, %eq3A : vector<16xi32>
      %jit3A_448 = arith.constant -2147483648 : i32
      %broadcast_in_dim3A = vector.broadcast %jit3A_448 : i32 to vector<16xi32>
      %select_n3A_449 = arith.select %eq3A_447, %get3A_445, %broadcast_in_dim3A : vector<16xi1>, vector<16xi32>
      %reduce_max3A = arith.constant true
      %reduce_max3A_450 = vector.broadcast %reduce_max3A : i1 to vector<16xi1>
      %reduce_max3A_451 = arith.constant -2147483648 : i32
      %reduce_max3A_452 = vector.broadcast %reduce_max3A_451 : i32 to vector<16xi32>
      %reduce_max3A_453 = arith.xori %select_n3A_449, %reduce_max3A_452 : vector<16xi32>
      %reduce_max3A_454 = tpu.scan <max>, %reduce_max3A_453 masked %reduce_max3A_450 : vector<16xi32>, vector<16xi1> -> vector<16xi32>
      %reduce_max3A_455 = arith.xori %reduce_max3A_454, %reduce_max3A_452 : vector<16xi32>
      %reduce_max3A_456 = vector.extract %reduce_max3A_455[15] : i32 from vector<16xi32>
      %ge3A_457 = arith.cmpi sge, %reduce_max3A_456, %mul3A_187 : i32
      %add3A_458 = arith.constant 1 : i32
      %add3A_459 = arith.addi %min3A_416, %add3A_458 : i32
      %select_n3A_460 = arith.select %ge3A_457, %scan3A_389, %add3A_459 : i32
      %select_n3A_461 = arith.select %ge3A_457, %min3A_416, %scan3A_390 : i32
      scf.yield %select_n3A_460, %select_n3A_461 : i32, i32
    }
    %scan3A_195 = arith.constant 21 : i32
    %add3A_196 = arith.constant 400 : i32
    %add3A_197 = arith.addi %mul3A_187, %add3A_196 : i32
    %scan3A_198 = arith.constant 0 : i32
    %scan3A_199 = arith.constant 1600000 : i32
    %scan3A_200 = arith.constant 0 : i32
    %scan3A_201 = arith.constant 21 : i32
    %scan3A_202 = arith.addi %scan3A_200, %scan3A_201 : i32
    %scan3A_203 = arith.constant 1 : i32
    %scan3A_204:2 = scf.for %scan3A_388 = %scan3A_200 to %scan3A_202 step %scan3A_203 iter_args(%scan3A_389 = %scan3A_198, %scan3A_390 = %scan3A_199) -> (i32, i32)  : i32 {
      %add3A_391 = arith.addi %scan3A_389, %scan3A_390 : i32
      %jit3A_392 = arith.constant 2 : i32
      %div3A_393 = arith.divsi %add3A_391, %jit3A_392 : i32
      %sign3A_394 = arith.constant 0 : i32
      %sign3A_395 = arith.cmpi sgt, %add3A_391, %sign3A_394 : i32
      %sign3A_396 = arith.extui %sign3A_395 : i1 to i32
      %sign3A_397 = arith.constant 0 : i32
      %sign3A_398 = arith.cmpi slt, %add3A_391, %sign3A_397 : i32
      %sign3A_399 = arith.extui %sign3A_398 : i1 to i32
      %sign3A_400 = arith.subi %sign3A_396, %sign3A_399 : i32
      %sign3A_401 = arith.constant 0 : i32
      %sign3A_402 = arith.cmpi sgt, %jit3A_392, %sign3A_401 : i32
      %sign3A_403 = arith.extui %sign3A_402 : i1 to i32
      %sign3A_404 = arith.constant 0 : i32
      %sign3A_405 = arith.cmpi slt, %jit3A_392, %sign3A_404 : i32
      %sign3A_406 = arith.extui %sign3A_405 : i1 to i32
      %sign3A_407 = arith.subi %sign3A_403, %sign3A_406 : i32
      %ne3A_408 = arith.cmpi ne, %sign3A_400, %sign3A_407 : i32
      %rem3A_409 = arith.remsi %add3A_391, %jit3A_392 : i32
      %ne3A_410 = arith.constant 0 : i32
      %ne3A_411 = arith.cmpi ne, %rem3A_409, %ne3A_410 : i32
      %and3A_412 = arith.andi %ne3A_408, %ne3A_411 : i1
      %sub3A_413 = arith.constant 1 : i32
      %sub3A_414 = arith.subi %div3A_393, %sub3A_413 : i32
      %select_n3A_415 = arith.select %and3A_412, %sub3A_414, %div3A_393 : i32
      %min3A = arith.constant 1599999 : i32
      %min3A_416 = arith.minsi %select_n3A_415, %min3A : i32
      %jit3A_417 = arith.constant 8 : i32
      %div3A_418 = arith.divsi %min3A_416, %jit3A_417 : i32
      %sign3A_419 = arith.constant 0 : i32
      %sign3A_420 = arith.cmpi sgt, %min3A_416, %sign3A_419 : i32
      %sign3A_421 = arith.extui %sign3A_420 : i1 to i32
      %sign3A_422 = arith.constant 0 : i32
      %sign3A_423 = arith.cmpi slt, %min3A_416, %sign3A_422 : i32
      %sign3A_424 = arith.extui %sign3A_423 : i1 to i32
      %sign3A_425 = arith.subi %sign3A_421, %sign3A_424 : i32
      %sign3A_426 = arith.constant 0 : i32
      %sign3A_427 = arith.cmpi sgt, %jit3A_417, %sign3A_426 : i32
      %sign3A_428 = arith.extui %sign3A_427 : i1 to i32
      %sign3A_429 = arith.constant 0 : i32
      %sign3A_430 = arith.cmpi slt, %jit3A_417, %sign3A_429 : i32
      %sign3A_431 = arith.extui %sign3A_430 : i1 to i32
      %sign3A_432 = arith.subi %sign3A_428, %sign3A_431 : i32
      %ne3A_433 = arith.cmpi ne, %sign3A_425, %sign3A_432 : i32
      %rem3A_434 = arith.remsi %min3A_416, %jit3A_417 : i32
      %ne3A_435 = arith.constant 0 : i32
      %ne3A_436 = arith.cmpi ne, %rem3A_434, %ne3A_435 : i32
      %and3A_437 = arith.andi %ne3A_433, %ne3A_436 : i1
      %sub3A_438 = arith.constant 1 : i32
      %sub3A_439 = arith.subi %div3A_418, %sub3A_438 : i32
      %select_n3A_440 = arith.select %and3A_437, %sub3A_439, %div3A_418 : i32
      %mul3A_441 = arith.constant 8 : i32
      %mul3A_442 = arith.muli %select_n3A_440, %mul3A_441 : i32
      %min3A_443 = arith.constant 1599984 : i32
      %min3A_444 = arith.minsi %mul3A_442, %min3A_443 : i32
      "tpu.region"() ({
        %run_scoped3A = tpu.sem_alloc : memref<!tpu.dma_semaphore, #tpu.memory_space<semaphore_mem>>
        %dma_start3A = tpu.memref_slice %arg5[%min3A_444] : memref<1600000xi32, #tpu.memory_space<hbm>> -> memref<16xi32, #tpu.memory_space<hbm>>
        %dma_start3A_462 = tpu.memref_slice %arg5[%min3A_444] : memref<1600000xi32, #tpu.memory_space<hbm>> -> memref<16xi32, #tpu.memory_space<hbm>>
        tpu.enqueue_dma source(%dma_start3A_462 : memref<16xi32, #tpu.memory_space<hbm>>) target(%arg15 : memref<16xi32, #tpu.memory_space<vmem>>) target_semaphore(%run_scoped3A : memref<!tpu.dma_semaphore, #tpu.memory_space<semaphore_mem>>)
        %dma_wait3A = tpu.memref_slice %arg5[%min3A_444] : memref<1600000xi32, #tpu.memory_space<hbm>> -> memref<16xi32, #tpu.memory_space<hbm>>
        %dma_wait3A_463 = tpu.memref_slice %arg5[%min3A_444] : memref<1600000xi32, #tpu.memory_space<hbm>> -> memref<16xi32, #tpu.memory_space<hbm>>
        tpu.wait_dma2 semaphore(%run_scoped3A : memref<!tpu.dma_semaphore, #tpu.memory_space<semaphore_mem>>) src(%dma_wait3A_463 : memref<16xi32, #tpu.memory_space<hbm>>) dst(%arg15 : memref<16xi32, #tpu.memory_space<vmem>>)
        tpu.yield
      }) : () -> ()
      %get3A = arith.constant 0 : index
      %get3A_445 = tpu.vector_load %arg15[%get3A] {strides = array<i32>} : memref<16xi32, #tpu.memory_space<vmem>>, vector<16xi32>,
      %sub3A_446 = arith.subi %min3A_416, %min3A_444 : i32
      %eq3A = vector.broadcast %sub3A_446 : i32 to vector<16xi32>
      %eq3A_447 = arith.cmpi eq, %iota3A_185, %eq3A : vector<16xi32>
      %jit3A_448 = arith.constant -2147483648 : i32
      %broadcast_in_dim3A = vector.broadcast %jit3A_448 : i32 to vector<16xi32>
      %select_n3A_449 = arith.select %eq3A_447, %get3A_445, %broadcast_in_dim3A : vector<16xi1>, vector<16xi32>
      %reduce_max3A = arith.constant true
      %reduce_max3A_450 = vector.broadcast %reduce_max3A : i1 to vector<16xi1>
      %reduce_max3A_451 = arith.constant -2147483648 : i32
      %reduce_max3A_452 = vector.broadcast %reduce_max3A_451 : i32 to vector<16xi32>
      %reduce_max3A_453 = arith.xori %select_n3A_449, %reduce_max3A_452 : vector<16xi32>
      %reduce_max3A_454 = tpu.scan <max>, %reduce_max3A_453 masked %reduce_max3A_450 : vector<16xi32>, vector<16xi1> -> vector<16xi32>
      %reduce_max3A_455 = arith.xori %reduce_max3A_454, %reduce_max3A_452 : vector<16xi32>
      %reduce_max3A_456 = vector.extract %reduce_max3A_455[15] : i32 from vector<16xi32>
      %ge3A_457 = arith.cmpi sge, %reduce_max3A_456, %add3A_197 : i32
      %add3A_458 = arith.constant 1 : i32
      %add3A_459 = arith.addi %min3A_416, %add3A_458 : i32
      %select_n3A_460 = arith.select %ge3A_457, %scan3A_389, %add3A_459 : i32
      %select_n3A_461 = arith.select %ge3A_457, %min3A_416, %scan3A_390 : i32
      scf.yield %select_n3A_460, %select_n3A_461 : i32, i32
    }
    %scan3A_205 = arith.constant 21 : i32
    %mul3A_206 = arith.constant 0 : i32
    %mul3A_207 = vector.broadcast %mul3A_206 : i32 to vector<16xi32>
    %mul3A_208 = arith.muli %iota3A_185, %mul3A_207 : vector<16xi32>
    %convert_element_type3A_209 = arith.sitofp %mul3A_208 : vector<16xi32> to vector<16xf32>
    %scan3A_210 = arith.constant 0 : i32
    %scan3A_211 = arith.constant 0 : i32
    %scan3A_212 = arith.constant 527 : i32
    %scan3A_213 = arith.addi %scan3A_211, %scan3A_212 : i32
    %scan3A_214 = arith.constant 1 : i32
    scf.for %scan3A_388 = %scan3A_211 to %scan3A_213 step %scan3A_214  : i32 {
      %mul3A_389 = arith.constant 16 : i32
      %mul3A_390 = arith.muli %scan3A_388, %mul3A_389 : i32
      %swap3A = arith.index_cast %mul3A_390 : i32 to index
      %swap3A_391 = tpu.vector_load %arg9[%swap3A] {strides = array<i32>} : memref<8432xf32, #tpu.memory_space<vmem>>, vector<16xf32>,
      tpu.vector_store %arg9[%swap3A], %convert_element_type3A_209 {strides = array<i32>} : memref<8432xf32, #tpu.memory_space<vmem>>, vector<16xf32>,
    }
    %scan3A_215 = arith.constant 527 : i32
    %ge3A_216 = arith.constant 12 : i32
    %ge3A_217 = vector.broadcast %ge3A_216 : i32 to vector<16xi32>
    %ge3A_218 = arith.cmpi sge, %iota3A_185, %ge3A_217 : vector<16xi32>
    %jit3A_219 = arith.constant 128 : i32
    %div3A_220 = arith.divsi %scan3A_194#0, %jit3A_219 : i32
    %sign3A_221 = arith.constant 0 : i32
    %sign3A_222 = arith.cmpi sgt, %scan3A_194#0, %sign3A_221 : i32
    %sign3A_223 = arith.extui %sign3A_222 : i1 to i32
    %sign3A_224 = arith.constant 0 : i32
    %sign3A_225 = arith.cmpi slt, %scan3A_194#0, %sign3A_224 : i32
    %sign3A_226 = arith.extui %sign3A_225 : i1 to i32
    %sign3A_227 = arith.subi %sign3A_223, %sign3A_226 : i32
    %sign3A_228 = arith.constant 0 : i32
    %sign3A_229 = arith.cmpi sgt, %jit3A_219, %sign3A_228 : i32
    %sign3A_230 = arith.extui %sign3A_229 : i1 to i32
    %sign3A_231 = arith.constant 0 : i32
    %sign3A_232 = arith.cmpi slt, %jit3A_219, %sign3A_231 : i32
    %sign3A_233 = arith.extui %sign3A_232 : i1 to i32
    %sign3A_234 = arith.subi %sign3A_230, %sign3A_233 : i32
    %ne3A_235 = arith.cmpi ne, %sign3A_227, %sign3A_234 : i32
    %rem3A_236 = arith.remsi %scan3A_194#0, %jit3A_219 : i32
    %ne3A_237 = arith.constant 0 : i32
    %ne3A_238 = arith.cmpi ne, %rem3A_236, %ne3A_237 : i32
    %and3A_239 = arith.andi %ne3A_235, %ne3A_238 : i1
    %sub3A_240 = arith.constant 1 : i32
    %sub3A_241 = arith.subi %div3A_220, %sub3A_240 : i32
    %select_n3A_242 = arith.select %and3A_239, %sub3A_241, %div3A_220 : i32
    %mul3A_243 = arith.constant 128 : i32
    %mul3A_244 = arith.muli %select_n3A_242, %mul3A_243 : i32
    %sub3A_245 = arith.subi %scan3A_204#0, %mul3A_244 : i32
    %add3A_246 = arith.constant 1024 : i32
    %add3A_247 = arith.addi %sub3A_245, %add3A_246 : i32
    %sub3A_248 = arith.constant 1 : i32
    %sub3A_249 = arith.subi %add3A_247, %sub3A_248 : i32
    %jit3A_250 = arith.constant 1024 : i32
    %div3A_251 = arith.divsi %sub3A_249, %jit3A_250 : i32
    %sign3A_252 = arith.constant 0 : i32
    %sign3A_253 = arith.cmpi sgt, %sub3A_249, %sign3A_252 : i32
    %sign3A_254 = arith.extui %sign3A_253 : i1 to i32
    %sign3A_255 = arith.constant 0 : i32
    %sign3A_256 = arith.cmpi slt, %sub3A_249, %sign3A_255 : i32
    %sign3A_257 = arith.extui %sign3A_256 : i1 to i32
    %sign3A_258 = arith.subi %sign3A_254, %sign3A_257 : i32
    %sign3A_259 = arith.constant 0 : i32
    %sign3A_260 = arith.cmpi sgt, %jit3A_250, %sign3A_259 : i32
    %sign3A_261 = arith.extui %sign3A_260 : i1 to i32
    %sign3A_262 = arith.constant 0 : i32
    %sign3A_263 = arith.cmpi slt, %jit3A_250, %sign3A_262 : i32
    %sign3A_264 = arith.extui %sign3A_263 : i1 to i32
    %sign3A_265 = arith.subi %sign3A_261, %sign3A_264 : i32
    %ne3A_266 = arith.cmpi ne, %sign3A_258, %sign3A_265 : i32
    %rem3A_267 = arith.remsi %sub3A_249, %jit3A_250 : i32
    %ne3A_268 = arith.constant 0 : i32
    %ne3A_269 = arith.cmpi ne, %rem3A_267, %ne3A_268 : i32
    %and3A_270 = arith.andi %ne3A_266, %ne3A_269 : i1
    %sub3A_271 = arith.constant 1 : i32
    %sub3A_272 = arith.subi %div3A_251, %sub3A_271 : i32
    %select_n3A_273 = arith.select %and3A_270, %sub3A_272, %div3A_251 : i32
    %jit3A_274 = arith.constant 8 : i32
    %div3A_275 = vector.broadcast %jit3A_274 : i32 to vector<16xi32>
    %div3A_276 = arith.divsi %iota3A_185, %div3A_275 : vector<16xi32>
    %sign3A_277 = arith.constant 0 : i32
    %sign3A_278 = vector.broadcast %sign3A_277 : i32 to vector<16xi32>
    %sign3A_279 = arith.cmpi sgt, %iota3A_185, %sign3A_278 : vector<16xi32>
    %sign3A_280 = arith.extui %sign3A_279 : vector<16xi1> to vector<16xi32>
    %sign3A_281 = arith.constant 0 : i32
    %sign3A_282 = vector.broadcast %sign3A_281 : i32 to vector<16xi32>
    %sign3A_283 = arith.cmpi slt, %iota3A_185, %sign3A_282 : vector<16xi32>
    %sign3A_284 = arith.extui %sign3A_283 : vector<16xi1> to vector<16xi32>
    %sign3A_285 = arith.subi %sign3A_280, %sign3A_284 : vector<16xi32>
    %sign3A_286 = arith.constant 0 : i32
    %sign3A_287 = arith.cmpi sgt, %jit3A_274, %sign3A_286 : i32
    %sign3A_288 = arith.extui %sign3A_287 : i1 to i32
    %sign3A_289 = arith.constant 0 : i32
    %sign3A_290 = arith.cmpi slt, %jit3A_274, %sign3A_289 : i32
    %sign3A_291 = arith.extui %sign3A_290 : i1 to i32
    %sign3A_292 = arith.subi %sign3A_288, %sign3A_291 : i32
    %ne3A_293 = vector.broadcast %sign3A_292 : i32 to vector<16xi32>
    %ne3A_294 = arith.cmpi ne, %sign3A_285, %ne3A_293 : vector<16xi32>
    %rem3A_295 = vector.broadcast %jit3A_274 : i32 to vector<16xi32>
    %rem3A_296 = arith.remsi %iota3A_185, %rem3A_295 : vector<16xi32>
    %ne3A_297 = arith.constant 0 : i32
    %ne3A_298 = vector.broadcast %ne3A_297 : i32 to vector<16xi32>
    %ne3A_299 = arith.cmpi ne, %rem3A_296, %ne3A_298 : vector<16xi32>
    %and3A_300 = arith.andi %ne3A_294, %ne3A_299 : vector<16xi1>
    %sub3A_301 = arith.constant 1 : i32
    %sub3A_302 = vector.broadcast %sub3A_301 : i32 to vector<16xi32>
    %sub3A_303 = arith.subi %div3A_276, %sub3A_302 : vector<16xi32>
    %select_n3A_304 = arith.select %and3A_300, %sub3A_303, %div3A_276 : vector<16xi1>, vector<16xi32>
    %mul3A_305 = arith.constant 8192 : i32
    %mul3A_306 = vector.broadcast %mul3A_305 : i32 to vector<16xi32>
    %mul3A_307 = arith.muli %select_n3A_304, %mul3A_306 : vector<16xi32>
    %jit3A_308 = arith.constant 8 : i32
    %div3A_309 = vector.broadcast %jit3A_308 : i32 to vector<16xi32>
    %div3A_310 = arith.divsi %iota3A_185, %div3A_309 : vector<16xi32>
    %sign3A_311 = arith.constant 0 : i32
    %sign3A_312 = vector.broadcast %sign3A_311 : i32 to vector<16xi32>
    %sign3A_313 = arith.cmpi sgt, %iota3A_185, %sign3A_312 : vector<16xi32>
    %sign3A_314 = arith.extui %sign3A_313 : vector<16xi1> to vector<16xi32>
    %sign3A_315 = arith.constant 0 : i32
    %sign3A_316 = vector.broadcast %sign3A_315 : i32 to vector<16xi32>
    %sign3A_317 = arith.cmpi slt, %iota3A_185, %sign3A_316 : vector<16xi32>
    %sign3A_318 = arith.extui %sign3A_317 : vector<16xi1> to vector<16xi32>
    %sign3A_319 = arith.subi %sign3A_314, %sign3A_318 : vector<16xi32>
    %sign3A_320 = arith.constant 0 : i32
    %sign3A_321 = arith.cmpi sgt, %jit3A_308, %sign3A_320 : i32
    %sign3A_322 = arith.extui %sign3A_321 : i1 to i32
    %sign3A_323 = arith.constant 0 : i32
    %sign3A_324 = arith.cmpi slt, %jit3A_308, %sign3A_323 : i32
    %sign3A_325 = arith.extui %sign3A_324 : i1 to i32
    %sign3A_326 = arith.subi %sign3A_322, %sign3A_325 : i32
    %ne3A_327 = vector.broadcast %sign3A_326 : i32 to vector<16xi32>
    %ne3A_328 = arith.cmpi ne, %sign3A_319, %ne3A_327 : vector<16xi32>
    %rem3A_329 = vector.broadcast %jit3A_308 : i32 to vector<16xi32>
    %rem3A_330 = arith.remsi %iota3A_185, %rem3A_329 : vector<16xi32>
    %ne3A_331 = arith.constant 0 : i32
    %ne3A_332 = vector.broadcast %ne3A_331 : i32 to vector<16xi32>
    %ne3A_333 = arith.cmpi ne, %rem3A_330, %ne3A_332 : vector<16xi32>
    %and3A_334 = arith.andi %ne3A_328, %ne3A_333 : vector<16xi1>
    %sub3A_335 = arith.constant 1 : i32
    %sub3A_336 = vector.broadcast %sub3A_335 : i32 to vector<16xi32>
    %sub3A_337 = arith.subi %div3A_310, %sub3A_336 : vector<16xi32>
    %select_n3A_338 = arith.select %and3A_334, %sub3A_337, %div3A_310 : vector<16xi1>, vector<16xi32>
    %mul3A_339 = arith.constant 8 : i32
    %mul3A_340 = vector.broadcast %mul3A_339 : i32 to vector<16xi32>
    %mul3A_341 = arith.muli %select_n3A_338, %mul3A_340 : vector<16xi32>
    %sub3A_342 = arith.subi %iota3A_185, %mul3A_341 : vector<16xi32>
    %mul3A_343 = arith.constant 128 : i32
    %mul3A_344 = vector.broadcast %mul3A_343 : i32 to vector<16xi32>
    %mul3A_345 = arith.muli %sub3A_342, %mul3A_344 : vector<16xi32>
    %add3A_346 = arith.addi %mul3A_307, %mul3A_345 : vector<16xi32>
    %sub3A_347 = arith.constant 12 : i32
    %sub3A_348 = vector.broadcast %sub3A_347 : i32 to vector<16xi32>
    %sub3A_349 = arith.subi %iota3A_185, %sub3A_348 : vector<16xi32>
    %mul3A_350 = arith.constant 128 : i32
    %mul3A_351 = vector.broadcast %mul3A_350 : i32 to vector<16xi32>
    %mul3A_352 = arith.muli %sub3A_349, %mul3A_351 : vector<16xi32>
    %add3A_353 = arith.constant 16384 : i32
    %add3A_354 = vector.broadcast %add3A_353 : i32 to vector<16xi32>
    %add3A_355 = arith.addi %add3A_354, %mul3A_352 : vector<16xi32>
    %add3A_356 = arith.constant 4 : i32
    %add3A_357 = vector.broadcast %add3A_356 : i32 to vector<16xi32>
    %add3A_358 = arith.addi %iota3A_185, %add3A_357 : vector<16xi32>
    %while3A_359 = arith.constant 0 : i32
    %while3A_360 = arith.constant 0 : i32
    %while3A_361 = arith.subi %select_n3A_273, %while3A_360 : i32
    %while3A_362 = arith.addi %while3A_360, %while3A_361 : i32
    %while3A_363 = arith.constant 1 : i32
    %while3A_364 = arith.divsi %while3A_361, %while3A_363 : i32
    %while3A_365 = arith.muli %while3A_364, %while3A_363 : i32
    %while3A_366 = arith.addi %while3A_360, %while3A_365 : i32
    %while3A_367 = arith.constant 1 : i32
    scf.for %while3A_388 = %while3A_360 to %while3A_366 step %while3A_367  : i32 {
      %mul3A_389 = arith.constant 1024 : i32
      %mul3A_390 = arith.muli %while3A_388, %mul3A_389 : i32
      %add3A_391 = arith.addi %mul3A_244, %mul3A_390 : i32
      %min3A = arith.constant 1598976 : i32
      %min3A_392 = arith.minsi %add3A_391, %min3A : i32
      %sub3A_393 = arith.subi %add3A_391, %min3A_392 : i32
      %jit3A_394 = arith.constant 128 : i32
      %div3A_395 = arith.divsi %min3A_392, %jit3A_394 : i32
      %sign3A_396 = arith.constant 0 : i32
      %sign3A_397 = arith.cmpi sgt, %min3A_392, %sign3A_396 : i32
      %sign3A_398 = arith.extui %sign3A_397 : i1 to i32
      %sign3A_399 = arith.constant 0 : i32
      %sign3A_400 = arith.cmpi slt, %min3A_392, %sign3A_399 : i32
      %sign3A_401 = arith.extui %sign3A_400 : i1 to i32
      %sign3A_402 = arith.subi %sign3A_398, %sign3A_401 : i32
      %sign3A_403 = arith.constant 0 : i32
      %sign3A_404 = arith.cmpi sgt, %jit3A_394, %sign3A_403 : i32
      %sign3A_405 = arith.extui %sign3A_404 : i1 to i32
      %sign3A_406 = arith.constant 0 : i32
      %sign3A_407 = arith.cmpi slt, %jit3A_394, %sign3A_406 : i32
      %sign3A_408 = arith.extui %sign3A_407 : i1 to i32
      %sign3A_409 = arith.subi %sign3A_405, %sign3A_408 : i32
      %ne3A_410 = arith.cmpi ne, %sign3A_402, %sign3A_409 : i32
      %rem3A_411 = arith.remsi %min3A_392, %jit3A_394 : i32
      %ne3A_412 = arith.constant 0 : i32
      %ne3A_413 = arith.cmpi ne, %rem3A_411, %ne3A_412 : i32
      %and3A_414 = arith.andi %ne3A_410, %ne3A_413 : i1
      %sub3A_415 = arith.constant 1 : i32
      %sub3A_416 = arith.subi %div3A_395, %sub3A_415 : i32
      %select_n3A_417 = arith.select %and3A_414, %sub3A_416, %div3A_395 : i32
      %mul3A_418 = arith.constant 1024 : i32
      %mul3A_419 = arith.muli %select_n3A_417, %mul3A_418 : i32
      %add3A_420 = arith.constant 0 : i32
      %add3A_421 = arith.addi %add3A_420, %mul3A_419 : i32
      "tpu.region"() ({
        %run_scoped3A = tpu.sem_alloc : memref<!tpu.dma_semaphore, #tpu.memory_space<semaphore_mem>>
        %dma_start3A = arith.constant 0 : i32
        %dma_start3A_462 = tpu.memref_slice %arg11[%dma_start3A] : memref<24576xf32, #tpu.memory_space<vmem>> -> memref<8192xf32, #tpu.memory_space<vmem>>
        %dma_start3A_463 = tpu.memref_slice %arg3[%add3A_421] : memref<38400000xf32, #tpu.memory_space<hbm>> -> memref<8192xf32, #tpu.memory_space<hbm>>
        %dma_start3A_464 = arith.constant 0 : i32
        %dma_start3A_465 = tpu.memref_slice %arg11[%dma_start3A_464] : memref<24576xf32, #tpu.memory_space<vmem>> -> memref<8192xf32, #tpu.memory_space<vmem>>
        %dma_start3A_466 = tpu.memref_slice %arg3[%add3A_421] : memref<38400000xf32, #tpu.memory_space<hbm>> -> memref<8192xf32, #tpu.memory_space<hbm>>
        tpu.enqueue_dma source(%dma_start3A_466 : memref<8192xf32, #tpu.memory_space<hbm>>) target(%dma_start3A_465 : memref<8192xf32, #tpu.memory_space<vmem>>) target_semaphore(%run_scoped3A : memref<!tpu.dma_semaphore, #tpu.memory_space<semaphore_mem>>)
        %dma_wait3A = arith.constant 0 : i32
        %dma_wait3A_467 = tpu.memref_slice %arg11[%dma_wait3A] : memref<24576xf32, #tpu.memory_space<vmem>> -> memref<8192xf32, #tpu.memory_space<vmem>>
        %dma_wait3A_468 = tpu.memref_slice %arg3[%add3A_421] : memref<38400000xf32, #tpu.memory_space<hbm>> -> memref<8192xf32, #tpu.memory_space<hbm>>
        %dma_wait3A_469 = arith.constant 0 : i32
        %dma_wait3A_470 = tpu.memref_slice %arg11[%dma_wait3A_469] : memref<24576xf32, #tpu.memory_space<vmem>> -> memref<8192xf32, #tpu.memory_space<vmem>>
        %dma_wait3A_471 = tpu.memref_slice %arg3[%add3A_421] : memref<38400000xf32, #tpu.memory_space<hbm>> -> memref<8192xf32, #tpu.memory_space<hbm>>
        tpu.wait_dma2 semaphore(%run_scoped3A : memref<!tpu.dma_semaphore, #tpu.memory_space<semaphore_mem>>) src(%dma_wait3A_471 : memref<8192xf32, #tpu.memory_space<hbm>>) dst(%dma_wait3A_470 : memref<8192xf32, #tpu.memory_space<vmem>>)
        tpu.yield
      }) : () -> ()
      %add3A_422 = arith.constant 12800000 : i32
      %add3A_423 = arith.addi %add3A_422, %mul3A_419 : i32
      "tpu.region"() ({
        %run_scoped3A = tpu.sem_alloc : memref<!tpu.dma_semaphore, #tpu.memory_space<semaphore_mem>>
        %dma_start3A = arith.constant 8192 : i32
        %dma_start3A_462 = tpu.memref_slice %arg11[%dma_start3A] : memref<24576xf32, #tpu.memory_space<vmem>> -> memref<8192xf32, #tpu.memory_space<vmem>>
        %dma_start3A_463 = tpu.memref_slice %arg3[%add3A_423] : memref<38400000xf32, #tpu.memory_space<hbm>> -> memref<8192xf32, #tpu.memory_space<hbm>>
        %dma_start3A_464 = arith.constant 8192 : i32
        %dma_start3A_465 = tpu.memref_slice %arg11[%dma_start3A_464] : memref<24576xf32, #tpu.memory_space<vmem>> -> memref<8192xf32, #tpu.memory_space<vmem>>
        %dma_start3A_466 = tpu.memref_slice %arg3[%add3A_423] : memref<38400000xf32, #tpu.memory_space<hbm>> -> memref<8192xf32, #tpu.memory_space<hbm>>
        tpu.enqueue_dma source(%dma_start3A_466 : memref<8192xf32, #tpu.memory_space<hbm>>) target(%dma_start3A_465 : memref<8192xf32, #tpu.memory_space<vmem>>) target_semaphore(%run_scoped3A : memref<!tpu.dma_semaphore, #tpu.memory_space<semaphore_mem>>)
        %dma_wait3A = arith.constant 8192 : i32
        %dma_wait3A_467 = tpu.memref_slice %arg11[%dma_wait3A] : memref<24576xf32, #tpu.memory_space<vmem>> -> memref<8192xf32, #tpu.memory_space<vmem>>
        %dma_wait3A_468 = tpu.memref_slice %arg3[%add3A_423] : memref<38400000xf32, #tpu.memory_space<hbm>> -> memref<8192xf32, #tpu.memory_space<hbm>>
        %dma_wait3A_469 = arith.constant 8192 : i32
        %dma_wait3A_470 = tpu.memref_slice %arg11[%dma_wait3A_469] : memref<24576xf32, #tpu.memory_space<vmem>> -> memref<8192xf32, #tpu.memory_space<vmem>>
        %dma_wait3A_471 = tpu.memref_slice %arg3[%add3A_423] : memref<38400000xf32, #tpu.memory_space<hbm>> -> memref<8192xf32, #tpu.memory_space<hbm>>
        tpu.wait_dma2 semaphore(%run_scoped3A : memref<!tpu.dma_semaphore, #tpu.memory_space<semaphore_mem>>) src(%dma_wait3A_471 : memref<8192xf32, #tpu.memory_space<hbm>>) dst(%dma_wait3A_470 : memref<8192xf32, #tpu.memory_space<vmem>>)
        tpu.yield
      }) : () -> ()
      %add3A_424 = arith.constant 25600000 : i32
      %add3A_425 = arith.addi %add3A_424, %mul3A_419 : i32
      "tpu.region"() ({
        %run_scoped3A = tpu.sem_alloc : memref<!tpu.dma_semaphore, #tpu.memory_space<semaphore_mem>>
        %dma_start3A = arith.constant 16384 : i32
        %dma_start3A_462 = tpu.memref_slice %arg11[%dma_start3A] : memref<24576xf32, #tpu.memory_space<vmem>> -> memref<8192xf32, #tpu.memory_space<vmem>>
        %dma_start3A_463 = tpu.memref_slice %arg3[%add3A_425] : memref<38400000xf32, #tpu.memory_space<hbm>> -> memref<8192xf32, #tpu.memory_space<hbm>>
        %dma_start3A_464 = arith.constant 16384 : i32
        %dma_start3A_465 = tpu.memref_slice %arg11[%dma_start3A_464] : memref<24576xf32, #tpu.memory_space<vmem>> -> memref<8192xf32, #tpu.memory_space<vmem>>
        %dma_start3A_466 = tpu.memref_slice %arg3[%add3A_425] : memref<38400000xf32, #tpu.memory_space<hbm>> -> memref<8192xf32, #tpu.memory_space<hbm>>
        tpu.enqueue_dma source(%dma_start3A_466 : memref<8192xf32, #tpu.memory_space<hbm>>) target(%dma_start3A_465 : memref<8192xf32, #tpu.memory_space<vmem>>) target_semaphore(%run_scoped3A : memref<!tpu.dma_semaphore, #tpu.memory_space<semaphore_mem>>)
        %dma_wait3A = arith.constant 16384 : i32
        %dma_wait3A_467 = tpu.memref_slice %arg11[%dma_wait3A] : memref<24576xf32, #tpu.memory_space<vmem>> -> memref<8192xf32, #tpu.memory_space<vmem>>
        %dma_wait3A_468 = tpu.memref_slice %arg3[%add3A_425] : memref<38400000xf32, #tpu.memory_space<hbm>> -> memref<8192xf32, #tpu.memory_space<hbm>>
        %dma_wait3A_469 = arith.constant 16384 : i32
        %dma_wait3A_470 = tpu.memref_slice %arg11[%dma_wait3A_469] : memref<24576xf32, #tpu.memory_space<vmem>> -> memref<8192xf32, #tpu.memory_space<vmem>>
        %dma_wait3A_471 = tpu.memref_slice %arg3[%add3A_425] : memref<38400000xf32, #tpu.memory_space<hbm>> -> memref<8192xf32, #tpu.memory_space<hbm>>
        tpu.wait_dma2 semaphore(%run_scoped3A : memref<!tpu.dma_semaphore, #tpu.memory_space<semaphore_mem>>) src(%dma_wait3A_471 : memref<8192xf32, #tpu.memory_space<hbm>>) dst(%dma_wait3A_470 : memref<8192xf32, #tpu.memory_space<vmem>>)
        tpu.yield
      }) : () -> ()
      "tpu.region"() ({
        %run_scoped3A = tpu.sem_alloc : memref<!tpu.dma_semaphore, #tpu.memory_space<semaphore_mem>>
        %dma_start3A = tpu.memref_slice %arg5[%min3A_392] : memref<1600000xi32, #tpu.memory_space<hbm>> -> memref<1024xi32, #tpu.memory_space<hbm>>
        %dma_start3A_462 = tpu.memref_slice %arg5[%min3A_392] : memref<1600000xi32, #tpu.memory_space<hbm>> -> memref<1024xi32, #tpu.memory_space<hbm>>
        tpu.enqueue_dma source(%dma_start3A_462 : memref<1024xi32, #tpu.memory_space<hbm>>) target(%arg12 : memref<1024xi32, #tpu.memory_space<vmem>>) target_semaphore(%run_scoped3A : memref<!tpu.dma_semaphore, #tpu.memory_space<semaphore_mem>>)
        %dma_wait3A = tpu.memref_slice %arg5[%min3A_392] : memref<1600000xi32, #tpu.memory_space<hbm>> -> memref<1024xi32, #tpu.memory_space<hbm>>
        %dma_wait3A_463 = tpu.memref_slice %arg5[%min3A_392] : memref<1600000xi32, #tpu.memory_space<hbm>> -> memref<1024xi32, #tpu.memory_space<hbm>>
        tpu.wait_dma2 semaphore(%run_scoped3A : memref<!tpu.dma_semaphore, #tpu.memory_space<semaphore_mem>>) src(%dma_wait3A_463 : memref<1024xi32, #tpu.memory_space<hbm>>) dst(%arg12 : memref<1024xi32, #tpu.memory_space<vmem>>)
        tpu.yield
      }) : () -> ()
      %sub3A_426 = arith.constant 1024 : i32
      %sub3A_427 = arith.subi %sub3A_426, %sub3A_393 : i32
      %jit3A_428 = arith.constant 16 : i32
      %div3A_429 = arith.divsi %sub3A_427, %jit3A_428 : i32
      %sign3A_430 = arith.constant 0 : i32
      %sign3A_431 = arith.cmpi sgt, %sub3A_427, %sign3A_430 : i32
      %sign3A_432 = arith.extui %sign3A_431 : i1 to i32
      %sign3A_433 = arith.constant 0 : i32
      %sign3A_434 = arith.cmpi slt, %sub3A_427, %sign3A_433 : i32
      %sign3A_435 = arith.extui %sign3A_434 : i1 to i32
      %sign3A_436 = arith.subi %sign3A_432, %sign3A_435 : i32
      %sign3A_437 = arith.constant 0 : i32
      %sign3A_438 = arith.cmpi sgt, %jit3A_428, %sign3A_437 : i32
      %sign3A_439 = arith.extui %sign3A_438 : i1 to i32
      %sign3A_440 = arith.constant 0 : i32
      %sign3A_441 = arith.cmpi slt, %jit3A_428, %sign3A_440 : i32
      %sign3A_442 = arith.extui %sign3A_441 : i1 to i32
      %sign3A_443 = arith.subi %sign3A_439, %sign3A_442 : i32
      %ne3A_444 = arith.cmpi ne, %sign3A_436, %sign3A_443 : i32
      %rem3A_445 = arith.remsi %sub3A_427, %jit3A_428 : i32
      %ne3A_446 = arith.constant 0 : i32
      %ne3A_447 = arith.cmpi ne, %rem3A_445, %ne3A_446 : i32
      %and3A_448 = arith.andi %ne3A_444, %ne3A_447 : i1
      %sub3A_449 = arith.constant 1 : i32
      %sub3A_450 = arith.subi %div3A_429, %sub3A_449 : i32
      %select_n3A_451 = arith.select %and3A_448, %sub3A_450, %div3A_429 : i32
      %while3A_452 = arith.constant 0 : i32
      %while3A_453 = arith.constant 0 : i32
      %while3A_454 = arith.subi %select_n3A_451, %while3A_453 : i32
      %while3A_455 = arith.addi %while3A_453, %while3A_454 : i32
      %while3A_456 = arith.constant 1 : i32
      %while3A_457 = arith.divsi %while3A_454, %while3A_456 : i32
      %while3A_458 = arith.muli %while3A_457, %while3A_456 : i32
      %while3A_459 = arith.addi %while3A_453, %while3A_458 : i32
      %while3A_460 = arith.constant 1 : i32
      scf.for %while3A_462 = %while3A_453 to %while3A_459 step %while3A_460  : i32 {
        %mul3A_463 = arith.constant 16 : i32
        %mul3A_464 = arith.muli %while3A_462, %mul3A_463 : i32
        %add3A_465 = arith.addi %sub3A_393, %mul3A_464 : i32
        %get3A = arith.index_cast %add3A_465 : i32 to index
        %get3A_466 = tpu.vector_load %arg12[%get3A] {strides = array<i32>} : memref<1024xi32, #tpu.memory_space<vmem>>, vector<16xi32>,
        %sub3A_467 = vector.broadcast %mul3A_187 : i32 to vector<16xi32>
        %sub3A_468 = arith.subi %get3A_466, %sub3A_467 : vector<16xi32>
        %min3A_469 = arith.constant 400 : i32
        %min3A_470 = vector.broadcast %min3A_469 : i32 to vector<16xi32>
        %min3A_471 = arith.minui %sub3A_468, %min3A_470 : vector<16xi32>
        %mul3A_472 = arith.constant 21 : i32
        %mul3A_473 = vector.broadcast %mul3A_472 : i32 to vector<16xi32>
        %mul3A_474 = arith.muli %min3A_471, %mul3A_473 : vector<16xi32>
        %jit3A_475 = arith.constant 128 : i32
        %div3A_476 = arith.divsi %add3A_465, %jit3A_475 : i32
        %sign3A_477 = arith.constant 0 : i32
        %sign3A_478 = arith.cmpi sgt, %add3A_465, %sign3A_477 : i32
        %sign3A_479 = arith.extui %sign3A_478 : i1 to i32
        %sign3A_480 = arith.constant 0 : i32
        %sign3A_481 = arith.cmpi slt, %add3A_465, %sign3A_480 : i32
        %sign3A_482 = arith.extui %sign3A_481 : i1 to i32
        %sign3A_483 = arith.subi %sign3A_479, %sign3A_482 : i32
        %sign3A_484 = arith.constant 0 : i32
        %sign3A_485 = arith.cmpi sgt, %jit3A_475, %sign3A_484 : i32
        %sign3A_486 = arith.extui %sign3A_485 : i1 to i32
        %sign3A_487 = arith.constant 0 : i32
        %sign3A_488 = arith.cmpi slt, %jit3A_475, %sign3A_487 : i32
        %sign3A_489 = arith.extui %sign3A_488 : i1 to i32
        %sign3A_490 = arith.subi %sign3A_486, %sign3A_489 : i32
        %ne3A_491 = arith.cmpi ne, %sign3A_483, %sign3A_490 : i32
        %rem3A_492 = arith.remsi %add3A_465, %jit3A_475 : i32
        %ne3A_493 = arith.constant 0 : i32
        %ne3A_494 = arith.cmpi ne, %rem3A_492, %ne3A_493 : i32
        %and3A_495 = arith.andi %ne3A_491, %ne3A_494 : i1
        %sub3A_496 = arith.constant 1 : i32
        %sub3A_497 = arith.subi %div3A_476, %sub3A_496 : i32
        %select_n3A_498 = arith.select %and3A_495, %sub3A_497, %div3A_476 : i32
        %mul3A_499 = arith.constant 1024 : i32
        %mul3A_500 = arith.muli %select_n3A_498, %mul3A_499 : i32
        %jit3A_501 = arith.constant 128 : i32
        %div3A_502 = arith.divsi %add3A_465, %jit3A_501 : i32
        %sign3A_503 = arith.constant 0 : i32
        %sign3A_504 = arith.cmpi sgt, %add3A_465, %sign3A_503 : i32
        %sign3A_505 = arith.extui %sign3A_504 : i1 to i32
        %sign3A_506 = arith.constant 0 : i32
        %sign3A_507 = arith.cmpi slt, %add3A_465, %sign3A_506 : i32
        %sign3A_508 = arith.extui %sign3A_507 : i1 to i32
        %sign3A_509 = arith.subi %sign3A_505, %sign3A_508 : i32
        %sign3A_510 = arith.constant 0 : i32
        %sign3A_511 = arith.cmpi sgt, %jit3A_501, %sign3A_510 : i32
        %sign3A_512 = arith.extui %sign3A_511 : i1 to i32
        %sign3A_513 = arith.constant 0 : i32
        %sign3A_514 = arith.cmpi slt, %jit3A_501, %sign3A_513 : i32
        %sign3A_515 = arith.extui %sign3A_514 : i1 to i32
        %sign3A_516 = arith.subi %sign3A_512, %sign3A_515 : i32
        %ne3A_517 = arith.cmpi ne, %sign3A_509, %sign3A_516 : i32
        %rem3A_518 = arith.remsi %add3A_465, %jit3A_501 : i32
        %ne3A_519 = arith.constant 0 : i32
        %ne3A_520 = arith.cmpi ne, %rem3A_518, %ne3A_519 : i32
        %and3A_521 = arith.andi %ne3A_517, %ne3A_520 : i1
        %sub3A_522 = arith.constant 1 : i32
        %sub3A_523 = arith.subi %div3A_502, %sub3A_522 : i32
        %select_n3A_524 = arith.select %and3A_521, %sub3A_523, %div3A_502 : i32
        %mul3A_525 = arith.constant 128 : i32
        %mul3A_526 = arith.muli %select_n3A_524, %mul3A_525 : i32
        %sub3A_527 = arith.subi %add3A_465, %mul3A_526 : i32
        %add3A_528 = arith.addi %mul3A_500, %sub3A_527 : i32
        %add3A_529 = vector.broadcast %add3A_528 : i32 to vector<16xi32>
        %add3A_530 = arith.addi %add3A_346, %add3A_529 : vector<16xi32>
        %add3A_531 = vector.broadcast %add3A_528 : i32 to vector<16xi32>
        %add3A_532 = arith.addi %add3A_355, %add3A_531 : vector<16xi32>
        %slice3A = vector.extract_strided_slice %mul3A_474 {offsets = [0], sizes = [1], strides = [1]} : vector<16xi32> to vector<1xi32>
        %squeeze3A = vector.extract %slice3A[0] : i32 from vector<1xi32>
        %add3A_533 = arith.constant 0 : i32
        %add3A_534 = vector.broadcast %add3A_533 : i32 to vector<16xi32>
        %add3A_535 = arith.addi %add3A_530, %add3A_534 : vector<16xi32>
        %gather3A = tpu.vector_load_idx %arg11[%add3A_535] : memref<24576xf32, #tpu.memory_space<vmem>>[vector<16xi32>], vector<16xf32>,
        %add3A_536 = vector.broadcast %squeeze3A : i32 to vector<16xi32>
        %add3A_537 = arith.addi %add3A_536, %iota3A_185 : vector<16xi32>
        tpu.vector_store_idx %arg9[%add3A_537], %gather3A {add = true} : memref<8432xf32, #tpu.memory_space<vmem>>[vector<16xi32>], vector<16xf32>,
        %add3A_538 = arith.constant 0 : i32
        %add3A_539 = vector.broadcast %add3A_538 : i32 to vector<16xi32>
        %add3A_540 = arith.addi %add3A_532, %add3A_539 : vector<16xi32>
        %gather3A_541 = tpu.vector_load_idx %arg11[%add3A_540] masked %ge3A_218 : memref<24576xf32, #tpu.memory_space<vmem>>[vector<16xi32>], vector<16xf32>, vector<16xi1>
        %add3A_542 = vector.broadcast %squeeze3A : i32 to vector<16xi32>
        %add3A_543 = arith.addi %add3A_542, %add3A_358 : vector<16xi32>
        tpu.vector_store_idx %arg9[%add3A_543], %gather3A_541 masked %ge3A_218 {add = true} : memref<8432xf32, #tpu.memory_space<vmem>>[vector<16xi32>], vector<16xf32>, vector<16xi1>
        %slice3A_544 = vector.extract_strided_slice %mul3A_474 {offsets = [1], sizes = [1], strides = [1]} : vector<16xi32> to vector<1xi32>
        %squeeze3A_545 = vector.extract %slice3A_544[0] : i32 from vector<1xi32>
        %add3A_546 = arith.constant 1 : i32
        %add3A_547 = vector.broadcast %add3A_546 : i32 to vector<16xi32>
        %add3A_548 = arith.addi %add3A_530, %add3A_547 : vector<16xi32>
        %gather3A_549 = tpu.vector_load_idx %arg11[%add3A_548] : memref<24576xf32, #tpu.memory_space<vmem>>[vector<16xi32>], vector<16xf32>,
        %add3A_550 = vector.broadcast %squeeze3A_545 : i32 to vector<16xi32>
        %add3A_551 = arith.addi %add3A_550, %iota3A_185 : vector<16xi32>
        tpu.vector_store_idx %arg9[%add3A_551], %gather3A_549 {add = true} : memref<8432xf32, #tpu.memory_space<vmem>>[vector<16xi32>], vector<16xf32>,
        %add3A_552 = arith.constant 1 : i32
        %add3A_553 = vector.broadcast %add3A_552 : i32 to vector<16xi32>
        %add3A_554 = arith.addi %add3A_532, %add3A_553 : vector<16xi32>
        %gather3A_555 = tpu.vector_load_idx %arg11[%add3A_554] masked %ge3A_218 : memref<24576xf32, #tpu.memory_space<vmem>>[vector<16xi32>], vector<16xf32>, vector<16xi1>
        %add3A_556 = vector.broadcast %squeeze3A_545 : i32 to vector<16xi32>
        %add3A_557 = arith.addi %add3A_556, %add3A_358 : vector<16xi32>
        tpu.vector_store_idx %arg9[%add3A_557], %gather3A_555 masked %ge3A_218 {add = true} : memref<8432xf32, #tpu.memory_space<vmem>>[vector<16xi32>], vector<16xf32>, vector<16xi1>
        %slice3A_558 = vector.extract_strided_slice %mul3A_474 {offsets = [2], sizes = [1], strides = [1]} : vector<16xi32> to vector<1xi32>
        %squeeze3A_559 = vector.extract %slice3A_558[0] : i32 from vector<1xi32>
        %add3A_560 = arith.constant 2 : i32
        %add3A_561 = vector.broadcast %add3A_560 : i32 to vector<16xi32>
        %add3A_562 = arith.addi %add3A_530, %add3A_561 : vector<16xi32>
        %gather3A_563 = tpu.vector_load_idx %arg11[%add3A_562] : memref<24576xf32, #tpu.memory_space<vmem>>[vector<16xi32>], vector<16xf32>,
        %add3A_564 = vector.broadcast %squeeze3A_559 : i32 to vector<16xi32>
        %add3A_565 = arith.addi %add3A_564, %iota3A_185 : vector<16xi32>
        tpu.vector_store_idx %arg9[%add3A_565], %gather3A_563 {add = true} : memref<8432xf32, #tpu.memory_space<vmem>>[vector<16xi32>], vector<16xf32>,
        %add3A_566 = arith.constant 2 : i32
        %add3A_567 = vector.broadcast %add3A_566 : i32 to vector<16xi32>
        %add3A_568 = arith.addi %add3A_532, %add3A_567 : vector<16xi32>
        %gather3A_569 = tpu.vector_load_idx %arg11[%add3A_568] masked %ge3A_218 : memref<24576xf32, #tpu.memory_space<vmem>>[vector<16xi32>], vector<16xf32>, vector<16xi1>
        %add3A_570 = vector.broadcast %squeeze3A_559 : i32 to vector<16xi32>
        %add3A_571 = arith.addi %add3A_570, %add3A_358 : vector<16xi32>
        tpu.vector_store_idx %arg9[%add3A_571], %gather3A_569 masked %ge3A_218 {add = true} : memref<8432xf32, #tpu.memory_space<vmem>>[vector<16xi32>], vector<16xf32>, vector<16xi1>
        %slice3A_572 = vector.extract_strided_slice %mul3A_474 {offsets = [3], sizes = [1], strides = [1]} : vector<16xi32> to vector<1xi32>
        %squeeze3A_573 = vector.extract %slice3A_572[0] : i32 from vector<1xi32>
        %add3A_574 = arith.constant 3 : i32
        %add3A_575 = vector.broadcast %add3A_574 : i32 to vector<16xi32>
        %add3A_576 = arith.addi %add3A_530, %add3A_575 : vector<16xi32>
        %gather3A_577 = tpu.vector_load_idx %arg11[%add3A_576] : memref<24576xf32, #tpu.memory_space<vmem>>[vector<16xi32>], vector<16xf32>,
        %add3A_578 = vector.broadcast %squeeze3A_573 : i32 to vector<16xi32>
        %add3A_579 = arith.addi %add3A_578, %iota3A_185 : vector<16xi32>
        tpu.vector_store_idx %arg9[%add3A_579], %gather3A_577 {add = true} : memref<8432xf32, #tpu.memory_space<vmem>>[vector<16xi32>], vector<16xf32>,
        %add3A_580 = arith.constant 3 : i32
        %add3A_581 = vector.broadcast %add3A_580 : i32 to vector<16xi32>
        %add3A_582 = arith.addi %add3A_532, %add3A_581 : vector<16xi32>
        %gather3A_583 = tpu.vector_load_idx %arg11[%add3A_582] masked %ge3A_218 : memref<24576xf32, #tpu.memory_space<vmem>>[vector<16xi32>], vector<16xf32>, vector<16xi1>
        %add3A_584 = vector.broadcast %squeeze3A_573 : i32 to vector<16xi32>
        %add3A_585 = arith.addi %add3A_584, %add3A_358 : vector<16xi32>
        tpu.vector_store_idx %arg9[%add3A_585], %gather3A_583 masked %ge3A_218 {add = true} : memref<8432xf32, #tpu.memory_space<vmem>>[vector<16xi32>], vector<16xf32>, vector<16xi1>
        %slice3A_586 = vector.extract_strided_slice %mul3A_474 {offsets = [4], sizes = [1], strides = [1]} : vector<16xi32> to vector<1xi32>
        %squeeze3A_587 = vector.extract %slice3A_586[0] : i32 from vector<1xi32>
        %add3A_588 = arith.constant 4 : i32
        %add3A_589 = vector.broadcast %add3A_588 : i32 to vector<16xi32>
        %add3A_590 = arith.addi %add3A_530, %add3A_589 : vector<16xi32>
        %gather3A_591 = tpu.vector_load_idx %arg11[%add3A_590] : memref<24576xf32, #tpu.memory_space<vmem>>[vector<16xi32>], vector<16xf32>,
        %add3A_592 = vector.broadcast %squeeze3A_587 : i32 to vector<16xi32>
        %add3A_593 = arith.addi %add3A_592, %iota3A_185 : vector<16xi32>
        tpu.vector_store_idx %arg9[%add3A_593], %gather3A_591 {add = true} : memref<8432xf32, #tpu.memory_space<vmem>>[vector<16xi32>], vector<16xf32>,
        %add3A_594 = arith.constant 4 : i32
        %add3A_595 = vector.broadcast %add3A_594 : i32 to vector<16xi32>
        %add3A_596 = arith.addi %add3A_532, %add3A_595 : vector<16xi32>
        %gather3A_597 = tpu.vector_load_idx %arg11[%add3A_596] masked %ge3A_218 : memref<24576xf32, #tpu.memory_space<vmem>>[vector<16xi32>], vector<16xf32>, vector<16xi1>
        %add3A_598 = vector.broadcast %squeeze3A_587 : i32 to vector<16xi32>
        %add3A_599 = arith.addi %add3A_598, %add3A_358 : vector<16xi32>
        tpu.vector_store_idx %arg9[%add3A_599], %gather3A_597 masked %ge3A_218 {add = true} : memref<8432xf32, #tpu.memory_space<vmem>>[vector<16xi32>], vector<16xf32>, vector<16xi1>
        %slice3A_600 = vector.extract_strided_slice %mul3A_474 {offsets = [5], sizes = [1], strides = [1]} : vector<16xi32> to vector<1xi32>
        %squeeze3A_601 = vector.extract %slice3A_600[0] : i32 from vector<1xi32>
        %add3A_602 = arith.constant 5 : i32
        %add3A_603 = vector.broadcast %add3A_602 : i32 to vector<16xi32>
        %add3A_604 = arith.addi %add3A_530, %add3A_603 : vector<16xi32>
        %gather3A_605 = tpu.vector_load_idx %arg11[%add3A_604] : memref<24576xf32, #tpu.memory_space<vmem>>[vector<16xi32>], vector<16xf32>,
        %add3A_606 = vector.broadcast %squeeze3A_601 : i32 to vector<16xi32>
        %add3A_607 = arith.addi %add3A_606, %iota3A_185 : vector<16xi32>
        tpu.vector_store_idx %arg9[%add3A_607], %gather3A_605 {add = true} : memref<8432xf32, #tpu.memory_space<vmem>>[vector<16xi32>], vector<16xf32>,
        %add3A_608 = arith.constant 5 : i32
        %add3A_609 = vector.broadcast %add3A_608 : i32 to vector<16xi32>
        %add3A_610 = arith.addi %add3A_532, %add3A_609 : vector<16xi32>
        %gather3A_611 = tpu.vector_load_idx %arg11[%add3A_610] masked %ge3A_218 : memref<24576xf32, #tpu.memory_space<vmem>>[vector<16xi32>], vector<16xf32>, vector<16xi1>
        %add3A_612 = vector.broadcast %squeeze3A_601 : i32 to vector<16xi32>
        %add3A_613 = arith.addi %add3A_612, %add3A_358 : vector<16xi32>
        tpu.vector_store_idx %arg9[%add3A_613], %gather3A_611 masked %ge3A_218 {add = true} : memref<8432xf32, #tpu.memory_space<vmem>>[vector<16xi32>], vector<16xf32>, vector<16xi1>
        %slice3A_614 = vector.extract_strided_slice %mul3A_474 {offsets = [6], sizes = [1], strides = [1]} : vector<16xi32> to vector<1xi32>
        %squeeze3A_615 = vector.extract %slice3A_614[0] : i32 from vector<1xi32>
        %add3A_616 = arith.constant 6 : i32
        %add3A_617 = vector.broadcast %add3A_616 : i32 to vector<16xi32>
        %add3A_618 = arith.addi %add3A_530, %add3A_617 : vector<16xi32>
        %gather3A_619 = tpu.vector_load_idx %arg11[%add3A_618] : memref<24576xf32, #tpu.memory_space<vmem>>[vector<16xi32>], vector<16xf32>,
        %add3A_620 = vector.broadcast %squeeze3A_615 : i32 to vector<16xi32>
        %add3A_621 = arith.addi %add3A_620, %iota3A_185 : vector<16xi32>
        tpu.vector_store_idx %arg9[%add3A_621], %gather3A_619 {add = true} : memref<8432xf32, #tpu.memory_space<vmem>>[vector<16xi32>], vector<16xf32>,
        %add3A_622 = arith.constant 6 : i32
        %add3A_623 = vector.broadcast %add3A_622 : i32 to vector<16xi32>
        %add3A_624 = arith.addi %add3A_532, %add3A_623 : vector<16xi32>
        %gather3A_625 = tpu.vector_load_idx %arg11[%add3A_624] masked %ge3A_218 : memref<24576xf32, #tpu.memory_space<vmem>>[vector<16xi32>], vector<16xf32>, vector<16xi1>
        %add3A_626 = vector.broadcast %squeeze3A_615 : i32 to vector<16xi32>
        %add3A_627 = arith.addi %add3A_626, %add3A_358 : vector<16xi32>
        tpu.vector_store_idx %arg9[%add3A_627], %gather3A_625 masked %ge3A_218 {add = true} : memref<8432xf32, #tpu.memory_space<vmem>>[vector<16xi32>], vector<16xf32>, vector<16xi1>
        %slice3A_628 = vector.extract_strided_slice %mul3A_474 {offsets = [7], sizes = [1], strides = [1]} : vector<16xi32> to vector<1xi32>
        %squeeze3A_629 = vector.extract %slice3A_628[0] : i32 from vector<1xi32>
        %add3A_630 = arith.constant 7 : i32
        %add3A_631 = vector.broadcast %add3A_630 : i32 to vector<16xi32>
        %add3A_632 = arith.addi %add3A_530, %add3A_631 : vector<16xi32>
        %gather3A_633 = tpu.vector_load_idx %arg11[%add3A_632] : memref<24576xf32, #tpu.memory_space<vmem>>[vector<16xi32>], vector<16xf32>,
        %add3A_634 = vector.broadcast %squeeze3A_629 : i32 to vector<16xi32>
        %add3A_635 = arith.addi %add3A_634, %iota3A_185 : vector<16xi32>
        tpu.vector_store_idx %arg9[%add3A_635], %gather3A_633 {add = true} : memref<8432xf32, #tpu.memory_space<vmem>>[vector<16xi32>], vector<16xf32>,
        %add3A_636 = arith.constant 7 : i32
        %add3A_637 = vector.broadcast %add3A_636 : i32 to vector<16xi32>
        %add3A_638 = arith.addi %add3A_532, %add3A_637 : vector<16xi32>
        %gather3A_639 = tpu.vector_load_idx %arg11[%add3A_638] masked %ge3A_218 : memref<24576xf32, #tpu.memory_space<vmem>>[vector<16xi32>], vector<16xf32>, vector<16xi1>
        %add3A_640 = vector.broadcast %squeeze3A_629 : i32 to vector<16xi32>
        %add3A_641 = arith.addi %add3A_640, %add3A_358 : vector<16xi32>
        tpu.vector_store_idx %arg9[%add3A_641], %gather3A_639 masked %ge3A_218 {add = true} : memref<8432xf32, #tpu.memory_space<vmem>>[vector<16xi32>], vector<16xf32>, vector<16xi1>
        %slice3A_642 = vector.extract_strided_slice %mul3A_474 {offsets = [8], sizes = [1], strides = [1]} : vector<16xi32> to vector<1xi32>
        %squeeze3A_643 = vector.extract %slice3A_642[0] : i32 from vector<1xi32>
        %add3A_644 = arith.constant 8 : i32
        %add3A_645 = vector.broadcast %add3A_644 : i32 to vector<16xi32>
        %add3A_646 = arith.addi %add3A_530, %add3A_645 : vector<16xi32>
        %gather3A_647 = tpu.vector_load_idx %arg11[%add3A_646] : memref<24576xf32, #tpu.memory_space<vmem>>[vector<16xi32>], vector<16xf32>,
        %add3A_648 = vector.broadcast %squeeze3A_643 : i32 to vector<16xi32>
        %add3A_649 = arith.addi %add3A_648, %iota3A_185 : vector<16xi32>
        tpu.vector_store_idx %arg9[%add3A_649], %gather3A_647 {add = true} : memref<8432xf32, #tpu.memory_space<vmem>>[vector<16xi32>], vector<16xf32>,
        %add3A_650 = arith.constant 8 : i32
        %add3A_651 = vector.broadcast %add3A_650 : i32 to vector<16xi32>
        %add3A_652 = arith.addi %add3A_532, %add3A_651 : vector<16xi32>
        %gather3A_653 = tpu.vector_load_idx %arg11[%add3A_652] masked %ge3A_218 : memref<24576xf32, #tpu.memory_space<vmem>>[vector<16xi32>], vector<16xf32>, vector<16xi1>
        %add3A_654 = vector.broadcast %squeeze3A_643 : i32 to vector<16xi32>
        %add3A_655 = arith.addi %add3A_654, %add3A_358 : vector<16xi32>
        tpu.vector_store_idx %arg9[%add3A_655], %gather3A_653 masked %ge3A_218 {add = true} : memref<8432xf32, #tpu.memory_space<vmem>>[vector<16xi32>], vector<16xf32>, vector<16xi1>
        %slice3A_656 = vector.extract_strided_slice %mul3A_474 {offsets = [9], sizes = [1], strides = [1]} : vector<16xi32> to vector<1xi32>
        %squeeze3A_657 = vector.extract %slice3A_656[0] : i32 from vector<1xi32>
        %add3A_658 = arith.constant 9 : i32
        %add3A_659 = vector.broadcast %add3A_658 : i32 to vector<16xi32>
        %add3A_660 = arith.addi %add3A_530, %add3A_659 : vector<16xi32>
        %gather3A_661 = tpu.vector_load_idx %arg11[%add3A_660] : memref<24576xf32, #tpu.memory_space<vmem>>[vector<16xi32>], vector<16xf32>,
        %add3A_662 = vector.broadcast %squeeze3A_657 : i32 to vector<16xi32>
        %add3A_663 = arith.addi %add3A_662, %iota3A_185 : vector<16xi32>
        tpu.vector_store_idx %arg9[%add3A_663], %gather3A_661 {add = true} : memref<8432xf32, #tpu.memory_space<vmem>>[vector<16xi32>], vector<16xf32>,
        %add3A_664 = arith.constant 9 : i32
        %add3A_665 = vector.broadcast %add3A_664 : i32 to vector<16xi32>
        %add3A_666 = arith.addi %add3A_532, %add3A_665 : vector<16xi32>
        %gather3A_667 = tpu.vector_load_idx %arg11[%add3A_666] masked %ge3A_218 : memref<24576xf32, #tpu.memory_space<vmem>>[vector<16xi32>], vector<16xf32>, vector<16xi1>
        %add3A_668 = vector.broadcast %squeeze3A_657 : i32 to vector<16xi32>
        %add3A_669 = arith.addi %add3A_668, %add3A_358 : vector<16xi32>
        tpu.vector_store_idx %arg9[%add3A_669], %gather3A_667 masked %ge3A_218 {add = true} : memref<8432xf32, #tpu.memory_space<vmem>>[vector<16xi32>], vector<16xf32>, vector<16xi1>
        %slice3A_670 = vector.extract_strided_slice %mul3A_474 {offsets = [10], sizes = [1], strides = [1]} : vector<16xi32> to vector<1xi32>
        %squeeze3A_671 = vector.extract %slice3A_670[0] : i32 from vector<1xi32>
        %add3A_672 = arith.constant 10 : i32
        %add3A_673 = vector.broadcast %add3A_672 : i32 to vector<16xi32>
        %add3A_674 = arith.addi %add3A_530, %add3A_673 : vector<16xi32>
        %gather3A_675 = tpu.vector_load_idx %arg11[%add3A_674] : memref<24576xf32, #tpu.memory_space<vmem>>[vector<16xi32>], vector<16xf32>,
        %add3A_676 = vector.broadcast %squeeze3A_671 : i32 to vector<16xi32>
        %add3A_677 = arith.addi %add3A_676, %iota3A_185 : vector<16xi32>
        tpu.vector_store_idx %arg9[%add3A_677], %gather3A_675 {add = true} : memref<8432xf32, #tpu.memory_space<vmem>>[vector<16xi32>], vector<16xf32>,
        %add3A_678 = arith.constant 10 : i32
        %add3A_679 = vector.broadcast %add3A_678 : i32 to vector<16xi32>
        %add3A_680 = arith.addi %add3A_532, %add3A_679 : vector<16xi32>
        %gather3A_681 = tpu.vector_load_idx %arg11[%add3A_680] masked %ge3A_218 : memref<24576xf32, #tpu.memory_space<vmem>>[vector<16xi32>], vector<16xf32>, vector<16xi1>
        %add3A_682 = vector.broadcast %squeeze3A_671 : i32 to vector<16xi32>
        %add3A_683 = arith.addi %add3A_682, %add3A_358 : vector<16xi32>
        tpu.vector_store_idx %arg9[%add3A_683], %gather3A_681 masked %ge3A_218 {add = true} : memref<8432xf32, #tpu.memory_space<vmem>>[vector<16xi32>], vector<16xf32>, vector<16xi1>
        %slice3A_684 = vector.extract_strided_slice %mul3A_474 {offsets = [11], sizes = [1], strides = [1]} : vector<16xi32> to vector<1xi32>
        %squeeze3A_685 = vector.extract %slice3A_684[0] : i32 from vector<1xi32>
        %add3A_686 = arith.constant 11 : i32
        %add3A_687 = vector.broadcast %add3A_686 : i32 to vector<16xi32>
        %add3A_688 = arith.addi %add3A_530, %add3A_687 : vector<16xi32>
        %gather3A_689 = tpu.vector_load_idx %arg11[%add3A_688] : memref<24576xf32, #tpu.memory_space<vmem>>[vector<16xi32>], vector<16xf32>,
        %add3A_690 = vector.broadcast %squeeze3A_685 : i32 to vector<16xi32>
        %add3A_691 = arith.addi %add3A_690, %iota3A_185 : vector<16xi32>
        tpu.vector_store_idx %arg9[%add3A_691], %gather3A_689 {add = true} : memref<8432xf32, #tpu.memory_space<vmem>>[vector<16xi32>], vector<16xf32>,
        %add3A_692 = arith.constant 11 : i32
        %add3A_693 = vector.broadcast %add3A_692 : i32 to vector<16xi32>
        %add3A_694 = arith.addi %add3A_532, %add3A_693 : vector<16xi32>
        %gather3A_695 = tpu.vector_load_idx %arg11[%add3A_694] masked %ge3A_218 : memref<24576xf32, #tpu.memory_space<vmem>>[vector<16xi32>], vector<16xf32>, vector<16xi1>
        %add3A_696 = vector.broadcast %squeeze3A_685 : i32 to vector<16xi32>
        %add3A_697 = arith.addi %add3A_696, %add3A_358 : vector<16xi32>
        tpu.vector_store_idx %arg9[%add3A_697], %gather3A_695 masked %ge3A_218 {add = true} : memref<8432xf32, #tpu.memory_space<vmem>>[vector<16xi32>], vector<16xf32>, vector<16xi1>
        %slice3A_698 = vector.extract_strided_slice %mul3A_474 {offsets = [12], sizes = [1], strides = [1]} : vector<16xi32> to vector<1xi32>
        %squeeze3A_699 = vector.extract %slice3A_698[0] : i32 from vector<1xi32>
        %add3A_700 = arith.constant 12 : i32
        %add3A_701 = vector.broadcast %add3A_700 : i32 to vector<16xi32>
        %add3A_702 = arith.addi %add3A_530, %add3A_701 : vector<16xi32>
        %gather3A_703 = tpu.vector_load_idx %arg11[%add3A_702] : memref<24576xf32, #tpu.memory_space<vmem>>[vector<16xi32>], vector<16xf32>,
        %add3A_704 = vector.broadcast %squeeze3A_699 : i32 to vector<16xi32>
        %add3A_705 = arith.addi %add3A_704, %iota3A_185 : vector<16xi32>
        tpu.vector_store_idx %arg9[%add3A_705], %gather3A_703 {add = true} : memref<8432xf32, #tpu.memory_space<vmem>>[vector<16xi32>], vector<16xf32>,
        %add3A_706 = arith.constant 12 : i32
        %add3A_707 = vector.broadcast %add3A_706 : i32 to vector<16xi32>
        %add3A_708 = arith.addi %add3A_532, %add3A_707 : vector<16xi32>
        %gather3A_709 = tpu.vector_load_idx %arg11[%add3A_708] masked %ge3A_218 : memref<24576xf32, #tpu.memory_space<vmem>>[vector<16xi32>], vector<16xf32>, vector<16xi1>
        %add3A_710 = vector.broadcast %squeeze3A_699 : i32 to vector<16xi32>
        %add3A_711 = arith.addi %add3A_710, %add3A_358 : vector<16xi32>
        tpu.vector_store_idx %arg9[%add3A_711], %gather3A_709 masked %ge3A_218 {add = true} : memref<8432xf32, #tpu.memory_space<vmem>>[vector<16xi32>], vector<16xf32>, vector<16xi1>
        %slice3A_712 = vector.extract_strided_slice %mul3A_474 {offsets = [13], sizes = [1], strides = [1]} : vector<16xi32> to vector<1xi32>
        %squeeze3A_713 = vector.extract %slice3A_712[0] : i32 from vector<1xi32>
        %add3A_714 = arith.constant 13 : i32
        %add3A_715 = vector.broadcast %add3A_714 : i32 to vector<16xi32>
        %add3A_716 = arith.addi %add3A_530, %add3A_715 : vector<16xi32>
        %gather3A_717 = tpu.vector_load_idx %arg11[%add3A_716] : memref<24576xf32, #tpu.memory_space<vmem>>[vector<16xi32>], vector<16xf32>,
        %add3A_718 = vector.broadcast %squeeze3A_713 : i32 to vector<16xi32>
        %add3A_719 = arith.addi %add3A_718, %iota3A_185 : vector<16xi32>
        tpu.vector_store_idx %arg9[%add3A_719], %gather3A_717 {add = true} : memref<8432xf32, #tpu.memory_space<vmem>>[vector<16xi32>], vector<16xf32>,
        %add3A_720 = arith.constant 13 : i32
        %add3A_721 = vector.broadcast %add3A_720 : i32 to vector<16xi32>
        %add3A_722 = arith.addi %add3A_532, %add3A_721 : vector<16xi32>
        %gather3A_723 = tpu.vector_load_idx %arg11[%add3A_722] masked %ge3A_218 : memref<24576xf32, #tpu.memory_space<vmem>>[vector<16xi32>], vector<16xf32>, vector<16xi1>
        %add3A_724 = vector.broadcast %squeeze3A_713 : i32 to vector<16xi32>
        %add3A_725 = arith.addi %add3A_724, %add3A_358 : vector<16xi32>
        tpu.vector_store_idx %arg9[%add3A_725], %gather3A_723 masked %ge3A_218 {add = true} : memref<8432xf32, #tpu.memory_space<vmem>>[vector<16xi32>], vector<16xf32>, vector<16xi1>
        %slice3A_726 = vector.extract_strided_slice %mul3A_474 {offsets = [14], sizes = [1], strides = [1]} : vector<16xi32> to vector<1xi32>
        %squeeze3A_727 = vector.extract %slice3A_726[0] : i32 from vector<1xi32>
        %add3A_728 = arith.constant 14 : i32
        %add3A_729 = vector.broadcast %add3A_728 : i32 to vector<16xi32>
        %add3A_730 = arith.addi %add3A_530, %add3A_729 : vector<16xi32>
        %gather3A_731 = tpu.vector_load_idx %arg11[%add3A_730] : memref<24576xf32, #tpu.memory_space<vmem>>[vector<16xi32>], vector<16xf32>,
        %add3A_732 = vector.broadcast %squeeze3A_727 : i32 to vector<16xi32>
        %add3A_733 = arith.addi %add3A_732, %iota3A_185 : vector<16xi32>
        tpu.vector_store_idx %arg9[%add3A_733], %gather3A_731 {add = true} : memref<8432xf32, #tpu.memory_space<vmem>>[vector<16xi32>], vector<16xf32>,
        %add3A_734 = arith.constant 14 : i32
        %add3A_735 = vector.broadcast %add3A_734 : i32 to vector<16xi32>
        %add3A_736 = arith.addi %add3A_532, %add3A_735 : vector<16xi32>
        %gather3A_737 = tpu.vector_load_idx %arg11[%add3A_736] masked %ge3A_218 : memref<24576xf32, #tpu.memory_space<vmem>>[vector<16xi32>], vector<16xf32>, vector<16xi1>
        %add3A_738 = vector.broadcast %squeeze3A_727 : i32 to vector<16xi32>
        %add3A_739 = arith.addi %add3A_738, %add3A_358 : vector<16xi32>
        tpu.vector_store_idx %arg9[%add3A_739], %gather3A_737 masked %ge3A_218 {add = true} : memref<8432xf32, #tpu.memory_space<vmem>>[vector<16xi32>], vector<16xf32>, vector<16xi1>
        %slice3A_740 = vector.extract_strided_slice %mul3A_474 {offsets = [15], sizes = [1], strides = [1]} : vector<16xi32> to vector<1xi32>
        %squeeze3A_741 = vector.extract %slice3A_740[0] : i32 from vector<1xi32>
        %add3A_742 = arith.constant 15 : i32
        %add3A_743 = vector.broadcast %add3A_742 : i32 to vector<16xi32>
        %add3A_744 = arith.addi %add3A_530, %add3A_743 : vector<16xi32>
        %gather3A_745 = tpu.vector_load_idx %arg11[%add3A_744] : memref<24576xf32, #tpu.memory_space<vmem>>[vector<16xi32>], vector<16xf32>,
        %add3A_746 = vector.broadcast %squeeze3A_741 : i32 to vector<16xi32>
        %add3A_747 = arith.addi %add3A_746, %iota3A_185 : vector<16xi32>
        tpu.vector_store_idx %arg9[%add3A_747], %gather3A_745 {add = true} : memref<8432xf32, #tpu.memory_space<vmem>>[vector<16xi32>], vector<16xf32>,
        %add3A_748 = arith.constant 15 : i32
        %add3A_749 = vector.broadcast %add3A_748 : i32 to vector<16xi32>
        %add3A_750 = arith.addi %add3A_532, %add3A_749 : vector<16xi32>
        %gather3A_751 = tpu.vector_load_idx %arg11[%add3A_750] masked %ge3A_218 : memref<24576xf32, #tpu.memory_space<vmem>>[vector<16xi32>], vector<16xf32>, vector<16xi1>
        %add3A_752 = vector.broadcast %squeeze3A_741 : i32 to vector<16xi32>
        %add3A_753 = arith.addi %add3A_752, %add3A_358 : vector<16xi32>
        tpu.vector_store_idx %arg9[%add3A_753], %gather3A_751 masked %ge3A_218 {add = true} : memref<8432xf32, #tpu.memory_space<vmem>>[vector<16xi32>], vector<16xf32>, vector<16xi1>
        %broadcast_in_dim3A = arith.constant true
        %broadcast_in_dim3A_754 = vector.broadcast %broadcast_in_dim3A : i1 to vector<16xi1>
        %unique3A, %unique3A_755 = tpu.scan_count mask(%broadcast_in_dim3A_754 : vector<16xi1>) value(%mul3A_474 : vector<16xi32>) : vector<16xi1>, vector<16xi32>
        %convert_element_type3A_756 = arith.sitofp %unique3A_755 : vector<16xi32> to vector<16xf32>
        %add3A_757 = arith.constant 20 : i32
        %add3A_758 = vector.broadcast %add3A_757 : i32 to vector<16xi32>
        %add3A_759 = arith.addi %mul3A_474, %add3A_758 : vector<16xi32>
        tpu.vector_store_idx %arg9[%add3A_759], %convert_element_type3A_756 masked %unique3A {add = true} : memref<8432xf32, #tpu.memory_space<vmem>>[vector<16xi32>], vector<16xf32>, vector<16xi1>
      }
      %while3A_461 = arith.constant 1 : i32
      scf.for %while3A_462 = %while3A_459 to %while3A_455 step %while3A_461  : i32 {
        %mul3A_463 = arith.constant 16 : i32
        %mul3A_464 = arith.muli %while3A_462, %mul3A_463 : i32
        %add3A_465 = arith.addi %sub3A_393, %mul3A_464 : i32
        %get3A = arith.index_cast %add3A_465 : i32 to index
        %get3A_466 = tpu.vector_load %arg12[%get3A] {strides = array<i32>} : memref<1024xi32, #tpu.memory_space<vmem>>, vector<16xi32>,
        %sub3A_467 = vector.broadcast %mul3A_187 : i32 to vector<16xi32>
        %sub3A_468 = arith.subi %get3A_466, %sub3A_467 : vector<16xi32>
        %min3A_469 = arith.constant 400 : i32
        %min3A_470 = vector.broadcast %min3A_469 : i32 to vector<16xi32>
        %min3A_471 = arith.minui %sub3A_468, %min3A_470 : vector<16xi32>
        %mul3A_472 = arith.constant 21 : i32
        %mul3A_473 = vector.broadcast %mul3A_472 : i32 to vector<16xi32>
        %mul3A_474 = arith.muli %min3A_471, %mul3A_473 : vector<16xi32>
        %jit3A_475 = arith.constant 128 : i32
        %div3A_476 = arith.divsi %add3A_465, %jit3A_475 : i32
        %sign3A_477 = arith.constant 0 : i32
        %sign3A_478 = arith.cmpi sgt, %add3A_465, %sign3A_477 : i32
        %sign3A_479 = arith.extui %sign3A_478 : i1 to i32
        %sign3A_480 = arith.constant 0 : i32
        %sign3A_481 = arith.cmpi slt, %add3A_465, %sign3A_480 : i32
        %sign3A_482 = arith.extui %sign3A_481 : i1 to i32
        %sign3A_483 = arith.subi %sign3A_479, %sign3A_482 : i32
        %sign3A_484 = arith.constant 0 : i32
        %sign3A_485 = arith.cmpi sgt, %jit3A_475, %sign3A_484 : i32
        %sign3A_486 = arith.extui %sign3A_485 : i1 to i32
        %sign3A_487 = arith.constant 0 : i32
        %sign3A_488 = arith.cmpi slt, %jit3A_475, %sign3A_487 : i32
        %sign3A_489 = arith.extui %sign3A_488 : i1 to i32
        %sign3A_490 = arith.subi %sign3A_486, %sign3A_489 : i32
        %ne3A_491 = arith.cmpi ne, %sign3A_483, %sign3A_490 : i32
        %rem3A_492 = arith.remsi %add3A_465, %jit3A_475 : i32
        %ne3A_493 = arith.constant 0 : i32
        %ne3A_494 = arith.cmpi ne, %rem3A_492, %ne3A_493 : i32
        %and3A_495 = arith.andi %ne3A_491, %ne3A_494 : i1
        %sub3A_496 = arith.constant 1 : i32
        %sub3A_497 = arith.subi %div3A_476, %sub3A_496 : i32
        %select_n3A_498 = arith.select %and3A_495, %sub3A_497, %div3A_476 : i32
        %mul3A_499 = arith.constant 1024 : i32
        %mul3A_500 = arith.muli %select_n3A_498, %mul3A_499 : i32
        %jit3A_501 = arith.constant 128 : i32
        %div3A_502 = arith.divsi %add3A_465, %jit3A_501 : i32
        %sign3A_503 = arith.constant 0 : i32
        %sign3A_504 = arith.cmpi sgt, %add3A_465, %sign3A_503 : i32
        %sign3A_505 = arith.extui %sign3A_504 : i1 to i32
        %sign3A_506 = arith.constant 0 : i32
        %sign3A_507 = arith.cmpi slt, %add3A_465, %sign3A_506 : i32
        %sign3A_508 = arith.extui %sign3A_507 : i1 to i32
        %sign3A_509 = arith.subi %sign3A_505, %sign3A_508 : i32
        %sign3A_510 = arith.constant 0 : i32
        %sign3A_511 = arith.cmpi sgt, %jit3A_501, %sign3A_510 : i32
        %sign3A_512 = arith.extui %sign3A_511 : i1 to i32
        %sign3A_513 = arith.constant 0 : i32
        %sign3A_514 = arith.cmpi slt, %jit3A_501, %sign3A_513 : i32
        %sign3A_515 = arith.extui %sign3A_514 : i1 to i32
        %sign3A_516 = arith.subi %sign3A_512, %sign3A_515 : i32
        %ne3A_517 = arith.cmpi ne, %sign3A_509, %sign3A_516 : i32
        %rem3A_518 = arith.remsi %add3A_465, %jit3A_501 : i32
        %ne3A_519 = arith.constant 0 : i32
        %ne3A_520 = arith.cmpi ne, %rem3A_518, %ne3A_519 : i32
        %and3A_521 = arith.andi %ne3A_517, %ne3A_520 : i1
        %sub3A_522 = arith.constant 1 : i32
        %sub3A_523 = arith.subi %div3A_502, %sub3A_522 : i32
        %select_n3A_524 = arith.select %and3A_521, %sub3A_523, %div3A_502 : i32
        %mul3A_525 = arith.constant 128 : i32
        %mul3A_526 = arith.muli %select_n3A_524, %mul3A_525 : i32
        %sub3A_527 = arith.subi %add3A_465, %mul3A_526 : i32
        %add3A_528 = arith.addi %mul3A_500, %sub3A_527 : i32
        %add3A_529 = vector.broadcast %add3A_528 : i32 to vector<16xi32>
        %add3A_530 = arith.addi %add3A_346, %add3A_529 : vector<16xi32>
        %add3A_531 = vector.broadcast %add3A_528 : i32 to vector<16xi32>
        %add3A_532 = arith.addi %add3A_355, %add3A_531 : vector<16xi32>
        %slice3A = vector.extract_strided_slice %mul3A_474 {offsets = [0], sizes = [1], strides = [1]} : vector<16xi32> to vector<1xi32>
        %squeeze3A = vector.extract %slice3A[0] : i32 from vector<1xi32>
        %add3A_533 = arith.constant 0 : i32
        %add3A_534 = vector.broadcast %add3A_533 : i32 to vector<16xi32>
        %add3A_535 = arith.addi %add3A_530, %add3A_534 : vector<16xi32>
        %gather3A = tpu.vector_load_idx %arg11[%add3A_535] : memref<24576xf32, #tpu.memory_space<vmem>>[vector<16xi32>], vector<16xf32>,
        %add3A_536 = vector.broadcast %squeeze3A : i32 to vector<16xi32>
        %add3A_537 = arith.addi %add3A_536, %iota3A_185 : vector<16xi32>
        tpu.vector_store_idx %arg9[%add3A_537], %gather3A {add = true} : memref<8432xf32, #tpu.memory_space<vmem>>[vector<16xi32>], vector<16xf32>,
        %add3A_538 = arith.constant 0 : i32
        %add3A_539 = vector.broadcast %add3A_538 : i32 to vector<16xi32>
        %add3A_540 = arith.addi %add3A_532, %add3A_539 : vector<16xi32>
        %gather3A_541 = tpu.vector_load_idx %arg11[%add3A_540] masked %ge3A_218 : memref<24576xf32, #tpu.memory_space<vmem>>[vector<16xi32>], vector<16xf32>, vector<16xi1>
        %add3A_542 = vector.broadcast %squeeze3A : i32 to vector<16xi32>
        %add3A_543 = arith.addi %add3A_542, %add3A_358 : vector<16xi32>
        tpu.vector_store_idx %arg9[%add3A_543], %gather3A_541 masked %ge3A_218 {add = true} : memref<8432xf32, #tpu.memory_space<vmem>>[vector<16xi32>], vector<16xf32>, vector<16xi1>
        %slice3A_544 = vector.extract_strided_slice %mul3A_474 {offsets = [1], sizes = [1], strides = [1]} : vector<16xi32> to vector<1xi32>
        %squeeze3A_545 = vector.extract %slice3A_544[0] : i32 from vector<1xi32>
        %add3A_546 = arith.constant 1 : i32
        %add3A_547 = vector.broadcast %add3A_546 : i32 to vector<16xi32>
        %add3A_548 = arith.addi %add3A_530, %add3A_547 : vector<16xi32>
        %gather3A_549 = tpu.vector_load_idx %arg11[%add3A_548] : memref<24576xf32, #tpu.memory_space<vmem>>[vector<16xi32>], vector<16xf32>,
        %add3A_550 = vector.broadcast %squeeze3A_545 : i32 to vector<16xi32>
        %add3A_551 = arith.addi %add3A_550, %iota3A_185 : vector<16xi32>
        tpu.vector_store_idx %arg9[%add3A_551], %gather3A_549 {add = true} : memref<8432xf32, #tpu.memory_space<vmem>>[vector<16xi32>], vector<16xf32>,
        %add3A_552 = arith.constant 1 : i32
        %add3A_553 = vector.broadcast %add3A_552 : i32 to vector<16xi32>
        %add3A_554 = arith.addi %add3A_532, %add3A_553 : vector<16xi32>
        %gather3A_555 = tpu.vector_load_idx %arg11[%add3A_554] masked %ge3A_218 : memref<24576xf32, #tpu.memory_space<vmem>>[vector<16xi32>], vector<16xf32>, vector<16xi1>
        %add3A_556 = vector.broadcast %squeeze3A_545 : i32 to vector<16xi32>
        %add3A_557 = arith.addi %add3A_556, %add3A_358 : vector<16xi32>
        tpu.vector_store_idx %arg9[%add3A_557], %gather3A_555 masked %ge3A_218 {add = true} : memref<8432xf32, #tpu.memory_space<vmem>>[vector<16xi32>], vector<16xf32>, vector<16xi1>
        %slice3A_558 = vector.extract_strided_slice %mul3A_474 {offsets = [2], sizes = [1], strides = [1]} : vector<16xi32> to vector<1xi32>
        %squeeze3A_559 = vector.extract %slice3A_558[0] : i32 from vector<1xi32>
        %add3A_560 = arith.constant 2 : i32
        %add3A_561 = vector.broadcast %add3A_560 : i32 to vector<16xi32>
        %add3A_562 = arith.addi %add3A_530, %add3A_561 : vector<16xi32>
        %gather3A_563 = tpu.vector_load_idx %arg11[%add3A_562] : memref<24576xf32, #tpu.memory_space<vmem>>[vector<16xi32>], vector<16xf32>,
        %add3A_564 = vector.broadcast %squeeze3A_559 : i32 to vector<16xi32>
        %add3A_565 = arith.addi %add3A_564, %iota3A_185 : vector<16xi32>
        tpu.vector_store_idx %arg9[%add3A_565], %gather3A_563 {add = true} : memref<8432xf32, #tpu.memory_space<vmem>>[vector<16xi32>], vector<16xf32>,
        %add3A_566 = arith.constant 2 : i32
        %add3A_567 = vector.broadcast %add3A_566 : i32 to vector<16xi32>
        %add3A_568 = arith.addi %add3A_532, %add3A_567 : vector<16xi32>
        %gather3A_569 = tpu.vector_load_idx %arg11[%add3A_568] masked %ge3A_218 : memref<24576xf32, #tpu.memory_space<vmem>>[vector<16xi32>], vector<16xf32>, vector<16xi1>
        %add3A_570 = vector.broadcast %squeeze3A_559 : i32 to vector<16xi32>
        %add3A_571 = arith.addi %add3A_570, %add3A_358 : vector<16xi32>
        tpu.vector_store_idx %arg9[%add3A_571], %gather3A_569 masked %ge3A_218 {add = true} : memref<8432xf32, #tpu.memory_space<vmem>>[vector<16xi32>], vector<16xf32>, vector<16xi1>
        %slice3A_572 = vector.extract_strided_slice %mul3A_474 {offsets = [3], sizes = [1], strides = [1]} : vector<16xi32> to vector<1xi32>
        %squeeze3A_573 = vector.extract %slice3A_572[0] : i32 from vector<1xi32>
        %add3A_574 = arith.constant 3 : i32
        %add3A_575 = vector.broadcast %add3A_574 : i32 to vector<16xi32>
        %add3A_576 = arith.addi %add3A_530, %add3A_575 : vector<16xi32>
        %gather3A_577 = tpu.vector_load_idx %arg11[%add3A_576] : memref<24576xf32, #tpu.memory_space<vmem>>[vector<16xi32>], vector<16xf32>,
        %add3A_578 = vector.broadcast %squeeze3A_573 : i32 to vector<16xi32>
        %add3A_579 = arith.addi %add3A_578, %iota3A_185 : vector<16xi32>
        tpu.vector_store_idx %arg9[%add3A_579], %gather3A_577 {add = true} : memref<8432xf32, #tpu.memory_space<vmem>>[vector<16xi32>], vector<16xf32>,
        %add3A_580 = arith.constant 3 : i32
        %add3A_581 = vector.broadcast %add3A_580 : i32 to vector<16xi32>
        %add3A_582 = arith.addi %add3A_532, %add3A_581 : vector<16xi32>
        %gather3A_583 = tpu.vector_load_idx %arg11[%add3A_582] masked %ge3A_218 : memref<24576xf32, #tpu.memory_space<vmem>>[vector<16xi32>], vector<16xf32>, vector<16xi1>
        %add3A_584 = vector.broadcast %squeeze3A_573 : i32 to vector<16xi32>
        %add3A_585 = arith.addi %add3A_584, %add3A_358 : vector<16xi32>
        tpu.vector_store_idx %arg9[%add3A_585], %gather3A_583 masked %ge3A_218 {add = true} : memref<8432xf32, #tpu.memory_space<vmem>>[vector<16xi32>], vector<16xf32>, vector<16xi1>
        %slice3A_586 = vector.extract_strided_slice %mul3A_474 {offsets = [4], sizes = [1], strides = [1]} : vector<16xi32> to vector<1xi32>
        %squeeze3A_587 = vector.extract %slice3A_586[0] : i32 from vector<1xi32>
        %add3A_588 = arith.constant 4 : i32
        %add3A_589 = vector.broadcast %add3A_588 : i32 to vector<16xi32>
        %add3A_590 = arith.addi %add3A_530, %add3A_589 : vector<16xi32>
        %gather3A_591 = tpu.vector_load_idx %arg11[%add3A_590] : memref<24576xf32, #tpu.memory_space<vmem>>[vector<16xi32>], vector<16xf32>,
        %add3A_592 = vector.broadcast %squeeze3A_587 : i32 to vector<16xi32>
        %add3A_593 = arith.addi %add3A_592, %iota3A_185 : vector<16xi32>
        tpu.vector_store_idx %arg9[%add3A_593], %gather3A_591 {add = true} : memref<8432xf32, #tpu.memory_space<vmem>>[vector<16xi32>], vector<16xf32>,
        %add3A_594 = arith.constant 4 : i32
        %add3A_595 = vector.broadcast %add3A_594 : i32 to vector<16xi32>
        %add3A_596 = arith.addi %add3A_532, %add3A_595 : vector<16xi32>
        %gather3A_597 = tpu.vector_load_idx %arg11[%add3A_596] masked %ge3A_218 : memref<24576xf32, #tpu.memory_space<vmem>>[vector<16xi32>], vector<16xf32>, vector<16xi1>
        %add3A_598 = vector.broadcast %squeeze3A_587 : i32 to vector<16xi32>
        %add3A_599 = arith.addi %add3A_598, %add3A_358 : vector<16xi32>
        tpu.vector_store_idx %arg9[%add3A_599], %gather3A_597 masked %ge3A_218 {add = true} : memref<8432xf32, #tpu.memory_space<vmem>>[vector<16xi32>], vector<16xf32>, vector<16xi1>
        %slice3A_600 = vector.extract_strided_slice %mul3A_474 {offsets = [5], sizes = [1], strides = [1]} : vector<16xi32> to vector<1xi32>
        %squeeze3A_601 = vector.extract %slice3A_600[0] : i32 from vector<1xi32>
        %add3A_602 = arith.constant 5 : i32
        %add3A_603 = vector.broadcast %add3A_602 : i32 to vector<16xi32>
        %add3A_604 = arith.addi %add3A_530, %add3A_603 : vector<16xi32>
        %gather3A_605 = tpu.vector_load_idx %arg11[%add3A_604] : memref<24576xf32, #tpu.memory_space<vmem>>[vector<16xi32>], vector<16xf32>,
        %add3A_606 = vector.broadcast %squeeze3A_601 : i32 to vector<16xi32>
        %add3A_607 = arith.addi %add3A_606, %iota3A_185 : vector<16xi32>
        tpu.vector_store_idx %arg9[%add3A_607], %gather3A_605 {add = true} : memref<8432xf32, #tpu.memory_space<vmem>>[vector<16xi32>], vector<16xf32>,
        %add3A_608 = arith.constant 5 : i32
        %add3A_609 = vector.broadcast %add3A_608 : i32 to vector<16xi32>
        %add3A_610 = arith.addi %add3A_532, %add3A_609 : vector<16xi32>
        %gather3A_611 = tpu.vector_load_idx %arg11[%add3A_610] masked %ge3A_218 : memref<24576xf32, #tpu.memory_space<vmem>>[vector<16xi32>], vector<16xf32>, vector<16xi1>
        %add3A_612 = vector.broadcast %squeeze3A_601 : i32 to vector<16xi32>
        %add3A_613 = arith.addi %add3A_612, %add3A_358 : vector<16xi32>
        tpu.vector_store_idx %arg9[%add3A_613], %gather3A_611 masked %ge3A_218 {add = true} : memref<8432xf32, #tpu.memory_space<vmem>>[vector<16xi32>], vector<16xf32>, vector<16xi1>
        %slice3A_614 = vector.extract_strided_slice %mul3A_474 {offsets = [6], sizes = [1], strides = [1]} : vector<16xi32> to vector<1xi32>
        %squeeze3A_615 = vector.extract %slice3A_614[0] : i32 from vector<1xi32>
        %add3A_616 = arith.constant 6 : i32
        %add3A_617 = vector.broadcast %add3A_616 : i32 to vector<16xi32>
        %add3A_618 = arith.addi %add3A_530, %add3A_617 : vector<16xi32>
        %gather3A_619 = tpu.vector_load_idx %arg11[%add3A_618] : memref<24576xf32, #tpu.memory_space<vmem>>[vector<16xi32>], vector<16xf32>,
        %add3A_620 = vector.broadcast %squeeze3A_615 : i32 to vector<16xi32>
        %add3A_621 = arith.addi %add3A_620, %iota3A_185 : vector<16xi32>
        tpu.vector_store_idx %arg9[%add3A_621], %gather3A_619 {add = true} : memref<8432xf32, #tpu.memory_space<vmem>>[vector<16xi32>], vector<16xf32>,
        %add3A_622 = arith.constant 6 : i32
        %add3A_623 = vector.broadcast %add3A_622 : i32 to vector<16xi32>
        %add3A_624 = arith.addi %add3A_532, %add3A_623 : vector<16xi32>
        %gather3A_625 = tpu.vector_load_idx %arg11[%add3A_624] masked %ge3A_218 : memref<24576xf32, #tpu.memory_space<vmem>>[vector<16xi32>], vector<16xf32>, vector<16xi1>
        %add3A_626 = vector.broadcast %squeeze3A_615 : i32 to vector<16xi32>
        %add3A_627 = arith.addi %add3A_626, %add3A_358 : vector<16xi32>
        tpu.vector_store_idx %arg9[%add3A_627], %gather3A_625 masked %ge3A_218 {add = true} : memref<8432xf32, #tpu.memory_space<vmem>>[vector<16xi32>], vector<16xf32>, vector<16xi1>
        %slice3A_628 = vector.extract_strided_slice %mul3A_474 {offsets = [7], sizes = [1], strides = [1]} : vector<16xi32> to vector<1xi32>
        %squeeze3A_629 = vector.extract %slice3A_628[0] : i32 from vector<1xi32>
        %add3A_630 = arith.constant 7 : i32
        %add3A_631 = vector.broadcast %add3A_630 : i32 to vector<16xi32>
        %add3A_632 = arith.addi %add3A_530, %add3A_631 : vector<16xi32>
        %gather3A_633 = tpu.vector_load_idx %arg11[%add3A_632] : memref<24576xf32, #tpu.memory_space<vmem>>[vector<16xi32>], vector<16xf32>,
        %add3A_634 = vector.broadcast %squeeze3A_629 : i32 to vector<16xi32>
        %add3A_635 = arith.addi %add3A_634, %iota3A_185 : vector<16xi32>
        tpu.vector_store_idx %arg9[%add3A_635], %gather3A_633 {add = true} : memref<8432xf32, #tpu.memory_space<vmem>>[vector<16xi32>], vector<16xf32>,
        %add3A_636 = arith.constant 7 : i32
        %add3A_637 = vector.broadcast %add3A_636 : i32 to vector<16xi32>
        %add3A_638 = arith.addi %add3A_532, %add3A_637 : vector<16xi32>
        %gather3A_639 = tpu.vector_load_idx %arg11[%add3A_638] masked %ge3A_218 : memref<24576xf32, #tpu.memory_space<vmem>>[vector<16xi32>], vector<16xf32>, vector<16xi1>
        %add3A_640 = vector.broadcast %squeeze3A_629 : i32 to vector<16xi32>
        %add3A_641 = arith.addi %add3A_640, %add3A_358 : vector<16xi32>
        tpu.vector_store_idx %arg9[%add3A_641], %gather3A_639 masked %ge3A_218 {add = true} : memref<8432xf32, #tpu.memory_space<vmem>>[vector<16xi32>], vector<16xf32>, vector<16xi1>
        %slice3A_642 = vector.extract_strided_slice %mul3A_474 {offsets = [8], sizes = [1], strides = [1]} : vector<16xi32> to vector<1xi32>
        %squeeze3A_643 = vector.extract %slice3A_642[0] : i32 from vector<1xi32>
        %add3A_644 = arith.constant 8 : i32
        %add3A_645 = vector.broadcast %add3A_644 : i32 to vector<16xi32>
        %add3A_646 = arith.addi %add3A_530, %add3A_645 : vector<16xi32>
        %gather3A_647 = tpu.vector_load_idx %arg11[%add3A_646] : memref<24576xf32, #tpu.memory_space<vmem>>[vector<16xi32>], vector<16xf32>,
        %add3A_648 = vector.broadcast %squeeze3A_643 : i32 to vector<16xi32>
        %add3A_649 = arith.addi %add3A_648, %iota3A_185 : vector<16xi32>
        tpu.vector_store_idx %arg9[%add3A_649], %gather3A_647 {add = true} : memref<8432xf32, #tpu.memory_space<vmem>>[vector<16xi32>], vector<16xf32>,
        %add3A_650 = arith.constant 8 : i32
        %add3A_651 = vector.broadcast %add3A_650 : i32 to vector<16xi32>
        %add3A_652 = arith.addi %add3A_532, %add3A_651 : vector<16xi32>
        %gather3A_653 = tpu.vector_load_idx %arg11[%add3A_652] masked %ge3A_218 : memref<24576xf32, #tpu.memory_space<vmem>>[vector<16xi32>], vector<16xf32>, vector<16xi1>
        %add3A_654 = vector.broadcast %squeeze3A_643 : i32 to vector<16xi32>
        %add3A_655 = arith.addi %add3A_654, %add3A_358 : vector<16xi32>
        tpu.vector_store_idx %arg9[%add3A_655], %gather3A_653 masked %ge3A_218 {add = true} : memref<8432xf32, #tpu.memory_space<vmem>>[vector<16xi32>], vector<16xf32>, vector<16xi1>
        %slice3A_656 = vector.extract_strided_slice %mul3A_474 {offsets = [9], sizes = [1], strides = [1]} : vector<16xi32> to vector<1xi32>
        %squeeze3A_657 = vector.extract %slice3A_656[0] : i32 from vector<1xi32>
        %add3A_658 = arith.constant 9 : i32
        %add3A_659 = vector.broadcast %add3A_658 : i32 to vector<16xi32>
        %add3A_660 = arith.addi %add3A_530, %add3A_659 : vector<16xi32>
        %gather3A_661 = tpu.vector_load_idx %arg11[%add3A_660] : memref<24576xf32, #tpu.memory_space<vmem>>[vector<16xi32>], vector<16xf32>,
        %add3A_662 = vector.broadcast %squeeze3A_657 : i32 to vector<16xi32>
        %add3A_663 = arith.addi %add3A_662, %iota3A_185 : vector<16xi32>
        tpu.vector_store_idx %arg9[%add3A_663], %gather3A_661 {add = true} : memref<8432xf32, #tpu.memory_space<vmem>>[vector<16xi32>], vector<16xf32>,
        %add3A_664 = arith.constant 9 : i32
        %add3A_665 = vector.broadcast %add3A_664 : i32 to vector<16xi32>
        %add3A_666 = arith.addi %add3A_532, %add3A_665 : vector<16xi32>
        %gather3A_667 = tpu.vector_load_idx %arg11[%add3A_666] masked %ge3A_218 : memref<24576xf32, #tpu.memory_space<vmem>>[vector<16xi32>], vector<16xf32>, vector<16xi1>
        %add3A_668 = vector.broadcast %squeeze3A_657 : i32 to vector<16xi32>
        %add3A_669 = arith.addi %add3A_668, %add3A_358 : vector<16xi32>
        tpu.vector_store_idx %arg9[%add3A_669], %gather3A_667 masked %ge3A_218 {add = true} : memref<8432xf32, #tpu.memory_space<vmem>>[vector<16xi32>], vector<16xf32>, vector<16xi1>
        %slice3A_670 = vector.extract_strided_slice %mul3A_474 {offsets = [10], sizes = [1], strides = [1]} : vector<16xi32> to vector<1xi32>
        %squeeze3A_671 = vector.extract %slice3A_670[0] : i32 from vector<1xi32>
        %add3A_672 = arith.constant 10 : i32
        %add3A_673 = vector.broadcast %add3A_672 : i32 to vector<16xi32>
        %add3A_674 = arith.addi %add3A_530, %add3A_673 : vector<16xi32>
        %gather3A_675 = tpu.vector_load_idx %arg11[%add3A_674] : memref<24576xf32, #tpu.memory_space<vmem>>[vector<16xi32>], vector<16xf32>,
        %add3A_676 = vector.broadcast %squeeze3A_671 : i32 to vector<16xi32>
        %add3A_677 = arith.addi %add3A_676, %iota3A_185 : vector<16xi32>
        tpu.vector_store_idx %arg9[%add3A_677], %gather3A_675 {add = true} : memref<8432xf32, #tpu.memory_space<vmem>>[vector<16xi32>], vector<16xf32>,
        %add3A_678 = arith.constant 10 : i32
        %add3A_679 = vector.broadcast %add3A_678 : i32 to vector<16xi32>
        %add3A_680 = arith.addi %add3A_532, %add3A_679 : vector<16xi32>
        %gather3A_681 = tpu.vector_load_idx %arg11[%add3A_680] masked %ge3A_218 : memref<24576xf32, #tpu.memory_space<vmem>>[vector<16xi32>], vector<16xf32>, vector<16xi1>
        %add3A_682 = vector.broadcast %squeeze3A_671 : i32 to vector<16xi32>
        %add3A_683 = arith.addi %add3A_682, %add3A_358 : vector<16xi32>
        tpu.vector_store_idx %arg9[%add3A_683], %gather3A_681 masked %ge3A_218 {add = true} : memref<8432xf32, #tpu.memory_space<vmem>>[vector<16xi32>], vector<16xf32>, vector<16xi1>
        %slice3A_684 = vector.extract_strided_slice %mul3A_474 {offsets = [11], sizes = [1], strides = [1]} : vector<16xi32> to vector<1xi32>
        %squeeze3A_685 = vector.extract %slice3A_684[0] : i32 from vector<1xi32>
        %add3A_686 = arith.constant 11 : i32
        %add3A_687 = vector.broadcast %add3A_686 : i32 to vector<16xi32>
        %add3A_688 = arith.addi %add3A_530, %add3A_687 : vector<16xi32>
        %gather3A_689 = tpu.vector_load_idx %arg11[%add3A_688] : memref<24576xf32, #tpu.memory_space<vmem>>[vector<16xi32>], vector<16xf32>,
        %add3A_690 = vector.broadcast %squeeze3A_685 : i32 to vector<16xi32>
        %add3A_691 = arith.addi %add3A_690, %iota3A_185 : vector<16xi32>
        tpu.vector_store_idx %arg9[%add3A_691], %gather3A_689 {add = true} : memref<8432xf32, #tpu.memory_space<vmem>>[vector<16xi32>], vector<16xf32>,
        %add3A_692 = arith.constant 11 : i32
        %add3A_693 = vector.broadcast %add3A_692 : i32 to vector<16xi32>
        %add3A_694 = arith.addi %add3A_532, %add3A_693 : vector<16xi32>
        %gather3A_695 = tpu.vector_load_idx %arg11[%add3A_694] masked %ge3A_218 : memref<24576xf32, #tpu.memory_space<vmem>>[vector<16xi32>], vector<16xf32>, vector<16xi1>
        %add3A_696 = vector.broadcast %squeeze3A_685 : i32 to vector<16xi32>
        %add3A_697 = arith.addi %add3A_696, %add3A_358 : vector<16xi32>
        tpu.vector_store_idx %arg9[%add3A_697], %gather3A_695 masked %ge3A_218 {add = true} : memref<8432xf32, #tpu.memory_space<vmem>>[vector<16xi32>], vector<16xf32>, vector<16xi1>
        %slice3A_698 = vector.extract_strided_slice %mul3A_474 {offsets = [12], sizes = [1], strides = [1]} : vector<16xi32> to vector<1xi32>
        %squeeze3A_699 = vector.extract %slice3A_698[0] : i32 from vector<1xi32>
        %add3A_700 = arith.constant 12 : i32
        %add3A_701 = vector.broadcast %add3A_700 : i32 to vector<16xi32>
        %add3A_702 = arith.addi %add3A_530, %add3A_701 : vector<16xi32>
        %gather3A_703 = tpu.vector_load_idx %arg11[%add3A_702] : memref<24576xf32, #tpu.memory_space<vmem>>[vector<16xi32>], vector<16xf32>,
        %add3A_704 = vector.broadcast %squeeze3A_699 : i32 to vector<16xi32>
        %add3A_705 = arith.addi %add3A_704, %iota3A_185 : vector<16xi32>
        tpu.vector_store_idx %arg9[%add3A_705], %gather3A_703 {add = true} : memref<8432xf32, #tpu.memory_space<vmem>>[vector<16xi32>], vector<16xf32>,
        %add3A_706 = arith.constant 12 : i32
        %add3A_707 = vector.broadcast %add3A_706 : i32 to vector<16xi32>
        %add3A_708 = arith.addi %add3A_532, %add3A_707 : vector<16xi32>
        %gather3A_709 = tpu.vector_load_idx %arg11[%add3A_708] masked %ge3A_218 : memref<24576xf32, #tpu.memory_space<vmem>>[vector<16xi32>], vector<16xf32>, vector<16xi1>
        %add3A_710 = vector.broadcast %squeeze3A_699 : i32 to vector<16xi32>
        %add3A_711 = arith.addi %add3A_710, %add3A_358 : vector<16xi32>
        tpu.vector_store_idx %arg9[%add3A_711], %gather3A_709 masked %ge3A_218 {add = true} : memref<8432xf32, #tpu.memory_space<vmem>>[vector<16xi32>], vector<16xf32>, vector<16xi1>
        %slice3A_712 = vector.extract_strided_slice %mul3A_474 {offsets = [13], sizes = [1], strides = [1]} : vector<16xi32> to vector<1xi32>
        %squeeze3A_713 = vector.extract %slice3A_712[0] : i32 from vector<1xi32>
        %add3A_714 = arith.constant 13 : i32
        %add3A_715 = vector.broadcast %add3A_714 : i32 to vector<16xi32>
        %add3A_716 = arith.addi %add3A_530, %add3A_715 : vector<16xi32>
        %gather3A_717 = tpu.vector_load_idx %arg11[%add3A_716] : memref<24576xf32, #tpu.memory_space<vmem>>[vector<16xi32>], vector<16xf32>,
        %add3A_718 = vector.broadcast %squeeze3A_713 : i32 to vector<16xi32>
        %add3A_719 = arith.addi %add3A_718, %iota3A_185 : vector<16xi32>
        tpu.vector_store_idx %arg9[%add3A_719], %gather3A_717 {add = true} : memref<8432xf32, #tpu.memory_space<vmem>>[vector<16xi32>], vector<16xf32>,
        %add3A_720 = arith.constant 13 : i32
        %add3A_721 = vector.broadcast %add3A_720 : i32 to vector<16xi32>
        %add3A_722 = arith.addi %add3A_532, %add3A_721 : vector<16xi32>
        %gather3A_723 = tpu.vector_load_idx %arg11[%add3A_722] masked %ge3A_218 : memref<24576xf32, #tpu.memory_space<vmem>>[vector<16xi32>], vector<16xf32>, vector<16xi1>
        %add3A_724 = vector.broadcast %squeeze3A_713 : i32 to vector<16xi32>
        %add3A_725 = arith.addi %add3A_724, %add3A_358 : vector<16xi32>
        tpu.vector_store_idx %arg9[%add3A_725], %gather3A_723 masked %ge3A_218 {add = true} : memref<8432xf32, #tpu.memory_space<vmem>>[vector<16xi32>], vector<16xf32>, vector<16xi1>
        %slice3A_726 = vector.extract_strided_slice %mul3A_474 {offsets = [14], sizes = [1], strides = [1]} : vector<16xi32> to vector<1xi32>
        %squeeze3A_727 = vector.extract %slice3A_726[0] : i32 from vector<1xi32>
        %add3A_728 = arith.constant 14 : i32
        %add3A_729 = vector.broadcast %add3A_728 : i32 to vector<16xi32>
        %add3A_730 = arith.addi %add3A_530, %add3A_729 : vector<16xi32>
        %gather3A_731 = tpu.vector_load_idx %arg11[%add3A_730] : memref<24576xf32, #tpu.memory_space<vmem>>[vector<16xi32>], vector<16xf32>,
        %add3A_732 = vector.broadcast %squeeze3A_727 : i32 to vector<16xi32>
        %add3A_733 = arith.addi %add3A_732, %iota3A_185 : vector<16xi32>
        tpu.vector_store_idx %arg9[%add3A_733], %gather3A_731 {add = true} : memref<8432xf32, #tpu.memory_space<vmem>>[vector<16xi32>], vector<16xf32>,
        %add3A_734 = arith.constant 14 : i32
        %add3A_735 = vector.broadcast %add3A_734 : i32 to vector<16xi32>
        %add3A_736 = arith.addi %add3A_532, %add3A_735 : vector<16xi32>
        %gather3A_737 = tpu.vector_load_idx %arg11[%add3A_736] masked %ge3A_218 : memref<24576xf32, #tpu.memory_space<vmem>>[vector<16xi32>], vector<16xf32>, vector<16xi1>
        %add3A_738 = vector.broadcast %squeeze3A_727 : i32 to vector<16xi32>
        %add3A_739 = arith.addi %add3A_738, %add3A_358 : vector<16xi32>
        tpu.vector_store_idx %arg9[%add3A_739], %gather3A_737 masked %ge3A_218 {add = true} : memref<8432xf32, #tpu.memory_space<vmem>>[vector<16xi32>], vector<16xf32>, vector<16xi1>
        %slice3A_740 = vector.extract_strided_slice %mul3A_474 {offsets = [15], sizes = [1], strides = [1]} : vector<16xi32> to vector<1xi32>
        %squeeze3A_741 = vector.extract %slice3A_740[0] : i32 from vector<1xi32>
        %add3A_742 = arith.constant 15 : i32
        %add3A_743 = vector.broadcast %add3A_742 : i32 to vector<16xi32>
        %add3A_744 = arith.addi %add3A_530, %add3A_743 : vector<16xi32>
        %gather3A_745 = tpu.vector_load_idx %arg11[%add3A_744] : memref<24576xf32, #tpu.memory_space<vmem>>[vector<16xi32>], vector<16xf32>,
        %add3A_746 = vector.broadcast %squeeze3A_741 : i32 to vector<16xi32>
        %add3A_747 = arith.addi %add3A_746, %iota3A_185 : vector<16xi32>
        tpu.vector_store_idx %arg9[%add3A_747], %gather3A_745 {add = true} : memref<8432xf32, #tpu.memory_space<vmem>>[vector<16xi32>], vector<16xf32>,
        %add3A_748 = arith.constant 15 : i32
        %add3A_749 = vector.broadcast %add3A_748 : i32 to vector<16xi32>
        %add3A_750 = arith.addi %add3A_532, %add3A_749 : vector<16xi32>
        %gather3A_751 = tpu.vector_load_idx %arg11[%add3A_750] masked %ge3A_218 : memref<24576xf32, #tpu.memory_space<vmem>>[vector<16xi32>], vector<16xf32>, vector<16xi1>
        %add3A_752 = vector.broadcast %squeeze3A_741 : i32 to vector<16xi32>
        %add3A_753 = arith.addi %add3A_752, %add3A_358 : vector<16xi32>
        tpu.vector_store_idx %arg9[%add3A_753], %gather3A_751 masked %ge3A_218 {add = true} : memref<8432xf32, #tpu.memory_space<vmem>>[vector<16xi32>], vector<16xf32>, vector<16xi1>
        %broadcast_in_dim3A = arith.constant true
        %broadcast_in_dim3A_754 = vector.broadcast %broadcast_in_dim3A : i1 to vector<16xi1>
        %unique3A, %unique3A_755 = tpu.scan_count mask(%broadcast_in_dim3A_754 : vector<16xi1>) value(%mul3A_474 : vector<16xi32>) : vector<16xi1>, vector<16xi32>
        %convert_element_type3A_756 = arith.sitofp %unique3A_755 : vector<16xi32> to vector<16xf32>
        %add3A_757 = arith.constant 20 : i32
        %add3A_758 = vector.broadcast %add3A_757 : i32 to vector<16xi32>
        %add3A_759 = arith.addi %mul3A_474, %add3A_758 : vector<16xi32>
        tpu.vector_store_idx %arg9[%add3A_759], %convert_element_type3A_756 masked %unique3A {add = true} : memref<8432xf32, #tpu.memory_space<vmem>>[vector<16xi32>], vector<16xf32>, vector<16xi1>
      }
    }
    %while3A_368 = arith.constant 1 : i32
    scf.for %while3A_388 = %while3A_366 to %while3A_362 step %while3A_368  : i32 {
      %mul3A_389 = arith.constant 1024 : i32
      %mul3A_390 = arith.muli %while3A_388, %mul3A_389 : i32
      %add3A_391 = arith.addi %mul3A_244, %mul3A_390 : i32
      %min3A = arith.constant 1598976 : i32
      %min3A_392 = arith.minsi %add3A_391, %min3A : i32
      %sub3A_393 = arith.subi %add3A_391, %min3A_392 : i32
      %jit3A_394 = arith.constant 128 : i32
      %div3A_395 = arith.divsi %min3A_392, %jit3A_394 : i32
      %sign3A_396 = arith.constant 0 : i32
      %sign3A_397 = arith.cmpi sgt, %min3A_392, %sign3A_396 : i32
      %sign3A_398 = arith.extui %sign3A_397 : i1 to i32
      %sign3A_399 = arith.constant 0 : i32
      %sign3A_400 = arith.cmpi slt, %min3A_392, %sign3A_399 : i32
      %sign3A_401 = arith.extui %sign3A_400 : i1 to i32
      %sign3A_402 = arith.subi %sign3A_398, %sign3A_401 : i32
      %sign3A_403 = arith.constant 0 : i32
      %sign3A_404 = arith.cmpi sgt, %jit3A_394, %sign3A_403 : i32
      %sign3A_405 = arith.extui %sign3A_404 : i1 to i32
      %sign3A_406 = arith.constant 0 : i32
      %sign3A_407 = arith.cmpi slt, %jit3A_394, %sign3A_406 : i32
      %sign3A_408 = arith.extui %sign3A_407 : i1 to i32
      %sign3A_409 = arith.subi %sign3A_405, %sign3A_408 : i32
      %ne3A_410 = arith.cmpi ne, %sign3A_402, %sign3A_409 : i32
      %rem3A_411 = arith.remsi %min3A_392, %jit3A_394 : i32
      %ne3A_412 = arith.constant 0 : i32
      %ne3A_413 = arith.cmpi ne, %rem3A_411, %ne3A_412 : i32
      %and3A_414 = arith.andi %ne3A_410, %ne3A_413 : i1
      %sub3A_415 = arith.constant 1 : i32
      %sub3A_416 = arith.subi %div3A_395, %sub3A_415 : i32
      %select_n3A_417 = arith.select %and3A_414, %sub3A_416, %div3A_395 : i32
      %mul3A_418 = arith.constant 1024 : i32
      %mul3A_419 = arith.muli %select_n3A_417, %mul3A_418 : i32
      %add3A_420 = arith.constant 0 : i32
      %add3A_421 = arith.addi %add3A_420, %mul3A_419 : i32
      "tpu.region"() ({
        %run_scoped3A = tpu.sem_alloc : memref<!tpu.dma_semaphore, #tpu.memory_space<semaphore_mem>>
        %dma_start3A = arith.constant 0 : i32
        %dma_start3A_462 = tpu.memref_slice %arg11[%dma_start3A] : memref<24576xf32, #tpu.memory_space<vmem>> -> memref<8192xf32, #tpu.memory_space<vmem>>
        %dma_start3A_463 = tpu.memref_slice %arg3[%add3A_421] : memref<38400000xf32, #tpu.memory_space<hbm>> -> memref<8192xf32, #tpu.memory_space<hbm>>
        %dma_start3A_464 = arith.constant 0 : i32
        %dma_start3A_465 = tpu.memref_slice %arg11[%dma_start3A_464] : memref<24576xf32, #tpu.memory_space<vmem>> -> memref<8192xf32, #tpu.memory_space<vmem>>
        %dma_start3A_466 = tpu.memref_slice %arg3[%add3A_421] : memref<38400000xf32, #tpu.memory_space<hbm>> -> memref<8192xf32, #tpu.memory_space<hbm>>
        tpu.enqueue_dma source(%dma_start3A_466 : memref<8192xf32, #tpu.memory_space<hbm>>) target(%dma_start3A_465 : memref<8192xf32, #tpu.memory_space<vmem>>) target_semaphore(%run_scoped3A : memref<!tpu.dma_semaphore, #tpu.memory_space<semaphore_mem>>)
        %dma_wait3A = arith.constant 0 : i32
        %dma_wait3A_467 = tpu.memref_slice %arg11[%dma_wait3A] : memref<24576xf32, #tpu.memory_space<vmem>> -> memref<8192xf32, #tpu.memory_space<vmem>>
        %dma_wait3A_468 = tpu.memref_slice %arg3[%add3A_421] : memref<38400000xf32, #tpu.memory_space<hbm>> -> memref<8192xf32, #tpu.memory_space<hbm>>
        %dma_wait3A_469 = arith.constant 0 : i32
        %dma_wait3A_470 = tpu.memref_slice %arg11[%dma_wait3A_469] : memref<24576xf32, #tpu.memory_space<vmem>> -> memref<8192xf32, #tpu.memory_space<vmem>>
        %dma_wait3A_471 = tpu.memref_slice %arg3[%add3A_421] : memref<38400000xf32, #tpu.memory_space<hbm>> -> memref<8192xf32, #tpu.memory_space<hbm>>
        tpu.wait_dma2 semaphore(%run_scoped3A : memref<!tpu.dma_semaphore, #tpu.memory_space<semaphore_mem>>) src(%dma_wait3A_471 : memref<8192xf32, #tpu.memory_space<hbm>>) dst(%dma_wait3A_470 : memref<8192xf32, #tpu.memory_space<vmem>>)
        tpu.yield
      }) : () -> ()
      %add3A_422 = arith.constant 12800000 : i32
      %add3A_423 = arith.addi %add3A_422, %mul3A_419 : i32
      "tpu.region"() ({
        %run_scoped3A = tpu.sem_alloc : memref<!tpu.dma_semaphore, #tpu.memory_space<semaphore_mem>>
        %dma_start3A = arith.constant 8192 : i32
        %dma_start3A_462 = tpu.memref_slice %arg11[%dma_start3A] : memref<24576xf32, #tpu.memory_space<vmem>> -> memref<8192xf32, #tpu.memory_space<vmem>>
        %dma_start3A_463 = tpu.memref_slice %arg3[%add3A_423] : memref<38400000xf32, #tpu.memory_space<hbm>> -> memref<8192xf32, #tpu.memory_space<hbm>>
        %dma_start3A_464 = arith.constant 8192 : i32
        %dma_start3A_465 = tpu.memref_slice %arg11[%dma_start3A_464] : memref<24576xf32, #tpu.memory_space<vmem>> -> memref<8192xf32, #tpu.memory_space<vmem>>
        %dma_start3A_466 = tpu.memref_slice %arg3[%add3A_423] : memref<38400000xf32, #tpu.memory_space<hbm>> -> memref<8192xf32, #tpu.memory_space<hbm>>
        tpu.enqueue_dma source(%dma_start3A_466 : memref<8192xf32, #tpu.memory_space<hbm>>) target(%dma_start3A_465 : memref<8192xf32, #tpu.memory_space<vmem>>) target_semaphore(%run_scoped3A : memref<!tpu.dma_semaphore, #tpu.memory_space<semaphore_mem>>)
        %dma_wait3A = arith.constant 8192 : i32
        %dma_wait3A_467 = tpu.memref_slice %arg11[%dma_wait3A] : memref<24576xf32, #tpu.memory_space<vmem>> -> memref<8192xf32, #tpu.memory_space<vmem>>
        %dma_wait3A_468 = tpu.memref_slice %arg3[%add3A_423] : memref<38400000xf32, #tpu.memory_space<hbm>> -> memref<8192xf32, #tpu.memory_space<hbm>>
        %dma_wait3A_469 = arith.constant 8192 : i32
        %dma_wait3A_470 = tpu.memref_slice %arg11[%dma_wait3A_469] : memref<24576xf32, #tpu.memory_space<vmem>> -> memref<8192xf32, #tpu.memory_space<vmem>>
        %dma_wait3A_471 = tpu.memref_slice %arg3[%add3A_423] : memref<38400000xf32, #tpu.memory_space<hbm>> -> memref<8192xf32, #tpu.memory_space<hbm>>
        tpu.wait_dma2 semaphore(%run_scoped3A : memref<!tpu.dma_semaphore, #tpu.memory_space<semaphore_mem>>) src(%dma_wait3A_471 : memref<8192xf32, #tpu.memory_space<hbm>>) dst(%dma_wait3A_470 : memref<8192xf32, #tpu.memory_space<vmem>>)
        tpu.yield
      }) : () -> ()
      %add3A_424 = arith.constant 25600000 : i32
      %add3A_425 = arith.addi %add3A_424, %mul3A_419 : i32
      "tpu.region"() ({
        %run_scoped3A = tpu.sem_alloc : memref<!tpu.dma_semaphore, #tpu.memory_space<semaphore_mem>>
        %dma_start3A = arith.constant 16384 : i32
        %dma_start3A_462 = tpu.memref_slice %arg11[%dma_start3A] : memref<24576xf32, #tpu.memory_space<vmem>> -> memref<8192xf32, #tpu.memory_space<vmem>>
        %dma_start3A_463 = tpu.memref_slice %arg3[%add3A_425] : memref<38400000xf32, #tpu.memory_space<hbm>> -> memref<8192xf32, #tpu.memory_space<hbm>>
        %dma_start3A_464 = arith.constant 16384 : i32
        %dma_start3A_465 = tpu.memref_slice %arg11[%dma_start3A_464] : memref<24576xf32, #tpu.memory_space<vmem>> -> memref<8192xf32, #tpu.memory_space<vmem>>
        %dma_start3A_466 = tpu.memref_slice %arg3[%add3A_425] : memref<38400000xf32, #tpu.memory_space<hbm>> -> memref<8192xf32, #tpu.memory_space<hbm>>
        tpu.enqueue_dma source(%dma_start3A_466 : memref<8192xf32, #tpu.memory_space<hbm>>) target(%dma_start3A_465 : memref<8192xf32, #tpu.memory_space<vmem>>) target_semaphore(%run_scoped3A : memref<!tpu.dma_semaphore, #tpu.memory_space<semaphore_mem>>)
        %dma_wait3A = arith.constant 16384 : i32
        %dma_wait3A_467 = tpu.memref_slice %arg11[%dma_wait3A] : memref<24576xf32, #tpu.memory_space<vmem>> -> memref<8192xf32, #tpu.memory_space<vmem>>
        %dma_wait3A_468 = tpu.memref_slice %arg3[%add3A_425] : memref<38400000xf32, #tpu.memory_space<hbm>> -> memref<8192xf32, #tpu.memory_space<hbm>>
        %dma_wait3A_469 = arith.constant 16384 : i32
        %dma_wait3A_470 = tpu.memref_slice %arg11[%dma_wait3A_469] : memref<24576xf32, #tpu.memory_space<vmem>> -> memref<8192xf32, #tpu.memory_space<vmem>>
        %dma_wait3A_471 = tpu.memref_slice %arg3[%add3A_425] : memref<38400000xf32, #tpu.memory_space<hbm>> -> memref<8192xf32, #tpu.memory_space<hbm>>
        tpu.wait_dma2 semaphore(%run_scoped3A : memref<!tpu.dma_semaphore, #tpu.memory_space<semaphore_mem>>) src(%dma_wait3A_471 : memref<8192xf32, #tpu.memory_space<hbm>>) dst(%dma_wait3A_470 : memref<8192xf32, #tpu.memory_space<vmem>>)
        tpu.yield
      }) : () -> ()
      "tpu.region"() ({
        %run_scoped3A = tpu.sem_alloc : memref<!tpu.dma_semaphore, #tpu.memory_space<semaphore_mem>>
        %dma_start3A = tpu.memref_slice %arg5[%min3A_392] : memref<1600000xi32, #tpu.memory_space<hbm>> -> memref<1024xi32, #tpu.memory_space<hbm>>
        %dma_start3A_462 = tpu.memref_slice %arg5[%min3A_392] : memref<1600000xi32, #tpu.memory_space<hbm>> -> memref<1024xi32, #tpu.memory_space<hbm>>
        tpu.enqueue_dma source(%dma_start3A_462 : memref<1024xi32, #tpu.memory_space<hbm>>) target(%arg12 : memref<1024xi32, #tpu.memory_space<vmem>>) target_semaphore(%run_scoped3A : memref<!tpu.dma_semaphore, #tpu.memory_space<semaphore_mem>>)
        %dma_wait3A = tpu.memref_slice %arg5[%min3A_392] : memref<1600000xi32, #tpu.memory_space<hbm>> -> memref<1024xi32, #tpu.memory_space<hbm>>
        %dma_wait3A_463 = tpu.memref_slice %arg5[%min3A_392] : memref<1600000xi32, #tpu.memory_space<hbm>> -> memref<1024xi32, #tpu.memory_space<hbm>>
        tpu.wait_dma2 semaphore(%run_scoped3A : memref<!tpu.dma_semaphore, #tpu.memory_space<semaphore_mem>>) src(%dma_wait3A_463 : memref<1024xi32, #tpu.memory_space<hbm>>) dst(%arg12 : memref<1024xi32, #tpu.memory_space<vmem>>)
        tpu.yield
      }) : () -> ()
      %sub3A_426 = arith.constant 1024 : i32
      %sub3A_427 = arith.subi %sub3A_426, %sub3A_393 : i32
      %jit3A_428 = arith.constant 16 : i32
      %div3A_429 = arith.divsi %sub3A_427, %jit3A_428 : i32
      %sign3A_430 = arith.constant 0 : i32
      %sign3A_431 = arith.cmpi sgt, %sub3A_427, %sign3A_430 : i32
      %sign3A_432 = arith.extui %sign3A_431 : i1 to i32
      %sign3A_433 = arith.constant 0 : i32
      %sign3A_434 = arith.cmpi slt, %sub3A_427, %sign3A_433 : i32
      %sign3A_435 = arith.extui %sign3A_434 : i1 to i32
      %sign3A_436 = arith.subi %sign3A_432, %sign3A_435 : i32
      %sign3A_437 = arith.constant 0 : i32
      %sign3A_438 = arith.cmpi sgt, %jit3A_428, %sign3A_437 : i32
      %sign3A_439 = arith.extui %sign3A_438 : i1 to i32
      %sign3A_440 = arith.constant 0 : i32
      %sign3A_441 = arith.cmpi slt, %jit3A_428, %sign3A_440 : i32
      %sign3A_442 = arith.extui %sign3A_441 : i1 to i32
      %sign3A_443 = arith.subi %sign3A_439, %sign3A_442 : i32
      %ne3A_444 = arith.cmpi ne, %sign3A_436, %sign3A_443 : i32
      %rem3A_445 = arith.remsi %sub3A_427, %jit3A_428 : i32
      %ne3A_446 = arith.constant 0 : i32
      %ne3A_447 = arith.cmpi ne, %rem3A_445, %ne3A_446 : i32
      %and3A_448 = arith.andi %ne3A_444, %ne3A_447 : i1
      %sub3A_449 = arith.constant 1 : i32
      %sub3A_450 = arith.subi %div3A_429, %sub3A_449 : i32
      %select_n3A_451 = arith.select %and3A_448, %sub3A_450, %div3A_429 : i32
      %while3A_452 = arith.constant 0 : i32
      %while3A_453 = arith.constant 0 : i32
      %while3A_454 = arith.subi %select_n3A_451, %while3A_453 : i32
      %while3A_455 = arith.addi %while3A_453, %while3A_454 : i32
      %while3A_456 = arith.constant 1 : i32
      %while3A_457 = arith.divsi %while3A_454, %while3A_456 : i32
      %while3A_458 = arith.muli %while3A_457, %while3A_456 : i32
      %while3A_459 = arith.addi %while3A_453, %while3A_458 : i32
      %while3A_460 = arith.constant 1 : i32
      scf.for %while3A_462 = %while3A_453 to %while3A_459 step %while3A_460  : i32 {
        %mul3A_463 = arith.constant 16 : i32
        %mul3A_464 = arith.muli %while3A_462, %mul3A_463 : i32
        %add3A_465 = arith.addi %sub3A_393, %mul3A_464 : i32
        %get3A = arith.index_cast %add3A_465 : i32 to index
        %get3A_466 = tpu.vector_load %arg12[%get3A] {strides = array<i32>} : memref<1024xi32, #tpu.memory_space<vmem>>, vector<16xi32>,
        %sub3A_467 = vector.broadcast %mul3A_187 : i32 to vector<16xi32>
        %sub3A_468 = arith.subi %get3A_466, %sub3A_467 : vector<16xi32>
        %min3A_469 = arith.constant 400 : i32
        %min3A_470 = vector.broadcast %min3A_469 : i32 to vector<16xi32>
        %min3A_471 = arith.minui %sub3A_468, %min3A_470 : vector<16xi32>
        %mul3A_472 = arith.constant 21 : i32
        %mul3A_473 = vector.broadcast %mul3A_472 : i32 to vector<16xi32>
        %mul3A_474 = arith.muli %min3A_471, %mul3A_473 : vector<16xi32>
        %jit3A_475 = arith.constant 128 : i32
        %div3A_476 = arith.divsi %add3A_465, %jit3A_475 : i32
        %sign3A_477 = arith.constant 0 : i32
        %sign3A_478 = arith.cmpi sgt, %add3A_465, %sign3A_477 : i32
        %sign3A_479 = arith.extui %sign3A_478 : i1 to i32
        %sign3A_480 = arith.constant 0 : i32
        %sign3A_481 = arith.cmpi slt, %add3A_465, %sign3A_480 : i32
        %sign3A_482 = arith.extui %sign3A_481 : i1 to i32
        %sign3A_483 = arith.subi %sign3A_479, %sign3A_482 : i32
        %sign3A_484 = arith.constant 0 : i32
        %sign3A_485 = arith.cmpi sgt, %jit3A_475, %sign3A_484 : i32
        %sign3A_486 = arith.extui %sign3A_485 : i1 to i32
        %sign3A_487 = arith.constant 0 : i32
        %sign3A_488 = arith.cmpi slt, %jit3A_475, %sign3A_487 : i32
        %sign3A_489 = arith.extui %sign3A_488 : i1 to i32
        %sign3A_490 = arith.subi %sign3A_486, %sign3A_489 : i32
        %ne3A_491 = arith.cmpi ne, %sign3A_483, %sign3A_490 : i32
        %rem3A_492 = arith.remsi %add3A_465, %jit3A_475 : i32
        %ne3A_493 = arith.constant 0 : i32
        %ne3A_494 = arith.cmpi ne, %rem3A_492, %ne3A_493 : i32
        %and3A_495 = arith.andi %ne3A_491, %ne3A_494 : i1
        %sub3A_496 = arith.constant 1 : i32
        %sub3A_497 = arith.subi %div3A_476, %sub3A_496 : i32
        %select_n3A_498 = arith.select %and3A_495, %sub3A_497, %div3A_476 : i32
        %mul3A_499 = arith.constant 1024 : i32
        %mul3A_500 = arith.muli %select_n3A_498, %mul3A_499 : i32
        %jit3A_501 = arith.constant 128 : i32
        %div3A_502 = arith.divsi %add3A_465, %jit3A_501 : i32
        %sign3A_503 = arith.constant 0 : i32
        %sign3A_504 = arith.cmpi sgt, %add3A_465, %sign3A_503 : i32
        %sign3A_505 = arith.extui %sign3A_504 : i1 to i32
        %sign3A_506 = arith.constant 0 : i32
        %sign3A_507 = arith.cmpi slt, %add3A_465, %sign3A_506 : i32
        %sign3A_508 = arith.extui %sign3A_507 : i1 to i32
        %sign3A_509 = arith.subi %sign3A_505, %sign3A_508 : i32
        %sign3A_510 = arith.constant 0 : i32
        %sign3A_511 = arith.cmpi sgt, %jit3A_501, %sign3A_510 : i32
        %sign3A_512 = arith.extui %sign3A_511 : i1 to i32
        %sign3A_513 = arith.constant 0 : i32
        %sign3A_514 = arith.cmpi slt, %jit3A_501, %sign3A_513 : i32
        %sign3A_515 = arith.extui %sign3A_514 : i1 to i32
        %sign3A_516 = arith.subi %sign3A_512, %sign3A_515 : i32
        %ne3A_517 = arith.cmpi ne, %sign3A_509, %sign3A_516 : i32
        %rem3A_518 = arith.remsi %add3A_465, %jit3A_501 : i32
        %ne3A_519 = arith.constant 0 : i32
        %ne3A_520 = arith.cmpi ne, %rem3A_518, %ne3A_519 : i32
        %and3A_521 = arith.andi %ne3A_517, %ne3A_520 : i1
        %sub3A_522 = arith.constant 1 : i32
        %sub3A_523 = arith.subi %div3A_502, %sub3A_522 : i32
        %select_n3A_524 = arith.select %and3A_521, %sub3A_523, %div3A_502 : i32
        %mul3A_525 = arith.constant 128 : i32
        %mul3A_526 = arith.muli %select_n3A_524, %mul3A_525 : i32
        %sub3A_527 = arith.subi %add3A_465, %mul3A_526 : i32
        %add3A_528 = arith.addi %mul3A_500, %sub3A_527 : i32
        %add3A_529 = vector.broadcast %add3A_528 : i32 to vector<16xi32>
        %add3A_530 = arith.addi %add3A_346, %add3A_529 : vector<16xi32>
        %add3A_531 = vector.broadcast %add3A_528 : i32 to vector<16xi32>
        %add3A_532 = arith.addi %add3A_355, %add3A_531 : vector<16xi32>
        %slice3A = vector.extract_strided_slice %mul3A_474 {offsets = [0], sizes = [1], strides = [1]} : vector<16xi32> to vector<1xi32>
        %squeeze3A = vector.extract %slice3A[0] : i32 from vector<1xi32>
        %add3A_533 = arith.constant 0 : i32
        %add3A_534 = vector.broadcast %add3A_533 : i32 to vector<16xi32>
        %add3A_535 = arith.addi %add3A_530, %add3A_534 : vector<16xi32>
        %gather3A = tpu.vector_load_idx %arg11[%add3A_535] : memref<24576xf32, #tpu.memory_space<vmem>>[vector<16xi32>], vector<16xf32>,
        %add3A_536 = vector.broadcast %squeeze3A : i32 to vector<16xi32>
        %add3A_537 = arith.addi %add3A_536, %iota3A_185 : vector<16xi32>
        tpu.vector_store_idx %arg9[%add3A_537], %gather3A {add = true} : memref<8432xf32, #tpu.memory_space<vmem>>[vector<16xi32>], vector<16xf32>,
        %add3A_538 = arith.constant 0 : i32
        %add3A_539 = vector.broadcast %add3A_538 : i32 to vector<16xi32>
        %add3A_540 = arith.addi %add3A_532, %add3A_539 : vector<16xi32>
        %gather3A_541 = tpu.vector_load_idx %arg11[%add3A_540] masked %ge3A_218 : memref<24576xf32, #tpu.memory_space<vmem>>[vector<16xi32>], vector<16xf32>, vector<16xi1>
        %add3A_542 = vector.broadcast %squeeze3A : i32 to vector<16xi32>
        %add3A_543 = arith.addi %add3A_542, %add3A_358 : vector<16xi32>
        tpu.vector_store_idx %arg9[%add3A_543], %gather3A_541 masked %ge3A_218 {add = true} : memref<8432xf32, #tpu.memory_space<vmem>>[vector<16xi32>], vector<16xf32>, vector<16xi1>
        %slice3A_544 = vector.extract_strided_slice %mul3A_474 {offsets = [1], sizes = [1], strides = [1]} : vector<16xi32> to vector<1xi32>
        %squeeze3A_545 = vector.extract %slice3A_544[0] : i32 from vector<1xi32>
        %add3A_546 = arith.constant 1 : i32
        %add3A_547 = vector.broadcast %add3A_546 : i32 to vector<16xi32>
        %add3A_548 = arith.addi %add3A_530, %add3A_547 : vector<16xi32>
        %gather3A_549 = tpu.vector_load_idx %arg11[%add3A_548] : memref<24576xf32, #tpu.memory_space<vmem>>[vector<16xi32>], vector<16xf32>,
        %add3A_550 = vector.broadcast %squeeze3A_545 : i32 to vector<16xi32>
        %add3A_551 = arith.addi %add3A_550, %iota3A_185 : vector<16xi32>
        tpu.vector_store_idx %arg9[%add3A_551], %gather3A_549 {add = true} : memref<8432xf32, #tpu.memory_space<vmem>>[vector<16xi32>], vector<16xf32>,
        %add3A_552 = arith.constant 1 : i32
        %add3A_553 = vector.broadcast %add3A_552 : i32 to vector<16xi32>
        %add3A_554 = arith.addi %add3A_532, %add3A_553 : vector<16xi32>
        %gather3A_555 = tpu.vector_load_idx %arg11[%add3A_554] masked %ge3A_218 : memref<24576xf32, #tpu.memory_space<vmem>>[vector<16xi32>], vector<16xf32>, vector<16xi1>
        %add3A_556 = vector.broadcast %squeeze3A_545 : i32 to vector<16xi32>
        %add3A_557 = arith.addi %add3A_556, %add3A_358 : vector<16xi32>
        tpu.vector_store_idx %arg9[%add3A_557], %gather3A_555 masked %ge3A_218 {add = true} : memref<8432xf32, #tpu.memory_space<vmem>>[vector<16xi32>], vector<16xf32>, vector<16xi1>
        %slice3A_558 = vector.extract_strided_slice %mul3A_474 {offsets = [2], sizes = [1], strides = [1]} : vector<16xi32> to vector<1xi32>
        %squeeze3A_559 = vector.extract %slice3A_558[0] : i32 from vector<1xi32>
        %add3A_560 = arith.constant 2 : i32
        %add3A_561 = vector.broadcast %add3A_560 : i32 to vector<16xi32>
        %add3A_562 = arith.addi %add3A_530, %add3A_561 : vector<16xi32>
        %gather3A_563 = tpu.vector_load_idx %arg11[%add3A_562] : memref<24576xf32, #tpu.memory_space<vmem>>[vector<16xi32>], vector<16xf32>,
        %add3A_564 = vector.broadcast %squeeze3A_559 : i32 to vector<16xi32>
        %add3A_565 = arith.addi %add3A_564, %iota3A_185 : vector<16xi32>
        tpu.vector_store_idx %arg9[%add3A_565], %gather3A_563 {add = true} : memref<8432xf32, #tpu.memory_space<vmem>>[vector<16xi32>], vector<16xf32>,
        %add3A_566 = arith.constant 2 : i32
        %add3A_567 = vector.broadcast %add3A_566 : i32 to vector<16xi32>
        %add3A_568 = arith.addi %add3A_532, %add3A_567 : vector<16xi32>
        %gather3A_569 = tpu.vector_load_idx %arg11[%add3A_568] masked %ge3A_218 : memref<24576xf32, #tpu.memory_space<vmem>>[vector<16xi32>], vector<16xf32>, vector<16xi1>
        %add3A_570 = vector.broadcast %squeeze3A_559 : i32 to vector<16xi32>
        %add3A_571 = arith.addi %add3A_570, %add3A_358 : vector<16xi32>
        tpu.vector_store_idx %arg9[%add3A_571], %gather3A_569 masked %ge3A_218 {add = true} : memref<8432xf32, #tpu.memory_space<vmem>>[vector<16xi32>], vector<16xf32>, vector<16xi1>
        %slice3A_572 = vector.extract_strided_slice %mul3A_474 {offsets = [3], sizes = [1], strides = [1]} : vector<16xi32> to vector<1xi32>
        %squeeze3A_573 = vector.extract %slice3A_572[0] : i32 from vector<1xi32>
        %add3A_574 = arith.constant 3 : i32
        %add3A_575 = vector.broadcast %add3A_574 : i32 to vector<16xi32>
        %add3A_576 = arith.addi %add3A_530, %add3A_575 : vector<16xi32>
        %gather3A_577 = tpu.vector_load_idx %arg11[%add3A_576] : memref<24576xf32, #tpu.memory_space<vmem>>[vector<16xi32>], vector<16xf32>,
        %add3A_578 = vector.broadcast %squeeze3A_573 : i32 to vector<16xi32>
        %add3A_579 = arith.addi %add3A_578, %iota3A_185 : vector<16xi32>
        tpu.vector_store_idx %arg9[%add3A_579], %gather3A_577 {add = true} : memref<8432xf32, #tpu.memory_space<vmem>>[vector<16xi32>], vector<16xf32>,
        %add3A_580 = arith.constant 3 : i32
        %add3A_581 = vector.broadcast %add3A_580 : i32 to vector<16xi32>
        %add3A_582 = arith.addi %add3A_532, %add3A_581 : vector<16xi32>
        %gather3A_583 = tpu.vector_load_idx %arg11[%add3A_582] masked %ge3A_218 : memref<24576xf32, #tpu.memory_space<vmem>>[vector<16xi32>], vector<16xf32>, vector<16xi1>
        %add3A_584 = vector.broadcast %squeeze3A_573 : i32 to vector<16xi32>
        %add3A_585 = arith.addi %add3A_584, %add3A_358 : vector<16xi32>
        tpu.vector_store_idx %arg9[%add3A_585], %gather3A_583 masked %ge3A_218 {add = true} : memref<8432xf32, #tpu.memory_space<vmem>>[vector<16xi32>], vector<16xf32>, vector<16xi1>
        %slice3A_586 = vector.extract_strided_slice %mul3A_474 {offsets = [4], sizes = [1], strides = [1]} : vector<16xi32> to vector<1xi32>
        %squeeze3A_587 = vector.extract %slice3A_586[0] : i32 from vector<1xi32>
        %add3A_588 = arith.constant 4 : i32
        %add3A_589 = vector.broadcast %add3A_588 : i32 to vector<16xi32>
        %add3A_590 = arith.addi %add3A_530, %add3A_589 : vector<16xi32>
        %gather3A_591 = tpu.vector_load_idx %arg11[%add3A_590] : memref<24576xf32, #tpu.memory_space<vmem>>[vector<16xi32>], vector<16xf32>,
        %add3A_592 = vector.broadcast %squeeze3A_587 : i32 to vector<16xi32>
        %add3A_593 = arith.addi %add3A_592, %iota3A_185 : vector<16xi32>
        tpu.vector_store_idx %arg9[%add3A_593], %gather3A_591 {add = true} : memref<8432xf32, #tpu.memory_space<vmem>>[vector<16xi32>], vector<16xf32>,
        %add3A_594 = arith.constant 4 : i32
        %add3A_595 = vector.broadcast %add3A_594 : i32 to vector<16xi32>
        %add3A_596 = arith.addi %add3A_532, %add3A_595 : vector<16xi32>
        %gather3A_597 = tpu.vector_load_idx %arg11[%add3A_596] masked %ge3A_218 : memref<24576xf32, #tpu.memory_space<vmem>>[vector<16xi32>], vector<16xf32>, vector<16xi1>
        %add3A_598 = vector.broadcast %squeeze3A_587 : i32 to vector<16xi32>
        %add3A_599 = arith.addi %add3A_598, %add3A_358 : vector<16xi32>
        tpu.vector_store_idx %arg9[%add3A_599], %gather3A_597 masked %ge3A_218 {add = true} : memref<8432xf32, #tpu.memory_space<vmem>>[vector<16xi32>], vector<16xf32>, vector<16xi1>
        %slice3A_600 = vector.extract_strided_slice %mul3A_474 {offsets = [5], sizes = [1], strides = [1]} : vector<16xi32> to vector<1xi32>
        %squeeze3A_601 = vector.extract %slice3A_600[0] : i32 from vector<1xi32>
        %add3A_602 = arith.constant 5 : i32
        %add3A_603 = vector.broadcast %add3A_602 : i32 to vector<16xi32>
        %add3A_604 = arith.addi %add3A_530, %add3A_603 : vector<16xi32>
        %gather3A_605 = tpu.vector_load_idx %arg11[%add3A_604] : memref<24576xf32, #tpu.memory_space<vmem>>[vector<16xi32>], vector<16xf32>,
        %add3A_606 = vector.broadcast %squeeze3A_601 : i32 to vector<16xi32>
        %add3A_607 = arith.addi %add3A_606, %iota3A_185 : vector<16xi32>
        tpu.vector_store_idx %arg9[%add3A_607], %gather3A_605 {add = true} : memref<8432xf32, #tpu.memory_space<vmem>>[vector<16xi32>], vector<16xf32>,
        %add3A_608 = arith.constant 5 : i32
        %add3A_609 = vector.broadcast %add3A_608 : i32 to vector<16xi32>
        %add3A_610 = arith.addi %add3A_532, %add3A_609 : vector<16xi32>
        %gather3A_611 = tpu.vector_load_idx %arg11[%add3A_610] masked %ge3A_218 : memref<24576xf32, #tpu.memory_space<vmem>>[vector<16xi32>], vector<16xf32>, vector<16xi1>
        %add3A_612 = vector.broadcast %squeeze3A_601 : i32 to vector<16xi32>
        %add3A_613 = arith.addi %add3A_612, %add3A_358 : vector<16xi32>
        tpu.vector_store_idx %arg9[%add3A_613], %gather3A_611 masked %ge3A_218 {add = true} : memref<8432xf32, #tpu.memory_space<vmem>>[vector<16xi32>], vector<16xf32>, vector<16xi1>
        %slice3A_614 = vector.extract_strided_slice %mul3A_474 {offsets = [6], sizes = [1], strides = [1]} : vector<16xi32> to vector<1xi32>
        %squeeze3A_615 = vector.extract %slice3A_614[0] : i32 from vector<1xi32>
        %add3A_616 = arith.constant 6 : i32
        %add3A_617 = vector.broadcast %add3A_616 : i32 to vector<16xi32>
        %add3A_618 = arith.addi %add3A_530, %add3A_617 : vector<16xi32>
        %gather3A_619 = tpu.vector_load_idx %arg11[%add3A_618] : memref<24576xf32, #tpu.memory_space<vmem>>[vector<16xi32>], vector<16xf32>,
        %add3A_620 = vector.broadcast %squeeze3A_615 : i32 to vector<16xi32>
        %add3A_621 = arith.addi %add3A_620, %iota3A_185 : vector<16xi32>
        tpu.vector_store_idx %arg9[%add3A_621], %gather3A_619 {add = true} : memref<8432xf32, #tpu.memory_space<vmem>>[vector<16xi32>], vector<16xf32>,
        %add3A_622 = arith.constant 6 : i32
        %add3A_623 = vector.broadcast %add3A_622 : i32 to vector<16xi32>
        %add3A_624 = arith.addi %add3A_532, %add3A_623 : vector<16xi32>
        %gather3A_625 = tpu.vector_load_idx %arg11[%add3A_624] masked %ge3A_218 : memref<24576xf32, #tpu.memory_space<vmem>>[vector<16xi32>], vector<16xf32>, vector<16xi1>
        %add3A_626 = vector.broadcast %squeeze3A_615 : i32 to vector<16xi32>
        %add3A_627 = arith.addi %add3A_626, %add3A_358 : vector<16xi32>
        tpu.vector_store_idx %arg9[%add3A_627], %gather3A_625 masked %ge3A_218 {add = true} : memref<8432xf32, #tpu.memory_space<vmem>>[vector<16xi32>], vector<16xf32>, vector<16xi1>
        %slice3A_628 = vector.extract_strided_slice %mul3A_474 {offsets = [7], sizes = [1], strides = [1]} : vector<16xi32> to vector<1xi32>
        %squeeze3A_629 = vector.extract %slice3A_628[0] : i32 from vector<1xi32>
        %add3A_630 = arith.constant 7 : i32
        %add3A_631 = vector.broadcast %add3A_630 : i32 to vector<16xi32>
        %add3A_632 = arith.addi %add3A_530, %add3A_631 : vector<16xi32>
        %gather3A_633 = tpu.vector_load_idx %arg11[%add3A_632] : memref<24576xf32, #tpu.memory_space<vmem>>[vector<16xi32>], vector<16xf32>,
        %add3A_634 = vector.broadcast %squeeze3A_629 : i32 to vector<16xi32>
        %add3A_635 = arith.addi %add3A_634, %iota3A_185 : vector<16xi32>
        tpu.vector_store_idx %arg9[%add3A_635], %gather3A_633 {add = true} : memref<8432xf32, #tpu.memory_space<vmem>>[vector<16xi32>], vector<16xf32>,
        %add3A_636 = arith.constant 7 : i32
        %add3A_637 = vector.broadcast %add3A_636 : i32 to vector<16xi32>
        %add3A_638 = arith.addi %add3A_532, %add3A_637 : vector<16xi32>
        %gather3A_639 = tpu.vector_load_idx %arg11[%add3A_638] masked %ge3A_218 : memref<24576xf32, #tpu.memory_space<vmem>>[vector<16xi32>], vector<16xf32>, vector<16xi1>
        %add3A_640 = vector.broadcast %squeeze3A_629 : i32 to vector<16xi32>
        %add3A_641 = arith.addi %add3A_640, %add3A_358 : vector<16xi32>
        tpu.vector_store_idx %arg9[%add3A_641], %gather3A_639 masked %ge3A_218 {add = true} : memref<8432xf32, #tpu.memory_space<vmem>>[vector<16xi32>], vector<16xf32>, vector<16xi1>
        %slice3A_642 = vector.extract_strided_slice %mul3A_474 {offsets = [8], sizes = [1], strides = [1]} : vector<16xi32> to vector<1xi32>
        %squeeze3A_643 = vector.extract %slice3A_642[0] : i32 from vector<1xi32>
        %add3A_644 = arith.constant 8 : i32
        %add3A_645 = vector.broadcast %add3A_644 : i32 to vector<16xi32>
        %add3A_646 = arith.addi %add3A_530, %add3A_645 : vector<16xi32>
        %gather3A_647 = tpu.vector_load_idx %arg11[%add3A_646] : memref<24576xf32, #tpu.memory_space<vmem>>[vector<16xi32>], vector<16xf32>,
        %add3A_648 = vector.broadcast %squeeze3A_643 : i32 to vector<16xi32>
        %add3A_649 = arith.addi %add3A_648, %iota3A_185 : vector<16xi32>
        tpu.vector_store_idx %arg9[%add3A_649], %gather3A_647 {add = true} : memref<8432xf32, #tpu.memory_space<vmem>>[vector<16xi32>], vector<16xf32>,
        %add3A_650 = arith.constant 8 : i32
        %add3A_651 = vector.broadcast %add3A_650 : i32 to vector<16xi32>
        %add3A_652 = arith.addi %add3A_532, %add3A_651 : vector<16xi32>
        %gather3A_653 = tpu.vector_load_idx %arg11[%add3A_652] masked %ge3A_218 : memref<24576xf32, #tpu.memory_space<vmem>>[vector<16xi32>], vector<16xf32>, vector<16xi1>
        %add3A_654 = vector.broadcast %squeeze3A_643 : i32 to vector<16xi32>
        %add3A_655 = arith.addi %add3A_654, %add3A_358 : vector<16xi32>
        tpu.vector_store_idx %arg9[%add3A_655], %gather3A_653 masked %ge3A_218 {add = true} : memref<8432xf32, #tpu.memory_space<vmem>>[vector<16xi32>], vector<16xf32>, vector<16xi1>
        %slice3A_656 = vector.extract_strided_slice %mul3A_474 {offsets = [9], sizes = [1], strides = [1]} : vector<16xi32> to vector<1xi32>
        %squeeze3A_657 = vector.extract %slice3A_656[0] : i32 from vector<1xi32>
        %add3A_658 = arith.constant 9 : i32
        %add3A_659 = vector.broadcast %add3A_658 : i32 to vector<16xi32>
        %add3A_660 = arith.addi %add3A_530, %add3A_659 : vector<16xi32>
        %gather3A_661 = tpu.vector_load_idx %arg11[%add3A_660] : memref<24576xf32, #tpu.memory_space<vmem>>[vector<16xi32>], vector<16xf32>,
        %add3A_662 = vector.broadcast %squeeze3A_657 : i32 to vector<16xi32>
        %add3A_663 = arith.addi %add3A_662, %iota3A_185 : vector<16xi32>
        tpu.vector_store_idx %arg9[%add3A_663], %gather3A_661 {add = true} : memref<8432xf32, #tpu.memory_space<vmem>>[vector<16xi32>], vector<16xf32>,
        %add3A_664 = arith.constant 9 : i32
        %add3A_665 = vector.broadcast %add3A_664 : i32 to vector<16xi32>
        %add3A_666 = arith.addi %add3A_532, %add3A_665 : vector<16xi32>
        %gather3A_667 = tpu.vector_load_idx %arg11[%add3A_666] masked %ge3A_218 : memref<24576xf32, #tpu.memory_space<vmem>>[vector<16xi32>], vector<16xf32>, vector<16xi1>
        %add3A_668 = vector.broadcast %squeeze3A_657 : i32 to vector<16xi32>
        %add3A_669 = arith.addi %add3A_668, %add3A_358 : vector<16xi32>
        tpu.vector_store_idx %arg9[%add3A_669], %gather3A_667 masked %ge3A_218 {add = true} : memref<8432xf32, #tpu.memory_space<vmem>>[vector<16xi32>], vector<16xf32>, vector<16xi1>
        %slice3A_670 = vector.extract_strided_slice %mul3A_474 {offsets = [10], sizes = [1], strides = [1]} : vector<16xi32> to vector<1xi32>
        %squeeze3A_671 = vector.extract %slice3A_670[0] : i32 from vector<1xi32>
        %add3A_672 = arith.constant 10 : i32
        %add3A_673 = vector.broadcast %add3A_672 : i32 to vector<16xi32>
        %add3A_674 = arith.addi %add3A_530, %add3A_673 : vector<16xi32>
        %gather3A_675 = tpu.vector_load_idx %arg11[%add3A_674] : memref<24576xf32, #tpu.memory_space<vmem>>[vector<16xi32>], vector<16xf32>,
        %add3A_676 = vector.broadcast %squeeze3A_671 : i32 to vector<16xi32>
        %add3A_677 = arith.addi %add3A_676, %iota3A_185 : vector<16xi32>
        tpu.vector_store_idx %arg9[%add3A_677], %gather3A_675 {add = true} : memref<8432xf32, #tpu.memory_space<vmem>>[vector<16xi32>], vector<16xf32>,
        %add3A_678 = arith.constant 10 : i32
        %add3A_679 = vector.broadcast %add3A_678 : i32 to vector<16xi32>
        %add3A_680 = arith.addi %add3A_532, %add3A_679 : vector<16xi32>
        %gather3A_681 = tpu.vector_load_idx %arg11[%add3A_680] masked %ge3A_218 : memref<24576xf32, #tpu.memory_space<vmem>>[vector<16xi32>], vector<16xf32>, vector<16xi1>
        %add3A_682 = vector.broadcast %squeeze3A_671 : i32 to vector<16xi32>
        %add3A_683 = arith.addi %add3A_682, %add3A_358 : vector<16xi32>
        tpu.vector_store_idx %arg9[%add3A_683], %gather3A_681 masked %ge3A_218 {add = true} : memref<8432xf32, #tpu.memory_space<vmem>>[vector<16xi32>], vector<16xf32>, vector<16xi1>
        %slice3A_684 = vector.extract_strided_slice %mul3A_474 {offsets = [11], sizes = [1], strides = [1]} : vector<16xi32> to vector<1xi32>
        %squeeze3A_685 = vector.extract %slice3A_684[0] : i32 from vector<1xi32>
        %add3A_686 = arith.constant 11 : i32
        %add3A_687 = vector.broadcast %add3A_686 : i32 to vector<16xi32>
        %add3A_688 = arith.addi %add3A_530, %add3A_687 : vector<16xi32>
        %gather3A_689 = tpu.vector_load_idx %arg11[%add3A_688] : memref<24576xf32, #tpu.memory_space<vmem>>[vector<16xi32>], vector<16xf32>,
        %add3A_690 = vector.broadcast %squeeze3A_685 : i32 to vector<16xi32>
        %add3A_691 = arith.addi %add3A_690, %iota3A_185 : vector<16xi32>
        tpu.vector_store_idx %arg9[%add3A_691], %gather3A_689 {add = true} : memref<8432xf32, #tpu.memory_space<vmem>>[vector<16xi32>], vector<16xf32>,
        %add3A_692 = arith.constant 11 : i32
        %add3A_693 = vector.broadcast %add3A_692 : i32 to vector<16xi32>
        %add3A_694 = arith.addi %add3A_532, %add3A_693 : vector<16xi32>
        %gather3A_695 = tpu.vector_load_idx %arg11[%add3A_694] masked %ge3A_218 : memref<24576xf32, #tpu.memory_space<vmem>>[vector<16xi32>], vector<16xf32>, vector<16xi1>
        %add3A_696 = vector.broadcast %squeeze3A_685 : i32 to vector<16xi32>
        %add3A_697 = arith.addi %add3A_696, %add3A_358 : vector<16xi32>
        tpu.vector_store_idx %arg9[%add3A_697], %gather3A_695 masked %ge3A_218 {add = true} : memref<8432xf32, #tpu.memory_space<vmem>>[vector<16xi32>], vector<16xf32>, vector<16xi1>
        %slice3A_698 = vector.extract_strided_slice %mul3A_474 {offsets = [12], sizes = [1], strides = [1]} : vector<16xi32> to vector<1xi32>
        %squeeze3A_699 = vector.extract %slice3A_698[0] : i32 from vector<1xi32>
        %add3A_700 = arith.constant 12 : i32
        %add3A_701 = vector.broadcast %add3A_700 : i32 to vector<16xi32>
        %add3A_702 = arith.addi %add3A_530, %add3A_701 : vector<16xi32>
        %gather3A_703 = tpu.vector_load_idx %arg11[%add3A_702] : memref<24576xf32, #tpu.memory_space<vmem>>[vector<16xi32>], vector<16xf32>,
        %add3A_704 = vector.broadcast %squeeze3A_699 : i32 to vector<16xi32>
        %add3A_705 = arith.addi %add3A_704, %iota3A_185 : vector<16xi32>
        tpu.vector_store_idx %arg9[%add3A_705], %gather3A_703 {add = true} : memref<8432xf32, #tpu.memory_space<vmem>>[vector<16xi32>], vector<16xf32>,
        %add3A_706 = arith.constant 12 : i32
        %add3A_707 = vector.broadcast %add3A_706 : i32 to vector<16xi32>
        %add3A_708 = arith.addi %add3A_532, %add3A_707 : vector<16xi32>
        %gather3A_709 = tpu.vector_load_idx %arg11[%add3A_708] masked %ge3A_218 : memref<24576xf32, #tpu.memory_space<vmem>>[vector<16xi32>], vector<16xf32>, vector<16xi1>
        %add3A_710 = vector.broadcast %squeeze3A_699 : i32 to vector<16xi32>
        %add3A_711 = arith.addi %add3A_710, %add3A_358 : vector<16xi32>
        tpu.vector_store_idx %arg9[%add3A_711], %gather3A_709 masked %ge3A_218 {add = true} : memref<8432xf32, #tpu.memory_space<vmem>>[vector<16xi32>], vector<16xf32>, vector<16xi1>
        %slice3A_712 = vector.extract_strided_slice %mul3A_474 {offsets = [13], sizes = [1], strides = [1]} : vector<16xi32> to vector<1xi32>
        %squeeze3A_713 = vector.extract %slice3A_712[0] : i32 from vector<1xi32>
        %add3A_714 = arith.constant 13 : i32
        %add3A_715 = vector.broadcast %add3A_714 : i32 to vector<16xi32>
        %add3A_716 = arith.addi %add3A_530, %add3A_715 : vector<16xi32>
        %gather3A_717 = tpu.vector_load_idx %arg11[%add3A_716] : memref<24576xf32, #tpu.memory_space<vmem>>[vector<16xi32>], vector<16xf32>,
        %add3A_718 = vector.broadcast %squeeze3A_713 : i32 to vector<16xi32>
        %add3A_719 = arith.addi %add3A_718, %iota3A_185 : vector<16xi32>
        tpu.vector_store_idx %arg9[%add3A_719], %gather3A_717 {add = true} : memref<8432xf32, #tpu.memory_space<vmem>>[vector<16xi32>], vector<16xf32>,
        %add3A_720 = arith.constant 13 : i32
        %add3A_721 = vector.broadcast %add3A_720 : i32 to vector<16xi32>
        %add3A_722 = arith.addi %add3A_532, %add3A_721 : vector<16xi32>
        %gather3A_723 = tpu.vector_load_idx %arg11[%add3A_722] masked %ge3A_218 : memref<24576xf32, #tpu.memory_space<vmem>>[vector<16xi32>], vector<16xf32>, vector<16xi1>
        %add3A_724 = vector.broadcast %squeeze3A_713 : i32 to vector<16xi32>
        %add3A_725 = arith.addi %add3A_724, %add3A_358 : vector<16xi32>
        tpu.vector_store_idx %arg9[%add3A_725], %gather3A_723 masked %ge3A_218 {add = true} : memref<8432xf32, #tpu.memory_space<vmem>>[vector<16xi32>], vector<16xf32>, vector<16xi1>
        %slice3A_726 = vector.extract_strided_slice %mul3A_474 {offsets = [14], sizes = [1], strides = [1]} : vector<16xi32> to vector<1xi32>
        %squeeze3A_727 = vector.extract %slice3A_726[0] : i32 from vector<1xi32>
        %add3A_728 = arith.constant 14 : i32
        %add3A_729 = vector.broadcast %add3A_728 : i32 to vector<16xi32>
        %add3A_730 = arith.addi %add3A_530, %add3A_729 : vector<16xi32>
        %gather3A_731 = tpu.vector_load_idx %arg11[%add3A_730] : memref<24576xf32, #tpu.memory_space<vmem>>[vector<16xi32>], vector<16xf32>,
        %add3A_732 = vector.broadcast %squeeze3A_727 : i32 to vector<16xi32>
        %add3A_733 = arith.addi %add3A_732, %iota3A_185 : vector<16xi32>
        tpu.vector_store_idx %arg9[%add3A_733], %gather3A_731 {add = true} : memref<8432xf32, #tpu.memory_space<vmem>>[vector<16xi32>], vector<16xf32>,
        %add3A_734 = arith.constant 14 : i32
        %add3A_735 = vector.broadcast %add3A_734 : i32 to vector<16xi32>
        %add3A_736 = arith.addi %add3A_532, %add3A_735 : vector<16xi32>
        %gather3A_737 = tpu.vector_load_idx %arg11[%add3A_736] masked %ge3A_218 : memref<24576xf32, #tpu.memory_space<vmem>>[vector<16xi32>], vector<16xf32>, vector<16xi1>
        %add3A_738 = vector.broadcast %squeeze3A_727 : i32 to vector<16xi32>
        %add3A_739 = arith.addi %add3A_738, %add3A_358 : vector<16xi32>
        tpu.vector_store_idx %arg9[%add3A_739], %gather3A_737 masked %ge3A_218 {add = true} : memref<8432xf32, #tpu.memory_space<vmem>>[vector<16xi32>], vector<16xf32>, vector<16xi1>
        %slice3A_740 = vector.extract_strided_slice %mul3A_474 {offsets = [15], sizes = [1], strides = [1]} : vector<16xi32> to vector<1xi32>
        %squeeze3A_741 = vector.extract %slice3A_740[0] : i32 from vector<1xi32>
        %add3A_742 = arith.constant 15 : i32
        %add3A_743 = vector.broadcast %add3A_742 : i32 to vector<16xi32>
        %add3A_744 = arith.addi %add3A_530, %add3A_743 : vector<16xi32>
        %gather3A_745 = tpu.vector_load_idx %arg11[%add3A_744] : memref<24576xf32, #tpu.memory_space<vmem>>[vector<16xi32>], vector<16xf32>,
        %add3A_746 = vector.broadcast %squeeze3A_741 : i32 to vector<16xi32>
        %add3A_747 = arith.addi %add3A_746, %iota3A_185 : vector<16xi32>
        tpu.vector_store_idx %arg9[%add3A_747], %gather3A_745 {add = true} : memref<8432xf32, #tpu.memory_space<vmem>>[vector<16xi32>], vector<16xf32>,
        %add3A_748 = arith.constant 15 : i32
        %add3A_749 = vector.broadcast %add3A_748 : i32 to vector<16xi32>
        %add3A_750 = arith.addi %add3A_532, %add3A_749 : vector<16xi32>
        %gather3A_751 = tpu.vector_load_idx %arg11[%add3A_750] masked %ge3A_218 : memref<24576xf32, #tpu.memory_space<vmem>>[vector<16xi32>], vector<16xf32>, vector<16xi1>
        %add3A_752 = vector.broadcast %squeeze3A_741 : i32 to vector<16xi32>
        %add3A_753 = arith.addi %add3A_752, %add3A_358 : vector<16xi32>
        tpu.vector_store_idx %arg9[%add3A_753], %gather3A_751 masked %ge3A_218 {add = true} : memref<8432xf32, #tpu.memory_space<vmem>>[vector<16xi32>], vector<16xf32>, vector<16xi1>
        %broadcast_in_dim3A = arith.constant true
        %broadcast_in_dim3A_754 = vector.broadcast %broadcast_in_dim3A : i1 to vector<16xi1>
        %unique3A, %unique3A_755 = tpu.scan_count mask(%broadcast_in_dim3A_754 : vector<16xi1>) value(%mul3A_474 : vector<16xi32>) : vector<16xi1>, vector<16xi32>
        %convert_element_type3A_756 = arith.sitofp %unique3A_755 : vector<16xi32> to vector<16xf32>
        %add3A_757 = arith.constant 20 : i32
        %add3A_758 = vector.broadcast %add3A_757 : i32 to vector<16xi32>
        %add3A_759 = arith.addi %mul3A_474, %add3A_758 : vector<16xi32>
        tpu.vector_store_idx %arg9[%add3A_759], %convert_element_type3A_756 masked %unique3A {add = true} : memref<8432xf32, #tpu.memory_space<vmem>>[vector<16xi32>], vector<16xf32>, vector<16xi1>
      }
      %while3A_461 = arith.constant 1 : i32
      scf.for %while3A_462 = %while3A_459 to %while3A_455 step %while3A_461  : i32 {
        %mul3A_463 = arith.constant 16 : i32
        %mul3A_464 = arith.muli %while3A_462, %mul3A_463 : i32
        %add3A_465 = arith.addi %sub3A_393, %mul3A_464 : i32
        %get3A = arith.index_cast %add3A_465 : i32 to index
        %get3A_466 = tpu.vector_load %arg12[%get3A] {strides = array<i32>} : memref<1024xi32, #tpu.memory_space<vmem>>, vector<16xi32>,
        %sub3A_467 = vector.broadcast %mul3A_187 : i32 to vector<16xi32>
        %sub3A_468 = arith.subi %get3A_466, %sub3A_467 : vector<16xi32>
        %min3A_469 = arith.constant 400 : i32
        %min3A_470 = vector.broadcast %min3A_469 : i32 to vector<16xi32>
        %min3A_471 = arith.minui %sub3A_468, %min3A_470 : vector<16xi32>
        %mul3A_472 = arith.constant 21 : i32
        %mul3A_473 = vector.broadcast %mul3A_472 : i32 to vector<16xi32>
        %mul3A_474 = arith.muli %min3A_471, %mul3A_473 : vector<16xi32>
        %jit3A_475 = arith.constant 128 : i32
        %div3A_476 = arith.divsi %add3A_465, %jit3A_475 : i32
        %sign3A_477 = arith.constant 0 : i32
        %sign3A_478 = arith.cmpi sgt, %add3A_465, %sign3A_477 : i32
        %sign3A_479 = arith.extui %sign3A_478 : i1 to i32
        %sign3A_480 = arith.constant 0 : i32
        %sign3A_481 = arith.cmpi slt, %add3A_465, %sign3A_480 : i32
        %sign3A_482 = arith.extui %sign3A_481 : i1 to i32
        %sign3A_483 = arith.subi %sign3A_479, %sign3A_482 : i32
        %sign3A_484 = arith.constant 0 : i32
        %sign3A_485 = arith.cmpi sgt, %jit3A_475, %sign3A_484 : i32
        %sign3A_486 = arith.extui %sign3A_485 : i1 to i32
        %sign3A_487 = arith.constant 0 : i32
        %sign3A_488 = arith.cmpi slt, %jit3A_475, %sign3A_487 : i32
        %sign3A_489 = arith.extui %sign3A_488 : i1 to i32
        %sign3A_490 = arith.subi %sign3A_486, %sign3A_489 : i32
        %ne3A_491 = arith.cmpi ne, %sign3A_483, %sign3A_490 : i32
        %rem3A_492 = arith.remsi %add3A_465, %jit3A_475 : i32
        %ne3A_493 = arith.constant 0 : i32
        %ne3A_494 = arith.cmpi ne, %rem3A_492, %ne3A_493 : i32
        %and3A_495 = arith.andi %ne3A_491, %ne3A_494 : i1
        %sub3A_496 = arith.constant 1 : i32
        %sub3A_497 = arith.subi %div3A_476, %sub3A_496 : i32
        %select_n3A_498 = arith.select %and3A_495, %sub3A_497, %div3A_476 : i32
        %mul3A_499 = arith.constant 1024 : i32
        %mul3A_500 = arith.muli %select_n3A_498, %mul3A_499 : i32
        %jit3A_501 = arith.constant 128 : i32
        %div3A_502 = arith.divsi %add3A_465, %jit3A_501 : i32
        %sign3A_503 = arith.constant 0 : i32
        %sign3A_504 = arith.cmpi sgt, %add3A_465, %sign3A_503 : i32
        %sign3A_505 = arith.extui %sign3A_504 : i1 to i32
        %sign3A_506 = arith.constant 0 : i32
        %sign3A_507 = arith.cmpi slt, %add3A_465, %sign3A_506 : i32
        %sign3A_508 = arith.extui %sign3A_507 : i1 to i32
        %sign3A_509 = arith.subi %sign3A_505, %sign3A_508 : i32
        %sign3A_510 = arith.constant 0 : i32
        %sign3A_511 = arith.cmpi sgt, %jit3A_501, %sign3A_510 : i32
        %sign3A_512 = arith.extui %sign3A_511 : i1 to i32
        %sign3A_513 = arith.constant 0 : i32
        %sign3A_514 = arith.cmpi slt, %jit3A_501, %sign3A_513 : i32
        %sign3A_515 = arith.extui %sign3A_514 : i1 to i32
        %sign3A_516 = arith.subi %sign3A_512, %sign3A_515 : i32
        %ne3A_517 = arith.cmpi ne, %sign3A_509, %sign3A_516 : i32
        %rem3A_518 = arith.remsi %add3A_465, %jit3A_501 : i32
        %ne3A_519 = arith.constant 0 : i32
        %ne3A_520 = arith.cmpi ne, %rem3A_518, %ne3A_519 : i32
        %and3A_521 = arith.andi %ne3A_517, %ne3A_520 : i1
        %sub3A_522 = arith.constant 1 : i32
        %sub3A_523 = arith.subi %div3A_502, %sub3A_522 : i32
        %select_n3A_524 = arith.select %and3A_521, %sub3A_523, %div3A_502 : i32
        %mul3A_525 = arith.constant 128 : i32
        %mul3A_526 = arith.muli %select_n3A_524, %mul3A_525 : i32
        %sub3A_527 = arith.subi %add3A_465, %mul3A_526 : i32
        %add3A_528 = arith.addi %mul3A_500, %sub3A_527 : i32
        %add3A_529 = vector.broadcast %add3A_528 : i32 to vector<16xi32>
        %add3A_530 = arith.addi %add3A_346, %add3A_529 : vector<16xi32>
        %add3A_531 = vector.broadcast %add3A_528 : i32 to vector<16xi32>
        %add3A_532 = arith.addi %add3A_355, %add3A_531 : vector<16xi32>
        %slice3A = vector.extract_strided_slice %mul3A_474 {offsets = [0], sizes = [1], strides = [1]} : vector<16xi32> to vector<1xi32>
        %squeeze3A = vector.extract %slice3A[0] : i32 from vector<1xi32>
        %add3A_533 = arith.constant 0 : i32
        %add3A_534 = vector.broadcast %add3A_533 : i32 to vector<16xi32>
        %add3A_535 = arith.addi %add3A_530, %add3A_534 : vector<16xi32>
        %gather3A = tpu.vector_load_idx %arg11[%add3A_535] : memref<24576xf32, #tpu.memory_space<vmem>>[vector<16xi32>], vector<16xf32>,
        %add3A_536 = vector.broadcast %squeeze3A : i32 to vector<16xi32>
        %add3A_537 = arith.addi %add3A_536, %iota3A_185 : vector<16xi32>
        tpu.vector_store_idx %arg9[%add3A_537], %gather3A {add = true} : memref<8432xf32, #tpu.memory_space<vmem>>[vector<16xi32>], vector<16xf32>,
        %add3A_538 = arith.constant 0 : i32
        %add3A_539 = vector.broadcast %add3A_538 : i32 to vector<16xi32>
        %add3A_540 = arith.addi %add3A_532, %add3A_539 : vector<16xi32>
        %gather3A_541 = tpu.vector_load_idx %arg11[%add3A_540] masked %ge3A_218 : memref<24576xf32, #tpu.memory_space<vmem>>[vector<16xi32>], vector<16xf32>, vector<16xi1>
        %add3A_542 = vector.broadcast %squeeze3A : i32 to vector<16xi32>
        %add3A_543 = arith.addi %add3A_542, %add3A_358 : vector<16xi32>
        tpu.vector_store_idx %arg9[%add3A_543], %gather3A_541 masked %ge3A_218 {add = true} : memref<8432xf32, #tpu.memory_space<vmem>>[vector<16xi32>], vector<16xf32>, vector<16xi1>
        %slice3A_544 = vector.extract_strided_slice %mul3A_474 {offsets = [1], sizes = [1], strides = [1]} : vector<16xi32> to vector<1xi32>
        %squeeze3A_545 = vector.extract %slice3A_544[0] : i32 from vector<1xi32>
        %add3A_546 = arith.constant 1 : i32
        %add3A_547 = vector.broadcast %add3A_546 : i32 to vector<16xi32>
        %add3A_548 = arith.addi %add3A_530, %add3A_547 : vector<16xi32>
        %gather3A_549 = tpu.vector_load_idx %arg11[%add3A_548] : memref<24576xf32, #tpu.memory_space<vmem>>[vector<16xi32>], vector<16xf32>,
        %add3A_550 = vector.broadcast %squeeze3A_545 : i32 to vector<16xi32>
        %add3A_551 = arith.addi %add3A_550, %iota3A_185 : vector<16xi32>
        tpu.vector_store_idx %arg9[%add3A_551], %gather3A_549 {add = true} : memref<8432xf32, #tpu.memory_space<vmem>>[vector<16xi32>], vector<16xf32>,
        %add3A_552 = arith.constant 1 : i32
        %add3A_553 = vector.broadcast %add3A_552 : i32 to vector<16xi32>
        %add3A_554 = arith.addi %add3A_532, %add3A_553 : vector<16xi32>
        %gather3A_555 = tpu.vector_load_idx %arg11[%add3A_554] masked %ge3A_218 : memref<24576xf32, #tpu.memory_space<vmem>>[vector<16xi32>], vector<16xf32>, vector<16xi1>
        %add3A_556 = vector.broadcast %squeeze3A_545 : i32 to vector<16xi32>
        %add3A_557 = arith.addi %add3A_556, %add3A_358 : vector<16xi32>
        tpu.vector_store_idx %arg9[%add3A_557], %gather3A_555 masked %ge3A_218 {add = true} : memref<8432xf32, #tpu.memory_space<vmem>>[vector<16xi32>], vector<16xf32>, vector<16xi1>
        %slice3A_558 = vector.extract_strided_slice %mul3A_474 {offsets = [2], sizes = [1], strides = [1]} : vector<16xi32> to vector<1xi32>
        %squeeze3A_559 = vector.extract %slice3A_558[0] : i32 from vector<1xi32>
        %add3A_560 = arith.constant 2 : i32
        %add3A_561 = vector.broadcast %add3A_560 : i32 to vector<16xi32>
        %add3A_562 = arith.addi %add3A_530, %add3A_561 : vector<16xi32>
        %gather3A_563 = tpu.vector_load_idx %arg11[%add3A_562] : memref<24576xf32, #tpu.memory_space<vmem>>[vector<16xi32>], vector<16xf32>,
        %add3A_564 = vector.broadcast %squeeze3A_559 : i32 to vector<16xi32>
        %add3A_565 = arith.addi %add3A_564, %iota3A_185 : vector<16xi32>
        tpu.vector_store_idx %arg9[%add3A_565], %gather3A_563 {add = true} : memref<8432xf32, #tpu.memory_space<vmem>>[vector<16xi32>], vector<16xf32>,
        %add3A_566 = arith.constant 2 : i32
        %add3A_567 = vector.broadcast %add3A_566 : i32 to vector<16xi32>
        %add3A_568 = arith.addi %add3A_532, %add3A_567 : vector<16xi32>
        %gather3A_569 = tpu.vector_load_idx %arg11[%add3A_568] masked %ge3A_218 : memref<24576xf32, #tpu.memory_space<vmem>>[vector<16xi32>], vector<16xf32>, vector<16xi1>
        %add3A_570 = vector.broadcast %squeeze3A_559 : i32 to vector<16xi32>
        %add3A_571 = arith.addi %add3A_570, %add3A_358 : vector<16xi32>
        tpu.vector_store_idx %arg9[%add3A_571], %gather3A_569 masked %ge3A_218 {add = true} : memref<8432xf32, #tpu.memory_space<vmem>>[vector<16xi32>], vector<16xf32>, vector<16xi1>
        %slice3A_572 = vector.extract_strided_slice %mul3A_474 {offsets = [3], sizes = [1], strides = [1]} : vector<16xi32> to vector<1xi32>
        %squeeze3A_573 = vector.extract %slice3A_572[0] : i32 from vector<1xi32>
        %add3A_574 = arith.constant 3 : i32
        %add3A_575 = vector.broadcast %add3A_574 : i32 to vector<16xi32>
        %add3A_576 = arith.addi %add3A_530, %add3A_575 : vector<16xi32>
        %gather3A_577 = tpu.vector_load_idx %arg11[%add3A_576] : memref<24576xf32, #tpu.memory_space<vmem>>[vector<16xi32>], vector<16xf32>,
        %add3A_578 = vector.broadcast %squeeze3A_573 : i32 to vector<16xi32>
        %add3A_579 = arith.addi %add3A_578, %iota3A_185 : vector<16xi32>
        tpu.vector_store_idx %arg9[%add3A_579], %gather3A_577 {add = true} : memref<8432xf32, #tpu.memory_space<vmem>>[vector<16xi32>], vector<16xf32>,
        %add3A_580 = arith.constant 3 : i32
        %add3A_581 = vector.broadcast %add3A_580 : i32 to vector<16xi32>
        %add3A_582 = arith.addi %add3A_532, %add3A_581 : vector<16xi32>
        %gather3A_583 = tpu.vector_load_idx %arg11[%add3A_582] masked %ge3A_218 : memref<24576xf32, #tpu.memory_space<vmem>>[vector<16xi32>], vector<16xf32>, vector<16xi1>
        %add3A_584 = vector.broadcast %squeeze3A_573 : i32 to vector<16xi32>
        %add3A_585 = arith.addi %add3A_584, %add3A_358 : vector<16xi32>
        tpu.vector_store_idx %arg9[%add3A_585], %gather3A_583 masked %ge3A_218 {add = true} : memref<8432xf32, #tpu.memory_space<vmem>>[vector<16xi32>], vector<16xf32>, vector<16xi1>
        %slice3A_586 = vector.extract_strided_slice %mul3A_474 {offsets = [4], sizes = [1], strides = [1]} : vector<16xi32> to vector<1xi32>
        %squeeze3A_587 = vector.extract %slice3A_586[0] : i32 from vector<1xi32>
        %add3A_588 = arith.constant 4 : i32
        %add3A_589 = vector.broadcast %add3A_588 : i32 to vector<16xi32>
        %add3A_590 = arith.addi %add3A_530, %add3A_589 : vector<16xi32>
        %gather3A_591 = tpu.vector_load_idx %arg11[%add3A_590] : memref<24576xf32, #tpu.memory_space<vmem>>[vector<16xi32>], vector<16xf32>,
        %add3A_592 = vector.broadcast %squeeze3A_587 : i32 to vector<16xi32>
        %add3A_593 = arith.addi %add3A_592, %iota3A_185 : vector<16xi32>
        tpu.vector_store_idx %arg9[%add3A_593], %gather3A_591 {add = true} : memref<8432xf32, #tpu.memory_space<vmem>>[vector<16xi32>], vector<16xf32>,
        %add3A_594 = arith.constant 4 : i32
        %add3A_595 = vector.broadcast %add3A_594 : i32 to vector<16xi32>
        %add3A_596 = arith.addi %add3A_532, %add3A_595 : vector<16xi32>
        %gather3A_597 = tpu.vector_load_idx %arg11[%add3A_596] masked %ge3A_218 : memref<24576xf32, #tpu.memory_space<vmem>>[vector<16xi32>], vector<16xf32>, vector<16xi1>
        %add3A_598 = vector.broadcast %squeeze3A_587 : i32 to vector<16xi32>
        %add3A_599 = arith.addi %add3A_598, %add3A_358 : vector<16xi32>
        tpu.vector_store_idx %arg9[%add3A_599], %gather3A_597 masked %ge3A_218 {add = true} : memref<8432xf32, #tpu.memory_space<vmem>>[vector<16xi32>], vector<16xf32>, vector<16xi1>
        %slice3A_600 = vector.extract_strided_slice %mul3A_474 {offsets = [5], sizes = [1], strides = [1]} : vector<16xi32> to vector<1xi32>
        %squeeze3A_601 = vector.extract %slice3A_600[0] : i32 from vector<1xi32>
        %add3A_602 = arith.constant 5 : i32
        %add3A_603 = vector.broadcast %add3A_602 : i32 to vector<16xi32>
        %add3A_604 = arith.addi %add3A_530, %add3A_603 : vector<16xi32>
        %gather3A_605 = tpu.vector_load_idx %arg11[%add3A_604] : memref<24576xf32, #tpu.memory_space<vmem>>[vector<16xi32>], vector<16xf32>,
        %add3A_606 = vector.broadcast %squeeze3A_601 : i32 to vector<16xi32>
        %add3A_607 = arith.addi %add3A_606, %iota3A_185 : vector<16xi32>
        tpu.vector_store_idx %arg9[%add3A_607], %gather3A_605 {add = true} : memref<8432xf32, #tpu.memory_space<vmem>>[vector<16xi32>], vector<16xf32>,
        %add3A_608 = arith.constant 5 : i32
        %add3A_609 = vector.broadcast %add3A_608 : i32 to vector<16xi32>
        %add3A_610 = arith.addi %add3A_532, %add3A_609 : vector<16xi32>
        %gather3A_611 = tpu.vector_load_idx %arg11[%add3A_610] masked %ge3A_218 : memref<24576xf32, #tpu.memory_space<vmem>>[vector<16xi32>], vector<16xf32>, vector<16xi1>
        %add3A_612 = vector.broadcast %squeeze3A_601 : i32 to vector<16xi32>
        %add3A_613 = arith.addi %add3A_612, %add3A_358 : vector<16xi32>
        tpu.vector_store_idx %arg9[%add3A_613], %gather3A_611 masked %ge3A_218 {add = true} : memref<8432xf32, #tpu.memory_space<vmem>>[vector<16xi32>], vector<16xf32>, vector<16xi1>
        %slice3A_614 = vector.extract_strided_slice %mul3A_474 {offsets = [6], sizes = [1], strides = [1]} : vector<16xi32> to vector<1xi32>
        %squeeze3A_615 = vector.extract %slice3A_614[0] : i32 from vector<1xi32>
        %add3A_616 = arith.constant 6 : i32
        %add3A_617 = vector.broadcast %add3A_616 : i32 to vector<16xi32>
        %add3A_618 = arith.addi %add3A_530, %add3A_617 : vector<16xi32>
        %gather3A_619 = tpu.vector_load_idx %arg11[%add3A_618] : memref<24576xf32, #tpu.memory_space<vmem>>[vector<16xi32>], vector<16xf32>,
        %add3A_620 = vector.broadcast %squeeze3A_615 : i32 to vector<16xi32>
        %add3A_621 = arith.addi %add3A_620, %iota3A_185 : vector<16xi32>
        tpu.vector_store_idx %arg9[%add3A_621], %gather3A_619 {add = true} : memref<8432xf32, #tpu.memory_space<vmem>>[vector<16xi32>], vector<16xf32>,
        %add3A_622 = arith.constant 6 : i32
        %add3A_623 = vector.broadcast %add3A_622 : i32 to vector<16xi32>
        %add3A_624 = arith.addi %add3A_532, %add3A_623 : vector<16xi32>
        %gather3A_625 = tpu.vector_load_idx %arg11[%add3A_624] masked %ge3A_218 : memref<24576xf32, #tpu.memory_space<vmem>>[vector<16xi32>], vector<16xf32>, vector<16xi1>
        %add3A_626 = vector.broadcast %squeeze3A_615 : i32 to vector<16xi32>
        %add3A_627 = arith.addi %add3A_626, %add3A_358 : vector<16xi32>
        tpu.vector_store_idx %arg9[%add3A_627], %gather3A_625 masked %ge3A_218 {add = true} : memref<8432xf32, #tpu.memory_space<vmem>>[vector<16xi32>], vector<16xf32>, vector<16xi1>
        %slice3A_628 = vector.extract_strided_slice %mul3A_474 {offsets = [7], sizes = [1], strides = [1]} : vector<16xi32> to vector<1xi32>
        %squeeze3A_629 = vector.extract %slice3A_628[0] : i32 from vector<1xi32>
        %add3A_630 = arith.constant 7 : i32
        %add3A_631 = vector.broadcast %add3A_630 : i32 to vector<16xi32>
        %add3A_632 = arith.addi %add3A_530, %add3A_631 : vector<16xi32>
        %gather3A_633 = tpu.vector_load_idx %arg11[%add3A_632] : memref<24576xf32, #tpu.memory_space<vmem>>[vector<16xi32>], vector<16xf32>,
        %add3A_634 = vector.broadcast %squeeze3A_629 : i32 to vector<16xi32>
        %add3A_635 = arith.addi %add3A_634, %iota3A_185 : vector<16xi32>
        tpu.vector_store_idx %arg9[%add3A_635], %gather3A_633 {add = true} : memref<8432xf32, #tpu.memory_space<vmem>>[vector<16xi32>], vector<16xf32>,
        %add3A_636 = arith.constant 7 : i32
        %add3A_637 = vector.broadcast %add3A_636 : i32 to vector<16xi32>
        %add3A_638 = arith.addi %add3A_532, %add3A_637 : vector<16xi32>
        %gather3A_639 = tpu.vector_load_idx %arg11[%add3A_638] masked %ge3A_218 : memref<24576xf32, #tpu.memory_space<vmem>>[vector<16xi32>], vector<16xf32>, vector<16xi1>
        %add3A_640 = vector.broadcast %squeeze3A_629 : i32 to vector<16xi32>
        %add3A_641 = arith.addi %add3A_640, %add3A_358 : vector<16xi32>
        tpu.vector_store_idx %arg9[%add3A_641], %gather3A_639 masked %ge3A_218 {add = true} : memref<8432xf32, #tpu.memory_space<vmem>>[vector<16xi32>], vector<16xf32>, vector<16xi1>
        %slice3A_642 = vector.extract_strided_slice %mul3A_474 {offsets = [8], sizes = [1], strides = [1]} : vector<16xi32> to vector<1xi32>
        %squeeze3A_643 = vector.extract %slice3A_642[0] : i32 from vector<1xi32>
        %add3A_644 = arith.constant 8 : i32
        %add3A_645 = vector.broadcast %add3A_644 : i32 to vector<16xi32>
        %add3A_646 = arith.addi %add3A_530, %add3A_645 : vector<16xi32>
        %gather3A_647 = tpu.vector_load_idx %arg11[%add3A_646] : memref<24576xf32, #tpu.memory_space<vmem>>[vector<16xi32>], vector<16xf32>,
        %add3A_648 = vector.broadcast %squeeze3A_643 : i32 to vector<16xi32>
        %add3A_649 = arith.addi %add3A_648, %iota3A_185 : vector<16xi32>
        tpu.vector_store_idx %arg9[%add3A_649], %gather3A_647 {add = true} : memref<8432xf32, #tpu.memory_space<vmem>>[vector<16xi32>], vector<16xf32>,
        %add3A_650 = arith.constant 8 : i32
        %add3A_651 = vector.broadcast %add3A_650 : i32 to vector<16xi32>
        %add3A_652 = arith.addi %add3A_532, %add3A_651 : vector<16xi32>
        %gather3A_653 = tpu.vector_load_idx %arg11[%add3A_652] masked %ge3A_218 : memref<24576xf32, #tpu.memory_space<vmem>>[vector<16xi32>], vector<16xf32>, vector<16xi1>
        %add3A_654 = vector.broadcast %squeeze3A_643 : i32 to vector<16xi32>
        %add3A_655 = arith.addi %add3A_654, %add3A_358 : vector<16xi32>
        tpu.vector_store_idx %arg9[%add3A_655], %gather3A_653 masked %ge3A_218 {add = true} : memref<8432xf32, #tpu.memory_space<vmem>>[vector<16xi32>], vector<16xf32>, vector<16xi1>
        %slice3A_656 = vector.extract_strided_slice %mul3A_474 {offsets = [9], sizes = [1], strides = [1]} : vector<16xi32> to vector<1xi32>
        %squeeze3A_657 = vector.extract %slice3A_656[0] : i32 from vector<1xi32>
        %add3A_658 = arith.constant 9 : i32
        %add3A_659 = vector.broadcast %add3A_658 : i32 to vector<16xi32>
        %add3A_660 = arith.addi %add3A_530, %add3A_659 : vector<16xi32>
        %gather3A_661 = tpu.vector_load_idx %arg11[%add3A_660] : memref<24576xf32, #tpu.memory_space<vmem>>[vector<16xi32>], vector<16xf32>,
        %add3A_662 = vector.broadcast %squeeze3A_657 : i32 to vector<16xi32>
        %add3A_663 = arith.addi %add3A_662, %iota3A_185 : vector<16xi32>
        tpu.vector_store_idx %arg9[%add3A_663], %gather3A_661 {add = true} : memref<8432xf32, #tpu.memory_space<vmem>>[vector<16xi32>], vector<16xf32>,
        %add3A_664 = arith.constant 9 : i32
        %add3A_665 = vector.broadcast %add3A_664 : i32 to vector<16xi32>
        %add3A_666 = arith.addi %add3A_532, %add3A_665 : vector<16xi32>
        %gather3A_667 = tpu.vector_load_idx %arg11[%add3A_666] masked %ge3A_218 : memref<24576xf32, #tpu.memory_space<vmem>>[vector<16xi32>], vector<16xf32>, vector<16xi1>
        %add3A_668 = vector.broadcast %squeeze3A_657 : i32 to vector<16xi32>
        %add3A_669 = arith.addi %add3A_668, %add3A_358 : vector<16xi32>
        tpu.vector_store_idx %arg9[%add3A_669], %gather3A_667 masked %ge3A_218 {add = true} : memref<8432xf32, #tpu.memory_space<vmem>>[vector<16xi32>], vector<16xf32>, vector<16xi1>
        %slice3A_670 = vector.extract_strided_slice %mul3A_474 {offsets = [10], sizes = [1], strides = [1]} : vector<16xi32> to vector<1xi32>
        %squeeze3A_671 = vector.extract %slice3A_670[0] : i32 from vector<1xi32>
        %add3A_672 = arith.constant 10 : i32
        %add3A_673 = vector.broadcast %add3A_672 : i32 to vector<16xi32>
        %add3A_674 = arith.addi %add3A_530, %add3A_673 : vector<16xi32>
        %gather3A_675 = tpu.vector_load_idx %arg11[%add3A_674] : memref<24576xf32, #tpu.memory_space<vmem>>[vector<16xi32>], vector<16xf32>,
        %add3A_676 = vector.broadcast %squeeze3A_671 : i32 to vector<16xi32>
        %add3A_677 = arith.addi %add3A_676, %iota3A_185 : vector<16xi32>
        tpu.vector_store_idx %arg9[%add3A_677], %gather3A_675 {add = true} : memref<8432xf32, #tpu.memory_space<vmem>>[vector<16xi32>], vector<16xf32>,
        %add3A_678 = arith.constant 10 : i32
        %add3A_679 = vector.broadcast %add3A_678 : i32 to vector<16xi32>
        %add3A_680 = arith.addi %add3A_532, %add3A_679 : vector<16xi32>
        %gather3A_681 = tpu.vector_load_idx %arg11[%add3A_680] masked %ge3A_218 : memref<24576xf32, #tpu.memory_space<vmem>>[vector<16xi32>], vector<16xf32>, vector<16xi1>
        %add3A_682 = vector.broadcast %squeeze3A_671 : i32 to vector<16xi32>
        %add3A_683 = arith.addi %add3A_682, %add3A_358 : vector<16xi32>
        tpu.vector_store_idx %arg9[%add3A_683], %gather3A_681 masked %ge3A_218 {add = true} : memref<8432xf32, #tpu.memory_space<vmem>>[vector<16xi32>], vector<16xf32>, vector<16xi1>
        %slice3A_684 = vector.extract_strided_slice %mul3A_474 {offsets = [11], sizes = [1], strides = [1]} : vector<16xi32> to vector<1xi32>
        %squeeze3A_685 = vector.extract %slice3A_684[0] : i32 from vector<1xi32>
        %add3A_686 = arith.constant 11 : i32
        %add3A_687 = vector.broadcast %add3A_686 : i32 to vector<16xi32>
        %add3A_688 = arith.addi %add3A_530, %add3A_687 : vector<16xi32>
        %gather3A_689 = tpu.vector_load_idx %arg11[%add3A_688] : memref<24576xf32, #tpu.memory_space<vmem>>[vector<16xi32>], vector<16xf32>,
        %add3A_690 = vector.broadcast %squeeze3A_685 : i32 to vector<16xi32>
        %add3A_691 = arith.addi %add3A_690, %iota3A_185 : vector<16xi32>
        tpu.vector_store_idx %arg9[%add3A_691], %gather3A_689 {add = true} : memref<8432xf32, #tpu.memory_space<vmem>>[vector<16xi32>], vector<16xf32>,
        %add3A_692 = arith.constant 11 : i32
        %add3A_693 = vector.broadcast %add3A_692 : i32 to vector<16xi32>
        %add3A_694 = arith.addi %add3A_532, %add3A_693 : vector<16xi32>
        %gather3A_695 = tpu.vector_load_idx %arg11[%add3A_694] masked %ge3A_218 : memref<24576xf32, #tpu.memory_space<vmem>>[vector<16xi32>], vector<16xf32>, vector<16xi1>
        %add3A_696 = vector.broadcast %squeeze3A_685 : i32 to vector<16xi32>
        %add3A_697 = arith.addi %add3A_696, %add3A_358 : vector<16xi32>
        tpu.vector_store_idx %arg9[%add3A_697], %gather3A_695 masked %ge3A_218 {add = true} : memref<8432xf32, #tpu.memory_space<vmem>>[vector<16xi32>], vector<16xf32>, vector<16xi1>
        %slice3A_698 = vector.extract_strided_slice %mul3A_474 {offsets = [12], sizes = [1], strides = [1]} : vector<16xi32> to vector<1xi32>
        %squeeze3A_699 = vector.extract %slice3A_698[0] : i32 from vector<1xi32>
        %add3A_700 = arith.constant 12 : i32
        %add3A_701 = vector.broadcast %add3A_700 : i32 to vector<16xi32>
        %add3A_702 = arith.addi %add3A_530, %add3A_701 : vector<16xi32>
        %gather3A_703 = tpu.vector_load_idx %arg11[%add3A_702] : memref<24576xf32, #tpu.memory_space<vmem>>[vector<16xi32>], vector<16xf32>,
        %add3A_704 = vector.broadcast %squeeze3A_699 : i32 to vector<16xi32>
        %add3A_705 = arith.addi %add3A_704, %iota3A_185 : vector<16xi32>
        tpu.vector_store_idx %arg9[%add3A_705], %gather3A_703 {add = true} : memref<8432xf32, #tpu.memory_space<vmem>>[vector<16xi32>], vector<16xf32>,
        %add3A_706 = arith.constant 12 : i32
        %add3A_707 = vector.broadcast %add3A_706 : i32 to vector<16xi32>
        %add3A_708 = arith.addi %add3A_532, %add3A_707 : vector<16xi32>
        %gather3A_709 = tpu.vector_load_idx %arg11[%add3A_708] masked %ge3A_218 : memref<24576xf32, #tpu.memory_space<vmem>>[vector<16xi32>], vector<16xf32>, vector<16xi1>
        %add3A_710 = vector.broadcast %squeeze3A_699 : i32 to vector<16xi32>
        %add3A_711 = arith.addi %add3A_710, %add3A_358 : vector<16xi32>
        tpu.vector_store_idx %arg9[%add3A_711], %gather3A_709 masked %ge3A_218 {add = true} : memref<8432xf32, #tpu.memory_space<vmem>>[vector<16xi32>], vector<16xf32>, vector<16xi1>
        %slice3A_712 = vector.extract_strided_slice %mul3A_474 {offsets = [13], sizes = [1], strides = [1]} : vector<16xi32> to vector<1xi32>
        %squeeze3A_713 = vector.extract %slice3A_712[0] : i32 from vector<1xi32>
        %add3A_714 = arith.constant 13 : i32
        %add3A_715 = vector.broadcast %add3A_714 : i32 to vector<16xi32>
        %add3A_716 = arith.addi %add3A_530, %add3A_715 : vector<16xi32>
        %gather3A_717 = tpu.vector_load_idx %arg11[%add3A_716] : memref<24576xf32, #tpu.memory_space<vmem>>[vector<16xi32>], vector<16xf32>,
        %add3A_718 = vector.broadcast %squeeze3A_713 : i32 to vector<16xi32>
        %add3A_719 = arith.addi %add3A_718, %iota3A_185 : vector<16xi32>
        tpu.vector_store_idx %arg9[%add3A_719], %gather3A_717 {add = true} : memref<8432xf32, #tpu.memory_space<vmem>>[vector<16xi32>], vector<16xf32>,
        %add3A_720 = arith.constant 13 : i32
        %add3A_721 = vector.broadcast %add3A_720 : i32 to vector<16xi32>
        %add3A_722 = arith.addi %add3A_532, %add3A_721 : vector<16xi32>
        %gather3A_723 = tpu.vector_load_idx %arg11[%add3A_722] masked %ge3A_218 : memref<24576xf32, #tpu.memory_space<vmem>>[vector<16xi32>], vector<16xf32>, vector<16xi1>
        %add3A_724 = vector.broadcast %squeeze3A_713 : i32 to vector<16xi32>
        %add3A_725 = arith.addi %add3A_724, %add3A_358 : vector<16xi32>
        tpu.vector_store_idx %arg9[%add3A_725], %gather3A_723 masked %ge3A_218 {add = true} : memref<8432xf32, #tpu.memory_space<vmem>>[vector<16xi32>], vector<16xf32>, vector<16xi1>
        %slice3A_726 = vector.extract_strided_slice %mul3A_474 {offsets = [14], sizes = [1], strides = [1]} : vector<16xi32> to vector<1xi32>
        %squeeze3A_727 = vector.extract %slice3A_726[0] : i32 from vector<1xi32>
        %add3A_728 = arith.constant 14 : i32
        %add3A_729 = vector.broadcast %add3A_728 : i32 to vector<16xi32>
        %add3A_730 = arith.addi %add3A_530, %add3A_729 : vector<16xi32>
        %gather3A_731 = tpu.vector_load_idx %arg11[%add3A_730] : memref<24576xf32, #tpu.memory_space<vmem>>[vector<16xi32>], vector<16xf32>,
        %add3A_732 = vector.broadcast %squeeze3A_727 : i32 to vector<16xi32>
        %add3A_733 = arith.addi %add3A_732, %iota3A_185 : vector<16xi32>
        tpu.vector_store_idx %arg9[%add3A_733], %gather3A_731 {add = true} : memref<8432xf32, #tpu.memory_space<vmem>>[vector<16xi32>], vector<16xf32>,
        %add3A_734 = arith.constant 14 : i32
        %add3A_735 = vector.broadcast %add3A_734 : i32 to vector<16xi32>
        %add3A_736 = arith.addi %add3A_532, %add3A_735 : vector<16xi32>
        %gather3A_737 = tpu.vector_load_idx %arg11[%add3A_736] masked %ge3A_218 : memref<24576xf32, #tpu.memory_space<vmem>>[vector<16xi32>], vector<16xf32>, vector<16xi1>
        %add3A_738 = vector.broadcast %squeeze3A_727 : i32 to vector<16xi32>
        %add3A_739 = arith.addi %add3A_738, %add3A_358 : vector<16xi32>
        tpu.vector_store_idx %arg9[%add3A_739], %gather3A_737 masked %ge3A_218 {add = true} : memref<8432xf32, #tpu.memory_space<vmem>>[vector<16xi32>], vector<16xf32>, vector<16xi1>
        %slice3A_740 = vector.extract_strided_slice %mul3A_474 {offsets = [15], sizes = [1], strides = [1]} : vector<16xi32> to vector<1xi32>
        %squeeze3A_741 = vector.extract %slice3A_740[0] : i32 from vector<1xi32>
        %add3A_742 = arith.constant 15 : i32
        %add3A_743 = vector.broadcast %add3A_742 : i32 to vector<16xi32>
        %add3A_744 = arith.addi %add3A_530, %add3A_743 : vector<16xi32>
        %gather3A_745 = tpu.vector_load_idx %arg11[%add3A_744] : memref<24576xf32, #tpu.memory_space<vmem>>[vector<16xi32>], vector<16xf32>,
        %add3A_746 = vector.broadcast %squeeze3A_741 : i32 to vector<16xi32>
        %add3A_747 = arith.addi %add3A_746, %iota3A_185 : vector<16xi32>
        tpu.vector_store_idx %arg9[%add3A_747], %gather3A_745 {add = true} : memref<8432xf32, #tpu.memory_space<vmem>>[vector<16xi32>], vector<16xf32>,
        %add3A_748 = arith.constant 15 : i32
        %add3A_749 = vector.broadcast %add3A_748 : i32 to vector<16xi32>
        %add3A_750 = arith.addi %add3A_532, %add3A_749 : vector<16xi32>
        %gather3A_751 = tpu.vector_load_idx %arg11[%add3A_750] masked %ge3A_218 : memref<24576xf32, #tpu.memory_space<vmem>>[vector<16xi32>], vector<16xf32>, vector<16xi1>
        %add3A_752 = vector.broadcast %squeeze3A_741 : i32 to vector<16xi32>
        %add3A_753 = arith.addi %add3A_752, %add3A_358 : vector<16xi32>
        tpu.vector_store_idx %arg9[%add3A_753], %gather3A_751 masked %ge3A_218 {add = true} : memref<8432xf32, #tpu.memory_space<vmem>>[vector<16xi32>], vector<16xf32>, vector<16xi1>
        %broadcast_in_dim3A = arith.constant true
        %broadcast_in_dim3A_754 = vector.broadcast %broadcast_in_dim3A : i1 to vector<16xi1>
        %unique3A, %unique3A_755 = tpu.scan_count mask(%broadcast_in_dim3A_754 : vector<16xi1>) value(%mul3A_474 : vector<16xi32>) : vector<16xi1>, vector<16xi32>
        %convert_element_type3A_756 = arith.sitofp %unique3A_755 : vector<16xi32> to vector<16xf32>
        %add3A_757 = arith.constant 20 : i32
        %add3A_758 = vector.broadcast %add3A_757 : i32 to vector<16xi32>
        %add3A_759 = arith.addi %mul3A_474, %add3A_758 : vector<16xi32>
        tpu.vector_store_idx %arg9[%add3A_759], %convert_element_type3A_756 masked %unique3A {add = true} : memref<8432xf32, #tpu.memory_space<vmem>>[vector<16xi32>], vector<16xf32>, vector<16xi1>
      }
    }
    %mul3A_369 = arith.constant 0 : i32
    %mul3A_370 = vector.broadcast %mul3A_369 : i32 to vector<16xi32>
    %mul3A_371 = arith.muli %iota3A_185, %mul3A_370 : vector<16xi32>
    %add3A_372 = arith.constant 1 : i32
    %add3A_373 = vector.broadcast %add3A_372 : i32 to vector<16xi32>
    %add3A_374 = arith.addi %mul3A_371, %add3A_373 : vector<16xi32>
    %convert_element_type3A_375 = arith.sitofp %add3A_374 : vector<16xi32> to vector<16xf32>
    %scan3A_376 = arith.constant 0 : i32
    %scan3A_377 = arith.constant 0 : i32
    %scan3A_378 = arith.constant 0 : i32
    %scan3A_379 = arith.constant 0 : i32
    %scan3A_380 = arith.constant 400 : i32
    %scan3A_381 = arith.addi %scan3A_379, %scan3A_380 : i32
    %scan3A_382 = arith.constant 1 : i32
    scf.for %scan3A_388 = %scan3A_379 to %scan3A_381 step %scan3A_382  : i32 {
      %mul3A_389 = arith.constant 400 : i32
      %mul3A_390 = arith.muli %scan3A_377, %mul3A_389 : i32
      %add3A_391 = arith.addi %mul3A_390, %scan3A_388 : i32
      %mul3A_392 = arith.constant 21 : i32
      %mul3A_393 = arith.muli %add3A_391, %mul3A_392 : i32
      %get3A = arith.index_cast %mul3A_393 : i32 to index
      %get3A_394 = tpu.vector_load %arg9[%get3A] {strides = array<i32>} : memref<8432xf32, #tpu.memory_space<vmem>>, vector<16xf32>,
      %add3A_395 = arith.constant 20 : i32
      %add3A_396 = arith.addi %mul3A_393, %add3A_395 : i32
      %sub3A_397 = arith.constant 15 : i32
      %sub3A_398 = arith.subi %add3A_396, %sub3A_397 : i32
      %get3A_399 = arith.index_cast %sub3A_398 : i32 to index
      %get3A_400 = tpu.vector_load %arg9[%get3A_399] {strides = array<i32>} : memref<8432xf32, #tpu.memory_space<vmem>>, vector<16xf32>,
      %slice3A = vector.extract_strided_slice %get3A_400 {offsets = [15], sizes = [1], strides = [1]} : vector<16xf32> to vector<1xf32>
      %squeeze3A = vector.extract %slice3A[0] : f32 from vector<1xf32>
      %broadcast_in_dim3A = vector.broadcast %squeeze3A : f32 to vector<16xf32>
      %max3A = arith.maximumf %broadcast_in_dim3A, %convert_element_type3A_375 : vector<16xf32>
      %div3A_401 = arith.divf %convert_element_type3A_375, %max3A : vector<16xf32>
      %mul3A_402 = arith.mulf %get3A_394, %div3A_401 : vector<16xf32>
      %swap3A = arith.index_cast %scan3A_388 : i32 to index
      %swap3A_403 = arith.constant 0 : index
      %swap3A_404 = tpu.vector_load %arg14[%swap3A, %swap3A_403] {strides = array<i32>} : memref<400x20xf32, #tpu.memory_space<vmem>>, vector<16xf32>,
      tpu.vector_store %arg14[%swap3A, %swap3A_403], %mul3A_402 {strides = array<i32>} : memref<400x20xf32, #tpu.memory_space<vmem>>, vector<16xf32>,
      %add3A_405 = arith.constant 4 : i32
      %add3A_406 = arith.addi %mul3A_393, %add3A_405 : i32
      %get3A_407 = arith.index_cast %add3A_406 : i32 to index
      %get3A_408 = tpu.vector_load %arg9[%get3A_407] {strides = array<i32>} : memref<8432xf32, #tpu.memory_space<vmem>>, vector<16xf32>,
      %mul3A_409 = arith.mulf %get3A_408, %div3A_401 : vector<16xf32>
      %swap3A_410 = arith.index_cast %scan3A_388 : i32 to index
      %swap3A_411 = arith.constant 4 : index
      %swap3A_412 = tpu.vector_load %arg14[%swap3A_410, %swap3A_411] {strides = array<i32>} : memref<400x20xf32, #tpu.memory_space<vmem>>, vector<16xf32>,
      tpu.vector_store %arg14[%swap3A_410, %swap3A_411], %mul3A_409 {strides = array<i32>} : memref<400x20xf32, #tpu.memory_space<vmem>>, vector<16xf32>,
    }
    %scan3A_383 = arith.constant 400 : i32
    %mul3A_384 = arith.constant 400 : i32
    %mul3A_385 = arith.muli %scan3A_377, %mul3A_384 : i32
    %add3A_386 = arith.addi %mul3A_187, %mul3A_385 : i32
    "tpu.region"() ({
      %run_scoped3A = tpu.sem_alloc : memref<!tpu.dma_semaphore, #tpu.memory_space<semaphore_mem>>
      %dma_start3A = arith.constant 0 : i32
      %dma_start3A_388 = tpu.memref_slice %arg7[%add3A_386, %dma_start3A] : memref<12800x20xf32, #tpu.memory_space<hbm>> -> memref<400x20xf32, #tpu.memory_space<hbm>>
      %dma_start3A_389 = arith.constant 0 : i32
      %dma_start3A_390 = tpu.memref_slice %arg7[%add3A_386, %dma_start3A_389] : memref<12800x20xf32, #tpu.memory_space<hbm>> -> memref<400x20xf32, #tpu.memory_space<hbm>>
      tpu.enqueue_dma source(%arg14 : memref<400x20xf32, #tpu.memory_space<vmem>>) target(%dma_start3A_390 : memref<400x20xf32, #tpu.memory_space<hbm>>) target_semaphore(%run_scoped3A : memref<!tpu.dma_semaphore, #tpu.memory_space<semaphore_mem>>)
      %dma_wait3A = arith.constant 0 : i32
      %dma_wait3A_391 = tpu.memref_slice %arg7[%add3A_386, %dma_wait3A] : memref<12800x20xf32, #tpu.memory_space<hbm>> -> memref<400x20xf32, #tpu.memory_space<hbm>>
      %dma_wait3A_392 = arith.constant 0 : i32
      %dma_wait3A_393 = tpu.memref_slice %arg7[%add3A_386, %dma_wait3A_392] : memref<12800x20xf32, #tpu.memory_space<hbm>> -> memref<400x20xf32, #tpu.memory_space<hbm>>
      tpu.wait_dma2 semaphore(%run_scoped3A : memref<!tpu.dma_semaphore, #tpu.memory_space<semaphore_mem>>) src(%arg14 : memref<400x20xf32, #tpu.memory_space<vmem>>) dst(%dma_wait3A_393 : memref<400x20xf32, #tpu.memory_space<hbm>>)
      tpu.yield
    }) : () -> ()
    %scan3A_387 = arith.constant 1 : i32
    return
  }
}

</mosaic_0001>

<sc_bundles>
// kernel: kernel.3.cloned.1.call-start
scs
__scs_entry_jumppad:
0x0: {  	(pc) =	sbr.rel $0x88, $3  }
0x1: {  	(tag) =	ssettag $0x0;
	lr =	simm.s32 $0x1  }
0x2: {  	[smem:$0x3F9D] =	sst lr;
	_ =	strace $0xD0000000  }
0x3: {  	_ = 	snop  }
0x4: {  	_ = 	snop  }
0x5: {  	_ = 	snop  }
0x6: {  	_ = 	snop  }
0x7: {  	_ = 	snop  }
__scs_overlays_trampoline_lowered:
0x8: {  	[smem:$0x3FAC] =	sst s0  }
0x9: {  	[smem:$0x3FAD] =	sst s1  }
0xa: {  	[smem:$0x3FAE] =	sst s2  }
0xb: {  	[smem:$0x3FAF] =	sst s3  }
0xc: {  	[smem:$0x3FB0] =	sst s4  }
0xd: {  	[smem:$0x3FB1] =	sst s5  }
0xe: {  	[smem:$0x3FB2] =	sst s6  }
0xf: {  	[smem:$0x3FB3] =	sst s7  }
0x10: {  	[smem:$0x3FB4] =	sst s8  }
0x11: {  	[smem:$0x3FB5] =	sst s9;
	s0 =	simm.s32 @!p0 $0x0  }
0x12: {  	s1 =	sld [smem:$0x3F9B];
	s0 =	simm.s32 @p0 $0x1  }
0x13: {  	[smem:$0x3FB6] =	sst s0;
	s0 =	simm.s32 @!p1 $0x0  }
0x14: {  	s2 =	sld [smem:$0x3F9A];
	s0 =	simm.s32 @p1 $0x1  }
0x15: {  	[smem:$0x3FB7] =	sst s0;
	s0 =	simm.s32 @!p2 $0x0  }
0x16: {  	s3 =	sld [smem:$0x3FDB];
	s0 =	simm.s32 @p2 $0x1  }
0x17: {  	s4 =	simm.s32 $0x1BF5;
	[smem:$0x3FB9] =	sst s0  }
0x18: {  	s0 =	sld [smem:$0x3F9C];
	_ =	swait.ge [sflag:s4], $0x0  }
0x19: {  	s7 =	sld [smem:$0x3F9D]  }
0x1a: {  	s8 =	sadd.s32 $0xFFFFE003, lr  }
0x1b: {  	s9 =	sadd.s32 $0xFFFFFEF7, lr;
	s5 =	simm.s32 $0xFFFFFFFF;
	p2 =	slt.u32 s8, $0xFFFFF086  }
0x1c: {  	p1 =	slt.u32 s9, $0xF7A;
	s5 =	simm.s32 @!p2 $0x0  }
0x1d: {  	s5 =	simm.s32 @p1 $0x1;
	p0 =	seq.s32 s7, s2  }
0x1e: {  	s7 =	smul.u32 @!p0 $0xF7A, s2;
	p2 =	seq.s32 @!p0 s5, $0x0  }
0x1f: {  	s9 =	smul.u32 $0xF7A, s1;
	s8 =	simm.s32 @!p0 $0x1BF5;
	p2 =	por !p2, p0  }
0x20: {  	[sflag:s8] =	ssyncset.s32 @!p0 $0xFFFFF086;
	s6 =	sadd.s32 @!p0 s3, s7;
	s7 =	simm.s32 @!p0 $0x108  }
0x21: {  	s3 =	sadd.s32 s3, s9;
	s6 =	sadd.s32 @!p0 $0x88, s6;
	s7 =	simm.s32 @p2 $0x1082  }
0x22: {  	[simem:s7], [sflag:s8] =	dma.local @!p0 [hbm:s6], $0xF7A  }
0x23: {  	s9 =	sor.u32 $0xD0000000, s2;
	s6 =	simm.s32 $0x108;
	_ =	swait.ge @!p0 [sflag:s8], $0x0  }
0x24: {  	s3 =	sadd.s32 $0x88, s3;
	s6 =	simm.s32 @!p1 $0x1082;
	[sflag:s4] =	ssyncset.s32 $0xFFFFF086  }
0x25: {  	[simem:s6], [sflag:s4] =	dma.local [hbm:s3], $0xF7A  }
0x26: {  	[smem:$0x3F9D] =	sst s1;
	(tag) =	ssettag s2;
	_ =	strace s9  }
0x27: {  	s1 =	sld [smem:$0x3FAD]  }
0x28: {  	s2 =	sld [smem:$0x3FAE]  }
0x29: {  	s4 =	sld [smem:$0x3FB0]  }
0x2a: {  	p0 =	seq.s32 s5, $0x0;
	s5 =	sld [smem:$0x3FB1]  }
0x2b: {  	s6 =	sld [smem:$0x3FB2]  }
0x2c: {  	s7 =	sld [smem:$0x3FB3]  }
0x2d: {  	s3 =	simm.s32 $0x108;
	s8 =	sld [smem:$0x3FB4]  }
0x2e: {  	s3 =	simm.s32 @!p0 $0x1082;
	s9 =	sld [smem:$0x3FB5]  }
0x2f: {  	lr =	sadd.s32 s0, s3;
	s0 =	sld [smem:$0x3FAC]  }
0x30: {  	s3 =	sld [smem:$0x3FAF]  }
0x31: {  	[smem:$0x3FB8] =	sst s10  }
0x32: {  	s10 =	sld [smem:$0x3FB6];
	_ =	sdelay $0x3  }
0x33: {  	p0 =	seq.s32 s10, $0x1;
	s10 =	sld [smem:$0x3FB8];
	_ =	sdelay $0x3  }
0x34: {  	[smem:$0x3FB8] =	sst s10  }
0x35: {  	s10 =	sld [smem:$0x3FB7];
	_ =	sdelay $0x3  }
0x36: {  	p1 =	seq.s32 s10, $0x1;
	s10 =	sld [smem:$0x3FB8];
	_ =	sdelay $0x3  }
0x37: {  	[smem:$0x3FB8] =	sst s10  }
0x38: {  	s10 =	sld [smem:$0x3FB9]  }
0x39: {  	_ = 	snop;
	(pc) =	sbr.ind lr, $3  }
0x3a: {  	_ = 	snop  }
0x3b: {  	_ = 	snop  }
0x3c: {  	p2 =	seq.s32 s10, $0x1;
	s10 =	sld [smem:$0x3FB8]  }
0x3d: {  	_ =	shalt  }
0x3e: {  	_ =	shalt  }
0x3f: {  	_ =	shalt  }
0x40: {  	_ =	shalt  }
0x41: {  	_ =	shalt  }
0x42: {  	_ =	shalt  }
0x43: {  	_ =	shalt  }
0x44: {  	_ =	shalt  }
0x45: {  	_ =	shalt  }
0x46: {  	_ =	shalt  }
0x47: {  	_ =	shalt  }
0x48: {  	_ =	shalt  }
0x49: {  	_ =	shalt  }
0x4a: {  	_ =	shalt  }
0x4b: {  	_ =	shalt  }
0x4c: {  	_ =	shalt  }
0x4d: {  	_ =	shalt  }
0x4e: {  	_ =	shalt  }
0x4f: {  	_ =	shalt  }
0x50: {  	_ =	shalt  }
0x51: {  	_ =	shalt  }
0x52: {  	_ =	shalt  }
0x53: {  	_ =	shalt  }
0x54: {  	_ =	shalt  }
0x55: {  	_ =	shalt  }
0x56: {  	_ =	shalt  }
0x57: {  	_ =	shalt  }
0x58: {  	_ =	shalt  }
0x59: {  	_ =	shalt  }
0x5a: {  	_ =	shalt  }
0x5b: {  	_ =	shalt  }
0x5c: {  	_ =	shalt  }
0x5d: {  	_ =	shalt  }
0x5e: {  	_ =	shalt  }
0x5f: {  	_ =	shalt  }
0x60: {  	_ =	shalt  }
0x61: {  	_ =	shalt  }
0x62: {  	_ =	shalt  }
0x63: {  	_ =	shalt  }
0x64: {  	_ =	shalt  }
0x65: {  	_ =	shalt  }
0x66: {  	_ =	shalt  }
0x67: {  	_ =	shalt  }
0x68: {  	_ =	shalt  }
0x69: {  	_ =	shalt  }
0x6a: {  	_ =	shalt  }
0x6b: {  	_ =	shalt  }
0x6c: {  	_ =	shalt  }
0x6d: {  	_ =	shalt  }
0x6e: {  	_ =	shalt  }
0x6f: {  	_ =	shalt  }
0x70: {  	_ =	shalt  }
0x71: {  	_ =	shalt  }
0x72: {  	_ =	shalt  }
0x73: {  	_ =	shalt  }
0x74: {  	_ =	shalt  }
0x75: {  	_ =	shalt  }
0x76: {  	_ =	shalt  }
0x77: {  	_ =	shalt  }
0x78: {  	_ =	shalt  }
0x79: {  	_ =	shalt  }
0x7a: {  	_ =	shalt  }
0x7b: {  	_ =	shalt  }
0x7c: {  	_ =	shalt  }
0x7d: {  	_ =	shalt  }
0x7e: {  	_ =	shalt  }
0x7f: {  	_ =	shalt  }
0x80: {  	_ =	shalt  }
0x81: {  	_ =	shalt  }
0x82: {  	_ =	shalt  }
0x83: {  	_ =	shalt  }
0x84: {  	_ =	shalt  }
0x85: {  	_ =	shalt  }
0x86: {  	_ =	shalt  }
0x87: {  	_ =	shalt  }
.Lfunc_end0:
.L_simem_size_0:
called_computation_lowered:
.L_overlay_start_0:
0x88: {  	s2 =	sld [smem:$0x3FD9]  }
0x89: {  	s3 =	sld [smem:$0x3FFE];
	_ =	sdelay $0x1  }
0x8a: {  	s1 =	srdreg.scid  }
0x8b: {  	s0 =	sand.u32 $0x1, s1  }
0x8c: {  	s14 =	sshll.u32 s0, $0xA;
	s2 =	sadd.s32 s3, s2  }
0x8d: {  	s2 =	sadd.s32 s2, s14  }
0x8e: {  	[smem:$0x3FC4] =	sst s2  }
0x8f: {  	_ = 	snop  }
0x90: {  	s2 =	sld [smem:$0x3FD0]  }
0x91: {  	s15 =	sld [smem:$0x3FC9]  }
0x92: {  	s4 =	sld [smem:$0x3FC7]  }
0x93: {  	s6 =	simm.s32 $0xA;
	s7 =	simm.s32 $0x10;
	s5 =	sld [smem:$0x3FC6]  }
0x94: {  	[smem:s7], [sflag:s6] =	dma.local [hbm:s2], $0x1  }
0x95: {  	_ =	swait.eq [sflag:s6], $0x1  }
0x96: {  	[sflag:s6] =	ssyncset.done $0x0  }
0x97: {  	[sflag:s6] =	ssyncadd.s32 $0xFFFFFFFF  }
0x98: {  	s16 =	sld [smem:$0x10];
	(tm) =	ssettm $0x1  }
0x99: {  	s17 =	sld [smem:$0x3FFB];
	_ =	sdelay $0x3  }
0x9a: {  	_ =	strace s17  }
0x9b: {  	s6 =	sld [smem:$0x3FFC];
	_ =	sdelay $0x3  }
0x9c: {  	_ =	strace s6  }
0x9d: {  	s6 =	sld [smem:$0x3FFD];
	_ =	sdelay $0x3  }
0x9e: {  	_ =	strace s6  }
0x9f: {  	_ =	strace $0x8FFFFFFF  }
0xa0: {  	s18 =	sld [smem:$0x3FDB];
	_ =	sdelay $0x1  }
0xa1: {  	s19 =	simm.s32 $_scs_section_size  }
0xa2: {  	s8 =	simm.s32 $_size__tile_overlayer_lowered;
	s9 =	simm.s32 $_tile_overlayer_lowered  }
0xa3: {  	s22 =	simm.s32 $0x1BFF;
	s21 =	sshll.u32 s9, $0x1;
	s6 =	sadd.s32 s19, s18  }
0xa4: {  	s10 =	simm.s32 $0x0;
	s20 =	sshll.u32 s8, $0x1;
	s8 =	sadd.s32 s21, s6  }
0xa5: {  	[timem:s10], [sflag:s22] =	dma.local [hbm:s8], s20  }
0xa6: {  	_ =	swait.ge [sflag:s22], s20  }
0xa7: {  	s7 =	ssub.s32 $0x0, s20;
	[sflag:s22] =	ssyncset.done $0x0  }
0xa8: {  	[sflag:s22] =	ssyncadd.s32 s7;
	_ =	sdelay $0x1  }
0xa9: {  	s23 =	simm.s32 $0x1B8B  }
0xaa: {  	_ =	swait.ge [sflag:s23], $0x1  }
0xab: {  	[sflag:s23] =	ssyncset.done $0x0  }
0xac: {  	s25 =	simm.s32 $0x1B8E;
	s24 =	sld [smem:$0x3FFE];
	[sflag:s23] =	ssyncadd.s32 $0xFFFFFFFF  }
0xad: {  	s26 =	simm.s32 $execute0_lowered;
	[smem:$0x3FD2] =	sst s25  }
0xae: {  	s8 =	sshll.u32 s26, $0x1;
	_ =	strace $0x80000046;
	[dreg:$0x1] =	wrdreg $0xFFFFFFFF  }
0xaf: {  	s28 =	simm.s32 $_size_execute0_lowered;
	s6 =	sadd.s32 s6, s8;
	[dreg:$0x0] =	wrdreg $0x0  }
0xb0: {  	s8 =	sshll.u32 s28, $0x1;
	[dreg:$0x2] =	wrdreg s6  }
0xb1: {  	[dreg:$0x3] =	wrdreg s8  }
0xb2: {  	[dreg:$0x4] =	wrdreg $0xC0  }
0xb3: {  	_ =	task [dreg:s10], $0x5FFFF  }
0xb4: {  	[dreg:$0x1] =	wrdreg $0xFFFFFFFF  }
0xb5: {  	[dreg:$0x0] =	wrdreg $0x60  }
0xb6: {  	[dreg:$0x2] =	wrdreg s15  }
0xb7: {  	[dreg:$0x3] =	wrdreg s24  }
0xb8: {  	[dreg:$0x4] =	wrdreg s4  }
0xb9: {  	[dreg:$0x5] =	wrdreg s5  }
0xba: {  	[dreg:$0x6] =	wrdreg s16  }
0xbb: {  	[dreg:$0x7] =	wrdreg $0x9  }
0xbc: {  	_ =	task.clear_ibuf [dreg:s10], $0x8FFFF;
	_ =	strace $0x90000046  }
0xbd: {  	s29 =	simm.s32 $0x9;
	_ =	strace $0x80000048  }
0xbe: {  	_ =	swait.ge [sflag:s29], $0x1  }
0xbf: {  	[sflag:s29] =	ssyncadd.s32 $0xFFFFFFFF  }
0xc0: {  	_ =	strace $0x90000048  }
0xc1: {  	_ =	sfence  }
0xc2: {  	s30 =	sld [smem:$0x0];
	_ =	sdelay $0x2  }
0xc3: {  	s31 =	sshll.u32 s1, $0xD;
	s1 =	sshrl.u32 s1, $0x2  }
0xc4: {  	s3 =	sand.u32 $0x4000, s31;
	s1 =	sadd.s32 s1, s30  }
0xc5: {  	s0 =	sor.u32 s3, s0;
	s1 =	sshll.u32 s1, $0x11  }
0xc6: {  	s0 =	sor.u32 s1, s0  }
0xc7: {  	s0 =	sadd.s32 $0x8F2B, s0  }
0xc8: {  	[sflag:s0] =	ssyncadd.remote.s32 $0x1  }
0xc9: {  	_ =	sfence.sel $0xFFFF  }
0xca: {  	[dreg:$0x0] =	wrdreg $0xFFFFFFFF;
	(pc) =	sbr.abs _section_cstart, $3  }
0xcb: {  	[dreg:$0x1] =	wrdreg $0xFFFFFFFF  }
0xcc: {  	_ =	task.clear_ibuf [dreg:s10], $0x2FFFF;
	_ =	strace $0x9FFFFFFF  }
0xcd: {  	(tm) =	ssettm $0x7FFFFFFF  }
tec
execute0_lowered:
.L_overlay_start_1:
0x0: {  	(tag) =	ssettag $0x1  }
0x1: {  	v0 =	vimm.s32 $0x2380;
	vm14 =	vcmask $0x300;
	vm13 =	vcmask $0x704  }
0x2: {  	vm12 =	vcmask $0xB08;
	vm11 =	vcmask $0xF0C;
	vm10 =	vcmask $0x1310  }
0x3: {  	vm9 =	vcmask $0x1714;
	vm6 =	vcmask $0x1B18;
	vm7 =	vcmask $0x1F1C  }
0x4: {  	vm8 =	vcmask $0x2320;
	vm5 =	vcmask $0x2724;
	vm4 =	vcmask $0x2B28  }
0x5: {  	vm3 =	vcmask $0x2F2C;
	vm2 =	vcmask $0x3330;
	vm1 =	vcmask $0x3734  }
0x6: {  	vm0 =	vcmask $0x3B38;
	v5 =	vimm.s32 $0x2381;
	v6 =	vimm.s32 $0x2382  }
0x7: {  	v7 =	vimm.s32 $0x2383;
	v8 =	vimm.s32 $0x2384;
	v9 =	vimm.s32 $0x2385  }
0x8: {  	v10 =	vimm.s32 $0x2386;
	v11 =	vimm.s32 $0x2387;
	v12 =	vimm.s32 $0x2388  }
0x9: {  	v13 =	vimm.s32 $0x2389;
	v14 =	vimm.s32 $0x238A;
	v15 =	vimm.s32 $0x238B  }
0xa: {  	v16 =	vimm.s32 $0x238C;
	v17 =	vimm.s32 $0x238D;
	v18 =	vimm.s32 $0x238E  }
0xb: {  	v19 =	vimm.s32 $0x238F;
	v0 =	vsel vm14, $0x0, v0;
	v5 =	vsel vm14, $0x1, v5  }
0xc: {  	v6 =	vsel vm14, $0x2, v6;
	v7 =	vsel vm14, $0x3, v7;
	v8 =	vsel vm14, $0x4, v8  }
0xd: {  	v9 =	vsel vm14, $0x5, v9;
	v10 =	vsel vm14, $0x6, v10;
	v11 =	vsel vm14, $0x7, v11  }
0xe: {  	v12 =	vsel vm14, $0x8, v12;
	v13 =	vsel vm14, $0x9, v13;
	v14 =	vsel vm14, $0xA, v14  }
0xf: {  	v15 =	vsel vm14, $0xB, v15;
	v16 =	vsel vm14, $0xC, v16;
	v17 =	vsel vm14, $0xD, v17  }
0x10: {  	v18 =	vsel vm14, $0xE, v18;
	v19 =	vsel vm14, $0xF, v19;
	v0 =	vsel vm13, $0x80, v0  }
0x11: {  	v5 =	vsel vm13, $0x81, v5;
	v6 =	vsel vm13, $0x82, v6;
	v7 =	vsel vm13, $0x83, v7  }
0x12: {  	v8 =	vsel vm13, $0x84, v8;
	v9 =	vsel vm13, $0x85, v9;
	v10 =	vsel vm13, $0x86, v10  }
0x13: {  	v11 =	vsel vm13, $0x87, v11;
	v12 =	vsel vm13, $0x88, v12;
	v13 =	vsel vm13, $0x89, v13  }
0x14: {  	v14 =	vsel vm13, $0x8A, v14;
	v15 =	vsel vm13, $0x8B, v15;
	v16 =	vsel vm13, $0x8C, v16  }
0x15: {  	v17 =	vsel vm13, $0x8D, v17;
	v18 =	vsel vm13, $0x8E, v18;
	v19 =	vsel vm13, $0x8F, v19  }
0x16: {  	v0 =	vsel vm12, $0x100, v0;
	v5 =	vsel vm12, $0x101, v5;
	v6 =	vsel vm12, $0x102, v6  }
0x17: {  	v7 =	vsel vm12, $0x103, v7;
	v8 =	vsel vm12, $0x104, v8;
	v9 =	vsel vm12, $0x105, v9  }
0x18: {  	v10 =	vsel vm12, $0x106, v10;
	v11 =	vsel vm12, $0x107, v11;
	v12 =	vsel vm12, $0x108, v12  }
0x19: {  	v13 =	vsel vm12, $0x109, v13;
	v14 =	vsel vm12, $0x10A, v14;
	v15 =	vsel vm12, $0x10B, v15  }
0x1a: {  	v16 =	vsel vm12, $0x10C, v16;
	v17 =	vsel vm12, $0x10D, v17;
	v18 =	vsel vm12, $0x10E, v18  }
0x1b: {  	v19 =	vsel vm12, $0x10F, v19;
	v0 =	vsel vm11, $0x180, v0;
	v5 =	vsel vm11, $0x181, v5  }
0x1c: {  	v6 =	vsel vm11, $0x182, v6;
	v7 =	vsel vm11, $0x183, v7;
	v8 =	vsel vm11, $0x184, v8  }
0x1d: {  	v9 =	vsel vm11, $0x185, v9;
	v10 =	vsel vm11, $0x186, v10;
	v11 =	vsel vm11, $0x187, v11  }
0x1e: {  	v12 =	vsel vm11, $0x188, v12;
	v13 =	vsel vm11, $0x189, v13;
	v14 =	vsel vm11, $0x18A, v14  }
0x1f: {  	v15 =	vsel vm11, $0x18B, v15;
	v16 =	vsel vm11, $0x18C, v16;
	v17 =	vsel vm11, $0x18D, v17  }
0x20: {  	v18 =	vsel vm11, $0x18E, v18;
	v19 =	vsel vm11, $0x18F, v19;
	v0 =	vsel vm10, $0x200, v0  }
0x21: {  	v5 =	vsel vm10, $0x201, v5;
	v6 =	vsel vm10, $0x202, v6;
	v7 =	vsel vm10, $0x203, v7  }
0x22: {  	v8 =	vsel vm10, $0x204, v8;
	v9 =	vsel vm10, $0x205, v9;
	v10 =	vsel vm10, $0x206, v10  }
0x23: {  	v11 =	vsel vm10, $0x207, v11;
	v12 =	vsel vm10, $0x208, v12;
	v13 =	vsel vm10, $0x209, v13  }
0x24: {  	v14 =	vsel vm10, $0x20A, v14;
	v15 =	vsel vm10, $0x20B, v15;
	v16 =	vsel vm10, $0x20C, v16  }
0x25: {  	v17 =	vsel vm10, $0x20D, v17;
	v18 =	vsel vm10, $0x20E, v18;
	v19 =	vsel vm10, $0x20F, v19  }
0x26: {  	v0 =	vsel vm9, $0x280, v0;
	v5 =	vsel vm9, $0x281, v5;
	v6 =	vsel vm9, $0x282, v6  }
0x27: {  	v7 =	vsel vm9, $0x283, v7;
	v8 =	vsel vm9, $0x284, v8;
	v9 =	vsel vm9, $0x285, v9  }
0x28: {  	v10 =	vsel vm9, $0x286, v10;
	v11 =	vsel vm9, $0x287, v11;
	v12 =	vsel vm9, $0x288, v12  }
0x29: {  	v13 =	vsel vm9, $0x289, v13;
	v14 =	vsel vm9, $0x28A, v14;
	v15 =	vsel vm9, $0x28B, v15  }
0x2a: {  	v16 =	vsel vm9, $0x28C, v16;
	v17 =	vsel vm9, $0x28D, v17;
	v18 =	vsel vm9, $0x28E, v18  }
0x2b: {  	v19 =	vsel vm9, $0x28F, v19;
	v0 =	vsel vm6, $0x300, v0;
	v5 =	vsel vm6, $0x301, v5  }
0x2c: {  	v6 =	vsel vm6, $0x302, v6;
	v7 =	vsel vm6, $0x303, v7;
	v8 =	vsel vm6, $0x304, v8  }
0x2d: {  	v9 =	vsel vm6, $0x305, v9;
	v10 =	vsel vm6, $0x306, v10;
	v11 =	vsel vm6, $0x307, v11  }
0x2e: {  	v12 =	vsel vm6, $0x308, v12;
	v13 =	vsel vm6, $0x309, v13;
	v14 =	vsel vm6, $0x30A, v14  }
0x2f: {  	v15 =	vsel vm6, $0x30B, v15;
	v16 =	vsel vm6, $0x30C, v16;
	v17 =	vsel vm6, $0x30D, v17  }
0x30: {  	v18 =	vsel vm6, $0x30E, v18;
	v19 =	vsel vm6, $0x30F, v19;
	v0 =	vsel vm7, $0x380, v0  }
0x31: {  	v5 =	vsel vm7, $0x381, v5;
	v6 =	vsel vm7, $0x382, v6;
	v7 =	vsel vm7, $0x383, v7  }
0x32: {  	v8 =	vsel vm7, $0x384, v8;
	v9 =	vsel vm7, $0x385, v9;
	v10 =	vsel vm7, $0x386, v10  }
0x33: {  	v11 =	vsel vm7, $0x387, v11;
	v12 =	vsel vm7, $0x388, v12;
	v13 =	vsel vm7, $0x389, v13  }
0x34: {  	v14 =	vsel vm7, $0x38A, v14;
	v15 =	vsel vm7, $0x38B, v15;
	v16 =	vsel vm7, $0x38C, v16  }
0x35: {  	v17 =	vsel vm7, $0x38D, v17;
	v18 =	vsel vm7, $0x38E, v18;
	v19 =	vsel vm7, $0x38F, v19  }
0x36: {  	v0 =	vsel vm8, $0x2000, v0;
	v5 =	vsel vm8, $0x2001, v5;
	v6 =	vsel vm8, $0x2002, v6  }
0x37: {  	v7 =	vsel vm8, $0x2003, v7;
	v8 =	vsel vm8, $0x2004, v8;
	v9 =	vsel vm8, $0x2005, v9  }
0x38: {  	v10 =	vsel vm8, $0x2006, v10;
	v11 =	vsel vm8, $0x2007, v11;
	v12 =	vsel vm8, $0x2008, v12  }
0x39: {  	v13 =	vsel vm8, $0x2009, v13;
	v14 =	vsel vm8, $0x200A, v14;
	v15 =	vsel vm8, $0x200B, v15  }
0x3a: {  	v16 =	vsel vm8, $0x200C, v16;
	v17 =	vsel vm8, $0x200D, v17;
	v18 =	vsel vm8, $0x200E, v18  }
0x3b: {  	v19 =	vsel vm8, $0x200F, v19;
	v0 =	vsel vm5, $0x2080, v0;
	v5 =	vsel vm5, $0x2081, v5  }
0x3c: {  	s0 =	srdreg.scid;
	s1 =	stileid.u32;
	v6 =	vsel vm5, $0x2082, v6;
	v7 =	vsel vm5, $0x2083, v7;
	v8 =	vsel vm5, $0x2084, v8  }
0x3d: {  	s0 =	sand.u32 $0x1, s0;
	s1 =	sshll.u32 s1, $0x1;
	v9 =	vsel vm5, $0x2085, v9;
	v10 =	vsel vm5, $0x2086, v10;
	v11 =	vsel vm5, $0x2087, v11  }
0x3e: {  	s6 =	sor.u32 s0, s1;
	v12 =	vsel vm5, $0x2088, v12;
	v13 =	vsel vm5, $0x2089, v13;
	v14 =	vsel vm5, $0x208A, v14  }
0x3f: {  	s1 =	smul.u32 $0xC38, s6;
	v15 =	vsel vm5, $0x208B, v15;
	v16 =	vsel vm5, $0x208C, v16;
	v17 =	vsel vm5, $0x208D, v17  }
0x40: {  	v18 =	vsel vm5, $0x208E, v18;
	v19 =	vsel vm5, $0x208F, v19;
	v1 =	vsel vm4, $0x2100, v0  }
0x41: {  	v0 =	vmov s1;
	v5 =	vsel vm4, $0x2101, v5;
	v6 =	vsel vm4, $0x2102, v6  }
0x42: {  	v7 =	vsel vm4, $0x2103, v7;
	v8 =	vsel vm4, $0x2104, v8;
	v9 =	vsel vm4, $0x2105, v9  }
0x43: {  	v10 =	vsel vm4, $0x2106, v10;
	v11 =	vsel vm4, $0x2107, v11;
	v12 =	vsel vm4, $0x2108, v12  }
0x44: {  	s2 =	smul.u32 $0x190, s6;
	v13 =	vsel vm4, $0x2109, v13;
	v14 =	vsel vm4, $0x210A, v14;
	v15 =	vsel vm4, $0x210B, v15  }
0x45: {  	v16 =	vsel vm4, $0x210C, v16;
	v17 =	vsel vm4, $0x210D, v17;
	v18 =	vsel vm4, $0x210E, v18  }
0x46: {  	v19 =	vsel vm4, $0x210F, v19;
	v2 =	vsel vm3, $0x2180, v1;
	v1 =	vmov s2  }
0x47: {  	v5 =	vsel vm3, $0x2181, v5;
	v6 =	vsel vm3, $0x2182, v6;
	v7 =	vsel vm3, $0x2183, v7  }
0x48: {  	v8 =	vsel vm3, $0x2184, v8;
	v9 =	vsel vm3, $0x2185, v9;
	v10 =	vsel vm3, $0x2186, v10  }
0x49: {  	v11 =	vsel vm3, $0x2187, v11;
	v12 =	vsel vm3, $0x2188, v12;
	v13 =	vsel vm3, $0x2189, v13  }
0x4a: {  	v14 =	vsel vm3, $0x218A, v14;
	v15 =	vsel vm3, $0x218B, v15;
	v16 =	vsel vm3, $0x218C, v16  }
0x4b: {  	v17 =	vsel vm3, $0x218D, v17;
	v18 =	vsel vm3, $0x218E, v18;
	v19 =	vsel vm3, $0x218F, v19  }
0x4c: {  	v3 =	vsel vm2, $0x2200, v2;
	v2 =	vlaneseq.u32;
	v5 =	vsel vm2, $0x2201, v5  }
0x4d: {  	v6 =	vsel vm2, $0x2202, v6;
	v7 =	vsel vm2, $0x2203, v7;
	v8 =	vsel vm2, $0x2204, v8  }
0x4e: {  	v9 =	vsel vm2, $0x2205, v9;
	v10 =	vsel vm2, $0x2206, v10;
	v11 =	vsel vm2, $0x2207, v11  }
0x4f: {  	v12 =	vsel vm2, $0x2208, v12;
	v13 =	vsel vm2, $0x2209, v13;
	v14 =	vsel vm2, $0x220A, v14  }
0x50: {  	v15 =	vsel vm2, $0x220B, v15;
	v16 =	vsel vm2, $0x220C, v16;
	v17 =	vsel vm2, $0x220D, v17  }
0x51: {  	v18 =	vsel vm2, $0x220E, v18;
	v19 =	vsel vm2, $0x220F, v19;
	v4 =	vsel vm1, $0x2280, v3  }
0x52: {  	v3 =	vimm.f32 $0.0e+00;
	v5 =	vsel vm1, $0x2281, v5;
	v6 =	vsel vm1, $0x2282, v6  }
0x53: {  	v7 =	vsel vm1, $0x2283, v7;
	v8 =	vsel vm1, $0x2284, v8;
	v9 =	vsel vm1, $0x2285, v9  }
0x54: {  	v10 =	vsel vm1, $0x2286, v10;
	v11 =	vsel vm1, $0x2287, v11;
	v12 =	vsel vm1, $0x2288, v12  }
0x55: {  	v13 =	vsel vm1, $0x2289, v13;
	v14 =	vsel vm1, $0x228A, v14;
	v15 =	vsel vm1, $0x228B, v15  }
0x56: {  	s3 =	rddreg [dreg:$0x0];
	v16 =	vsel vm1, $0x228C, v16;
	v17 =	vsel vm1, $0x228D, v17;
	v18 =	vsel vm1, $0x228E, v18  }
0x57: {  	s10 =	rddreg [dreg:$0x1];
	v19 =	vsel vm1, $0x228F, v19;
	v36 =	vmul.u32 $0x80, v2;
	v21 =	vadd.s32 $0x4, v2  }
0x58: {  	s4 =	rddreg [dreg:$0x2];
	v4 =	vsel vm0, $0x2300, v4;
	v5 =	vsel vm0, $0x2301, v5;
	v6 =	vsel vm0, $0x2302, v6  }
0x59: {  	s5 =	rddreg [dreg:$0x3];
	v7 =	vsel vm0, $0x2303, v7;
	v8 =	vsel vm0, $0x2304, v8;
	v9 =	vsel vm0, $0x2305, v9  }
0x5a: {  	s7 =	rddreg [dreg:$0x4];
	v10 =	vsel vm0, $0x2306, v10;
	v11 =	vsel vm0, $0x2307, v11;
	v12 =	vsel vm0, $0x2308, v12  }
0x5b: {  	s8 =	simm.s32 $0x0;
	s14 =	simm.s32 $0x1;
	s15 =	simm.s32 $0x1C5C0;
	v13 =	vsel vm0, $0x2309, v13;
	v14 =	vsel vm0, $0x230A, v14;
	v15 =	vsel vm0, $0x230B, v15  }
0x5c: {  	s16 =	simm.s32 $0xF0C0;
	s18 =	simm.s32 $0x190C0;
	s19 =	simm.s32 $0x194C0;
	v16 =	vsel vm0, $0x230C, v16;
	v17 =	vsel vm0, $0x230D, v17;
	v18 =	vsel vm0, $0x230E, v18  }
0x5d: {  	s20 =	simm.s32 $0x130C0;
	s22 =	simm.s32 $0x170C0;
	s0 =	ssub.s32 $0x2, s0;
	v19 =	vsel vm0, $0x230F, v19;
	vm0 =	vcmask $0x3F30;
	v20 =	vadd.s32 $0x3A00, v36  }
0x5e: {  	s23 =	simm.s32 $0xCFD0;
	s6 =	smul.u32 $0x4B0, s6;
	s11 =	sshrl.u32 s0, $0x1;
	v22 =	vadd.s32 $0x3A01, v36;
	v23 =	vadd.s32 $0x3A02, v36;
	v24 =	vadd.s32 $0x3A03, v36  }
0x5f: {  	[smem:$0x7FF] =	sst s8;
	s9 =	sadd.s32 $0xA00, s10;
	s0 =	ssub.s32 s0, s11;
	v25 =	vadd.s32 $0x3A04, v36;
	v26 =	vadd.s32 $0x3A05, v36;
	v27 =	vadd.s32 $0x3A06, v36  }
0x60: {  	_ =	strace $0x80000047;
	s6 =	sadd.s32 s6, s10;
	s0 =	smax.u32 s0, $0x1;
	v28 =	vadd.s32 $0x3A07, v36;
	v29 =	vadd.s32 $0x3A08, v36;
	v30 =	vadd.s32 $0x3A09, v36  }
0x61: {  	s10 =	sadd.s32 $0xC38, s1;
	s6 =	sadd.s32 $0x494800, s6;
	[dreg:$0x7] =	wrdreg s0;
	v31 =	vadd.s32 $0x3A0A, v36;
	v32 =	vadd.s32 $0x3A0B, v36;
	v33 =	vadd.s32 $0x3A0C, v36  }
0x62: {  	s11 =	sadd.s32 $0x190, s2;
	[dreg:$0x6] =	wrdreg s6;
	s6 =	simm.s32 $0x0;
	v34 =	vadd.s32 $0x3A0D, v36;
	v35 =	vadd.s32 $0x3A0E, v36;
	v36 =	vadd.s32 $0x3A0F, v36  }
.LBB2_1:
0x63: {  	s0 =	simm.s32 $0x186A00  }
0x64: {  	s0 =	sand.u32 $0x1, s0  }
0x65: {  	p0 =	por $0x0, $0x0;
	p1 =	seq.s32 s0, $0x1  }
0x66: {  	p0 =	por !p0, !p1  }
0x67: {  	s0 =	simm.s32 $0x1;
	p0 =	por !p0, !p0  }
0x68: {  	s0 =	simm.s32 @!p0 $0x0  }
0x69: {  	s13 =	ssub.s32 $0xC3500, s0  }
0x6a: {  	p0 =	slt.s32 s13, $0x1869FF  }
0x6b: {  	p5 =	slt.s32 s13, $0x1;
	s13 =	simm.s32 @!p0 $0x1869FF  }
0x6c: {  	s26 =	sand.u32 $0x7, s13  }
0x6d: {  	s28 =	sshra.s32 s13, $0x1F;
	p6 =	sne.s32 s26, $0x0  }
0x6e: {  	[dreg:$0x8] =	wrdreg s6;
	s29 =	sshrl.u32 s28, $0x1D;
	p0 =	por !p5, !p6  }
0x6f: {  	s6 =	simm.s32 $0x1;
	s0 =	sadd.s32 s29, s13;
	p0 =	por !p0, !p0  }
0x70: {  	s0 =	sshrl.u32 s0, $0x3;
	s6 =	simm.s32 @!p0 $0x0  }
0x71: {  	s0 =	ssub.s32 s0, s6  }
0x72: {  	s0 =	sshll.u32 s0, $0x3  }
0x73: {  	p0 =	slt.s32 s0, $0x1869F0  }
0x74: {  	s0 =	simm.s32 @!p0 $0x1869F0  }
0x75: {  	s30 =	sshrl.u32 s0, $0x3  }
0x76: {  	s6 =	sadd.s32 s4, s30  }
0x77: {  	[tilespmem:s15], [sflag:$0x1] =	stream.linear.gather [hbm4b:s6+s8], $0x10, $0x38;
	[tilespmem:$0x1C5D0] =	vst v63  }
0x78: {  	_ =	swait.ge [sflag:s14], $0x10  }
0x79: {  	[sflag:s14] =	ssyncset.done $0x0  }
0x7a: {  	[sflag:s14] =	ssyncadd.s32 $0xFFFFFFF0  }
0x7b: {  	v37 =	vld [tilespmem:$0x1C5C0];
	_ =	sdelay $0x2  }
0x7c: {  	s0 =	ssub.s32 s13, s0  }
0x7d: {  	v38 =	vmov s0  }
0x7e: {  	vm1 =	veq.s32 v38, v2;
	v37 =	vxor.u32 $0x80000000, v37  }
0x7f: {  	v37 =	vnsel vm1, $0x0, v37  }
0x80: {  	(xrf0) =	vmax.scan.msk.u32 $0xffff, v37;
	_ =	sdelay $0x5  }
0x81: {  	v37, _, _ =	vpop (xrf0)  }
0x82: {  	(v2sf) =	vpush v37, $0xF;
	_ =	sdelay $0xe  }
0x83: {  	s12 =	simm.s32 $0x186A00;
	s31 =	spop (v2sf)  }
0x84: {  	s17 =	simm.s32 $0x14;
	s25 =	sadd.s32 $0x1, s13;
	s0 =	sxor.u32 $0x80000000, s31  }
0x85: {  	s26 =	simm.s32 $0x186A00;
	p1 =	slt.s32 s0, s1;
	s0 =	simm.s32 $0x0  }
.LBB2_2:
0x86: {  	p0 =	sne.s32 s17, $0x1;
	s0 =	smov.u32 @p1 s25;
	s13 =	smov.u32 @p1 s26  }
0x87: {  	s17 =	sadd.s32 $0xFFFFFFFF, s17;
	s6 =	sadd.s32 s0, s13  }
0x88: {  	s24 =	sshrl.u32 s6, $0x1F;
	s25 =	sand.u32 $0x1, s6  }
0x89: {  	p1 =	slt.s32 s6, $0x1;
	s24 =	sadd.s32 s24, s6;
	p2 =	seq.s32 s25, $0x1  }
0x8a: {  	p1 =	por !p1, !p2  }
0x8b: {  	s6 =	sshra.s32 s24, $0x1;
	s24 =	simm.s32 $0x1;
	p1 =	por !p1, !p1  }
0x8c: {  	s24 =	simm.s32 @!p1 $0x0  }
0x8d: {  	s6 =	ssub.s32 s6, s24  }
0x8e: {  	p1 =	slt.s32 s6, $0x1869FF;
	s24 =	smov.u32 s6  }
0x8f: {  	s24 =	simm.s32 @!p1 $0x1869FF  }
0x90: {  	s25 =	sshra.s32 s24, $0x1F;
	s26 =	sand.u32 $0x7, s24  }
0x91: {  	p1 =	slt.s32 s6, $0x1;
	s25 =	sshrl.u32 s25, $0x1D;
	p2 =	sne.s32 s26, $0x0  }
0x92: {  	s6 =	sadd.s32 s25, s24;
	p1 =	por !p1, !p2  }
0x93: {  	s25 =	simm.s32 $0x1;
	p1 =	por !p1, !p1  }
0x94: {  	s6 =	sshrl.u32 s6, $0x3;
	s25 =	simm.s32 @!p1 $0x0  }
0x95: {  	s6 =	ssub.s32 s6, s25  }
0x96: {  	s6 =	sshll.u32 s6, $0x3  }
0x97: {  	p1 =	slt.s32 s6, $0x1869F0  }
0x98: {  	s6 =	simm.s32 @!p1 $0x1869F0  }
0x99: {  	s25 =	sshrl.u32 s6, $0x3;
	s26 =	ssub.s32 s24, s6  }
0x9a: {  	s6 =	simm.s32 $0x0;
	s25 =	sadd.s32 s4, s25;
	v37 =	vmov s26  }
0x9b: {  	[tilespmem:s15], [sflag:$0x1] =	stream.linear.gather [hbm4b:s25+s6], $0x10, $0x38;
	[tilespmem:$0x1C5D0] =	vst v63  }
0x9c: {  	_ =	swait.ge [sflag:s14], $0x10  }
0x9d: {  	[sflag:s14] =	ssyncset.done $0x0  }
0x9e: {  	[sflag:s14] =	ssyncadd.s32 $0xFFFFFFF0  }
0x9f: {  	v38 =	vld [tilespmem:$0x1C5C0];
	_ =	sdelay $0x4  }
0xa0: {  	vm1 =	veq.s32 v37, v2;
	v37 =	vxor.u32 $0x80000000, v38  }
0xa1: {  	v37 =	vnsel vm1, $0x0, v37  }
0xa2: {  	(xrf0) =	vmax.scan.msk.u32 $0xffff, v37;
	_ =	sdelay $0x5  }
0xa3: {  	v37, _, _ =	vpop (xrf0)  }
0xa4: {  	(v2sf) =	vpush v37, $0xF;
	_ =	sdelay $0xc  }
.Ltmp0:
0xa5: {  	(pc) =	sbr.rel @p0 .LBB2_2-.Ltmp0, $4  }
0xa6: {  	_ = 	snop  }
0xa7: {  	s25 =	spop (v2sf)  }
0xa8: {  	s26 =	smov.u32 s13;
	s25 =	sxor.u32 $0x80000000, s25  }
0xa9: {  	s13 =	smov.u32 s24;
	p1 =	slt.s32 s25, s1;
	s25 =	sadd.s32 $0x1, s24  }
0xaa: {  	s13 =	simm.s32 $0x186A00  }
0xab: {  	s13 =	sand.u32 $0x1, s13  }
0xac: {  	p0 =	por $0x0, $0x0;
	p2 =	seq.s32 s13, $0x1  }
0xad: {  	p0 =	por !p0, !p2  }
0xae: {  	s13 =	simm.s32 $0x1;
	p0 =	por !p0, !p0  }
0xaf: {  	s13 =	simm.s32 @!p0 $0x0  }
0xb0: {  	s13 =	ssub.s32 $0xC3500, s13  }
0xb1: {  	p0 =	slt.s32 s13, $0x1869FF  }
0xb2: {  	p5 =	slt.s32 s13, $0x1;
	s13 =	simm.s32 @!p0 $0x1869FF  }
0xb3: {  	s17 =	sand.u32 $0x7, s13  }
0xb4: {  	s24 =	sshra.s32 s13, $0x1F;
	p6 =	sne.s32 s17, $0x0  }
0xb5: {  	s29 =	sshrl.u32 s24, $0x1D;
	p0 =	por !p5, !p6  }
0xb6: {  	s24 =	simm.s32 $0x1;
	s17 =	sadd.s32 s29, s13;
	p0 =	por !p0, !p0  }
0xb7: {  	s17 =	sshrl.u32 s17, $0x3;
	s24 =	simm.s32 @!p0 $0x0  }
0xb8: {  	s17 =	ssub.s32 s17, s24  }
0xb9: {  	s17 =	sshll.u32 s17, $0x3  }
0xba: {  	p0 =	slt.s32 s17, $0x1869F0  }
0xbb: {  	s17 =	simm.s32 @!p0 $0x1869F0  }
0xbc: {  	s30 =	sshrl.u32 s17, $0x3  }
0xbd: {  	s24 =	sadd.s32 s4, s30  }
0xbe: {  	[tilespmem:s15], [sflag:$0x1] =	stream.linear.gather [hbm4b:s24+s6], $0x10, $0x38;
	[tilespmem:$0x1C5D0] =	vst v63  }
0xbf: {  	_ =	swait.ge [sflag:s14], $0x10  }
0xc0: {  	[sflag:s14] =	ssyncset.done $0x0  }
0xc1: {  	[sflag:s14] =	ssyncadd.s32 $0xFFFFFFF0  }
0xc2: {  	v37 =	vld [tilespmem:$0x1C5C0];
	_ =	sdelay $0x2  }
0xc3: {  	s17 =	ssub.s32 s13, s17  }
0xc4: {  	v38 =	vmov s17  }
0xc5: {  	vm1 =	veq.s32 v38, v2;
	v37 =	vxor.u32 $0x80000000, v37  }
0xc6: {  	v37 =	vnsel vm1, $0x0, v37  }
0xc7: {  	(xrf0) =	vmax.scan.msk.u32 $0xffff, v37;
	_ =	sdelay $0x5  }
0xc8: {  	v37, _, _ =	vpop (xrf0)  }
0xc9: {  	(v2sf) =	vpush v37, $0xF;
	_ =	sdelay $0xe  }
0xca: {  	s31 =	spop (v2sf)  }
0xcb: {  	s0 =	smov.u32 @p1 s25;
	s26 =	sadd.s32 $0x1, s13;
	s17 =	sxor.u32 $0x80000000, s31  }
0xcc: {  	s24 =	simm.s32 $0x14;
	p1 =	slt.s32 s17, s10;
	s17 =	simm.s32 $0x0  }
.LBB2_4:
0xcd: {  	p0 =	sne.s32 s24, $0x1;
	s17 =	smov.u32 @p1 s26;
	s13 =	smov.u32 @p1 s12  }
0xce: {  	s24 =	sadd.s32 $0xFFFFFFFF, s24;
	s12 =	sadd.s32 s17, s13  }
0xcf: {  	s25 =	sshrl.u32 s12, $0x1F;
	s26 =	sand.u32 $0x1, s12  }
0xd0: {  	p1 =	slt.s32 s12, $0x1;
	s25 =	sadd.s32 s25, s12;
	p2 =	seq.s32 s26, $0x1  }
0xd1: {  	p1 =	por !p1, !p2  }
0xd2: {  	s12 =	sshra.s32 s25, $0x1;
	s25 =	simm.s32 $0x1;
	p1 =	por !p1, !p1  }
0xd3: {  	s25 =	simm.s32 @!p1 $0x0  }
0xd4: {  	s12 =	ssub.s32 s12, s25  }
0xd5: {  	p1 =	slt.s32 s12, $0x1869FF;
	s25 =	smov.u32 s12  }
0xd6: {  	s25 =	simm.s32 @!p1 $0x1869FF  }
0xd7: {  	s26 =	sshra.s32 s25, $0x1F;
	s28 =	sand.u32 $0x7, s25  }
0xd8: {  	p1 =	slt.s32 s12, $0x1;
	s26 =	sshrl.u32 s26, $0x1D;
	p2 =	sne.s32 s28, $0x0  }
0xd9: {  	s12 =	sadd.s32 s26, s25;
	p1 =	por !p1, !p2  }
0xda: {  	s26 =	simm.s32 $0x1;
	p1 =	por !p1, !p1  }
0xdb: {  	s12 =	sshrl.u32 s12, $0x3;
	s26 =	simm.s32 @!p1 $0x0  }
0xdc: {  	s12 =	ssub.s32 s12, s26  }
0xdd: {  	s12 =	sshll.u32 s12, $0x3  }
0xde: {  	p1 =	slt.s32 s12, $0x1869F0  }
0xdf: {  	s12 =	simm.s32 @!p1 $0x1869F0  }
0xe0: {  	s26 =	sshrl.u32 s12, $0x3;
	s12 =	ssub.s32 s25, s12  }
0xe1: {  	s26 =	sadd.s32 s4, s26;
	v37 =	vmov s12  }
0xe2: {  	[tilespmem:s15], [sflag:$0x1] =	stream.linear.gather [hbm4b:s26+s6], $0x10, $0x38;
	[tilespmem:$0x1C5D0] =	vst v63  }
0xe3: {  	_ =	swait.ge [sflag:s14], $0x10  }
0xe4: {  	[sflag:s14] =	ssyncset.done $0x0  }
0xe5: {  	[sflag:s14] =	ssyncadd.s32 $0xFFFFFFF0  }
0xe6: {  	v38 =	vld [tilespmem:$0x1C5C0];
	_ =	sdelay $0x4  }
0xe7: {  	vm1 =	veq.s32 v37, v2;
	v37 =	vxor.u32 $0x80000000, v38  }
0xe8: {  	v37 =	vnsel vm1, $0x0, v37  }
0xe9: {  	(xrf0) =	vmax.scan.msk.u32 $0xffff, v37;
	_ =	sdelay $0x5  }
0xea: {  	v37, _, _ =	vpop (xrf0)  }
0xeb: {  	(v2sf) =	vpush v37, $0xF;
	_ =	sdelay $0xc  }
.Ltmp1:
0xec: {  	(pc) =	sbr.rel @p0 .LBB2_4-.Ltmp1, $4  }
0xed: {  	_ = 	snop  }
0xee: {  	s12 =	spop (v2sf)  }
0xef: {  	s26 =	sadd.s32 $0x1, s25;
	s12 =	sxor.u32 $0x80000000, s12  }
0xf0: {  	p1 =	slt.s32 s12, s10;
	s12 =	smov.u32 s13;
	s13 =	smov.u32 s25  }
0xf1: {  	s17 =	smov.u32 @p1 s26;
	s6 =	simm.s32 $0x40;
	s12 =	simm.s32 $0x0  }
.LBB2_6:
0xf2: {  	p0 =	sne.s32 s6, $0x33F00;
	[tilespmem:s12+$0x0] =	vst v3;
	s12 =	smov.u32 s6;
	s6 =	sadd.s32 $0x40, s6  }
.Ltmp2:
0xf3: {  	(pc) =	sbr.rel @p0 .LBB2_6-.Ltmp2, $2  }
0xf4: {  	_ =	sdelay $0x2  }
0xf5: {  	s12 =	sshra.s32 s12, $0x2  }
0xf6: {  	s6 =	sand.u32 $0x7F, s0  }
0xf7: {  	s13 =	sshra.s32 s0, $0x1F;
	p0 =	slt.s32 s0, $0x1;
	p1 =	sne.s32 s6, $0x0  }
0xf8: {  	s28 =	sshrl.u32 s13, $0x19;
	p0 =	por !p0, !p1  }
0xf9: {  	s6 =	simm.s32 $0x1;
	s29 =	sadd.s32 s28, s0;
	p0 =	por !p0, !p0  }
0xfa: {  	s0 =	sshra.s32 s29, $0x7;
	s6 =	simm.s32 @!p0 $0x0  }
0xfb: {  	s13 =	ssub.s32 s0, s6  }
0xfc: {  	s0 =	sshll.u32 s13, $0x7  }
0xfd: {  	s30 =	ssub.s32 s17, s0  }
0xfe: {  	s17 =	sadd.s32 $0x3FF, s30  }
0xff: {  	s24 =	sand.u32 $0x3FF, s17  }
0x100: {  	p5 =	slt.s32 s30, $0xFFFFFC02;
	s31 =	sshra.s32 s17, $0x1F;
	p6 =	sne.s32 s24, $0x0  }
0x101: {  	s6 =	sshrl.u32 s31, $0x16;
	p0 =	por !p5, !p6  }
0x102: {  	s6 =	sadd.s32 s6, s17;
	s17 =	simm.s32 $0x1;
	p0 =	por !p0, !p0  }
0x103: {  	s6 =	sshra.s32 s6, $0xA;
	s17 =	simm.s32 @!p0 $0x0  }
0x104: {  	s6 =	ssub.s32 s6, s17  }
0x105: {  	p0 =	slt.s32 s6, $0x1  }
.Ltmp3:
0x106: {  	_ = 	snop;
	(pc) =	sbr.rel @p0 .LBB2_16-.Ltmp3, $2  }
0x107: {  	_ =	sdelay $0x2  }
0x108: {  	[tilespmem:s12+$0x0] =	vst v3  }
.Ltmp4:
0x109: {  	(pc) =	sbr.rel .LBB2_9-.Ltmp4, $4  }
0x10a: {  	_ = 	snop  }
0x10b: {  	s12 =	sshll.u32 s13, $0x9  }
0x10c: {  	s24 =	simm.s32 $0x0;
	s12 =	sshra.s32 s12, $0x2  }
0x10d: {  	s26 =	smov.u32 s0;
	s28 =	simm.s32 $0x0;
	s12 =	sadd.s32 $0x190C0, s12  }
.LBB2_11:
0x10e: {  	_ = 	snop  }
.LBB2_14:
0x10f: {  	_ =	sdelay $0x4  }
0x110: {  	[tilespmem:v37+s8+$0x0] =	vst.idx.add.f32.msk @p0 vm1, v38  }
0x111: {  	s17 =	sadd.s32 s31, s13;
	p0 =	por !p2, !p2;
	s21 =	simm.s32 $0x1;
	v37 =	vld [tilespmem:s29+$0x0]  }
0x112: {  	s17 =	sshrl.u32 s17, $0x7;
	s21 =	simm.s32 @!p0 $0x0  }
0x113: {  	s17 =	ssub.s32 s17, s21  }
0x114: {  	s17 =	smul.u32 $0x380, s17;
	_ =	sdelay $0x1  }
0x115: {  	s31 =	sadd.s32 s17, s13;
	v37 =	vsub.s32 v37, v0  }
0x116: {  	v57 =	vadd.s32 s31, v4;
	v37 =	vmin.u32 v37, $0xC38  }
0x117: {  	v37 =	vmul.u32 $0x11, v37;
	_ =	sdelay $0x1  }
0x118: {  	v39 =	vbroadcast v37, $0x0;
	_ =	sdelay $0x1  }
0x119: {  	v38 =	vld.idx.msk [tilespmem:v57+s16+$0x0], $0xffff;
	v39 =	vadd.s32 v2, v39  }
0x11a: {  	v40 =	vadd.s32 s31, v5;
	_ =	sdelay $0x2  }
0x11b: {  	v41 =	vbroadcast v37, $0x1  }
0x11c: {  	[tilespmem:v39+s8+$0x0] =	vst.idx.add.f32.msk $0xffff, v38  }
0x11d: {  	v58 =	vadd.s32 v2, v41;
	v38 =	vld.idx.msk [tilespmem:v40+s16+$0x0], $0xffff  }
0x11e: {  	v59 =	vadd.s32 s31, v6;
	_ =	sdelay $0x2  }
0x11f: {  	v60 =	vbroadcast v37, $0x2  }
0x120: {  	[tilespmem:v58+s8+$0x0] =	vst.idx.add.f32.msk $0xffff, v38  }
0x121: {  	v61 =	vadd.s32 v2, v60;
	v38 =	vld.idx.msk [tilespmem:v59+s16+$0x0], $0xffff  }
0x122: {  	v62 =	vadd.s32 s31, v7;
	_ =	sdelay $0x2  }
0x123: {  	v63 =	vbroadcast v37, $0x3  }
0x124: {  	[tilespmem:v61+s8+$0x0] =	vst.idx.add.f32.msk $0xffff, v38  }
0x125: {  	v44 =	vadd.s32 v2, v63;
	v38 =	vld.idx.msk [tilespmem:v62+s16+$0x0], $0xffff  }
0x126: {  	v45 =	vadd.s32 s31, v8;
	_ =	sdelay $0x2  }
0x127: {  	v46 =	vbroadcast v37, $0x4  }
0x128: {  	[tilespmem:v44+s8+$0x0] =	vst.idx.add.f32.msk $0xffff, v38  }
0x129: {  	v47 =	vadd.s32 v2, v46;
	v38 =	vld.idx.msk [tilespmem:v45+s16+$0x0], $0xffff  }
0x12a: {  	v48 =	vadd.s32 s31, v9;
	_ =	sdelay $0x2  }
0x12b: {  	v49 =	vbroadcast v37, $0x5  }
0x12c: {  	[tilespmem:v47+s8+$0x0] =	vst.idx.add.f32.msk $0xffff, v38  }
0x12d: {  	v50 =	vadd.s32 v2, v49;
	v38 =	vld.idx.msk [tilespmem:v48+s16+$0x0], $0xffff  }
0x12e: {  	v51 =	vadd.s32 s31, v10;
	_ =	sdelay $0x2  }
0x12f: {  	v52 =	vbroadcast v37, $0x6  }
0x130: {  	[tilespmem:v50+s8+$0x0] =	vst.idx.add.f32.msk $0xffff, v38  }
0x131: {  	v53 =	vadd.s32 v2, v52;
	v38 =	vld.idx.msk [tilespmem:v51+s16+$0x0], $0xffff  }
0x132: {  	v54 =	vadd.s32 s31, v11;
	_ =	sdelay $0x2  }
0x133: {  	v55 =	vbroadcast v37, $0x7  }
0x134: {  	[tilespmem:v53+s8+$0x0] =	vst.idx.add.f32.msk $0xffff, v38  }
0x135: {  	v56 =	vadd.s32 v2, v55;
	v38 =	vld.idx.msk [tilespmem:v54+s16+$0x0], $0xffff  }
0x136: {  	v57 =	vadd.s32 s31, v12;
	_ =	sdelay $0x2  }
0x137: {  	v58 =	vbroadcast v37, $0x8  }
0x138: {  	[tilespmem:v56+s8+$0x0] =	vst.idx.add.f32.msk $0xffff, v38  }
0x139: {  	v59 =	vadd.s32 v2, v58;
	v38 =	vld.idx.msk [tilespmem:v57+s16+$0x0], $0xffff  }
0x13a: {  	v60 =	vadd.s32 s31, v13;
	_ =	sdelay $0x2  }
0x13b: {  	v61 =	vbroadcast v37, $0x9  }
0x13c: {  	[tilespmem:v59+s8+$0x0] =	vst.idx.add.f32.msk $0xffff, v38  }
0x13d: {  	v62 =	vadd.s32 v2, v61;
	v38 =	vld.idx.msk [tilespmem:v60+s16+$0x0], $0xffff  }
0x13e: {  	v63 =	vadd.s32 s31, v14;
	_ =	sdelay $0x2  }
0x13f: {  	v44 =	vbroadcast v37, $0xA  }
0x140: {  	[tilespmem:v62+s8+$0x0] =	vst.idx.add.f32.msk $0xffff, v38  }
0x141: {  	v45 =	vadd.s32 v2, v44;
	v38 =	vld.idx.msk [tilespmem:v63+s16+$0x0], $0xffff  }
0x142: {  	v46 =	vadd.s32 s31, v15;
	_ =	sdelay $0x2  }
0x143: {  	v47 =	vbroadcast v37, $0xB  }
0x144: {  	[tilespmem:v45+s8+$0x0] =	vst.idx.add.f32.msk $0xffff, v38  }
0x145: {  	v48 =	vadd.s32 v2, v47;
	v38 =	vld.idx.msk [tilespmem:v46+s16+$0x0], $0xffff  }
0x146: {  	v49 =	vadd.s32 s31, v16;
	_ =	sdelay $0x2  }
0x147: {  	v50 =	vbroadcast v37, $0xC  }
0x148: {  	[tilespmem:v48+s8+$0x0] =	vst.idx.add.f32.msk $0xffff, v38  }
0x149: {  	v51 =	vadd.s32 v2, v50;
	v38 =	vld.idx.msk [tilespmem:v49+s16+$0x0], $0xffff  }
0x14a: {  	v52 =	vadd.s32 s31, v17;
	_ =	sdelay $0x2  }
0x14b: {  	(xrf1) =	vunique.msk.u32 $0xffff, v37;
	v53 =	vbroadcast v37, $0xD  }
0x14c: {  	[tilespmem:v51+s8+$0x0] =	vst.idx.add.f32.msk $0xffff, v38  }
0x14d: {  	v54 =	vadd.s32 v2, v53;
	v38 =	vld.idx.msk [tilespmem:v52+s16+$0x0], $0xffff  }
0x14e: {  	v55 =	vadd.s32 s31, v18;
	_ =	sdelay $0x2  }
0x14f: {  	v56 =	vbroadcast v37, $0xE  }
0x150: {  	[tilespmem:v54+s8+$0x0] =	vst.idx.add.f32.msk $0xffff, v38  }
0x151: {  	v57 =	vadd.s32 v2, v56;
	v38 =	vld.idx.msk [tilespmem:v55+s16+$0x0], $0xffff  }
0x152: {  	v58 =	vadd.s32 s31, v19;
	_ =	sdelay $0x2  }
0x153: {  	v59 =	vbroadcast v37, $0xF  }
0x154: {  	v42 =	vadd.s32 $0x10, v37;
	[tilespmem:v57+s8+$0x0] =	vst.idx.add.f32.msk $0xffff, v38  }
0x155: {  	v37 =	vand.u32 $0x7, v37;
	v60 =	vand.u32 $0x3FFF8, v42;
	v61 =	vadd.s32 v2, v59;
	_, v62, vm1 =	vpop (xrf1);
	v39 =	vld.idx.msk [tilespmem:v58+s16+$0x0], $0xffff  }
0x156: {  	v37 =	vor.u32 v37, v60;
	_ =	sdelay $0x2  }
0x157: {  	v63 =	vcvt.s32.f32 v62  }
0x158: {  	[tilespmem:v61+s8+$0x0] =	vst.idx.add.f32.msk $0xffff, v39  }
0x159: {  	[tilespmem:v37+s8+$0x0] =	vst.idx.add.f32.msk vm1, v63  }
.LBB2_15:
0x15a: {  	s28 =	sadd.s32 $0x1, s28  }
0x15b: {  	p0 =	sne.s32 s28, s6  }
.Ltmp5:
0x15c: {  	_ = 	snop;
	(pc) =	sbr.rel @!p0 .LBB2_16-.Ltmp5, $2  }
0x15d: {  	_ =	sdelay $0x2  }
0x15e: {  	s26 =	sadd.s32 $0x400, s26;
	s12 =	sadd.s32 $0x400, s12  }
.LBB2_9:
0x15f: {  	s13 =	sshll.u32 s28, $0xA  }
0x160: {  	s13 =	sadd.s32 s0, s13  }
0x161: {  	p0 =	slt.s32 s13, $0x186600;
	s17 =	smov.u32 s13  }
0x162: {  	s17 =	simm.s32 @!p0 $0x186600  }
0x163: {  	s25 =	sand.u32 $0x1FFFFF80, s17  }
0x164: {  	s25 =	sadd.s32 s3, s25  }
0x165: {  	[tilespmem:s16], [sflag:$0x1] =	stream.linear.gather [hbm4b:s25+s24], $0x2000, $0x38;
	[tilespmem:$0x1C5D0] =	vst v63  }
0x166: {  	s30 =	sadd.s32 $0x186A00, s17;
	_ =	swait.ge [sflag:s14], $0x2000  }
0x167: {  	s25 =	sand.u32 $0x1FFFFF80, s30;
	[sflag:s14] =	ssyncset.done $0x0  }
0x168: {  	s21 =	simm.s32 $0x110C0;
	s25 =	sadd.s32 s3, s25;
	[sflag:s14] =	ssyncadd.s32 $0xFFFFE000  }
0x169: {  	[tilespmem:s21], [sflag:$0x1] =	stream.linear.gather [hbm4b:s25+s24], $0x2000, $0x38;
	[tilespmem:$0x1C5D0] =	vst v63  }
0x16a: {  	_ =	swait.ge [sflag:s14], $0x2000  }
0x16b: {  	s31 =	sshrl.u32 s17, $0x3;
	s13 =	ssub.s32 s17, s13;
	[sflag:s14] =	ssyncset.done $0x0  }
0x16c: {  	s13 =	sadd.s32 $0x400, s13;
	s25 =	sadd.s32 s4, s31;
	[sflag:s14] =	ssyncadd.s32 $0xFFFFE000  }
0x16d: {  	[tilespmem:s18], [sflag:$0x1] =	stream.linear.gather [hbm4b:s25+s24], $0x400, $0x38;
	[tilespmem:$0x1C5D0] =	vst v63  }
0x16e: {  	s25 =	sshra.s32 s13, $0x4  }
0x16f: {  	p0 =	slt.s32 s25, $0x1  }
.Ltmp6:
0x170: {  	_ = 	snop;
	(pc) =	sbr.rel @p0 .LBB2_15-.Ltmp6, $4  }
0x171: {  	_ = 	snop  }
0x172: {  	_ =	swait.ge [sflag:s14], $0x400  }
0x173: {  	[sflag:s14] =	ssyncset.done $0x0  }
0x174: {  	[sflag:s14] =	ssyncadd.s32 $0xFFFFFC00  }
0x175: {  	p0 =	slt.s32 s26, $0x186600;
	s13 =	smov.u32 s26;
	p1 =	sne.s32 s25, $0x1  }
.Ltmp7:
0x176: {  	s21 =	sand.u32 $0x7, s24;
	s13 =	simm.s32 @!p0 $0x186600;
	(pc) =	sbr.rel @!p1 .LBB2_11-.Ltmp7, $4  }
0x177: {  	s30 =	simm.s32 $0x1;
	p2 =	sne.s32 s21, $0x0;
	s17 =	sshll.u32 s13, $0x2  }
0x178: {  	p0 =	por $0x0, $0x0;
	s13 =	ssub.s32 s26, s13;
	s17 =	ssub.s32 $0x0, s17  }
0x179: {  	s31 =	sshra.s32 s13, $0x1F;
	p6 =	slt.s32 s13, $0x1;
	s17 =	sshra.s32 s17, $0x2  }
0x17a: {  	s31 =	sshrl.u32 s31, $0x19;
	p2 =	por !p2, !p6;
	s29 =	sadd.s32 s17, s12  }
0x17b: {  	s17 =	sadd.s32 s31, s13;
	p0 =	por !p2, !p2;
	v37 =	vld [tilespmem:s29+$0x0];
	s31 =	simm.s32 $0x1  }
0x17c: {  	s17 =	sshrl.u32 s17, $0x7;
	s31 =	simm.s32 @!p0 $0x0  }
0x17d: {  	s17 =	ssub.s32 s17, s31  }
0x17e: {  	s17 =	smul.u32 $0x380, s17;
	_ =	sdelay $0x1  }
0x17f: {  	s17 =	sadd.s32 s17, s13;
	v37 =	vsub.s32 v37, v0  }
0x180: {  	v38 =	vadd.s32 s17, v4;
	v37 =	vmin.u32 v37, $0xC38  }
0x181: {  	v37 =	vmul.u32 $0x11, v37;
	_ =	sdelay $0x1  }
0x182: {  	v39 =	vbroadcast v37, $0x0;
	_ =	sdelay $0x1  }
0x183: {  	v38 =	vld.idx.msk [tilespmem:v38+s16+$0x0], $0xffff;
	v39 =	vadd.s32 v2, v39  }
0x184: {  	v40 =	vadd.s32 s17, v5;
	_ =	sdelay $0x2  }
0x185: {  	v41 =	vbroadcast v37, $0x1  }
0x186: {  	[tilespmem:v39+s8+$0x0] =	vst.idx.add.f32.msk $0xffff, v38  }
0x187: {  	v59 =	vadd.s32 v2, v41;
	v38 =	vld.idx.msk [tilespmem:v40+s16+$0x0], $0xffff  }
0x188: {  	v60 =	vadd.s32 s17, v6;
	_ =	sdelay $0x2  }
0x189: {  	v61 =	vbroadcast v37, $0x2  }
0x18a: {  	[tilespmem:v59+s8+$0x0] =	vst.idx.add.f32.msk $0xffff, v38  }
0x18b: {  	v62 =	vadd.s32 v2, v61;
	v38 =	vld.idx.msk [tilespmem:v60+s16+$0x0], $0xffff  }
0x18c: {  	v63 =	vadd.s32 s17, v7;
	_ =	sdelay $0x2  }
0x18d: {  	v44 =	vbroadcast v37, $0x3  }
0x18e: {  	[tilespmem:v62+s8+$0x0] =	vst.idx.add.f32.msk $0xffff, v38  }
0x18f: {  	v45 =	vadd.s32 v2, v44;
	v38 =	vld.idx.msk [tilespmem:v63+s16+$0x0], $0xffff  }
0x190: {  	v46 =	vadd.s32 s17, v8;
	_ =	sdelay $0x2  }
0x191: {  	v47 =	vbroadcast v37, $0x4  }
0x192: {  	[tilespmem:v45+s8+$0x0] =	vst.idx.add.f32.msk $0xffff, v38  }
0x193: {  	v48 =	vadd.s32 v2, v47;
	v38 =	vld.idx.msk [tilespmem:v46+s16+$0x0], $0xffff  }
0x194: {  	v49 =	vadd.s32 s17, v9;
	_ =	sdelay $0x2  }
0x195: {  	v50 =	vbroadcast v37, $0x5  }
0x196: {  	[tilespmem:v48+s8+$0x0] =	vst.idx.add.f32.msk $0xffff, v38  }
0x197: {  	v51 =	vadd.s32 v2, v50;
	v38 =	vld.idx.msk [tilespmem:v49+s16+$0x0], $0xffff  }
0x198: {  	v52 =	vadd.s32 s17, v10;
	_ =	sdelay $0x2  }
0x199: {  	v53 =	vbroadcast v37, $0x6  }
0x19a: {  	[tilespmem:v51+s8+$0x0] =	vst.idx.add.f32.msk $0xffff, v38  }
0x19b: {  	v54 =	vadd.s32 v2, v53;
	v38 =	vld.idx.msk [tilespmem:v52+s16+$0x0], $0xffff  }
0x19c: {  	v55 =	vadd.s32 s17, v11;
	_ =	sdelay $0x2  }
0x19d: {  	v56 =	vbroadcast v37, $0x7  }
0x19e: {  	[tilespmem:v54+s8+$0x0] =	vst.idx.add.f32.msk $0xffff, v38  }
0x19f: {  	v57 =	vadd.s32 v2, v56;
	v38 =	vld.idx.msk [tilespmem:v55+s16+$0x0], $0xffff  }
0x1a0: {  	v58 =	vadd.s32 s17, v12;
	_ =	sdelay $0x2  }
0x1a1: {  	v59 =	vbroadcast v37, $0x8  }
0x1a2: {  	[tilespmem:v57+s8+$0x0] =	vst.idx.add.f32.msk $0xffff, v38  }
0x1a3: {  	v60 =	vadd.s32 v2, v59;
	v38 =	vld.idx.msk [tilespmem:v58+s16+$0x0], $0xffff  }
0x1a4: {  	v61 =	vadd.s32 s17, v13;
	_ =	sdelay $0x2  }
0x1a5: {  	v62 =	vbroadcast v37, $0x9  }
0x1a6: {  	[tilespmem:v60+s8+$0x0] =	vst.idx.add.f32.msk $0xffff, v38  }
0x1a7: {  	v63 =	vadd.s32 v2, v62;
	v38 =	vld.idx.msk [tilespmem:v61+s16+$0x0], $0xffff  }
0x1a8: {  	v44 =	vadd.s32 s17, v14;
	_ =	sdelay $0x2  }
0x1a9: {  	v45 =	vbroadcast v37, $0xA  }
0x1aa: {  	[tilespmem:v63+s8+$0x0] =	vst.idx.add.f32.msk $0xffff, v38  }
0x1ab: {  	v46 =	vadd.s32 v2, v45;
	v38 =	vld.idx.msk [tilespmem:v44+s16+$0x0], $0xffff  }
0x1ac: {  	v47 =	vadd.s32 s17, v15;
	_ =	sdelay $0x2  }
0x1ad: {  	v48 =	vbroadcast v37, $0xB  }
0x1ae: {  	[tilespmem:v46+s8+$0x0] =	vst.idx.add.f32.msk $0xffff, v38  }
0x1af: {  	v49 =	vadd.s32 v2, v48;
	v38 =	vld.idx.msk [tilespmem:v47+s16+$0x0], $0xffff  }
0x1b0: {  	v50 =	vadd.s32 s17, v16;
	_ =	sdelay $0x2  }
0x1b1: {  	v51 =	vbroadcast v37, $0xC  }
0x1b2: {  	[tilespmem:v49+s8+$0x0] =	vst.idx.add.f32.msk $0xffff, v38  }
0x1b3: {  	v52 =	vadd.s32 v2, v51;
	v38 =	vld.idx.msk [tilespmem:v50+s16+$0x0], $0xffff  }
0x1b4: {  	v53 =	vadd.s32 s17, v17;
	_ =	sdelay $0x2  }
0x1b5: {  	v54 =	vbroadcast v37, $0xD  }
0x1b6: {  	(xrf1) =	vunique.msk.u32 $0xffff, v37;
	[tilespmem:v52+s8+$0x0] =	vst.idx.add.f32.msk $0xffff, v38  }
0x1b7: {  	v55 =	vadd.s32 v2, v54;
	v38 =	vld.idx.msk [tilespmem:v53+s16+$0x0], $0xffff  }
0x1b8: {  	v56 =	vadd.s32 s17, v18;
	_ =	sdelay $0x2  }
0x1b9: {  	v57 =	vbroadcast v37, $0xE  }
0x1ba: {  	[tilespmem:v55+s8+$0x0] =	vst.idx.add.f32.msk $0xffff, v38  }
0x1bb: {  	v58 =	vadd.s32 v2, v57;
	v38 =	vld.idx.msk [tilespmem:v56+s16+$0x0], $0xffff  }
0x1bc: {  	v59 =	vadd.s32 s17, v19;
	_ =	sdelay $0x2  }
0x1bd: {  	v60 =	vbroadcast v37, $0xF  }
0x1be: {  	[tilespmem:v58+s8+$0x0] =	vst.idx.add.f32.msk $0xffff, v38  }
0x1bf: {  	p1 =	sne.s32 s25, $0x2;
	v62 =	vadd.s32 $0x10, v37;
	v61 =	vadd.s32 v2, v60;
	v39 =	vld.idx.msk [tilespmem:v59+s16+$0x0], $0xffff  }
.Ltmp8:
0x1c0: {  	v37 =	vand.u32 $0x7, v37;
	_, v63, vm1 =	vpop (xrf1);
	v38 =	vand.u32 $0x3FFF8, v62;
	(pc) =	sbr.rel @!p1 .LBB2_14-.Ltmp8, $4  }
0x1c1: {  	s30 =	sand.u32 $0x7, s30;
	v37 =	vor.u32 v37, v38  }
0x1c2: {  	s29 =	sadd.s32 $0x10, s29;
	p6 =	sne.s32 s30, $0x0;
	s13 =	sadd.s32 $0x10, s13  }
0x1c3: {  	p0 =	por $0x1, $0x1;
	s31 =	sshra.s32 s13, $0x1F;
	p5 =	slt.s32 s13, $0x1  }
0x1c4: {  	s31 =	sshrl.u32 s31, $0x19;
	p2 =	por !p6, !p5;
	s17 =	simm.s32 $0x2;
	v38 =	vcvt.s32.f32 v63;
	[tilespmem:v61+s8+$0x0] =	vst.idx.add.f32.msk $0xffff, v39  }
.LBB2_13:
0x1c5: {  	s31 =	sadd.s32 s31, s13;
	p2 =	por !p2, !p2  }
0x1c6: {  	[tilespmem:v37+s8+$0x0] =	vst.idx.add.f32.msk vm1, v38;
	s30 =	smov.u32 s17;
	s17 =	sadd.s32 $0x1, s17;
	s21 =	simm.s32 $0x1  }
0x1c7: {  	p1 =	sne.s32 s25, s17;
	v37 =	vld [tilespmem:s29+$0x0];
	s31 =	sshrl.u32 s31, $0x7;
	s21 =	simm.s32 @!p2 $0x0  }
0x1c8: {  	s21 =	ssub.s32 s31, s21  }
0x1c9: {  	s21 =	smul.u32 $0x380, s21;
	_ =	sdelay $0x1  }
0x1ca: {  	s31 =	sadd.s32 s21, s13  }
0x1cb: {  	v37 =	vsub.s32 v37, v0;
	v38 =	vadd.s32 s31, v4  }
0x1cc: {  	v37 =	vmin.u32 v37, $0xC38  }
0x1cd: {  	v37 =	vmul.u32 $0x11, v37;
	_ =	sdelay $0x1  }
0x1ce: {  	v39 =	vbroadcast v37, $0x0;
	v43 =	vbroadcast v37, $0x1;
	v40 =	vadd.s32 $0x10, v37  }
0x1cf: {  	v45 =	vbroadcast v37, $0x2;
	v46 =	vbroadcast v37, $0x3;
	v44 =	vld.idx.msk [tilespmem:v38+s16+$0x0], $0xffff;
	v38 =	vand.u32 $0x3FFF8, v40  }
0x1d0: {  	v47 =	vbroadcast v37, $0x4;
	v48 =	vbroadcast v37, $0x5;
	v39 =	vadd.s32 v2, v39  }
0x1d1: {  	v49 =	vadd.s32 s31, v5;
	v50 =	vbroadcast v37, $0x6;
	v51 =	vbroadcast v37, $0x7  }
0x1d2: {  	v52 =	vbroadcast v37, $0x8;
	v53 =	vbroadcast v37, $0x9  }
0x1d3: {  	v54 =	vbroadcast v37, $0xA;
	v55 =	vbroadcast v37, $0xB  }
0x1d4: {  	v42 =	vbroadcast v37, $0xC;
	v41 =	vbroadcast v37, $0xD  }
0x1d5: {  	v40 =	vbroadcast v37, $0xE;
	[tilespmem:v39+s8+$0x0] =	vst.idx.add.f32.msk $0xffff, v44;
	v39 =	vbroadcast v37, $0xF  }
0x1d6: {  	v44 =	vld.idx.msk [tilespmem:v49+s16+$0x0], $0xffff  }
0x1d7: {  	v43 =	vadd.s32 v2, v43  }
0x1d8: {  	v49 =	vadd.s32 s31, v6;
	_ =	sdelay $0x3  }
0x1d9: {  	[tilespmem:v43+s8+$0x0] =	vst.idx.add.f32.msk $0xffff, v44  }
0x1da: {  	v43 =	vld.idx.msk [tilespmem:v49+s16+$0x0], $0xffff  }
0x1db: {  	v44 =	vadd.s32 v2, v45  }
0x1dc: {  	v45 =	vadd.s32 s31, v7;
	_ =	sdelay $0x3  }
0x1dd: {  	[tilespmem:v44+s8+$0x0] =	vst.idx.add.f32.msk $0xffff, v43  }
0x1de: {  	v43 =	vld.idx.msk [tilespmem:v45+s16+$0x0], $0xffff  }
0x1df: {  	v44 =	vadd.s32 v2, v46  }
0x1e0: {  	v45 =	vadd.s32 s31, v8;
	_ =	sdelay $0x3  }
0x1e1: {  	[tilespmem:v44+s8+$0x0] =	vst.idx.add.f32.msk $0xffff, v43  }
0x1e2: {  	v43 =	vld.idx.msk [tilespmem:v45+s16+$0x0], $0xffff  }
0x1e3: {  	v44 =	vadd.s32 v2, v47  }
0x1e4: {  	v45 =	vadd.s32 s31, v9;
	_ =	sdelay $0x3  }
0x1e5: {  	[tilespmem:v44+s8+$0x0] =	vst.idx.add.f32.msk $0xffff, v43  }
0x1e6: {  	v43 =	vld.idx.msk [tilespmem:v45+s16+$0x0], $0xffff  }
0x1e7: {  	v44 =	vadd.s32 v2, v48  }
0x1e8: {  	v45 =	vadd.s32 s31, v10;
	_ =	sdelay $0x3  }
0x1e9: {  	[tilespmem:v44+s8+$0x0] =	vst.idx.add.f32.msk $0xffff, v43  }
0x1ea: {  	v43 =	vld.idx.msk [tilespmem:v45+s16+$0x0], $0xffff  }
0x1eb: {  	v44 =	vadd.s32 v2, v50  }
0x1ec: {  	v45 =	vadd.s32 s31, v11;
	_ =	sdelay $0x3  }
0x1ed: {  	[tilespmem:v44+s8+$0x0] =	vst.idx.add.f32.msk $0xffff, v43  }
0x1ee: {  	v43 =	vld.idx.msk [tilespmem:v45+s16+$0x0], $0xffff  }
0x1ef: {  	v44 =	vadd.s32 v2, v51  }
0x1f0: {  	v45 =	vadd.s32 s31, v12;
	_ =	sdelay $0x3  }
0x1f1: {  	[tilespmem:v44+s8+$0x0] =	vst.idx.add.f32.msk $0xffff, v43  }
0x1f2: {  	v43 =	vld.idx.msk [tilespmem:v45+s16+$0x0], $0xffff  }
0x1f3: {  	v44 =	vadd.s32 v2, v52  }
0x1f4: {  	v45 =	vadd.s32 s31, v13;
	_ =	sdelay $0x3  }
0x1f5: {  	[tilespmem:v44+s8+$0x0] =	vst.idx.add.f32.msk $0xffff, v43  }
0x1f6: {  	v43 =	vld.idx.msk [tilespmem:v45+s16+$0x0], $0xffff  }
0x1f7: {  	v44 =	vadd.s32 v2, v53  }
0x1f8: {  	v45 =	vadd.s32 s31, v14;
	_ =	sdelay $0x3  }
0x1f9: {  	[tilespmem:v44+s8+$0x0] =	vst.idx.add.f32.msk $0xffff, v43  }
0x1fa: {  	v43 =	vld.idx.msk [tilespmem:v45+s16+$0x0], $0xffff  }
0x1fb: {  	v44 =	vadd.s32 v2, v54  }
0x1fc: {  	v45 =	vadd.s32 s31, v15;
	_ =	sdelay $0x3  }
0x1fd: {  	[tilespmem:v44+s8+$0x0] =	vst.idx.add.f32.msk $0xffff, v43  }
0x1fe: {  	v43 =	vld.idx.msk [tilespmem:v45+s16+$0x0], $0xffff  }
0x1ff: {  	v44 =	vadd.s32 v2, v55  }
0x200: {  	v45 =	vadd.s32 s31, v16;
	_ =	sdelay $0x3  }
0x201: {  	[tilespmem:v44+s8+$0x0] =	vst.idx.add.f32.msk $0xffff, v43  }
0x202: {  	v43 =	vld.idx.msk [tilespmem:v45+s16+$0x0], $0xffff  }
0x203: {  	v42 =	vadd.s32 v2, v42  }
0x204: {  	v44 =	vadd.s32 s31, v17;
	_ =	sdelay $0x3  }
0x205: {  	[tilespmem:v42+s8+$0x0] =	vst.idx.add.f32.msk $0xffff, v43  }
0x206: {  	v42 =	vld.idx.msk [tilespmem:v44+s16+$0x0], $0xffff  }
0x207: {  	v41 =	vadd.s32 v2, v41;
	(xrf1) =	vunique.msk.u32 $0xffff, v37  }
0x208: {  	v43 =	vadd.s32 s31, v18;
	_ =	sdelay $0x3  }
0x209: {  	[tilespmem:v41+s8+$0x0] =	vst.idx.add.f32.msk $0xffff, v42  }
0x20a: {  	v41 =	vld.idx.msk [tilespmem:v43+s16+$0x0], $0xffff  }
0x20b: {  	v40 =	vadd.s32 v2, v40  }
0x20c: {  	v42 =	vadd.s32 s31, v19;
	_ =	sdelay $0x3  }
0x20d: {  	[tilespmem:v40+s8+$0x0] =	vst.idx.add.f32.msk $0xffff, v41  }
0x20e: {  	v40 =	vld.idx.msk [tilespmem:v42+s16+$0x0], $0xffff  }
0x20f: {  	v39 =	vadd.s32 v2, v39;
	v37 =	vand.u32 $0x7, v37;
	_, v41, vm1 =	vpop (xrf1)  }
.Ltmp9:
0x210: {  	v37 =	vor.u32 v37, v38;
	(pc) =	sbr.rel @p1 .LBB2_13-.Ltmp9, $4  }
0x211: {  	_ = 	snop  }
0x212: {  	s21 =	sand.u32 $0x7, s30;
	s13 =	sadd.s32 $0x10, s13  }
0x213: {  	s30 =	sshra.s32 s13, $0x1F;
	p2 =	slt.s32 s13, $0x1;
	p3 =	sne.s32 s21, $0x0;
	v38 =	vcvt.s32.f32 v41  }
0x214: {  	s29 =	sadd.s32 $0x10, s29;
	p2 =	por !p3, !p2;
	s31 =	sshrl.u32 s30, $0x19;
	[tilespmem:v39+s8+$0x0] =	vst.idx.add.f32.msk $0xffff, v40  }
.Ltmp10:
0x215: {  	_ = 	snop;
	(pc) =	sbr.rel .LBB2_14-.Ltmp10, $1  }
0x216: {  	_ =	sdelay $0x3  }
.LBB2_16:
0x217: {  	s6 =	simm.s32 $0x0;
	s13 =	simm.s32 $0x1  }
.LBB2_17:
0x218: {  	s0 =	smul.u32 $0xB8, s6  }
0x219: {  	v37 =	vld [tilespmem:s13+$0x0];
	s24 =	simm.s32 $0x40;
	s17 =	smov.u32 s13;
	s12 =	simm.s32 $0x0  }
.LBB2_18:
0x21a: {  	p0 =	sne.s32 s24, $0x2DC0;
	_ =	sdelay $0x3  }
0x21b: {  	v37 =	vmax.f32 v37, $1.000000000e+00  }
0x21c: {  	v37 =	vbroadcast v37, $0xF;
	_ =	sdelay $0x1  }
0x21d: {  	(erf) = vrcp.f32 v37;
	_ =	sdelay $0x4  }
0x21e: {  	v37 =	vld [tilespmem:s17+$0xFFFFFFFF];
	_ =	sdelay $0x3  }
.Ltmp11:
0x21f: {  	v38 =	vpop (erf);
	(pc) =	sbr.rel @p0 .LBB2_18-.Ltmp11, $4  }
0x220: {  	v37 =	vmul.f32 v38, v37  }
0x221: {  	s21 =	sshra.s32 s12, $0x2;
	s12 =	smov.u32 s24  }
0x222: {  	s17 =	sadd.s32 $0x11, s17;
	[tilespmem:s21+$0x194C0] =	vst v37  }
0x223: {  	s24 =	sadd.s32 $0x40, s24;
	v37 =	vld [tilespmem:s17+$0x0]  }
0x224: {  	_ =	sdelay $0x3  }
0x225: {  	v37 =	vmax.f32 v37, $1.000000000e+00  }
0x226: {  	v37 =	vbroadcast v37, $0xF;
	_ =	sdelay $0x1  }
0x227: {  	(erf) = vrcp.f32 v37;
	_ =	sdelay $0x4  }
0x228: {  	v63 =	vld [tilespmem:s17+$0xFFFFFFFF];
	_ =	sdelay $0x3  }
0x229: {  	v38 =	vpop (erf)  }
0x22a: {  	s0 =	sadd.s32 s1, s0;
	s6 =	sadd.s32 $0x1, s6;
	v37 =	vmul.f32 v38, v63  }
0x22b: {  	s12 =	sshra.s32 s12, $0x2;
	s0 =	sshll.u32 s0, $0x1;
	p0 =	sne.s32 s6, $0x11  }
.Ltmp12:
0x22c: {  	s31 =	sadd.s32 s7, s0;
	s0 =	simm.s32 $0x0;
	[tilespmem:s12+$0x194C0] =	vst v37;
	(pc) =	sbr.rel @p0 .LBB2_17-.Ltmp12, $4  }
0x22d: {  	[hbm4b:s31+s0] =	stream.linear.scatter [tilespmem:s19], [sflag:$0x1], $0xB80, $0x38;
	[tilespmem:$0x1C5D0] =	vst v63  }
0x22e: {  	_ =	swait.ge [sflag:s14], $0xB80  }
0x22f: {  	s13 =	sadd.s32 $0xC38, s13;
	[sflag:s14] =	ssyncset.done $0x0  }
0x230: {  	s17 =	simm.s32 $0x15;
	s12 =	simm.s32 $0x186A00;
	[sflag:s14] =	ssyncadd.s32 $0xFFFFF480  }
0x231: {  	s6 =	sadd.s32 s0, s12  }
0x232: {  	s13 =	sand.u32 $0x1, s6  }
0x233: {  	p0 =	slt.s32 s6, $0x1;
	p1 =	seq.s32 s13, $0x1  }
0x234: {  	s26 =	sshrl.u32 s6, $0x1F;
	p0 =	por !p0, !p1  }
0x235: {  	s6 =	sadd.s32 s26, s6;
	s13 =	simm.s32 $0x1;
	p0 =	por !p0, !p0  }
0x236: {  	s6 =	sshra.s32 s6, $0x1;
	s13 =	simm.s32 @!p0 $0x0  }
0x237: {  	s13 =	ssub.s32 s6, s13  }
0x238: {  	p0 =	slt.s32 s13, $0x1869FF  }
0x239: {  	p5 =	slt.s32 s13, $0x1;
	s13 =	simm.s32 @!p0 $0x1869FF  }
0x23a: {  	s28 =	sand.u32 $0x7, s13  }
0x23b: {  	s21 =	sshra.s32 s13, $0x1F;
	p6 =	sne.s32 s28, $0x0  }
0x23c: {  	s29 =	sshrl.u32 s21, $0x1D;
	p0 =	por !p5, !p6  }
0x23d: {  	s21 =	simm.s32 $0x1;
	s6 =	sadd.s32 s29, s13;
	p0 =	por !p0, !p0  }
0x23e: {  	s6 =	sshrl.u32 s6, $0x3;
	s21 =	simm.s32 @!p0 $0x0  }
0x23f: {  	s6 =	ssub.s32 s6, s21  }
0x240: {  	s6 =	sshll.u32 s6, $0x3  }
0x241: {  	p0 =	slt.s32 s6, $0x1869F0  }
0x242: {  	s6 =	simm.s32 @!p0 $0x1869F0  }
0x243: {  	s30 =	sshrl.u32 s6, $0x3  }
0x244: {  	s21 =	sadd.s32 s5, s30  }
0x245: {  	[tilespmem:s15], [sflag:$0x1] =	stream.linear.gather [hbm4b:s21+s0], $0x10, $0x38;
	[tilespmem:$0x1C5D0] =	vst v63  }
0x246: {  	_ =	swait.ge [sflag:s14], $0x10  }
0x247: {  	[sflag:s14] =	ssyncset.done $0x0  }
0x248: {  	[sflag:s14] =	ssyncadd.s32 $0xFFFFFFF0  }
0x249: {  	v37 =	vld [tilespmem:$0x1C5C0];
	_ =	sdelay $0x2  }
0x24a: {  	s6 =	ssub.s32 s13, s6  }
0x24b: {  	v38 =	vmov s6  }
0x24c: {  	vm1 =	veq.s32 v38, v2;
	v37 =	vxor.u32 $0x80000000, v37  }
0x24d: {  	v37 =	vnsel vm1, $0x0, v37  }
0x24e: {  	(xrf0) =	vmax.scan.msk.u32 $0xffff, v37;
	_ =	sdelay $0x5  }
0x24f: {  	v37, _, _ =	vpop (xrf0)  }
0x250: {  	(v2sf) =	vpush v37, $0xF;
	_ =	sdelay $0xe  }
0x251: {  	s31 =	spop (v2sf)  }
0x252: {  	s17 =	sadd.s32 $0xFFFFFFFF, s17;
	s26 =	simm.s32 $0x186A00;
	s6 =	sxor.u32 $0x80000000, s31  }
0x253: {  	s25 =	sadd.s32 $0x1, s13;
	p1 =	slt.s32 s6, s2;
	s6 =	simm.s32 $0x0  }
.LBB2_21:
0x254: {  	p0 =	sne.s32 s17, $0x1;
	s6 =	smov.u32 @p1 s25;
	s13 =	smov.u32 @p1 s26  }
0x255: {  	s17 =	sadd.s32 $0xFFFFFFFF, s17;
	s21 =	sadd.s32 s6, s13  }
0x256: {  	s24 =	sshrl.u32 s21, $0x1F;
	s25 =	sand.u32 $0x1, s21  }
0x257: {  	p1 =	slt.s32 s21, $0x1;
	s24 =	sadd.s32 s24, s21;
	p2 =	seq.s32 s25, $0x1  }
0x258: {  	p1 =	por !p1, !p2  }
0x259: {  	s21 =	sshra.s32 s24, $0x1;
	s24 =	simm.s32 $0x1;
	p1 =	por !p1, !p1  }
0x25a: {  	s24 =	simm.s32 @!p1 $0x0  }
0x25b: {  	s21 =	ssub.s32 s21, s24  }
0x25c: {  	p1 =	slt.s32 s21, $0x1869FF;
	s24 =	smov.u32 s21  }
0x25d: {  	s24 =	simm.s32 @!p1 $0x1869FF  }
0x25e: {  	s25 =	sshra.s32 s24, $0x1F;
	s26 =	sand.u32 $0x7, s24  }
0x25f: {  	p1 =	slt.s32 s21, $0x1;
	s25 =	sshrl.u32 s25, $0x1D;
	p2 =	sne.s32 s26, $0x0  }
0x260: {  	s21 =	sadd.s32 s25, s24;
	p1 =	por !p1, !p2  }
0x261: {  	s25 =	simm.s32 $0x1;
	p1 =	por !p1, !p1  }
0x262: {  	s21 =	sshrl.u32 s21, $0x3;
	s25 =	simm.s32 @!p1 $0x0  }
0x263: {  	s21 =	ssub.s32 s21, s25  }
0x264: {  	s21 =	sshll.u32 s21, $0x3  }
0x265: {  	p1 =	slt.s32 s21, $0x1869F0  }
0x266: {  	s21 =	simm.s32 @!p1 $0x1869F0  }
0x267: {  	s25 =	sshrl.u32 s21, $0x3;
	s21 =	ssub.s32 s24, s21  }
0x268: {  	s25 =	sadd.s32 s5, s25;
	v37 =	vmov s21  }
0x269: {  	[tilespmem:s15], [sflag:$0x1] =	stream.linear.gather [hbm4b:s25+s0], $0x10, $0x38;
	[tilespmem:$0x1C5D0] =	vst v63  }
0x26a: {  	_ =	swait.ge [sflag:s14], $0x10  }
0x26b: {  	[sflag:s14] =	ssyncset.done $0x0  }
0x26c: {  	[sflag:s14] =	ssyncadd.s32 $0xFFFFFFF0  }
0x26d: {  	v38 =	vld [tilespmem:$0x1C5C0];
	_ =	sdelay $0x4  }
0x26e: {  	vm1 =	veq.s32 v37, v2;
	v37 =	vxor.u32 $0x80000000, v38  }
0x26f: {  	v37 =	vnsel vm1, $0x0, v37  }
0x270: {  	(xrf0) =	vmax.scan.msk.u32 $0xffff, v37;
	_ =	sdelay $0x5  }
0x271: {  	v37, _, _ =	vpop (xrf0)  }
0x272: {  	(v2sf) =	vpush v37, $0xF;
	_ =	sdelay $0xc  }
.Ltmp13:
0x273: {  	(pc) =	sbr.rel @p0 .LBB2_21-.Ltmp13, $4  }
0x274: {  	_ = 	snop  }
0x275: {  	s21 =	spop (v2sf)  }
0x276: {  	s26 =	smov.u32 s13;
	s21 =	sxor.u32 $0x80000000, s21  }
0x277: {  	s13 =	smov.u32 s24;
	s25 =	sadd.s32 $0x1, s24;
	p1 =	slt.s32 s21, s2  }
0x278: {  	s13 =	simm.s32 $0x186A00  }
0x279: {  	s13 =	sand.u32 $0x1, s13  }
0x27a: {  	p0 =	por $0x0, $0x0;
	p2 =	seq.s32 s13, $0x1  }
0x27b: {  	p0 =	por !p0, !p2  }
0x27c: {  	s13 =	simm.s32 $0x1;
	p0 =	por !p0, !p0  }
0x27d: {  	s13 =	simm.s32 @!p0 $0x0  }
0x27e: {  	s13 =	ssub.s32 $0xC3500, s13  }
0x27f: {  	p0 =	slt.s32 s13, $0x1869FF  }
0x280: {  	p5 =	slt.s32 s13, $0x1;
	s13 =	simm.s32 @!p0 $0x1869FF  }
0x281: {  	s17 =	sand.u32 $0x7, s13  }
0x282: {  	s21 =	sshra.s32 s13, $0x1F;
	p6 =	sne.s32 s17, $0x0  }
0x283: {  	s29 =	sshrl.u32 s21, $0x1D;
	p0 =	por !p5, !p6  }
0x284: {  	s21 =	simm.s32 $0x1;
	s17 =	sadd.s32 s29, s13;
	p0 =	por !p0, !p0  }
0x285: {  	s17 =	sshrl.u32 s17, $0x3;
	s21 =	simm.s32 @!p0 $0x0  }
0x286: {  	s17 =	ssub.s32 s17, s21  }
0x287: {  	s21 =	sshll.u32 s17, $0x3  }
0x288: {  	p0 =	slt.s32 s21, $0x1869F0  }
0x289: {  	s21 =	simm.s32 @!p0 $0x1869F0  }
0x28a: {  	s30 =	sshrl.u32 s21, $0x3  }
0x28b: {  	s17 =	simm.s32 $0x0;
	s24 =	sadd.s32 s5, s30  }
0x28c: {  	[tilespmem:s15], [sflag:$0x1] =	stream.linear.gather [hbm4b:s24+s17], $0x10, $0x38;
	[tilespmem:$0x1C5D0] =	vst v63  }
0x28d: {  	_ =	swait.ge [sflag:s14], $0x10  }
0x28e: {  	[sflag:s14] =	ssyncset.done $0x0  }
0x28f: {  	[sflag:s14] =	ssyncadd.s32 $0xFFFFFFF0  }
0x290: {  	v37 =	vld [tilespmem:$0x1C5C0];
	_ =	sdelay $0x2  }
0x291: {  	s21 =	ssub.s32 s13, s21  }
0x292: {  	v38 =	vmov s21  }
0x293: {  	vm1 =	veq.s32 v38, v2;
	v37 =	vxor.u32 $0x80000000, v37  }
0x294: {  	v37 =	vnsel vm1, $0x0, v37  }
0x295: {  	(xrf0) =	vmax.scan.msk.u32 $0xffff, v37;
	_ =	sdelay $0x5  }
0x296: {  	v37, _, _ =	vpop (xrf0)  }
0x297: {  	(v2sf) =	vpush v37, $0xF;
	_ =	sdelay $0xe  }
0x298: {  	s31 =	spop (v2sf)  }
0x299: {  	s6 =	smov.u32 @p1 s25;
	s21 =	sxor.u32 $0x80000000, s31  }
0x29a: {  	s26 =	sadd.s32 $0x1, s13;
	s24 =	simm.s32 $0x14;
	p1 =	slt.s32 s21, s11  }
.LBB2_23:
0x29b: {  	p0 =	sne.s32 s24, $0x1;
	s0 =	smov.u32 @p1 s26;
	s13 =	smov.u32 @p1 s12  }
0x29c: {  	s24 =	sadd.s32 $0xFFFFFFFF, s24;
	s12 =	sadd.s32 s0, s13  }
0x29d: {  	s21 =	sshrl.u32 s12, $0x1F;
	s25 =	sand.u32 $0x1, s12  }
0x29e: {  	p1 =	slt.s32 s12, $0x1;
	s21 =	sadd.s32 s21, s12;
	p2 =	seq.s32 s25, $0x1  }
0x29f: {  	p1 =	por !p1, !p2  }
0x2a0: {  	s12 =	sshra.s32 s21, $0x1;
	s21 =	simm.s32 $0x1;
	p1 =	por !p1, !p1  }
0x2a1: {  	s21 =	simm.s32 @!p1 $0x0  }
0x2a2: {  	s12 =	ssub.s32 s12, s21  }
0x2a3: {  	p1 =	slt.s32 s12, $0x1869FF;
	s25 =	smov.u32 s12  }
0x2a4: {  	s25 =	simm.s32 @!p1 $0x1869FF  }
0x2a5: {  	s21 =	sshra.s32 s25, $0x1F;
	s26 =	sand.u32 $0x7, s25  }
0x2a6: {  	p1 =	slt.s32 s12, $0x1;
	s21 =	sshrl.u32 s21, $0x1D;
	p2 =	sne.s32 s26, $0x0  }
0x2a7: {  	s12 =	sadd.s32 s21, s25;
	p1 =	por !p1, !p2  }
0x2a8: {  	s21 =	simm.s32 $0x1;
	p1 =	por !p1, !p1  }
0x2a9: {  	s12 =	sshrl.u32 s12, $0x3;
	s21 =	simm.s32 @!p1 $0x0  }
0x2aa: {  	s12 =	ssub.s32 s12, s21  }
0x2ab: {  	s12 =	sshll.u32 s12, $0x3  }
0x2ac: {  	p1 =	slt.s32 s12, $0x1869F0  }
0x2ad: {  	s12 =	simm.s32 @!p1 $0x1869F0  }
0x2ae: {  	s21 =	sshrl.u32 s12, $0x3;
	s12 =	ssub.s32 s25, s12  }
0x2af: {  	s21 =	sadd.s32 s5, s21;
	v37 =	vmov s12  }
0x2b0: {  	[tilespmem:s15], [sflag:$0x1] =	stream.linear.gather [hbm4b:s21+s17], $0x10, $0x38;
	[tilespmem:$0x1C5D0] =	vst v63  }
0x2b1: {  	_ =	swait.ge [sflag:s14], $0x10  }
0x2b2: {  	[sflag:s14] =	ssyncset.done $0x0  }
0x2b3: {  	[sflag:s14] =	ssyncadd.s32 $0xFFFFFFF0  }
0x2b4: {  	v38 =	vld [tilespmem:$0x1C5C0];
	_ =	sdelay $0x4  }
0x2b5: {  	vm1 =	veq.s32 v37, v2;
	v37 =	vxor.u32 $0x80000000, v38  }
0x2b6: {  	v37 =	vnsel vm1, $0x0, v37  }
0x2b7: {  	(xrf0) =	vmax.scan.msk.u32 $0xffff, v37;
	_ =	sdelay $0x5  }
0x2b8: {  	v37, _, _ =	vpop (xrf0)  }
0x2b9: {  	(v2sf) =	vpush v37, $0xF;
	_ =	sdelay $0xc  }
.Ltmp14:
0x2ba: {  	(pc) =	sbr.rel @p0 .LBB2_23-.Ltmp14, $4  }
0x2bb: {  	_ = 	snop  }
0x2bc: {  	s12 =	spop (v2sf)  }
0x2bd: {  	s26 =	sadd.s32 $0x1, s25;
	s12 =	sxor.u32 $0x80000000, s12  }
0x2be: {  	p1 =	slt.s32 s12, s11;
	s12 =	smov.u32 s13;
	s13 =	smov.u32 s25  }
0x2bf: {  	s0 =	smov.u32 @p1 s26;
	s13 =	simm.s32 $0x40;
	s12 =	simm.s32 $0x0  }
.LBB2_25:
0x2c0: {  	p0 =	sne.s32 s13, $0x8380;
	[tilespmem:s12+$0xCFD0] =	vst v3;
	s12 =	smov.u32 s13;
	s13 =	sadd.s32 $0x40, s13  }
.Ltmp15:
0x2c1: {  	(pc) =	sbr.rel @p0 .LBB2_25-.Ltmp15, $2  }
0x2c2: {  	_ =	sdelay $0x2  }
0x2c3: {  	s12 =	sshra.s32 s12, $0x2  }
0x2c4: {  	s13 =	sand.u32 $0x7F, s6  }
0x2c5: {  	s17 =	sshra.s32 s6, $0x1F;
	p0 =	slt.s32 s6, $0x1;
	p1 =	sne.s32 s13, $0x0  }
0x2c6: {  	s25 =	sshrl.u32 s17, $0x19;
	p0 =	por !p0, !p1  }
0x2c7: {  	s13 =	simm.s32 $0x1;
	s26 =	sadd.s32 s25, s6;
	p0 =	por !p0, !p0  }
0x2c8: {  	s6 =	sshra.s32 s26, $0x7;
	s13 =	simm.s32 @!p0 $0x0  }
0x2c9: {  	s6 =	ssub.s32 s6, s13  }
0x2ca: {  	s26 =	sshll.u32 s6, $0x7  }
0x2cb: {  	s0 =	ssub.s32 s0, s26  }
0x2cc: {  	s29 =	sadd.s32 $0x3FF, s0  }
0x2cd: {  	s30 =	sand.u32 $0x3FF, s29  }
0x2ce: {  	p5 =	slt.s32 s0, $0xFFFFFC02;
	s31 =	sshra.s32 s29, $0x1F;
	p6 =	sne.s32 s30, $0x0  }
0x2cf: {  	s0 =	sshrl.u32 s31, $0x16;
	p0 =	por !p5, !p6  }
0x2d0: {  	s13 =	simm.s32 $0x1;
	s0 =	sadd.s32 s0, s29;
	p0 =	por !p0, !p0  }
0x2d1: {  	s0 =	sshra.s32 s0, $0xA;
	s13 =	simm.s32 @!p0 $0x0  }
0x2d2: {  	s28 =	ssub.s32 s0, s13  }
0x2d3: {  	p0 =	slt.s32 s28, $0x1  }
.Ltmp16:
0x2d4: {  	_ = 	snop;
	(pc) =	sbr.rel @p0 .LBB2_35-.Ltmp16, $2  }
0x2d5: {  	_ =	sdelay $0x2  }
0x2d6: {  	[tilespmem:s12+$0xCFD0] =	vst v3  }
.Ltmp17:
0x2d7: {  	(pc) =	sbr.rel .LBB2_28-.Ltmp17, $4  }
0x2d8: {  	_ = 	snop  }
0x2d9: {  	s0 =	sshll.u32 s6, $0x9  }
0x2da: {  	s30 =	simm.s32 $0x0;
	s0 =	sshra.s32 s0, $0x2  }
0x2db: {  	s31 =	smov.u32 s26;
	s6 =	simm.s32 $0x0;
	s29 =	sadd.s32 $0x190C0, s0  }
.LBB2_30:
0x2dc: {  	_ = 	snop  }
.LBB2_33:
0x2dd: {  	_ =	sdelay $0x4  }
0x2de: {  	[tilespmem:v37+s23+$0x0] =	vst.idx.add.f32.msk @p0 vm1, v38  }
0x2df: {  	s13 =	sadd.s32 s25, s0;
	p0 =	por !p2, !p2;
	v37 =	vld [tilespmem:s12+$0x0];
	s12 =	simm.s32 $0x1  }
0x2e0: {  	s13 =	sshrl.u32 s13, $0x7;
	s12 =	simm.s32 @!p0 $0x0  }
0x2e1: {  	s12 =	ssub.s32 s13, s12  }
0x2e2: {  	s12 =	smul.u32 $0x380, s12;
	_ =	sdelay $0x1  }
0x2e3: {  	s25 =	sadd.s32 s12, s0;
	v37 =	vsub.s32 v37, v1  }
0x2e4: {  	v47 =	vadd.s32 s25, v4;
	v37 =	vmin.u32 v37, $0x190  }
0x2e5: {  	v37 =	vmul.u32 $0x15, v37;
	_ =	sdelay $0x1  }
0x2e6: {  	v39 =	vbroadcast v37, $0x0;
	_ =	sdelay $0x1  }
0x2e7: {  	v38 =	vld.idx.msk [tilespmem:v47+s20+$0x0], $0xffff;
	v40 =	vadd.s32 v2, v39  }
0x2e8: {  	v41 =	vadd.s32 s25, v20;
	_ =	sdelay $0x3  }
0x2e9: {  	[tilespmem:v40+s23+$0x0] =	vst.idx.add.f32.msk $0xffff, v38  }
0x2ea: {  	v39 =	vadd.s32 v21, v39;
	v38 =	vld.idx.msk [tilespmem:v41+s20+$0x0], vm0  }
0x2eb: {  	v48 =	vadd.s32 s25, v5;
	_ =	sdelay $0x2  }
0x2ec: {  	v49 =	vbroadcast v37, $0x1  }
0x2ed: {  	[tilespmem:v39+s23+$0x0] =	vst.idx.add.f32.msk vm0, v38  }
0x2ee: {  	v50 =	vadd.s32 v2, v49;
	v38 =	vld.idx.msk [tilespmem:v48+s20+$0x0], $0xffff  }
0x2ef: {  	v51 =	vadd.s32 s25, v22;
	_ =	sdelay $0x3  }
0x2f0: {  	[tilespmem:v50+s23+$0x0] =	vst.idx.add.f32.msk $0xffff, v38  }
0x2f1: {  	v52 =	vadd.s32 v21, v49;
	v38 =	vld.idx.msk [tilespmem:v51+s20+$0x0], vm0  }
0x2f2: {  	v53 =	vadd.s32 s25, v6;
	_ =	sdelay $0x2  }
0x2f3: {  	v54 =	vbroadcast v37, $0x2  }
0x2f4: {  	[tilespmem:v52+s23+$0x0] =	vst.idx.add.f32.msk vm0, v38  }
0x2f5: {  	v55 =	vadd.s32 v2, v54;
	v38 =	vld.idx.msk [tilespmem:v53+s20+$0x0], $0xffff  }
0x2f6: {  	v56 =	vadd.s32 s25, v23;
	_ =	sdelay $0x3  }
0x2f7: {  	[tilespmem:v55+s23+$0x0] =	vst.idx.add.f32.msk $0xffff, v38  }
0x2f8: {  	v57 =	vadd.s32 v21, v54;
	v38 =	vld.idx.msk [tilespmem:v56+s20+$0x0], vm0  }
0x2f9: {  	v58 =	vadd.s32 s25, v7;
	_ =	sdelay $0x2  }
0x2fa: {  	v59 =	vbroadcast v37, $0x3  }
0x2fb: {  	[tilespmem:v57+s23+$0x0] =	vst.idx.add.f32.msk vm0, v38  }
0x2fc: {  	v60 =	vadd.s32 v2, v59;
	v38 =	vld.idx.msk [tilespmem:v58+s20+$0x0], $0xffff  }
0x2fd: {  	v61 =	vadd.s32 s25, v24;
	_ =	sdelay $0x3  }
0x2fe: {  	[tilespmem:v60+s23+$0x0] =	vst.idx.add.f32.msk $0xffff, v38  }
0x2ff: {  	v62 =	vadd.s32 v21, v59;
	v38 =	vld.idx.msk [tilespmem:v61+s20+$0x0], vm0  }
0x300: {  	v63 =	vadd.s32 s25, v8;
	_ =	sdelay $0x2  }
0x301: {  	v44 =	vbroadcast v37, $0x4  }
0x302: {  	[tilespmem:v62+s23+$0x0] =	vst.idx.add.f32.msk vm0, v38  }
0x303: {  	v45 =	vadd.s32 v2, v44;
	v38 =	vld.idx.msk [tilespmem:v63+s20+$0x0], $0xffff  }
0x304: {  	v46 =	vadd.s32 s25, v25;
	_ =	sdelay $0x3  }
0x305: {  	[tilespmem:v45+s23+$0x0] =	vst.idx.add.f32.msk $0xffff, v38  }
0x306: {  	v47 =	vadd.s32 v21, v44;
	v38 =	vld.idx.msk [tilespmem:v46+s20+$0x0], vm0  }
0x307: {  	v48 =	vadd.s32 s25, v9;
	_ =	sdelay $0x2  }
0x308: {  	v49 =	vbroadcast v37, $0x5  }
0x309: {  	[tilespmem:v47+s23+$0x0] =	vst.idx.add.f32.msk vm0, v38  }
0x30a: {  	v50 =	vadd.s32 v2, v49;
	v38 =	vld.idx.msk [tilespmem:v48+s20+$0x0], $0xffff  }
0x30b: {  	v51 =	vadd.s32 s25, v26;
	_ =	sdelay $0x3  }
0x30c: {  	[tilespmem:v50+s23+$0x0] =	vst.idx.add.f32.msk $0xffff, v38  }
0x30d: {  	v52 =	vadd.s32 v21, v49;
	v38 =	vld.idx.msk [tilespmem:v51+s20+$0x0], vm0  }
0x30e: {  	v53 =	vadd.s32 s25, v10;
	_ =	sdelay $0x2  }
0x30f: {  	v54 =	vbroadcast v37, $0x6  }
0x310: {  	[tilespmem:v52+s23+$0x0] =	vst.idx.add.f32.msk vm0, v38  }
0x311: {  	v55 =	vadd.s32 v2, v54;
	v38 =	vld.idx.msk [tilespmem:v53+s20+$0x0], $0xffff  }
0x312: {  	v56 =	vadd.s32 s25, v27;
	_ =	sdelay $0x3  }
0x313: {  	[tilespmem:v55+s23+$0x0] =	vst.idx.add.f32.msk $0xffff, v38  }
0x314: {  	v57 =	vadd.s32 v21, v54;
	v38 =	vld.idx.msk [tilespmem:v56+s20+$0x0], vm0  }
0x315: {  	v58 =	vadd.s32 s25, v11;
	_ =	sdelay $0x2  }
0x316: {  	v59 =	vbroadcast v37, $0x7  }
0x317: {  	[tilespmem:v57+s23+$0x0] =	vst.idx.add.f32.msk vm0, v38  }
0x318: {  	v60 =	vadd.s32 v2, v59;
	v38 =	vld.idx.msk [tilespmem:v58+s20+$0x0], $0xffff  }
0x319: {  	v61 =	vadd.s32 s25, v28;
	_ =	sdelay $0x3  }
0x31a: {  	[tilespmem:v60+s23+$0x0] =	vst.idx.add.f32.msk $0xffff, v38  }
0x31b: {  	v62 =	vadd.s32 v21, v59;
	v38 =	vld.idx.msk [tilespmem:v61+s20+$0x0], vm0  }
0x31c: {  	v63 =	vadd.s32 s25, v12;
	_ =	sdelay $0x2  }
0x31d: {  	v44 =	vbroadcast v37, $0x8  }
0x31e: {  	[tilespmem:v62+s23+$0x0] =	vst.idx.add.f32.msk vm0, v38  }
0x31f: {  	v45 =	vadd.s32 v2, v44;
	v38 =	vld.idx.msk [tilespmem:v63+s20+$0x0], $0xffff  }
0x320: {  	v46 =	vadd.s32 s25, v29;
	_ =	sdelay $0x3  }
0x321: {  	[tilespmem:v45+s23+$0x0] =	vst.idx.add.f32.msk $0xffff, v38  }
0x322: {  	v47 =	vadd.s32 v21, v44;
	v38 =	vld.idx.msk [tilespmem:v46+s20+$0x0], vm0  }
0x323: {  	v48 =	vadd.s32 s25, v13;
	_ =	sdelay $0x2  }
0x324: {  	v49 =	vbroadcast v37, $0x9  }
0x325: {  	[tilespmem:v47+s23+$0x0] =	vst.idx.add.f32.msk vm0, v38  }
0x326: {  	v50 =	vadd.s32 v2, v49;
	v38 =	vld.idx.msk [tilespmem:v48+s20+$0x0], $0xffff  }
0x327: {  	v51 =	vadd.s32 s25, v30;
	_ =	sdelay $0x3  }
0x328: {  	[tilespmem:v50+s23+$0x0] =	vst.idx.add.f32.msk $0xffff, v38  }
0x329: {  	v52 =	vadd.s32 v21, v49;
	v38 =	vld.idx.msk [tilespmem:v51+s20+$0x0], vm0  }
0x32a: {  	v53 =	vadd.s32 s25, v14;
	_ =	sdelay $0x2  }
0x32b: {  	v54 =	vbroadcast v37, $0xA  }
0x32c: {  	[tilespmem:v52+s23+$0x0] =	vst.idx.add.f32.msk vm0, v38  }
0x32d: {  	v55 =	vadd.s32 v2, v54;
	v38 =	vld.idx.msk [tilespmem:v53+s20+$0x0], $0xffff  }
0x32e: {  	v56 =	vadd.s32 s25, v31;
	_ =	sdelay $0x3  }
0x32f: {  	[tilespmem:v55+s23+$0x0] =	vst.idx.add.f32.msk $0xffff, v38  }
0x330: {  	v57 =	vadd.s32 v21, v54;
	v38 =	vld.idx.msk [tilespmem:v56+s20+$0x0], vm0  }
0x331: {  	v58 =	vadd.s32 s25, v15;
	_ =	sdelay $0x2  }
0x332: {  	v59 =	vbroadcast v37, $0xB  }
0x333: {  	[tilespmem:v57+s23+$0x0] =	vst.idx.add.f32.msk vm0, v38  }
0x334: {  	v60 =	vadd.s32 v2, v59;
	v38 =	vld.idx.msk [tilespmem:v58+s20+$0x0], $0xffff  }
0x335: {  	v61 =	vadd.s32 s25, v32;
	_ =	sdelay $0x3  }
0x336: {  	[tilespmem:v60+s23+$0x0] =	vst.idx.add.f32.msk $0xffff, v38  }
0x337: {  	v62 =	vadd.s32 v21, v59;
	v38 =	vld.idx.msk [tilespmem:v61+s20+$0x0], vm0  }
0x338: {  	v63 =	vadd.s32 s25, v16;
	_ =	sdelay $0x2  }
0x339: {  	v44 =	vbroadcast v37, $0xC  }
0x33a: {  	[tilespmem:v62+s23+$0x0] =	vst.idx.add.f32.msk vm0, v38  }
0x33b: {  	v45 =	vadd.s32 v2, v44;
	v38 =	vld.idx.msk [tilespmem:v63+s20+$0x0], $0xffff  }
0x33c: {  	v46 =	vadd.s32 s25, v33;
	_ =	sdelay $0x3  }
0x33d: {  	[tilespmem:v45+s23+$0x0] =	vst.idx.add.f32.msk $0xffff, v38  }
0x33e: {  	v47 =	vadd.s32 v21, v44;
	v38 =	vld.idx.msk [tilespmem:v46+s20+$0x0], vm0  }
0x33f: {  	v48 =	vadd.s32 s25, v17;
	_ =	sdelay $0x2  }
0x340: {  	v49 =	vbroadcast v37, $0xD  }
0x341: {  	[tilespmem:v47+s23+$0x0] =	vst.idx.add.f32.msk vm0, v38  }
0x342: {  	v50 =	vadd.s32 v2, v49;
	v38 =	vld.idx.msk [tilespmem:v48+s20+$0x0], $0xffff  }
0x343: {  	v51 =	vadd.s32 s25, v34;
	_ =	sdelay $0x3  }
0x344: {  	[tilespmem:v50+s23+$0x0] =	vst.idx.add.f32.msk $0xffff, v38  }
0x345: {  	v52 =	vadd.s32 v21, v49;
	v38 =	vld.idx.msk [tilespmem:v51+s20+$0x0], vm0  }
0x346: {  	v53 =	vadd.s32 s25, v18;
	_ =	sdelay $0x2  }
0x347: {  	v54 =	vbroadcast v37, $0xE  }
0x348: {  	[tilespmem:v52+s23+$0x0] =	vst.idx.add.f32.msk vm0, v38  }
0x349: {  	v55 =	vadd.s32 v2, v54;
	v38 =	vld.idx.msk [tilespmem:v53+s20+$0x0], $0xffff  }
0x34a: {  	v56 =	vadd.s32 s25, v35;
	_ =	sdelay $0x2  }
0x34b: {  	(xrf1) =	vunique.msk.u32 $0xffff, v37  }
0x34c: {  	[tilespmem:v55+s23+$0x0] =	vst.idx.add.f32.msk $0xffff, v38  }
0x34d: {  	v57 =	vadd.s32 v21, v54;
	v38 =	vld.idx.msk [tilespmem:v56+s20+$0x0], vm0  }
0x34e: {  	v58 =	vadd.s32 s25, v19;
	_ =	sdelay $0x2  }
0x34f: {  	v59 =	vbroadcast v37, $0xF  }
0x350: {  	[tilespmem:v57+s23+$0x0] =	vst.idx.add.f32.msk vm0, v38  }
0x351: {  	v60 =	vadd.s32 v2, v59;
	v38 =	vld.idx.msk [tilespmem:v58+s20+$0x0], $0xffff  }
0x352: {  	v61 =	vadd.s32 s25, v36;
	_ =	sdelay $0x3  }
0x353: {  	[tilespmem:v60+s23+$0x0] =	vst.idx.add.f32.msk $0xffff, v38  }
0x354: {  	v62 =	vadd.s32 v21, v59;
	_, v63, vm1 =	vpop (xrf1);
	v38 =	vld.idx.msk [tilespmem:v61+s20+$0x0], vm0  }
0x355: {  	v37 =	vadd.s32 $0x14, v37;
	_ =	sdelay $0x2  }
0x356: {  	v40 =	vcvt.s32.f32 v63  }
0x357: {  	[tilespmem:v62+s23+$0x0] =	vst.idx.add.f32.msk vm0, v38  }
0x358: {  	[tilespmem:v37+s23+$0x0] =	vst.idx.add.f32.msk vm1, v40  }
.LBB2_34:
0x359: {  	s6 =	sadd.s32 $0x1, s6  }
0x35a: {  	p0 =	sne.s32 s6, s28  }
.Ltmp18:
0x35b: {  	_ = 	snop;
	(pc) =	sbr.rel @!p0 .LBB2_35-.Ltmp18, $2  }
0x35c: {  	_ =	sdelay $0x2  }
0x35d: {  	s31 =	sadd.s32 $0x400, s31;
	s29 =	sadd.s32 $0x400, s29  }
.LBB2_28:
0x35e: {  	s0 =	sshll.u32 s6, $0xA  }
0x35f: {  	s0 =	sadd.s32 s26, s0  }
0x360: {  	p0 =	slt.s32 s0, $0x186600;
	s12 =	smov.u32 s0  }
0x361: {  	s12 =	simm.s32 @!p0 $0x186600  }
0x362: {  	s13 =	sand.u32 $0x1FFFFF80, s12  }
0x363: {  	s17 =	sshll.u32 s12, $0x3;
	s13 =	sadd.s32 s9, s13  }
0x364: {  	[tilespmem:s20], [sflag:$0x1] =	stream.linear.gather [hbm4b:s13+s30], $0x2000, $0x38;
	[tilespmem:$0x1C5D0] =	vst v63  }
0x365: {  	s21 =	sadd.s32 $0xC35000, s17;
	_ =	swait.ge [sflag:s14], $0x2000  }
0x366: {  	s13 =	sshrl.u32 s21, $0x3;
	[sflag:s14] =	ssyncset.done $0x0  }
0x367: {  	s21 =	simm.s32 $0x150C0;
	s13 =	sadd.s32 s9, s13;
	[sflag:s14] =	ssyncadd.s32 $0xFFFFE000  }
0x368: {  	[tilespmem:s21], [sflag:$0x1] =	stream.linear.gather [hbm4b:s13+s30], $0x2000, $0x38;
	[tilespmem:$0x1C5D0] =	vst v63  }
0x369: {  	s24 =	sadd.s32 $0x186A000, s17;
	_ =	swait.ge [sflag:s14], $0x2000  }
0x36a: {  	s0 =	ssub.s32 s12, s0;
	s13 =	sshrl.u32 s24, $0x3;
	[sflag:s14] =	ssyncset.done $0x0  }
0x36b: {  	s0 =	sadd.s32 $0x400, s0;
	s13 =	sadd.s32 s9, s13;
	[sflag:s14] =	ssyncadd.s32 $0xFFFFE000  }
0x36c: {  	[tilespmem:s22], [sflag:$0x1] =	stream.linear.gather [hbm4b:s13+s30], $0x2000, $0x38;
	[tilespmem:$0x1C5D0] =	vst v63  }
0x36d: {  	s24 =	sshra.s32 s0, $0x4;
	_ =	swait.ge [sflag:s14], $0x2000  }
0x36e: {  	s25 =	sshrl.u32 s12, $0x3;
	p0 =	slt.s32 s24, $0x1;
	[sflag:s14] =	ssyncset.done $0x0  }
.Ltmp19:
0x36f: {  	s13 =	sadd.s32 s5, s25;
	[sflag:s14] =	ssyncadd.s32 $0xFFFFE000;
	(pc) =	sbr.rel @p0 .LBB2_34-.Ltmp19, $4  }
0x370: {  	[tilespmem:s18], [sflag:$0x1] =	stream.linear.gather [hbm4b:s13+s30], $0x400, $0x38;
	[tilespmem:$0x1C5D0] =	vst v63  }
0x371: {  	_ =	swait.ge [sflag:s14], $0x400  }
0x372: {  	[sflag:s14] =	ssyncset.done $0x0  }
0x373: {  	[sflag:s14] =	ssyncadd.s32 $0xFFFFFC00  }
0x374: {  	p0 =	slt.s32 s31, $0x186600;
	s0 =	smov.u32 s31;
	p1 =	sne.s32 s24, $0x1  }
.Ltmp20:
0x375: {  	s13 =	sand.u32 $0x7, s30;
	s0 =	simm.s32 @!p0 $0x186600;
	(pc) =	sbr.rel @!p1 .LBB2_30-.Ltmp20, $4  }
0x376: {  	s17 =	simm.s32 $0x1;
	p2 =	sne.s32 s13, $0x0;
	s12 =	sshll.u32 s0, $0x2  }
0x377: {  	p0 =	por $0x0, $0x0;
	s0 =	ssub.s32 s31, s0;
	s12 =	ssub.s32 $0x0, s12  }
0x378: {  	s21 =	sshra.s32 s0, $0x1F;
	p6 =	slt.s32 s0, $0x1;
	s12 =	sshra.s32 s12, $0x2  }
0x379: {  	s25 =	sshrl.u32 s21, $0x19;
	p2 =	por !p2, !p6;
	s12 =	sadd.s32 s12, s29  }
0x37a: {  	s13 =	sadd.s32 s25, s0;
	p0 =	por !p2, !p2;
	v37 =	vld [tilespmem:s12+$0x0];
	s21 =	simm.s32 $0x1  }
0x37b: {  	s13 =	sshrl.u32 s13, $0x7;
	s21 =	simm.s32 @!p0 $0x0  }
0x37c: {  	s13 =	ssub.s32 s13, s21  }
0x37d: {  	s13 =	smul.u32 $0x380, s13;
	_ =	sdelay $0x1  }
0x37e: {  	s13 =	sadd.s32 s13, s0;
	v37 =	vsub.s32 v37, v1  }
0x37f: {  	v38 =	vadd.s32 s13, v4;
	v37 =	vmin.u32 v37, $0x190  }
0x380: {  	v37 =	vmul.u32 $0x15, v37;
	_ =	sdelay $0x1  }
0x381: {  	v39 =	vbroadcast v37, $0x0;
	_ =	sdelay $0x1  }
0x382: {  	v38 =	vld.idx.msk [tilespmem:v38+s20+$0x0], $0xffff;
	v40 =	vadd.s32 v2, v39  }
0x383: {  	v41 =	vadd.s32 s13, v20;
	_ =	sdelay $0x3  }
0x384: {  	[tilespmem:v40+s23+$0x0] =	vst.idx.add.f32.msk $0xffff, v38  }
0x385: {  	v39 =	vadd.s32 v21, v39;
	v38 =	vld.idx.msk [tilespmem:v41+s20+$0x0], vm0  }
0x386: {  	v48 =	vadd.s32 s13, v5;
	_ =	sdelay $0x2  }
0x387: {  	v49 =	vbroadcast v37, $0x1  }
0x388: {  	[tilespmem:v39+s23+$0x0] =	vst.idx.add.f32.msk vm0, v38  }
0x389: {  	v50 =	vadd.s32 v2, v49;
	v38 =	vld.idx.msk [tilespmem:v48+s20+$0x0], $0xffff  }
0x38a: {  	v51 =	vadd.s32 s13, v22;
	_ =	sdelay $0x3  }
0x38b: {  	[tilespmem:v50+s23+$0x0] =	vst.idx.add.f32.msk $0xffff, v38  }
0x38c: {  	v52 =	vadd.s32 v21, v49;
	v38 =	vld.idx.msk [tilespmem:v51+s20+$0x0], vm0  }
0x38d: {  	v53 =	vadd.s32 s13, v6;
	_ =	sdelay $0x2  }
0x38e: {  	v54 =	vbroadcast v37, $0x2  }
0x38f: {  	[tilespmem:v52+s23+$0x0] =	vst.idx.add.f32.msk vm0, v38  }
0x390: {  	v55 =	vadd.s32 v2, v54;
	v38 =	vld.idx.msk [tilespmem:v53+s20+$0x0], $0xffff  }
0x391: {  	v56 =	vadd.s32 s13, v23;
	_ =	sdelay $0x3  }
0x392: {  	[tilespmem:v55+s23+$0x0] =	vst.idx.add.f32.msk $0xffff, v38  }
0x393: {  	v57 =	vadd.s32 v21, v54;
	v38 =	vld.idx.msk [tilespmem:v56+s20+$0x0], vm0  }
0x394: {  	v58 =	vadd.s32 s13, v7;
	_ =	sdelay $0x2  }
0x395: {  	v59 =	vbroadcast v37, $0x3  }
0x396: {  	[tilespmem:v57+s23+$0x0] =	vst.idx.add.f32.msk vm0, v38  }
0x397: {  	v60 =	vadd.s32 v2, v59;
	v38 =	vld.idx.msk [tilespmem:v58+s20+$0x0], $0xffff  }
0x398: {  	v61 =	vadd.s32 s13, v24;
	_ =	sdelay $0x3  }
0x399: {  	[tilespmem:v60+s23+$0x0] =	vst.idx.add.f32.msk $0xffff, v38  }
0x39a: {  	v62 =	vadd.s32 v21, v59;
	v38 =	vld.idx.msk [tilespmem:v61+s20+$0x0], vm0  }
0x39b: {  	v63 =	vadd.s32 s13, v8;
	_ =	sdelay $0x2  }
0x39c: {  	v44 =	vbroadcast v37, $0x4  }
0x39d: {  	[tilespmem:v62+s23+$0x0] =	vst.idx.add.f32.msk vm0, v38  }
0x39e: {  	v45 =	vadd.s32 v2, v44;
	v38 =	vld.idx.msk [tilespmem:v63+s20+$0x0], $0xffff  }
0x39f: {  	v46 =	vadd.s32 s13, v25;
	_ =	sdelay $0x3  }
0x3a0: {  	[tilespmem:v45+s23+$0x0] =	vst.idx.add.f32.msk $0xffff, v38  }
0x3a1: {  	v47 =	vadd.s32 v21, v44;
	v38 =	vld.idx.msk [tilespmem:v46+s20+$0x0], vm0  }
0x3a2: {  	v48 =	vadd.s32 s13, v9;
	_ =	sdelay $0x2  }
0x3a3: {  	v49 =	vbroadcast v37, $0x5  }
0x3a4: {  	[tilespmem:v47+s23+$0x0] =	vst.idx.add.f32.msk vm0, v38  }
0x3a5: {  	v50 =	vadd.s32 v2, v49;
	v38 =	vld.idx.msk [tilespmem:v48+s20+$0x0], $0xffff  }
0x3a6: {  	v51 =	vadd.s32 s13, v26;
	_ =	sdelay $0x3  }
0x3a7: {  	[tilespmem:v50+s23+$0x0] =	vst.idx.add.f32.msk $0xffff, v38  }
0x3a8: {  	v52 =	vadd.s32 v21, v49;
	v38 =	vld.idx.msk [tilespmem:v51+s20+$0x0], vm0  }
0x3a9: {  	v53 =	vadd.s32 s13, v10;
	_ =	sdelay $0x2  }
0x3aa: {  	v54 =	vbroadcast v37, $0x6  }
0x3ab: {  	[tilespmem:v52+s23+$0x0] =	vst.idx.add.f32.msk vm0, v38  }
0x3ac: {  	v55 =	vadd.s32 v2, v54;
	v38 =	vld.idx.msk [tilespmem:v53+s20+$0x0], $0xffff  }
0x3ad: {  	v56 =	vadd.s32 s13, v27;
	_ =	sdelay $0x3  }
0x3ae: {  	[tilespmem:v55+s23+$0x0] =	vst.idx.add.f32.msk $0xffff, v38  }
0x3af: {  	v57 =	vadd.s32 v21, v54;
	v38 =	vld.idx.msk [tilespmem:v56+s20+$0x0], vm0  }
0x3b0: {  	v58 =	vadd.s32 s13, v11;
	_ =	sdelay $0x2  }
0x3b1: {  	v59 =	vbroadcast v37, $0x7  }
0x3b2: {  	[tilespmem:v57+s23+$0x0] =	vst.idx.add.f32.msk vm0, v38  }
0x3b3: {  	v60 =	vadd.s32 v2, v59;
	v38 =	vld.idx.msk [tilespmem:v58+s20+$0x0], $0xffff  }
0x3b4: {  	v61 =	vadd.s32 s13, v28;
	_ =	sdelay $0x3  }
0x3b5: {  	[tilespmem:v60+s23+$0x0] =	vst.idx.add.f32.msk $0xffff, v38  }
0x3b6: {  	v62 =	vadd.s32 v21, v59;
	v38 =	vld.idx.msk [tilespmem:v61+s20+$0x0], vm0  }
0x3b7: {  	v63 =	vadd.s32 s13, v12;
	_ =	sdelay $0x2  }
0x3b8: {  	v44 =	vbroadcast v37, $0x8  }
0x3b9: {  	[tilespmem:v62+s23+$0x0] =	vst.idx.add.f32.msk vm0, v38  }
0x3ba: {  	v45 =	vadd.s32 v2, v44;
	v38 =	vld.idx.msk [tilespmem:v63+s20+$0x0], $0xffff  }
0x3bb: {  	v46 =	vadd.s32 s13, v29;
	_ =	sdelay $0x3  }
0x3bc: {  	[tilespmem:v45+s23+$0x0] =	vst.idx.add.f32.msk $0xffff, v38  }
0x3bd: {  	v47 =	vadd.s32 v21, v44;
	v38 =	vld.idx.msk [tilespmem:v46+s20+$0x0], vm0  }
0x3be: {  	v48 =	vadd.s32 s13, v13;
	_ =	sdelay $0x2  }
0x3bf: {  	v49 =	vbroadcast v37, $0x9  }
0x3c0: {  	[tilespmem:v47+s23+$0x0] =	vst.idx.add.f32.msk vm0, v38  }
0x3c1: {  	v50 =	vadd.s32 v2, v49;
	v38 =	vld.idx.msk [tilespmem:v48+s20+$0x0], $0xffff  }
0x3c2: {  	v51 =	vadd.s32 s13, v30;
	_ =	sdelay $0x3  }
0x3c3: {  	[tilespmem:v50+s23+$0x0] =	vst.idx.add.f32.msk $0xffff, v38  }
0x3c4: {  	v52 =	vadd.s32 v21, v49;
	v38 =	vld.idx.msk [tilespmem:v51+s20+$0x0], vm0  }
0x3c5: {  	v53 =	vadd.s32 s13, v14;
	_ =	sdelay $0x2  }
0x3c6: {  	v54 =	vbroadcast v37, $0xA  }
0x3c7: {  	[tilespmem:v52+s23+$0x0] =	vst.idx.add.f32.msk vm0, v38  }
0x3c8: {  	v55 =	vadd.s32 v2, v54;
	v38 =	vld.idx.msk [tilespmem:v53+s20+$0x0], $0xffff  }
0x3c9: {  	v56 =	vadd.s32 s13, v31;
	_ =	sdelay $0x3  }
0x3ca: {  	[tilespmem:v55+s23+$0x0] =	vst.idx.add.f32.msk $0xffff, v38  }
0x3cb: {  	v57 =	vadd.s32 v21, v54;
	v38 =	vld.idx.msk [tilespmem:v56+s20+$0x0], vm0  }
0x3cc: {  	v58 =	vadd.s32 s13, v15;
	_ =	sdelay $0x2  }
0x3cd: {  	v59 =	vbroadcast v37, $0xB  }
0x3ce: {  	[tilespmem:v57+s23+$0x0] =	vst.idx.add.f32.msk vm0, v38  }
0x3cf: {  	v60 =	vadd.s32 v2, v59;
	v38 =	vld.idx.msk [tilespmem:v58+s20+$0x0], $0xffff  }
0x3d0: {  	v61 =	vadd.s32 s13, v32;
	_ =	sdelay $0x3  }
0x3d1: {  	[tilespmem:v60+s23+$0x0] =	vst.idx.add.f32.msk $0xffff, v38  }
0x3d2: {  	v62 =	vadd.s32 v21, v59;
	v38 =	vld.idx.msk [tilespmem:v61+s20+$0x0], vm0  }
0x3d3: {  	v63 =	vadd.s32 s13, v16;
	_ =	sdelay $0x2  }
0x3d4: {  	v44 =	vbroadcast v37, $0xC  }
0x3d5: {  	[tilespmem:v62+s23+$0x0] =	vst.idx.add.f32.msk vm0, v38  }
0x3d6: {  	v45 =	vadd.s32 v2, v44;
	v38 =	vld.idx.msk [tilespmem:v63+s20+$0x0], $0xffff  }
0x3d7: {  	v46 =	vadd.s32 s13, v33;
	_ =	sdelay $0x3  }
0x3d8: {  	[tilespmem:v45+s23+$0x0] =	vst.idx.add.f32.msk $0xffff, v38  }
0x3d9: {  	v47 =	vadd.s32 v21, v44;
	v38 =	vld.idx.msk [tilespmem:v46+s20+$0x0], vm0  }
0x3da: {  	v48 =	vadd.s32 s13, v17;
	_ =	sdelay $0x2  }
0x3db: {  	v49 =	vbroadcast v37, $0xD  }
0x3dc: {  	[tilespmem:v47+s23+$0x0] =	vst.idx.add.f32.msk vm0, v38  }
0x3dd: {  	v50 =	vadd.s32 v2, v49;
	v38 =	vld.idx.msk [tilespmem:v48+s20+$0x0], $0xffff  }
0x3de: {  	v51 =	vadd.s32 s13, v34;
	_ =	sdelay $0x3  }
0x3df: {  	[tilespmem:v50+s23+$0x0] =	vst.idx.add.f32.msk $0xffff, v38  }
0x3e0: {  	v52 =	vadd.s32 v21, v49;
	v38 =	vld.idx.msk [tilespmem:v51+s20+$0x0], vm0  }
0x3e1: {  	v53 =	vadd.s32 s13, v18;
	_ =	sdelay $0x2  }
0x3e2: {  	v54 =	vbroadcast v37, $0xE  }
0x3e3: {  	[tilespmem:v52+s23+$0x0] =	vst.idx.add.f32.msk vm0, v38  }
0x3e4: {  	v55 =	vadd.s32 v2, v54;
	v38 =	vld.idx.msk [tilespmem:v53+s20+$0x0], $0xffff  }
0x3e5: {  	v56 =	vadd.s32 s13, v35;
	_ =	sdelay $0x3  }
0x3e6: {  	(xrf1) =	vunique.msk.u32 $0xffff, v37;
	[tilespmem:v55+s23+$0x0] =	vst.idx.add.f32.msk $0xffff, v38  }
0x3e7: {  	v57 =	vadd.s32 v21, v54;
	v38 =	vld.idx.msk [tilespmem:v56+s20+$0x0], vm0  }
0x3e8: {  	v58 =	vadd.s32 s13, v19;
	_ =	sdelay $0x2  }
0x3e9: {  	v59 =	vbroadcast v37, $0xF  }
0x3ea: {  	[tilespmem:v57+s23+$0x0] =	vst.idx.add.f32.msk vm0, v38  }
0x3eb: {  	v60 =	vadd.s32 v2, v59;
	v38 =	vld.idx.msk [tilespmem:v58+s20+$0x0], $0xffff  }
0x3ec: {  	v61 =	vadd.s32 s13, v36;
	_ =	sdelay $0x3  }
0x3ed: {  	[tilespmem:v60+s23+$0x0] =	vst.idx.add.f32.msk $0xffff, v38  }
0x3ee: {  	p1 =	sne.s32 s24, $0x2;
	v62 =	vadd.s32 v21, v59;
	v39 =	vld.idx.msk [tilespmem:v61+s20+$0x0], vm0  }
.Ltmp21:
0x3ef: {  	_, v63, vm1 =	vpop (xrf1);
	(pc) =	sbr.rel @!p1 .LBB2_33-.Ltmp21, $4  }
0x3f0: {  	s17 =	sand.u32 $0x7, s17;
	v37 =	vadd.s32 $0x14, v37  }
0x3f1: {  	s12 =	sadd.s32 $0x10, s12;
	p6 =	sne.s32 s17, $0x0;
	s0 =	sadd.s32 $0x10, s0  }
0x3f2: {  	p0 =	por $0x1, $0x1;
	s25 =	sshra.s32 s0, $0x1F;
	p5 =	slt.s32 s0, $0x1  }
0x3f3: {  	s25 =	sshrl.u32 s25, $0x19;
	p2 =	por !p6, !p5;
	s13 =	simm.s32 $0x2;
	v38 =	vcvt.s32.f32 v63;
	[tilespmem:v62+s23+$0x0] =	vst.idx.add.f32.msk vm0, v39  }
.LBB2_32:
0x3f4: {  	s17 =	sadd.s32 s25, s0;
	p2 =	por !p2, !p2  }
0x3f5: {  	[tilespmem:v37+s23+$0x0] =	vst.idx.add.f32.msk vm1, v38;
	s25 =	smov.u32 s13;
	s13 =	sadd.s32 $0x1, s13;
	s21 =	simm.s32 $0x1  }
0x3f6: {  	p1 =	sne.s32 s24, s13;
	v37 =	vld [tilespmem:s12+$0x0];
	s17 =	sshrl.u32 s17, $0x7;
	s21 =	simm.s32 @!p2 $0x0  }
0x3f7: {  	s17 =	ssub.s32 s17, s21  }
0x3f8: {  	s17 =	smul.u32 $0x380, s17;
	_ =	sdelay $0x1  }
0x3f9: {  	s17 =	sadd.s32 s17, s0  }
0x3fa: {  	v37 =	vsub.s32 v37, v1;
	v38 =	vadd.s32 s17, v4  }
0x3fb: {  	v37 =	vmin.u32 v37, $0x190  }
0x3fc: {  	v37 =	vmul.u32 $0x15, v37;
	_ =	sdelay $0x1  }
0x3fd: {  	v49 =	vbroadcast v37, $0x0;
	v50 =	vbroadcast v37, $0x1  }
0x3fe: {  	v51 =	vbroadcast v37, $0x2;
	v52 =	vbroadcast v37, $0x3;
	v38 =	vld.idx.msk [tilespmem:v38+s20+$0x0], $0xffff  }
0x3ff: {  	v53 =	vbroadcast v37, $0x4;
	v48 =	vbroadcast v37, $0x5;
	v39 =	vadd.s32 v2, v49  }
0x400: {  	v54 =	vadd.s32 s17, v20;
	v47 =	vbroadcast v37, $0x6;
	v46 =	vbroadcast v37, $0x7  }
0x401: {  	v45 =	vbroadcast v37, $0x8;
	v44 =	vbroadcast v37, $0x9  }
0x402: {  	v43 =	vbroadcast v37, $0xA;
	v42 =	vbroadcast v37, $0xB  }
0x403: {  	v41 =	vbroadcast v37, $0xC;
	v40 =	vbroadcast v37, $0xD  }
0x404: {  	[tilespmem:v39+s23+$0x0] =	vst.idx.add.f32.msk $0xffff, v38;
	v39 =	vbroadcast v37, $0xE;
	v38 =	vbroadcast v37, $0xF  }
0x405: {  	v54 =	vld.idx.msk [tilespmem:v54+s20+$0x0], vm0  }
0x406: {  	v49 =	vadd.s32 v21, v49  }
0x407: {  	v55 =	vadd.s32 s17, v5;
	_ =	sdelay $0x3  }
0x408: {  	[tilespmem:v49+s23+$0x0] =	vst.idx.add.f32.msk vm0, v54  }
0x409: {  	v49 =	vld.idx.msk [tilespmem:v55+s20+$0x0], $0xffff  }
0x40a: {  	v54 =	vadd.s32 v2, v50  }
0x40b: {  	v55 =	vadd.s32 s17, v22;
	_ =	sdelay $0x3  }
0x40c: {  	[tilespmem:v54+s23+$0x0] =	vst.idx.add.f32.msk $0xffff, v49  }
0x40d: {  	v49 =	vld.idx.msk [tilespmem:v55+s20+$0x0], vm0  }
0x40e: {  	v50 =	vadd.s32 v21, v50  }
0x40f: {  	v54 =	vadd.s32 s17, v6;
	_ =	sdelay $0x3  }
0x410: {  	[tilespmem:v50+s23+$0x0] =	vst.idx.add.f32.msk vm0, v49  }
0x411: {  	v49 =	vld.idx.msk [tilespmem:v54+s20+$0x0], $0xffff  }
0x412: {  	v50 =	vadd.s32 v2, v51  }
0x413: {  	v54 =	vadd.s32 s17, v23;
	_ =	sdelay $0x3  }
0x414: {  	[tilespmem:v50+s23+$0x0] =	vst.idx.add.f32.msk $0xffff, v49  }
0x415: {  	v49 =	vld.idx.msk [tilespmem:v54+s20+$0x0], vm0  }
0x416: {  	v50 =	vadd.s32 v21, v51  }
0x417: {  	v51 =	vadd.s32 s17, v7;
	_ =	sdelay $0x3  }
0x418: {  	[tilespmem:v50+s23+$0x0] =	vst.idx.add.f32.msk vm0, v49  }
0x419: {  	v49 =	vld.idx.msk [tilespmem:v51+s20+$0x0], $0xffff  }
0x41a: {  	v50 =	vadd.s32 v2, v52  }
0x41b: {  	v51 =	vadd.s32 s17, v24;
	_ =	sdelay $0x3  }
0x41c: {  	[tilespmem:v50+s23+$0x0] =	vst.idx.add.f32.msk $0xffff, v49  }
0x41d: {  	v49 =	vld.idx.msk [tilespmem:v51+s20+$0x0], vm0  }
0x41e: {  	v50 =	vadd.s32 v21, v52  }
0x41f: {  	v51 =	vadd.s32 s17, v8;
	_ =	sdelay $0x3  }
0x420: {  	[tilespmem:v50+s23+$0x0] =	vst.idx.add.f32.msk vm0, v49  }
0x421: {  	v49 =	vld.idx.msk [tilespmem:v51+s20+$0x0], $0xffff  }
0x422: {  	v50 =	vadd.s32 v2, v53  }
0x423: {  	v51 =	vadd.s32 s17, v25;
	_ =	sdelay $0x3  }
0x424: {  	[tilespmem:v50+s23+$0x0] =	vst.idx.add.f32.msk $0xffff, v49  }
0x425: {  	v49 =	vld.idx.msk [tilespmem:v51+s20+$0x0], vm0  }
0x426: {  	v50 =	vadd.s32 v21, v53  }
0x427: {  	v51 =	vadd.s32 s17, v9;
	_ =	sdelay $0x3  }
0x428: {  	[tilespmem:v50+s23+$0x0] =	vst.idx.add.f32.msk vm0, v49  }
0x429: {  	v49 =	vld.idx.msk [tilespmem:v51+s20+$0x0], $0xffff  }
0x42a: {  	v50 =	vadd.s32 v2, v48  }
0x42b: {  	v51 =	vadd.s32 s17, v26;
	_ =	sdelay $0x3  }
0x42c: {  	[tilespmem:v50+s23+$0x0] =	vst.idx.add.f32.msk $0xffff, v49  }
0x42d: {  	v49 =	vld.idx.msk [tilespmem:v51+s20+$0x0], vm0  }
0x42e: {  	v48 =	vadd.s32 v21, v48  }
0x42f: {  	v50 =	vadd.s32 s17, v10;
	_ =	sdelay $0x3  }
0x430: {  	[tilespmem:v48+s23+$0x0] =	vst.idx.add.f32.msk vm0, v49  }
0x431: {  	v48 =	vld.idx.msk [tilespmem:v50+s20+$0x0], $0xffff  }
0x432: {  	v49 =	vadd.s32 v2, v47  }
0x433: {  	v50 =	vadd.s32 s17, v27;
	_ =	sdelay $0x3  }
0x434: {  	[tilespmem:v49+s23+$0x0] =	vst.idx.add.f32.msk $0xffff, v48  }
0x435: {  	v48 =	vld.idx.msk [tilespmem:v50+s20+$0x0], vm0  }
0x436: {  	v47 =	vadd.s32 v21, v47  }
0x437: {  	v49 =	vadd.s32 s17, v11;
	_ =	sdelay $0x3  }
0x438: {  	[tilespmem:v47+s23+$0x0] =	vst.idx.add.f32.msk vm0, v48  }
0x439: {  	v47 =	vld.idx.msk [tilespmem:v49+s20+$0x0], $0xffff  }
0x43a: {  	v48 =	vadd.s32 v2, v46  }
0x43b: {  	v49 =	vadd.s32 s17, v28;
	_ =	sdelay $0x3  }
0x43c: {  	[tilespmem:v48+s23+$0x0] =	vst.idx.add.f32.msk $0xffff, v47  }
0x43d: {  	v47 =	vld.idx.msk [tilespmem:v49+s20+$0x0], vm0  }
0x43e: {  	v46 =	vadd.s32 v21, v46  }
0x43f: {  	v48 =	vadd.s32 s17, v12;
	_ =	sdelay $0x3  }
0x440: {  	[tilespmem:v46+s23+$0x0] =	vst.idx.add.f32.msk vm0, v47  }
0x441: {  	v46 =	vld.idx.msk [tilespmem:v48+s20+$0x0], $0xffff  }
0x442: {  	v47 =	vadd.s32 v2, v45  }
0x443: {  	v48 =	vadd.s32 s17, v29;
	_ =	sdelay $0x3  }
0x444: {  	[tilespmem:v47+s23+$0x0] =	vst.idx.add.f32.msk $0xffff, v46  }
0x445: {  	v46 =	vld.idx.msk [tilespmem:v48+s20+$0x0], vm0  }
0x446: {  	v45 =	vadd.s32 v21, v45  }
0x447: {  	v47 =	vadd.s32 s17, v13;
	_ =	sdelay $0x3  }
0x448: {  	[tilespmem:v45+s23+$0x0] =	vst.idx.add.f32.msk vm0, v46  }
0x449: {  	v45 =	vld.idx.msk [tilespmem:v47+s20+$0x0], $0xffff  }
0x44a: {  	v46 =	vadd.s32 v2, v44  }
0x44b: {  	v47 =	vadd.s32 s17, v30;
	_ =	sdelay $0x3  }
0x44c: {  	[tilespmem:v46+s23+$0x0] =	vst.idx.add.f32.msk $0xffff, v45  }
0x44d: {  	v45 =	vld.idx.msk [tilespmem:v47+s20+$0x0], vm0  }
0x44e: {  	v44 =	vadd.s32 v21, v44  }
0x44f: {  	v46 =	vadd.s32 s17, v14;
	_ =	sdelay $0x3  }
0x450: {  	[tilespmem:v44+s23+$0x0] =	vst.idx.add.f32.msk vm0, v45  }
0x451: {  	v44 =	vld.idx.msk [tilespmem:v46+s20+$0x0], $0xffff  }
0x452: {  	v45 =	vadd.s32 v2, v43  }
0x453: {  	v46 =	vadd.s32 s17, v31;
	_ =	sdelay $0x3  }
0x454: {  	[tilespmem:v45+s23+$0x0] =	vst.idx.add.f32.msk $0xffff, v44  }
0x455: {  	v44 =	vld.idx.msk [tilespmem:v46+s20+$0x0], vm0  }
0x456: {  	v43 =	vadd.s32 v21, v43  }
0x457: {  	v45 =	vadd.s32 s17, v15;
	_ =	sdelay $0x3  }
0x458: {  	[tilespmem:v43+s23+$0x0] =	vst.idx.add.f32.msk vm0, v44  }
0x459: {  	v43 =	vld.idx.msk [tilespmem:v45+s20+$0x0], $0xffff  }
0x45a: {  	v44 =	vadd.s32 v2, v42  }
0x45b: {  	v45 =	vadd.s32 s17, v32;
	_ =	sdelay $0x3  }
0x45c: {  	[tilespmem:v44+s23+$0x0] =	vst.idx.add.f32.msk $0xffff, v43  }
0x45d: {  	v43 =	vld.idx.msk [tilespmem:v45+s20+$0x0], vm0  }
0x45e: {  	v42 =	vadd.s32 v21, v42  }
0x45f: {  	v44 =	vadd.s32 s17, v16;
	_ =	sdelay $0x3  }
0x460: {  	[tilespmem:v42+s23+$0x0] =	vst.idx.add.f32.msk vm0, v43  }
0x461: {  	v42 =	vld.idx.msk [tilespmem:v44+s20+$0x0], $0xffff  }
0x462: {  	v43 =	vadd.s32 v2, v41  }
0x463: {  	v44 =	vadd.s32 s17, v33;
	_ =	sdelay $0x3  }
0x464: {  	[tilespmem:v43+s23+$0x0] =	vst.idx.add.f32.msk $0xffff, v42  }
0x465: {  	v42 =	vld.idx.msk [tilespmem:v44+s20+$0x0], vm0  }
0x466: {  	v41 =	vadd.s32 v21, v41  }
0x467: {  	v43 =	vadd.s32 s17, v17;
	_ =	sdelay $0x3  }
0x468: {  	[tilespmem:v41+s23+$0x0] =	vst.idx.add.f32.msk vm0, v42  }
0x469: {  	v41 =	vld.idx.msk [tilespmem:v43+s20+$0x0], $0xffff  }
0x46a: {  	v42 =	vadd.s32 v2, v40  }
0x46b: {  	v43 =	vadd.s32 s17, v34;
	_ =	sdelay $0x3  }
0x46c: {  	[tilespmem:v42+s23+$0x0] =	vst.idx.add.f32.msk $0xffff, v41  }
0x46d: {  	v41 =	vld.idx.msk [tilespmem:v43+s20+$0x0], vm0  }
0x46e: {  	v40 =	vadd.s32 v21, v40  }
0x46f: {  	v42 =	vadd.s32 s17, v18;
	_ =	sdelay $0x3  }
0x470: {  	[tilespmem:v40+s23+$0x0] =	vst.idx.add.f32.msk vm0, v41  }
0x471: {  	v40 =	vld.idx.msk [tilespmem:v42+s20+$0x0], $0xffff  }
0x472: {  	v41 =	vadd.s32 v2, v39  }
0x473: {  	v42 =	vadd.s32 s17, v35;
	_ =	sdelay $0x3  }
0x474: {  	[tilespmem:v41+s23+$0x0] =	vst.idx.add.f32.msk $0xffff, v40  }
0x475: {  	v40 =	vld.idx.msk [tilespmem:v42+s20+$0x0], vm0  }
0x476: {  	v39 =	vadd.s32 v21, v39;
	(xrf1) =	vunique.msk.u32 $0xffff, v37  }
0x477: {  	v41 =	vadd.s32 s17, v19;
	_ =	sdelay $0x3  }
0x478: {  	[tilespmem:v39+s23+$0x0] =	vst.idx.add.f32.msk vm0, v40  }
0x479: {  	v39 =	vld.idx.msk [tilespmem:v41+s20+$0x0], $0xffff  }
0x47a: {  	v40 =	vadd.s32 v2, v38  }
0x47b: {  	v41 =	vadd.s32 s17, v36;
	_ =	sdelay $0x3  }
0x47c: {  	[tilespmem:v40+s23+$0x0] =	vst.idx.add.f32.msk $0xffff, v39  }
0x47d: {  	v39 =	vld.idx.msk [tilespmem:v41+s20+$0x0], vm0  }
0x47e: {  	v40 =	vadd.s32 v21, v38;
	_, v38, vm1 =	vpop (xrf1)  }
.Ltmp22:
0x47f: {  	v37 =	vadd.s32 $0x14, v37;
	(pc) =	sbr.rel @p1 .LBB2_32-.Ltmp22, $4  }
0x480: {  	_ = 	snop  }
0x481: {  	s0 =	sadd.s32 $0x10, s0;
	s17 =	sand.u32 $0x7, s25  }
0x482: {  	s21 =	sshra.s32 s0, $0x1F;
	p2 =	slt.s32 s0, $0x1;
	p3 =	sne.s32 s17, $0x0;
	v38 =	vcvt.s32.f32 v38  }
0x483: {  	s12 =	sadd.s32 $0x10, s12;
	s25 =	sshrl.u32 s21, $0x19;
	p2 =	por !p3, !p2;
	[tilespmem:v40+s23+$0x0] =	vst.idx.add.f32.msk vm0, v39  }
.Ltmp23:
0x484: {  	_ = 	snop;
	(pc) =	sbr.rel .LBB2_33-.Ltmp23, $1  }
0x485: {  	_ =	sdelay $0x3  }
.LBB2_35:
0x486: {  	s0 =	simm.s32 $0xCFD5  }
0x487: {  	v37 =	vld [tilespmem:s0+$0x0];
	_ =	sdelay $0x4  }
0x488: {  	v37 =	vmax.f32 v37, $1.000000000e+00  }
0x489: {  	v37 =	vbroadcast v37, $0xF;
	_ =	sdelay $0x1  }
0x48a: {  	(erf) = vrcp.f32 v37;
	_ =	sdelay $0x4  }
0x48b: {  	v63 =	vld [tilespmem:s0+$0xFFFFFFFB];
	_ =	sdelay $0x3  }
0x48c: {  	v38 =	vpop (erf)  }
0x48d: {  	v37 =	vmul.f32 v38, v63  }
0x48e: {  	s12 =	simm.s32 $0x0  }
0x48f: {  	[tilespmem:s12+$0x1A040] =	vst v37  }
0x490: {  	v37 =	vld [tilespmem:s0+$0xFFFFFFFF];
	_ =	sdelay $0x4  }
0x491: {  	s6 =	simm.s32 $0x60;
	v37 =	vmul.f32 v38, v37  }
.LBB2_36:
0x492: {  	p0 =	sne.s32 s6, $0x95A0  }
0x493: {  	s0 =	sadd.s32 $0x15, s0;
	[tilespmem:s12+$0x1A044] =	vst v37;
	s12 =	smov.u32 s6;
	s6 =	sadd.s32 $0x60, s6  }
0x494: {  	v37 =	vld [tilespmem:s0+$0x0];
	_ =	sdelay $0x4  }
0x495: {  	v37 =	vmax.f32 v37, $1.000000000e+00  }
0x496: {  	v37 =	vbroadcast v37, $0xF;
	_ =	sdelay $0x1  }
0x497: {  	(erf) = vrcp.f32 v37;
	_ =	sdelay $0x4  }
0x498: {  	v37 =	vld [tilespmem:s0+$0xFFFFFFFB];
	_ =	sdelay $0x3  }
0x499: {  	v38 =	vpop (erf)  }
0x49a: {  	v37 =	vmul.f32 v38, v37  }
0x49b: {  	s12 =	sshra.s32 s12, $0x2  }
0x49c: {  	[tilespmem:s12+$0x1A040] =	vst v37  }
0x49d: {  	v37 =	vld [tilespmem:s0+$0xFFFFFFFF]  }
.Ltmp24:
0x49e: {  	(pc) =	sbr.rel @p0 .LBB2_36-.Ltmp24, $2  }
0x49f: {  	_ =	sdelay $0x2  }
0x4a0: {  	v37 =	vmul.f32 v38, v37  }
0x4a1: {  	_ = 	snop  }
0x4a2: {  	s0 =	rddreg [dreg:$0x6];
	s6 =	simm.s32 $0x1A040;
	[tilespmem:s12+$0x1A044] =	vst v37  }
0x4a3: {  	[hbm4b:s0+s8] =	stream.linear.scatter [tilespmem:s6], [sflag:$0x1], $0x2580, $0x38;
	[tilespmem:$0x1C5D0] =	vst v63  }
0x4a4: {  	_ =	swait.ge [sflag:s14], $0x2580  }
0x4a5: {  	s30 =	rddreg [dreg:$0x8]  }
0x4a6: {  	s31 =	rddreg [dreg:$0x7];
	s6 =	sadd.s32 $0x1, s30  }
0x4a7: {  	p0 =	sne.s32 s6, s31  }
.Ltmp25:
0x4a8: {  	_ = 	snop;
	(pc) =	sbr.rel @p0 .LBB2_1-.Ltmp25, $3  }
0x4a9: {  	_ =	sdelay $0x1  }
0x4aa: {  	[sflag:s14] =	ssyncset.done $0x0  }
0x4ab: {  	[sflag:s14] =	ssyncadd.s32 $0xFFFFDA80  }
0x4ac: {  	_ =	sfence.sel $0x180000  }
0x4ad: {  	[bflag:$0x0] =	sbarrier.arrive $0xFFFF  }
0x4ae: {  	_ =	strace $0x90000047  }
0x4af: {  	s0 =	stileid.u32;
	[bflag:$0x2] =	sbarrier.arrive $0xFFFF  }
0x4b0: {  	p0 =	sne.s32 s0, $0x0;
	s0 =	rddreg [dreg:$0x5]  }
0x4b1: {  	s0 =	sadd.s32 @!p0 $0x100000, s0  }
0x4b2: {  	[sflag:s0] =	ssyncadd.tile.s32 @!p0 $0x1;
	_ =	shalt  }
.Lfunc_end2:
_tile_overlayer_lowered:
.L_overlay_start_2:
0x4b3: {  	(tag) =	ssettag $0x2  }
0x4b4: {  	s0 =	rddreg [dreg:$0x0];
	s2 =	stileid.u32  }
0x4b5: {  	s1 =	rddreg [dreg:$0x1];
	p0 =	sne.s32 s2, $0x0  }
0x4b6: {  	s3 =	rddreg [dreg:$0x2];
	[bflag:$0x3] =	sbarrier.arrive $0xFFFF;
	s2 =	simm.s32 @!p0 $0x1C01  }
0x4b7: {  	[timem:s3], [sflag:s2] =	dma.local @!p0 [hbm:s0], s1  }
0x4b8: {  	s0 =	simm.s32 @!p0 $0x1  }
0x4b9: {  	_ =	swait.ge @!p0 [sflag:s0], s1  }
0x4ba: {  	s1 =	ssub.s32 @!p0 $0x0, s1;
	[sflag:s0] =	ssyncset.done @!p0 $0x0  }
0x4bb: {  	[sflag:s0] =	ssyncadd.s32 @!p0 s1  }
0x4bc: {  	[bflag:$0x3] =	sbarrier.arrive $0xFFFF  }
0x4bd: {  	_ =	shalt  }

</sc_bundles>
